<compile_context>
chip_gen: v7x
topology: tpu7x:2x2x1
jax: 0.10.2.dev20260603
libtpu: 0.0.44.dev20260713+nightly
codegen_flags: <defaults>
</compile_context>

<pallas_src>
import functools

import numpy as np

import jax
import jax.numpy as jnp
from jax import lax
from jax.experimental import pallas as pl
from jax.experimental.pallas import tpu as pltpu
from jax.experimental.pallas import tpu_sc as plsc

GRID = 128
NSEG = 16 * 16 * 16
FKEYS = GRID * GRID * GRID
BM_WORDS = FKEYS // 32
SH = BM_WORDS // 4

BR = 4096
NC, NS, L = 2, 16, 16

I32_MIN = np.int32(-(2**31))
I32_MAX = np.int32(2**31 - 1)


def _skey_of(p_bits):
    sk = jnp.where(p_bits < 0, p_bits ^ np.int32(0x7FFFFFFF), p_bits)
    return jnp.where(p_bits == I32_MIN, np.int32(0), sk)


def _bkey_of(fk):
    return ((fk >> 17) << 8) | (((fk >> 10) & 15) << 4) | ((fk >> 3) & 15)


def _t1d(x):
    xf = x if x.dtype == jnp.float32 else lax.bitcast_convert_type(x, jnp.float32)
    r = jnp.transpose(xf).reshape((BR,))
    return r if x.dtype == jnp.float32 else lax.bitcast_convert_type(r, x.dtype)


def _tc1_body(n_real, fea_ref, coord_ref, tcoord_ref, wup_ref, bup_ref,
              wcls_ref, bcls_ref, p2d_out, pv_out, fk_out, tk_out):
    i = pl.program_id(0)
    x = fea_ref[...]
    h = jnp.maximum(
        jnp.dot(x, wup_ref[...], preferred_element_type=jnp.float32)
        + bup_ref[...], 0.0)
    p = (jnp.dot(h, wcls_ref[...], preferred_element_type=jnp.float32)
         + bcls_ref[...])
    p2d_out[...] = p
    pv_out[...] = _t1d(p)

    rows = i * BR + lax.broadcasted_iota(jnp.int32, (BR, 1), 0)
    c = coord_ref[...]
    fk = ((c[:, 0:1] * GRID + (c[:, 1:2] >> 3)) * GRID + (c[:, 2:3] >> 3)) \
        * GRID + (c[:, 3:4] >> 3)
    fk_out[...] = _t1d(jnp.where(rows < n_real[0], fk, I32_MAX))

    t = tcoord_ref[...]
    tk = ((t[:, 0:1] * GRID + (t[:, 1:2] >> 3)) * GRID + (t[:, 2:3] >> 3)) \
        * GRID + (t[:, 3:4] >> 3)
    tk_out[...] = _t1d(jnp.where(rows < n_real[1], tk, I32_MAX))


def _sc_body(np_total, pv_h, fkey_h, tkey_h, seg_h, mem_h,
             vpf, vkey, vidx, vout, vstg, table, shared, bncw, bncv, dsem):
    cid = lax.axis_index("c")
    sid = lax.axis_index("s")
    ch = np_total // NS
    nv = ch // L
    base = sid * ch
    lane = lax.iota(jnp.int32, L)

    def fill_table(nwords, val):
        v = jnp.full((L,), val, jnp.int32)

        def z(i, _):
            for u in range(8):
                table[pl.ds((i * 8 + u) * L, L)] = v
            return 0
        lax.fori_loop(0, nwords // (8 * L), z, 0)

    def merge_dups(key, val, combine, identity):
        bncw[...] = key
        bncv[...] = val
        acc = val
        for s in range(1, L):
            pidx = (lane + s) & (L - 1)
            kp = plsc.load_gather(bncw, [pidx])
            vp = plsc.load_gather(bncv, [pidx])
            acc = combine(acc, jnp.where(kp == key, vp, identity))
        return acc

    def scatter_combine(idx, val, combine, identity):
        det = idx & (4096 - 1)
        plsc.store_scatter(vout, [det], lane)
        dup = jnp.any(plsc.load_gather(vout, [det]) != lane)
        val = lax.cond(dup,
                       lambda: merge_dups(idx, val, combine, identity),
                       lambda: val)
        cur = plsc.load_gather(table, [idx])
        plsc.store_scatter(table, [idx], combine(cur, val))

    @pl.when(cid == 0)
    def _seg_max():
        fill_table(NSEG, I32_MIN)
        pltpu.sync_copy(pv_h.at[pl.ds(base, ch)], vpf)
        pltpu.sync_copy(fkey_h.at[pl.ds(base, ch)], vidx)

        def scat(i, _):
            fk = vidx[pl.ds(i * L, L)]
            m = fk < FKEYS
            kc = jnp.where(m, _bkey_of(fk), 0)
            bits = plsc.bitcast(vpf[pl.ds(i * L, L)], jnp.int32)
            vm = jnp.where(m, _skey_of(bits), I32_MIN)
            scatter_combine(kc, vm, jnp.maximum, I32_MIN)
            return 0
        lax.fori_loop(0, nv, scat, 0)

        pltpu.sync_copy(table.at[pl.ds(0, NSEG)],
                        shared.at[pl.ds(sid * SH, NSEG)])
        plsc.subcore_barrier()
        sl = NSEG // NS
        off = sid * sl
        cps = [pltpu.async_copy(shared.at[pl.ds(j * SH + off, sl)],
                                vout.at[pl.ds(j * sl, sl)], dsem)
               for j in range(NS)]
        for c in cps:
            c.wait()

        def mg(i, _):
            acc = vout[pl.ds(i * L, L)]
            for j in range(1, NS):
                acc = jnp.maximum(acc, vout[pl.ds(j * sl + i * L, L)])
            vkey[pl.ds(i * L, L)] = acc
            return 0
        lax.fori_loop(0, sl // L, mg, 0)
        pltpu.sync_copy(vkey.at[pl.ds(0, sl)],
                        shared.at[pl.ds(NS * SH + off, sl)])
        plsc.subcore_barrier()
        pltpu.sync_copy(shared.at[pl.ds(NS * SH, NSEG)],
                        table.at[pl.ds(0, NSEG)])

        def gb(i, _):
            fk = vidx[pl.ds(i * L, L)]
            kc = jnp.where(fk < FKEYS, _bkey_of(fk), 0)
            vout[pl.ds(i * L, L)] = plsc.load_gather(table, [kc])
            return 0
        lax.fori_loop(0, nv, gb, 0)
        pltpu.sync_copy(vout, seg_h.at[pl.ds(base, ch)])

    @pl.when(cid == 1)
    def _member():
        fill_table(BM_WORDS, 0)
        pltpu.sync_copy(tkey_h.at[pl.ds(base, ch)], vkey)

        def scat(i, _):
            k = vkey[pl.ds(i * L, L)]
            m = k < FKEYS
            wi = jnp.where(m, k >> 5, 0)
            bit = jnp.where(m, jnp.int32(1) << (k & 31), 0)
            scatter_combine(wi, bit, jnp.bitwise_or, 0)
            return 0
        lax.fori_loop(0, nv, scat, 0)

        sl = SH // NS
        off = sid * sl
        for h in (0, 1, 2, 3):
            pltpu.sync_copy(table.at[pl.ds(h * SH, SH)],
                            shared.at[pl.ds(sid * SH, SH)])
            plsc.subcore_barrier()
            cps = [pltpu.async_copy(shared.at[pl.ds(j * SH + off, sl)],
                                    vstg.at[pl.ds(j * sl, sl)], dsem)
                   for j in range(NS)]
            for c in cps:
                c.wait()

            def og(i, _):
                acc = vstg[pl.ds(i * L, L)]
                for j in range(1, NS):
                    acc = acc | vstg[pl.ds(j * sl + i * L, L)]
                vout[pl.ds(i * L, L)] = acc
                return 0
            lax.fori_loop(0, sl // L, og, 0)
            pltpu.sync_copy(vout.at[pl.ds(0, sl)],
                            shared.at[pl.ds(NS * SH + off, sl)])
            plsc.subcore_barrier()
            pltpu.sync_copy(shared.at[pl.ds(NS * SH, SH)],
                            table.at[pl.ds(h * SH, SH)])
            plsc.subcore_barrier()

        pltpu.sync_copy(fkey_h.at[pl.ds(base, ch)], vidx)

        def probe(i, _):
            k = vidx[pl.ds(i * L, L)]
            m = k < FKEYS
            wi = jnp.where(m, k >> 5, 0)
            w = plsc.load_gather(table, [wi])
            bit = (w >> (k & 31)) & 1
            vout[pl.ds(i * L, L)] = jnp.where(m, bit, 0)
            return 0
        lax.fori_loop(0, nv, probe, 0)
        pltpu.sync_copy(vout, mem_h.at[pl.ds(base, ch)])


def _tc23_body(consts, pv_ref, seg_ref, mem_ref, k_ref,
               fea_ref, wup_ref, bup_ref, wcls_ref, bcls_ref, out_ref,
               thr_ref):
    n, npad = consts
    i = pl.program_id(0)

    @pl.when(i == 0)
    def _select():
        bits = lax.bitcast_convert_type(pv_ref[...], jnp.int32)
        sk = _skey_of(bits)
        ub = lax.bitcast_convert_type(sk, jnp.uint32) ^ jnp.uint32(0x80000000)
        rows = lax.broadcasted_iota(jnp.int32, (npad,), 0)
        mask = (sk != seg_ref[...]) & (rows < n)
        mk = jnp.where(mask, ub, jnp.uint32(0xFFFFFFFF))
        k = k_ref[0]

        def step(b, ans):
            bit = lax.shift_right_logical(jnp.uint32(0x80000000),
                                          b.astype(jnp.uint32))
            cand = ans | bit
            cnt = jnp.sum((mk < cand).astype(jnp.int32))
            return jnp.where(cnt < k, cand, ans)
        thr = lax.fori_loop(0, 32, step, jnp.uint32(0))
        thr_ref[0] = lax.bitcast_convert_type(thr, jnp.int32)

    blk = pl.ds(i * BR, BR)
    bits = lax.bitcast_convert_type(pv_ref[blk], jnp.int32)
    sk = _skey_of(bits)
    ub = lax.bitcast_convert_type(sk, jnp.uint32) ^ jnp.uint32(0x80000000)
    thr_u = lax.bitcast_convert_type(thr_ref[0], jnp.uint32)
    keep = (ub > thr_u) | (sk == seg_ref[blk]) | (mem_ref[blk] != 0)

    h = jnp.maximum(
        jnp.dot(fea_ref[...], wup_ref[...], preferred_element_type=jnp.float32)
        + bup_ref[...], 0.0)
    keepf = keep.astype(jnp.float32).reshape((BR, 1))
    out_ref[...] = jnp.where(keepf != 0.0, h, 0.0)


def kernel(fea_F, fea_C, target_C, target_points_num, W_up, b_up, W_cls, b_cls):
    n = fea_F.shape[0]
    nt = target_C.shape[0]
    c_in = fea_F.shape[1]
    c_out = W_up.shape[1]
    npad = ((n + BR - 1) // BR) * BR
    align = L * NS * 8
    if npad % align != 0:
        npad = ((npad + align - 1) // align) * align
    g = npad // BR

    tcoord_p = jnp.pad(target_C, ((0, npad - nt), (0, 0)))

    p2d, pv, fkv, tkv = pl.pallas_call(
        functools.partial(_tc1_body, (n, nt)),
        grid=(g,),
        in_specs=[
            pl.BlockSpec((BR, c_in), lambda i: (i, 0)),
            pl.BlockSpec((BR, 4), lambda i: (i, 0)),
            pl.BlockSpec((BR, 4), lambda i: (i, 0)),
            pl.BlockSpec((c_in, c_out), lambda i: (0, 0)),
            pl.BlockSpec((1, c_out), lambda i: (0, 0)),
            pl.BlockSpec((c_out, 1), lambda i: (0, 0)),
            pl.BlockSpec((1, 1), lambda i: (0, 0)),
        ],
        out_specs=[
            pl.BlockSpec((BR, 1), lambda i: (i, 0)),
            pl.BlockSpec((BR,), lambda i: (i,)),
            pl.BlockSpec((BR,), lambda i: (i,)),
            pl.BlockSpec((BR,), lambda i: (i,)),
        ],
        out_shape=[
            jax.ShapeDtypeStruct((n, 1), jnp.float32),
            jax.ShapeDtypeStruct((npad,), jnp.float32),
            jax.ShapeDtypeStruct((npad,), jnp.int32),
            jax.ShapeDtypeStruct((npad,), jnp.int32),
        ],
    )(fea_F, fea_C, tcoord_p, W_up, b_up.reshape(1, -1), W_cls,
      b_cls.reshape(1, 1))

    mesh = plsc.VectorSubcoreMesh(core_axis_name="c", subcore_axis_name="s",
                                  num_cores=NC, num_subcores=NS)
    ch = npad // NS
    seg, mem = pl.kernel(
        functools.partial(_sc_body, npad),
        out_type=[jax.ShapeDtypeStruct((npad,), jnp.int32),
                  jax.ShapeDtypeStruct((npad,), jnp.int32)],
        mesh=mesh,
        scratch_types=[
            pltpu.VMEM((ch,), jnp.float32),
            pltpu.VMEM((ch,), jnp.int32),
            pltpu.VMEM((ch,), jnp.int32),
            pltpu.VMEM((ch,), jnp.int32),
            pltpu.VMEM((SH,), jnp.int32),
            pltpu.VMEM((BM_WORDS,), jnp.int32),
            pltpu.VMEM_SHARED(((NS + 1) * SH,), jnp.int32),
            pltpu.VMEM((L,), jnp.int32),
            pltpu.VMEM((L,), jnp.int32),
            pltpu.SemaphoreType.DMA,
        ],
        compiler_params=pltpu.CompilerParams(needs_layout_passes=False),
    )(pv, fkv, tkv)


    k_arr = jnp.asarray(n - target_points_num, jnp.int32).reshape(1)
    pruned = pl.pallas_call(
        functools.partial(_tc23_body, (n, npad)),
        grid=(g,),
        in_specs=[
            pl.BlockSpec((npad,), lambda i: (0,)),
            pl.BlockSpec((npad,), lambda i: (0,)),
            pl.BlockSpec((npad,), lambda i: (0,)),
            pl.BlockSpec(memory_space=pltpu.SMEM),
            pl.BlockSpec((BR, c_in), lambda i: (i, 0)),
            pl.BlockSpec((c_in, c_out), lambda i: (0, 0)),
            pl.BlockSpec((1, c_out), lambda i: (0, 0)),
            pl.BlockSpec((c_out, 1), lambda i: (0, 0)),
            pl.BlockSpec((1, 1), lambda i: (0, 0)),
        ],
        out_specs=pl.BlockSpec((BR, c_out), lambda i: (i, 0)),
        out_shape=jax.ShapeDtypeStruct((n, c_out), jnp.float32),
        scratch_shapes=[pltpu.SMEM((1,), jnp.int32)],
    )(pv, seg, mem, k_arr,
      fea_F, W_up, b_up.reshape(1, -1), W_cls, b_cls.reshape(1, 1))

    return pruned, p2d, mem[:n].astype(bool)

# --- scband reference (transcript-rebuilt; emitter-appended) ---
"""Pipeline reference for scband-generative-upsample-45586782879852 (READ-ONLY COPY).

The authoritative reference and input builder live on the scoring server;
editing this copy changes nothing except your own understanding.
"""

import jax, jax.numpy as jnp
import numpy as np

STRIDE = 8          # tensor_stride of the input sparse tensor
MAX_STRIDE = 64     # max_stride_lossy_recon -> stride_scaler = 64 // 8 = 8
GRID = 128          # coordinate grid extent at STRIDE granularity
BUCKETS = 16        # GRID * STRIDE / MAX_STRIDE


def _coord_key(C):
    # C: [M,4] int (batch, x, y, z), xyz multiples of STRIDE
    g = (C[:, 1:] // STRIDE).astype(jnp.int64)
    b = C[:, 0].astype(jnp.int64)
    return ((b * GRID + g[:, 0]) * GRID + g[:, 1]) * GRID + g[:, 2]


def _bucket_key(C):
    # bucket coordinates to MAX_STRIDE cells (MinkowskiMaxPooling with kernel=stride=stride_scaler)
    g = (C[:, 1:] // MAX_STRIDE).astype(jnp.int64)
    b = C[:, 0].astype(jnp.int64)
    return ((b * BUCKETS + g[:, 0]) * BUCKETS + g[:, 1]) * BUCKETS + g[:, 2]


def setup_inputs(seed: int = 0):
    key = jax.random.key(seed)
    ks = jax.random.split(key, 8)
    N = 100000
    Nt = 60000
    C_in = 64
    fea_F = jax.random.normal(ks[0], (N, C_in), dtype=jnp.float32)
    coords3 = jax.random.randint(ks[1], (N, 3), 0, GRID, dtype=jnp.int32) * STRIDE
    fea_C = jnp.concatenate([jnp.zeros((N, 1), jnp.int32), coords3], axis=1)
    tgt3 = jax.random.randint(ks[2], (Nt, 3), 0, GRID, dtype=jnp.int32) * STRIDE
    target_C = jnp.concatenate([jnp.zeros((Nt, 1), jnp.int32), tgt3], axis=1)
    W_up = jax.random.normal(ks[3], (C_in, 64), dtype=jnp.float32) * 0.05
    b_up = jnp.zeros((64,), jnp.float32)
    W_cls = jax.random.normal(ks[4], (64, 1), dtype=jnp.float32) * 0.05
    b_cls = jnp.zeros((1,), jnp.float32)
    return {"fea_F": fea_F, "fea_C": fea_C, "target_C": target_C,
            "target_points_num": 50000,
            "W_up": W_up, "b_up": b_up, "W_cls": W_cls, "b_cls": b_cls}


def reference(fea_F, fea_C, target_C, target_points_num, W_up, b_up, W_cls, b_cls):
    N = fea_F.shape[0]
    # upsample_block (per-voxel MLP analogue of generative transposed conv + act)
    fea = jax.nn.relu(fea_F @ W_up + b_up)
    # classify_block -> occupancy logit per voxel
    pred = fea @ W_cls + b_cls            # [N, 1]
    p = pred[:, 0]

    # ---- get_keep (BCE branch) ----
    # MinkowskiMaxPooling(stride_scaler) + PoolingTranspose == per-bucket max broadcast back
    bkey = _bucket_key(fea_C)
    nseg = 1 * BUCKETS * BUCKETS * BUCKETS
    seg_max = jax.ops.segment_max(p, bkey, num_segments=nseg)
    pred_local_max = seg_max[bkey]
    local_max_mask = (p - pred_local_max) != 0

    # kthvalue over the locally-non-maximal scores: k = N - target_points_num (1-indexed)
    k = N - target_points_num
    masked_vals = jnp.where(local_max_mask, p, jnp.inf)
    threshold = jnp.sort(masked_vals)[k - 1]
    keep = p > threshold
    keep = keep | (~local_max_mask)

    # ---- get_target (training, BCE): kernel_map with kernel_size=1 == exact coord match ----
    fkey = _coord_key(fea_C)
    tkey = jnp.sort(_coord_key(target_C))
    idx = jnp.clip(jnp.searchsorted(tkey, fkey), 0, tkey.shape[0] - 1)
    keep_target = tkey[idx] == fkey
    loss_target = keep_target
    keep = keep | keep_target

    # ---- pruning (keep mask applied to features; zero out pruned voxels) ----
    pruned = jnp.where(keep[:, None], fea, 0.0)
    return pruned, pred, loss_target

if __name__ == "__main__":
    import jax
    _d = setup_inputs()
    print(jax.jit(kernel)(*tuple(_d.values())))

</pallas_src>

<mosaic_0001>
#map = affine_map<(d0, d1) -> (0)>
module attributes {stable_mosaic.version = 14 : i64} {
  func.func @_sc_body(%arg0: i32, %arg1: i32, %arg2: memref<102400xf32, #tpu.memory_space<hbm>>, %arg3: memref<102400xi32, #tpu.memory_space<hbm>>, %arg4: memref<102400xi32, #tpu.memory_space<hbm>>, %arg5: memref<102400xi32, #tpu.memory_space<hbm>>, %arg6: memref<102400xi32, #tpu.memory_space<hbm>>, %arg7: memref<6400xf32, #tpu.memory_space<vmem>>, %arg8: memref<6400xi32, #tpu.memory_space<vmem>>, %arg9: memref<6400xi32, #tpu.memory_space<vmem>>, %arg10: memref<6400xi32, #tpu.memory_space<vmem>>, %arg11: memref<16384xi32, #tpu.memory_space<vmem>>, %arg12: memref<65536xi32, #tpu.memory_space<vmem>>, %arg13: memref<278528xi32, #tpu.memory_space<vmem_shared>>, %arg14: memref<16xi32, #tpu.memory_space<vmem>>, %arg15: memref<16xi32, #tpu.memory_space<vmem>>, %arg16: memref<!tpu.dma_semaphore, #tpu.memory_space<semaphore_mem>>) attributes {dimension_semantics = [#tpu.dimension_semantics<core_parallel>, #tpu.dimension_semantics<subcore_parallel>], iteration_bounds = array<i64: 2, 16>, scalar_prefetch = 0 : i64, scratch_operands = 10 : i64, tpu.core_type = #tpu.core_type<sc_vector_subcore>, window_params = [{transform_indices = #map}, {transform_indices = #map}, {transform_indices = #map}, {transform_indices = #map}, {transform_indices = #map}]} {
    %mul3A = arith.constant 6400 : i32
    %mul3A_0 = arith.muli %arg1, %mul3A : i32
    %iota3A = tpu.iota {dimensions = array<i32: 0>} : vector<16xi32>
    %eq3A = arith.constant 0 : i32
    %eq3A_1 = arith.cmpi eq, %arg0, %eq3A : i32
    %convert_element_type3A = arith.extui %eq3A_1 : i1 to i32
    %cond3A = arith.constant 0 : i32
    %cond3A_2 = arith.cmpi ne, %convert_element_type3A, %cond3A : i32
    scf.if %cond3A_2 {
      %broadcast_in_dim3A = arith.constant -2147483648 : i32
      %broadcast_in_dim3A_8 = vector.broadcast %broadcast_in_dim3A : i32 to vector<16xi32>
      %scan3A = arith.constant 0 : i32
      %scan3A_9 = arith.constant 0 : i32
      %scan3A_10 = arith.constant 32 : i32
      %scan3A_11 = arith.addi %scan3A_9, %scan3A_10 : i32
      %scan3A_12 = arith.constant 1 : i32
      %scan3A_13 = scf.for %scan3A_264 = %scan3A_9 to %scan3A_11 step %scan3A_12 iter_args(%scan3A_265 = %scan3A) -> (i32)  : i32 {
        %mul3A_266 = arith.constant 8 : i32
        %mul3A_267 = arith.muli %scan3A_264, %mul3A_266 : i32
        %add3A_268 = arith.constant 0 : i32
        %add3A_269 = arith.addi %mul3A_267, %add3A_268 : i32
        %mul3A_270 = arith.constant 16 : i32
        %mul3A_271 = arith.muli %add3A_269, %mul3A_270 : i32
        %swap3A = arith.index_cast %mul3A_271 : i32 to index
        %swap3A_272 = tpu.vector_load %arg12[%swap3A] {strides = array<i32>} : memref<65536xi32, #tpu.memory_space<vmem>>, vector<16xi32>,
        tpu.vector_store %arg12[%swap3A], %broadcast_in_dim3A_8 {strides = array<i32>} : memref<65536xi32, #tpu.memory_space<vmem>>, vector<16xi32>,
        %mul3A_273 = arith.constant 8 : i32
        %mul3A_274 = arith.muli %scan3A_264, %mul3A_273 : i32
        %add3A_275 = arith.constant 1 : i32
        %add3A_276 = arith.addi %mul3A_274, %add3A_275 : i32
        %mul3A_277 = arith.constant 16 : i32
        %mul3A_278 = arith.muli %add3A_276, %mul3A_277 : i32
        %swap3A_279 = arith.index_cast %mul3A_278 : i32 to index
        %swap3A_280 = tpu.vector_load %arg12[%swap3A_279] {strides = array<i32>} : memref<65536xi32, #tpu.memory_space<vmem>>, vector<16xi32>,
        tpu.vector_store %arg12[%swap3A_279], %broadcast_in_dim3A_8 {strides = array<i32>} : memref<65536xi32, #tpu.memory_space<vmem>>, vector<16xi32>,
        %mul3A_281 = arith.constant 8 : i32
        %mul3A_282 = arith.muli %scan3A_264, %mul3A_281 : i32
        %add3A_283 = arith.constant 2 : i32
        %add3A_284 = arith.addi %mul3A_282, %add3A_283 : i32
        %mul3A_285 = arith.constant 16 : i32
        %mul3A_286 = arith.muli %add3A_284, %mul3A_285 : i32
        %swap3A_287 = arith.index_cast %mul3A_286 : i32 to index
        %swap3A_288 = tpu.vector_load %arg12[%swap3A_287] {strides = array<i32>} : memref<65536xi32, #tpu.memory_space<vmem>>, vector<16xi32>,
        tpu.vector_store %arg12[%swap3A_287], %broadcast_in_dim3A_8 {strides = array<i32>} : memref<65536xi32, #tpu.memory_space<vmem>>, vector<16xi32>,
        %mul3A_289 = arith.constant 8 : i32
        %mul3A_290 = arith.muli %scan3A_264, %mul3A_289 : i32
        %add3A_291 = arith.constant 3 : i32
        %add3A_292 = arith.addi %mul3A_290, %add3A_291 : i32
        %mul3A_293 = arith.constant 16 : i32
        %mul3A_294 = arith.muli %add3A_292, %mul3A_293 : i32
        %swap3A_295 = arith.index_cast %mul3A_294 : i32 to index
        %swap3A_296 = tpu.vector_load %arg12[%swap3A_295] {strides = array<i32>} : memref<65536xi32, #tpu.memory_space<vmem>>, vector<16xi32>,
        tpu.vector_store %arg12[%swap3A_295], %broadcast_in_dim3A_8 {strides = array<i32>} : memref<65536xi32, #tpu.memory_space<vmem>>, vector<16xi32>,
        %mul3A_297 = arith.constant 8 : i32
        %mul3A_298 = arith.muli %scan3A_264, %mul3A_297 : i32
        %add3A_299 = arith.constant 4 : i32
        %add3A_300 = arith.addi %mul3A_298, %add3A_299 : i32
        %mul3A_301 = arith.constant 16 : i32
        %mul3A_302 = arith.muli %add3A_300, %mul3A_301 : i32
        %swap3A_303 = arith.index_cast %mul3A_302 : i32 to index
        %swap3A_304 = tpu.vector_load %arg12[%swap3A_303] {strides = array<i32>} : memref<65536xi32, #tpu.memory_space<vmem>>, vector<16xi32>,
        tpu.vector_store %arg12[%swap3A_303], %broadcast_in_dim3A_8 {strides = array<i32>} : memref<65536xi32, #tpu.memory_space<vmem>>, vector<16xi32>,
        %mul3A_305 = arith.constant 8 : i32
        %mul3A_306 = arith.muli %scan3A_264, %mul3A_305 : i32
        %add3A_307 = arith.constant 5 : i32
        %add3A_308 = arith.addi %mul3A_306, %add3A_307 : i32
        %mul3A_309 = arith.constant 16 : i32
        %mul3A_310 = arith.muli %add3A_308, %mul3A_309 : i32
        %swap3A_311 = arith.index_cast %mul3A_310 : i32 to index
        %swap3A_312 = tpu.vector_load %arg12[%swap3A_311] {strides = array<i32>} : memref<65536xi32, #tpu.memory_space<vmem>>, vector<16xi32>,
        tpu.vector_store %arg12[%swap3A_311], %broadcast_in_dim3A_8 {strides = array<i32>} : memref<65536xi32, #tpu.memory_space<vmem>>, vector<16xi32>,
        %mul3A_313 = arith.constant 8 : i32
        %mul3A_314 = arith.muli %scan3A_264, %mul3A_313 : i32
        %add3A_315 = arith.constant 6 : i32
        %add3A_316 = arith.addi %mul3A_314, %add3A_315 : i32
        %mul3A_317 = arith.constant 16 : i32
        %mul3A_318 = arith.muli %add3A_316, %mul3A_317 : i32
        %swap3A_319 = arith.index_cast %mul3A_318 : i32 to index
        %swap3A_320 = tpu.vector_load %arg12[%swap3A_319] {strides = array<i32>} : memref<65536xi32, #tpu.memory_space<vmem>>, vector<16xi32>,
        tpu.vector_store %arg12[%swap3A_319], %broadcast_in_dim3A_8 {strides = array<i32>} : memref<65536xi32, #tpu.memory_space<vmem>>, vector<16xi32>,
        %mul3A_321 = arith.constant 8 : i32
        %mul3A_322 = arith.muli %scan3A_264, %mul3A_321 : i32
        %add3A_323 = arith.constant 7 : i32
        %add3A_324 = arith.addi %mul3A_322, %add3A_323 : i32
        %mul3A_325 = arith.constant 16 : i32
        %mul3A_326 = arith.muli %add3A_324, %mul3A_325 : i32
        %swap3A_327 = arith.index_cast %mul3A_326 : i32 to index
        %swap3A_328 = tpu.vector_load %arg12[%swap3A_327] {strides = array<i32>} : memref<65536xi32, #tpu.memory_space<vmem>>, vector<16xi32>,
        tpu.vector_store %arg12[%swap3A_327], %broadcast_in_dim3A_8 {strides = array<i32>} : memref<65536xi32, #tpu.memory_space<vmem>>, vector<16xi32>,
        %scan3A_329 = arith.constant 0 : i32
        scf.yield %scan3A_329 : i32
      }
      %scan3A_14 = arith.constant 32 : i32
      "tpu.region"() ({
        %run_scoped3A = tpu.sem_alloc : memref<!tpu.dma_semaphore, #tpu.memory_space<semaphore_mem>>
        %dma_start3A_264 = tpu.memref_slice %arg2[%mul3A_0] : memref<102400xf32, #tpu.memory_space<hbm>> -> memref<6400xf32, #tpu.memory_space<hbm>>
        %dma_start3A_265 = tpu.memref_slice %arg2[%mul3A_0] : memref<102400xf32, #tpu.memory_space<hbm>> -> memref<6400xf32, #tpu.memory_space<hbm>>
        tpu.enqueue_dma source(%dma_start3A_265 : memref<6400xf32, #tpu.memory_space<hbm>>) target(%arg7 : memref<6400xf32, #tpu.memory_space<vmem>>) target_semaphore(%run_scoped3A : memref<!tpu.dma_semaphore, #tpu.memory_space<semaphore_mem>>)
        %dma_wait3A_266 = tpu.memref_slice %arg2[%mul3A_0] : memref<102400xf32, #tpu.memory_space<hbm>> -> memref<6400xf32, #tpu.memory_space<hbm>>
        %dma_wait3A_267 = tpu.memref_slice %arg2[%mul3A_0] : memref<102400xf32, #tpu.memory_space<hbm>> -> memref<6400xf32, #tpu.memory_space<hbm>>
        tpu.wait_dma2 semaphore(%run_scoped3A : memref<!tpu.dma_semaphore, #tpu.memory_space<semaphore_mem>>) src(%dma_wait3A_267 : memref<6400xf32, #tpu.memory_space<hbm>>) dst(%arg7 : memref<6400xf32, #tpu.memory_space<vmem>>)
        tpu.yield
      }) : () -> ()
      "tpu.region"() ({
        %run_scoped3A = tpu.sem_alloc : memref<!tpu.dma_semaphore, #tpu.memory_space<semaphore_mem>>
        %dma_start3A_264 = tpu.memref_slice %arg3[%mul3A_0] : memref<102400xi32, #tpu.memory_space<hbm>> -> memref<6400xi32, #tpu.memory_space<hbm>>
        %dma_start3A_265 = tpu.memref_slice %arg3[%mul3A_0] : memref<102400xi32, #tpu.memory_space<hbm>> -> memref<6400xi32, #tpu.memory_space<hbm>>
        tpu.enqueue_dma source(%dma_start3A_265 : memref<6400xi32, #tpu.memory_space<hbm>>) target(%arg9 : memref<6400xi32, #tpu.memory_space<vmem>>) target_semaphore(%run_scoped3A : memref<!tpu.dma_semaphore, #tpu.memory_space<semaphore_mem>>)
        %dma_wait3A_266 = tpu.memref_slice %arg3[%mul3A_0] : memref<102400xi32, #tpu.memory_space<hbm>> -> memref<6400xi32, #tpu.memory_space<hbm>>
        %dma_wait3A_267 = tpu.memref_slice %arg3[%mul3A_0] : memref<102400xi32, #tpu.memory_space<hbm>> -> memref<6400xi32, #tpu.memory_space<hbm>>
        tpu.wait_dma2 semaphore(%run_scoped3A : memref<!tpu.dma_semaphore, #tpu.memory_space<semaphore_mem>>) src(%dma_wait3A_267 : memref<6400xi32, #tpu.memory_space<hbm>>) dst(%arg9 : memref<6400xi32, #tpu.memory_space<vmem>>)
        tpu.yield
      }) : () -> ()
      %scan3A_15 = arith.constant 0 : i32
      %scan3A_16 = arith.constant 0 : i32
      %scan3A_17 = arith.constant 400 : i32
      %scan3A_18 = arith.addi %scan3A_16, %scan3A_17 : i32
      %scan3A_19 = arith.constant 1 : i32
      %scan3A_20 = scf.for %scan3A_264 = %scan3A_16 to %scan3A_18 step %scan3A_19 iter_args(%scan3A_265 = %scan3A_15) -> (i32)  : i32 {
        %mul3A_266 = arith.constant 16 : i32
        %mul3A_267 = arith.muli %scan3A_264, %mul3A_266 : i32
        %get3A = arith.index_cast %mul3A_267 : i32 to index
        %get3A_268 = tpu.vector_load %arg9[%get3A] {strides = array<i32>} : memref<6400xi32, #tpu.memory_space<vmem>>, vector<16xi32>,
        %lt3A = arith.constant 2097152 : i32
        %lt3A_269 = vector.broadcast %lt3A : i32 to vector<16xi32>
        %lt3A_270 = arith.cmpi slt, %get3A_268, %lt3A_269 : vector<16xi32>
        %shift_right_arithmetic3A = arith.constant 17 : i32
        %shift_right_arithmetic3A_271 = vector.broadcast %shift_right_arithmetic3A : i32 to vector<16xi32>
        %shift_right_arithmetic3A_272 = arith.shrsi %get3A_268, %shift_right_arithmetic3A_271 : vector<16xi32>
        %shift_left3A = arith.constant 8 : i32
        %shift_left3A_273 = vector.broadcast %shift_left3A : i32 to vector<16xi32>
        %shift_left3A_274 = arith.shli %shift_right_arithmetic3A_272, %shift_left3A_273 : vector<16xi32>
        %shift_right_arithmetic3A_275 = arith.constant 10 : i32
        %shift_right_arithmetic3A_276 = vector.broadcast %shift_right_arithmetic3A_275 : i32 to vector<16xi32>
        %shift_right_arithmetic3A_277 = arith.shrsi %get3A_268, %shift_right_arithmetic3A_276 : vector<16xi32>
        %and3A = arith.constant 15 : i32
        %and3A_278 = vector.broadcast %and3A : i32 to vector<16xi32>
        %and3A_279 = arith.andi %shift_right_arithmetic3A_277, %and3A_278 : vector<16xi32>
        %shift_left3A_280 = arith.constant 4 : i32
        %shift_left3A_281 = vector.broadcast %shift_left3A_280 : i32 to vector<16xi32>
        %shift_left3A_282 = arith.shli %and3A_279, %shift_left3A_281 : vector<16xi32>
        %or3A = arith.ori %shift_left3A_274, %shift_left3A_282 : vector<16xi32>
        %shift_right_arithmetic3A_283 = arith.constant 3 : i32
        %shift_right_arithmetic3A_284 = vector.broadcast %shift_right_arithmetic3A_283 : i32 to vector<16xi32>
        %shift_right_arithmetic3A_285 = arith.shrsi %get3A_268, %shift_right_arithmetic3A_284 : vector<16xi32>
        %and3A_286 = arith.constant 15 : i32
        %and3A_287 = vector.broadcast %and3A_286 : i32 to vector<16xi32>
        %and3A_288 = arith.andi %shift_right_arithmetic3A_285, %and3A_287 : vector<16xi32>
        %or3A_289 = arith.ori %or3A, %and3A_288 : vector<16xi32>
        %jit3A = arith.constant 0 : i32
        %broadcast_in_dim3A_290 = vector.broadcast %jit3A : i32 to vector<16xi32>
        %select_n3A = arith.select %lt3A_270, %or3A_289, %broadcast_in_dim3A_290 : vector<16xi1>, vector<16xi32>
        %mul3A_291 = arith.constant 16 : i32
        %mul3A_292 = arith.muli %scan3A_264, %mul3A_291 : i32
        %get3A_293 = arith.index_cast %mul3A_292 : i32 to index
        %get3A_294 = tpu.vector_load %arg7[%get3A_293] {strides = array<i32>} : memref<6400xf32, #tpu.memory_space<vmem>>, vector<16xf32>,
        %bitcast3A = vector.bitcast %get3A_294 : vector<16xf32> to vector<16xi32>
        %lt3A_295 = arith.constant 0 : i32
        %lt3A_296 = vector.broadcast %lt3A_295 : i32 to vector<16xi32>
        %lt3A_297 = arith.cmpi slt, %bitcast3A, %lt3A_296 : vector<16xi32>
        %xor3A = arith.constant 2147483647 : i32
        %xor3A_298 = vector.broadcast %xor3A : i32 to vector<16xi32>
        %xor3A_299 = arith.xori %bitcast3A, %xor3A_298 : vector<16xi32>
        %select_n3A_300 = arith.select %lt3A_297, %xor3A_299, %bitcast3A : vector<16xi1>, vector<16xi32>
        %eq3A_301 = arith.constant -2147483648 : i32
        %eq3A_302 = vector.broadcast %eq3A_301 : i32 to vector<16xi32>
        %eq3A_303 = arith.cmpi eq, %bitcast3A, %eq3A_302 : vector<16xi32>
        %jit3A_304 = arith.constant 0 : i32
        %broadcast_in_dim3A_305 = vector.broadcast %jit3A_304 : i32 to vector<16xi32>
        %select_n3A_306 = arith.select %eq3A_303, %broadcast_in_dim3A_305, %select_n3A_300 : vector<16xi1>, vector<16xi32>
        %jit3A_307 = arith.constant -2147483648 : i32
        %broadcast_in_dim3A_308 = vector.broadcast %jit3A_307 : i32 to vector<16xi32>
        %select_n3A_309 = arith.select %lt3A_270, %select_n3A_306, %broadcast_in_dim3A_308 : vector<16xi1>, vector<16xi32>
        %and3A_310 = arith.constant 4095 : i32
        %and3A_311 = vector.broadcast %and3A_310 : i32 to vector<16xi32>
        %and3A_312 = arith.andi %select_n3A, %and3A_311 : vector<16xi32>
        tpu.vector_store_idx %arg10[%and3A_312], %iota3A : memref<6400xi32, #tpu.memory_space<vmem>>[vector<16xi32>], vector<16xi32>,
        %gather3A = tpu.vector_load_idx %arg10[%and3A_312] : memref<6400xi32, #tpu.memory_space<vmem>>[vector<16xi32>], vector<16xi32>,
        %ne3A = arith.cmpi ne, %gather3A, %iota3A : vector<16xi32>
        %reduce_or3A = arith.constant 1.000000e+00 : f32
        %reduce_or3A_313 = arith.constant 0.000000e+00 : f32
        %reduce_or3A_314 = vector.broadcast %reduce_or3A : f32 to vector<16xf32>
        %reduce_or3A_315 = vector.broadcast %reduce_or3A_313 : f32 to vector<16xf32>
        %reduce_or3A_316 = arith.select %ne3A, %reduce_or3A_314, %reduce_or3A_315 : vector<16xi1>, vector<16xf32>
        %reduce_or3A_317 = arith.constant true
        %reduce_or3A_318 = vector.broadcast %reduce_or3A_317 : i1 to vector<16xi1>
        %reduce_or3A_319 = tpu.scan <max>, %reduce_or3A_316 masked %reduce_or3A_318 : vector<16xf32>, vector<16xi1> -> vector<16xf32>
        %reduce_or3A_320 = vector.extract %reduce_or3A_319[15] : f32 from vector<16xf32>
        %reduce_or3A_321 = arith.constant 0.000000e+00 : f32
        %reduce_or3A_322 = arith.cmpf ogt, %reduce_or3A_320, %reduce_or3A_321 : f32
        %convert_element_type3A_323 = arith.extui %reduce_or3A_322 : i1 to i32
        %cond3A_324 = arith.constant 0 : i32
        %cond3A_325 = arith.cmpi ne, %convert_element_type3A_323, %cond3A_324 : i32
        %cond3A_326 = scf.if %cond3A_325 -> (vector<16xi32>) {
          %swap3A = arith.constant 0 : index
          %swap3A_329 = tpu.vector_load %arg14[%swap3A] {strides = array<i32>} : memref<16xi32, #tpu.memory_space<vmem>>, vector<16xi32>,
          tpu.vector_store %arg14[%swap3A], %select_n3A {strides = array<i32>} : memref<16xi32, #tpu.memory_space<vmem>>, vector<16xi32>,
          %swap3A_330 = arith.constant 0 : index
          %swap3A_331 = tpu.vector_load %arg15[%swap3A_330] {strides = array<i32>} : memref<16xi32, #tpu.memory_space<vmem>>, vector<16xi32>,
          tpu.vector_store %arg15[%swap3A_330], %select_n3A_309 {strides = array<i32>} : memref<16xi32, #tpu.memory_space<vmem>>, vector<16xi32>,
          %add3A_332 = arith.constant 1 : i32
          %add3A_333 = vector.broadcast %add3A_332 : i32 to vector<16xi32>
          %add3A_334 = arith.addi %iota3A, %add3A_333 : vector<16xi32>
          %and3A_335 = arith.constant 15 : i32
          %and3A_336 = vector.broadcast %and3A_335 : i32 to vector<16xi32>
          %and3A_337 = arith.andi %add3A_334, %and3A_336 : vector<16xi32>
          %gather3A_338 = tpu.vector_load_idx %arg14[%and3A_337] : memref<16xi32, #tpu.memory_space<vmem>>[vector<16xi32>], vector<16xi32>,
          %gather3A_339 = tpu.vector_load_idx %arg15[%and3A_337] : memref<16xi32, #tpu.memory_space<vmem>>[vector<16xi32>], vector<16xi32>,
          %eq3A_340 = arith.cmpi eq, %gather3A_338, %select_n3A : vector<16xi32>
          %jit3A_341 = arith.constant -2147483648 : i32
          %broadcast_in_dim3A_342 = vector.broadcast %jit3A_341 : i32 to vector<16xi32>
          %select_n3A_343 = arith.select %eq3A_340, %gather3A_339, %broadcast_in_dim3A_342 : vector<16xi1>, vector<16xi32>
          %max3A_344 = arith.maxsi %select_n3A_309, %select_n3A_343 : vector<16xi32>
          %add3A_345 = arith.constant 2 : i32
          %add3A_346 = vector.broadcast %add3A_345 : i32 to vector<16xi32>
          %add3A_347 = arith.addi %iota3A, %add3A_346 : vector<16xi32>
          %and3A_348 = arith.constant 15 : i32
          %and3A_349 = vector.broadcast %and3A_348 : i32 to vector<16xi32>
          %and3A_350 = arith.andi %add3A_347, %and3A_349 : vector<16xi32>
          %gather3A_351 = tpu.vector_load_idx %arg14[%and3A_350] : memref<16xi32, #tpu.memory_space<vmem>>[vector<16xi32>], vector<16xi32>,
          %gather3A_352 = tpu.vector_load_idx %arg15[%and3A_350] : memref<16xi32, #tpu.memory_space<vmem>>[vector<16xi32>], vector<16xi32>,
          %eq3A_353 = arith.cmpi eq, %gather3A_351, %select_n3A : vector<16xi32>
          %jit3A_354 = arith.constant -2147483648 : i32
          %broadcast_in_dim3A_355 = vector.broadcast %jit3A_354 : i32 to vector<16xi32>
          %select_n3A_356 = arith.select %eq3A_353, %gather3A_352, %broadcast_in_dim3A_355 : vector<16xi1>, vector<16xi32>
          %max3A_357 = arith.maxsi %max3A_344, %select_n3A_356 : vector<16xi32>
          %add3A_358 = arith.constant 3 : i32
          %add3A_359 = vector.broadcast %add3A_358 : i32 to vector<16xi32>
          %add3A_360 = arith.addi %iota3A, %add3A_359 : vector<16xi32>
          %and3A_361 = arith.constant 15 : i32
          %and3A_362 = vector.broadcast %and3A_361 : i32 to vector<16xi32>
          %and3A_363 = arith.andi %add3A_360, %and3A_362 : vector<16xi32>
          %gather3A_364 = tpu.vector_load_idx %arg14[%and3A_363] : memref<16xi32, #tpu.memory_space<vmem>>[vector<16xi32>], vector<16xi32>,
          %gather3A_365 = tpu.vector_load_idx %arg15[%and3A_363] : memref<16xi32, #tpu.memory_space<vmem>>[vector<16xi32>], vector<16xi32>,
          %eq3A_366 = arith.cmpi eq, %gather3A_364, %select_n3A : vector<16xi32>
          %jit3A_367 = arith.constant -2147483648 : i32
          %broadcast_in_dim3A_368 = vector.broadcast %jit3A_367 : i32 to vector<16xi32>
          %select_n3A_369 = arith.select %eq3A_366, %gather3A_365, %broadcast_in_dim3A_368 : vector<16xi1>, vector<16xi32>
          %max3A_370 = arith.maxsi %max3A_357, %select_n3A_369 : vector<16xi32>
          %add3A_371 = arith.constant 4 : i32
          %add3A_372 = vector.broadcast %add3A_371 : i32 to vector<16xi32>
          %add3A_373 = arith.addi %iota3A, %add3A_372 : vector<16xi32>
          %and3A_374 = arith.constant 15 : i32
          %and3A_375 = vector.broadcast %and3A_374 : i32 to vector<16xi32>
          %and3A_376 = arith.andi %add3A_373, %and3A_375 : vector<16xi32>
          %gather3A_377 = tpu.vector_load_idx %arg14[%and3A_376] : memref<16xi32, #tpu.memory_space<vmem>>[vector<16xi32>], vector<16xi32>,
          %gather3A_378 = tpu.vector_load_idx %arg15[%and3A_376] : memref<16xi32, #tpu.memory_space<vmem>>[vector<16xi32>], vector<16xi32>,
          %eq3A_379 = arith.cmpi eq, %gather3A_377, %select_n3A : vector<16xi32>
          %jit3A_380 = arith.constant -2147483648 : i32
          %broadcast_in_dim3A_381 = vector.broadcast %jit3A_380 : i32 to vector<16xi32>
          %select_n3A_382 = arith.select %eq3A_379, %gather3A_378, %broadcast_in_dim3A_381 : vector<16xi1>, vector<16xi32>
          %max3A_383 = arith.maxsi %max3A_370, %select_n3A_382 : vector<16xi32>
          %add3A_384 = arith.constant 5 : i32
          %add3A_385 = vector.broadcast %add3A_384 : i32 to vector<16xi32>
          %add3A_386 = arith.addi %iota3A, %add3A_385 : vector<16xi32>
          %and3A_387 = arith.constant 15 : i32
          %and3A_388 = vector.broadcast %and3A_387 : i32 to vector<16xi32>
          %and3A_389 = arith.andi %add3A_386, %and3A_388 : vector<16xi32>
          %gather3A_390 = tpu.vector_load_idx %arg14[%and3A_389] : memref<16xi32, #tpu.memory_space<vmem>>[vector<16xi32>], vector<16xi32>,
          %gather3A_391 = tpu.vector_load_idx %arg15[%and3A_389] : memref<16xi32, #tpu.memory_space<vmem>>[vector<16xi32>], vector<16xi32>,
          %eq3A_392 = arith.cmpi eq, %gather3A_390, %select_n3A : vector<16xi32>
          %jit3A_393 = arith.constant -2147483648 : i32
          %broadcast_in_dim3A_394 = vector.broadcast %jit3A_393 : i32 to vector<16xi32>
          %select_n3A_395 = arith.select %eq3A_392, %gather3A_391, %broadcast_in_dim3A_394 : vector<16xi1>, vector<16xi32>
          %max3A_396 = arith.maxsi %max3A_383, %select_n3A_395 : vector<16xi32>
          %add3A_397 = arith.constant 6 : i32
          %add3A_398 = vector.broadcast %add3A_397 : i32 to vector<16xi32>
          %add3A_399 = arith.addi %iota3A, %add3A_398 : vector<16xi32>
          %and3A_400 = arith.constant 15 : i32
          %and3A_401 = vector.broadcast %and3A_400 : i32 to vector<16xi32>
          %and3A_402 = arith.andi %add3A_399, %and3A_401 : vector<16xi32>
          %gather3A_403 = tpu.vector_load_idx %arg14[%and3A_402] : memref<16xi32, #tpu.memory_space<vmem>>[vector<16xi32>], vector<16xi32>,
          %gather3A_404 = tpu.vector_load_idx %arg15[%and3A_402] : memref<16xi32, #tpu.memory_space<vmem>>[vector<16xi32>], vector<16xi32>,
          %eq3A_405 = arith.cmpi eq, %gather3A_403, %select_n3A : vector<16xi32>
          %jit3A_406 = arith.constant -2147483648 : i32
          %broadcast_in_dim3A_407 = vector.broadcast %jit3A_406 : i32 to vector<16xi32>
          %select_n3A_408 = arith.select %eq3A_405, %gather3A_404, %broadcast_in_dim3A_407 : vector<16xi1>, vector<16xi32>
          %max3A_409 = arith.maxsi %max3A_396, %select_n3A_408 : vector<16xi32>
          %add3A_410 = arith.constant 7 : i32
          %add3A_411 = vector.broadcast %add3A_410 : i32 to vector<16xi32>
          %add3A_412 = arith.addi %iota3A, %add3A_411 : vector<16xi32>
          %and3A_413 = arith.constant 15 : i32
          %and3A_414 = vector.broadcast %and3A_413 : i32 to vector<16xi32>
          %and3A_415 = arith.andi %add3A_412, %and3A_414 : vector<16xi32>
          %gather3A_416 = tpu.vector_load_idx %arg14[%and3A_415] : memref<16xi32, #tpu.memory_space<vmem>>[vector<16xi32>], vector<16xi32>,
          %gather3A_417 = tpu.vector_load_idx %arg15[%and3A_415] : memref<16xi32, #tpu.memory_space<vmem>>[vector<16xi32>], vector<16xi32>,
          %eq3A_418 = arith.cmpi eq, %gather3A_416, %select_n3A : vector<16xi32>
          %jit3A_419 = arith.constant -2147483648 : i32
          %broadcast_in_dim3A_420 = vector.broadcast %jit3A_419 : i32 to vector<16xi32>
          %select_n3A_421 = arith.select %eq3A_418, %gather3A_417, %broadcast_in_dim3A_420 : vector<16xi1>, vector<16xi32>
          %max3A_422 = arith.maxsi %max3A_409, %select_n3A_421 : vector<16xi32>
          %add3A_423 = arith.constant 8 : i32
          %add3A_424 = vector.broadcast %add3A_423 : i32 to vector<16xi32>
          %add3A_425 = arith.addi %iota3A, %add3A_424 : vector<16xi32>
          %and3A_426 = arith.constant 15 : i32
          %and3A_427 = vector.broadcast %and3A_426 : i32 to vector<16xi32>
          %and3A_428 = arith.andi %add3A_425, %and3A_427 : vector<16xi32>
          %gather3A_429 = tpu.vector_load_idx %arg14[%and3A_428] : memref<16xi32, #tpu.memory_space<vmem>>[vector<16xi32>], vector<16xi32>,
          %gather3A_430 = tpu.vector_load_idx %arg15[%and3A_428] : memref<16xi32, #tpu.memory_space<vmem>>[vector<16xi32>], vector<16xi32>,
          %eq3A_431 = arith.cmpi eq, %gather3A_429, %select_n3A : vector<16xi32>
          %jit3A_432 = arith.constant -2147483648 : i32
          %broadcast_in_dim3A_433 = vector.broadcast %jit3A_432 : i32 to vector<16xi32>
          %select_n3A_434 = arith.select %eq3A_431, %gather3A_430, %broadcast_in_dim3A_433 : vector<16xi1>, vector<16xi32>
          %max3A_435 = arith.maxsi %max3A_422, %select_n3A_434 : vector<16xi32>
          %add3A_436 = arith.constant 9 : i32
          %add3A_437 = vector.broadcast %add3A_436 : i32 to vector<16xi32>
          %add3A_438 = arith.addi %iota3A, %add3A_437 : vector<16xi32>
          %and3A_439 = arith.constant 15 : i32
          %and3A_440 = vector.broadcast %and3A_439 : i32 to vector<16xi32>
          %and3A_441 = arith.andi %add3A_438, %and3A_440 : vector<16xi32>
          %gather3A_442 = tpu.vector_load_idx %arg14[%and3A_441] : memref<16xi32, #tpu.memory_space<vmem>>[vector<16xi32>], vector<16xi32>,
          %gather3A_443 = tpu.vector_load_idx %arg15[%and3A_441] : memref<16xi32, #tpu.memory_space<vmem>>[vector<16xi32>], vector<16xi32>,
          %eq3A_444 = arith.cmpi eq, %gather3A_442, %select_n3A : vector<16xi32>
          %jit3A_445 = arith.constant -2147483648 : i32
          %broadcast_in_dim3A_446 = vector.broadcast %jit3A_445 : i32 to vector<16xi32>
          %select_n3A_447 = arith.select %eq3A_444, %gather3A_443, %broadcast_in_dim3A_446 : vector<16xi1>, vector<16xi32>
          %max3A_448 = arith.maxsi %max3A_435, %select_n3A_447 : vector<16xi32>
          %add3A_449 = arith.constant 10 : i32
          %add3A_450 = vector.broadcast %add3A_449 : i32 to vector<16xi32>
          %add3A_451 = arith.addi %iota3A, %add3A_450 : vector<16xi32>
          %and3A_452 = arith.constant 15 : i32
          %and3A_453 = vector.broadcast %and3A_452 : i32 to vector<16xi32>
          %and3A_454 = arith.andi %add3A_451, %and3A_453 : vector<16xi32>
          %gather3A_455 = tpu.vector_load_idx %arg14[%and3A_454] : memref<16xi32, #tpu.memory_space<vmem>>[vector<16xi32>], vector<16xi32>,
          %gather3A_456 = tpu.vector_load_idx %arg15[%and3A_454] : memref<16xi32, #tpu.memory_space<vmem>>[vector<16xi32>], vector<16xi32>,
          %eq3A_457 = arith.cmpi eq, %gather3A_455, %select_n3A : vector<16xi32>
          %jit3A_458 = arith.constant -2147483648 : i32
          %broadcast_in_dim3A_459 = vector.broadcast %jit3A_458 : i32 to vector<16xi32>
          %select_n3A_460 = arith.select %eq3A_457, %gather3A_456, %broadcast_in_dim3A_459 : vector<16xi1>, vector<16xi32>
          %max3A_461 = arith.maxsi %max3A_448, %select_n3A_460 : vector<16xi32>
          %add3A_462 = arith.constant 11 : i32
          %add3A_463 = vector.broadcast %add3A_462 : i32 to vector<16xi32>
          %add3A_464 = arith.addi %iota3A, %add3A_463 : vector<16xi32>
          %and3A_465 = arith.constant 15 : i32
          %and3A_466 = vector.broadcast %and3A_465 : i32 to vector<16xi32>
          %and3A_467 = arith.andi %add3A_464, %and3A_466 : vector<16xi32>
          %gather3A_468 = tpu.vector_load_idx %arg14[%and3A_467] : memref<16xi32, #tpu.memory_space<vmem>>[vector<16xi32>], vector<16xi32>,
          %gather3A_469 = tpu.vector_load_idx %arg15[%and3A_467] : memref<16xi32, #tpu.memory_space<vmem>>[vector<16xi32>], vector<16xi32>,
          %eq3A_470 = arith.cmpi eq, %gather3A_468, %select_n3A : vector<16xi32>
          %jit3A_471 = arith.constant -2147483648 : i32
          %broadcast_in_dim3A_472 = vector.broadcast %jit3A_471 : i32 to vector<16xi32>
          %select_n3A_473 = arith.select %eq3A_470, %gather3A_469, %broadcast_in_dim3A_472 : vector<16xi1>, vector<16xi32>
          %max3A_474 = arith.maxsi %max3A_461, %select_n3A_473 : vector<16xi32>
          %add3A_475 = arith.constant 12 : i32
          %add3A_476 = vector.broadcast %add3A_475 : i32 to vector<16xi32>
          %add3A_477 = arith.addi %iota3A, %add3A_476 : vector<16xi32>
          %and3A_478 = arith.constant 15 : i32
          %and3A_479 = vector.broadcast %and3A_478 : i32 to vector<16xi32>
          %and3A_480 = arith.andi %add3A_477, %and3A_479 : vector<16xi32>
          %gather3A_481 = tpu.vector_load_idx %arg14[%and3A_480] : memref<16xi32, #tpu.memory_space<vmem>>[vector<16xi32>], vector<16xi32>,
          %gather3A_482 = tpu.vector_load_idx %arg15[%and3A_480] : memref<16xi32, #tpu.memory_space<vmem>>[vector<16xi32>], vector<16xi32>,
          %eq3A_483 = arith.cmpi eq, %gather3A_481, %select_n3A : vector<16xi32>
          %jit3A_484 = arith.constant -2147483648 : i32
          %broadcast_in_dim3A_485 = vector.broadcast %jit3A_484 : i32 to vector<16xi32>
          %select_n3A_486 = arith.select %eq3A_483, %gather3A_482, %broadcast_in_dim3A_485 : vector<16xi1>, vector<16xi32>
          %max3A_487 = arith.maxsi %max3A_474, %select_n3A_486 : vector<16xi32>
          %add3A_488 = arith.constant 13 : i32
          %add3A_489 = vector.broadcast %add3A_488 : i32 to vector<16xi32>
          %add3A_490 = arith.addi %iota3A, %add3A_489 : vector<16xi32>
          %and3A_491 = arith.constant 15 : i32
          %and3A_492 = vector.broadcast %and3A_491 : i32 to vector<16xi32>
          %and3A_493 = arith.andi %add3A_490, %and3A_492 : vector<16xi32>
          %gather3A_494 = tpu.vector_load_idx %arg14[%and3A_493] : memref<16xi32, #tpu.memory_space<vmem>>[vector<16xi32>], vector<16xi32>,
          %gather3A_495 = tpu.vector_load_idx %arg15[%and3A_493] : memref<16xi32, #tpu.memory_space<vmem>>[vector<16xi32>], vector<16xi32>,
          %eq3A_496 = arith.cmpi eq, %gather3A_494, %select_n3A : vector<16xi32>
          %jit3A_497 = arith.constant -2147483648 : i32
          %broadcast_in_dim3A_498 = vector.broadcast %jit3A_497 : i32 to vector<16xi32>
          %select_n3A_499 = arith.select %eq3A_496, %gather3A_495, %broadcast_in_dim3A_498 : vector<16xi1>, vector<16xi32>
          %max3A_500 = arith.maxsi %max3A_487, %select_n3A_499 : vector<16xi32>
          %add3A_501 = arith.constant 14 : i32
          %add3A_502 = vector.broadcast %add3A_501 : i32 to vector<16xi32>
          %add3A_503 = arith.addi %iota3A, %add3A_502 : vector<16xi32>
          %and3A_504 = arith.constant 15 : i32
          %and3A_505 = vector.broadcast %and3A_504 : i32 to vector<16xi32>
          %and3A_506 = arith.andi %add3A_503, %and3A_505 : vector<16xi32>
          %gather3A_507 = tpu.vector_load_idx %arg14[%and3A_506] : memref<16xi32, #tpu.memory_space<vmem>>[vector<16xi32>], vector<16xi32>,
          %gather3A_508 = tpu.vector_load_idx %arg15[%and3A_506] : memref<16xi32, #tpu.memory_space<vmem>>[vector<16xi32>], vector<16xi32>,
          %eq3A_509 = arith.cmpi eq, %gather3A_507, %select_n3A : vector<16xi32>
          %jit3A_510 = arith.constant -2147483648 : i32
          %broadcast_in_dim3A_511 = vector.broadcast %jit3A_510 : i32 to vector<16xi32>
          %select_n3A_512 = arith.select %eq3A_509, %gather3A_508, %broadcast_in_dim3A_511 : vector<16xi1>, vector<16xi32>
          %max3A_513 = arith.maxsi %max3A_500, %select_n3A_512 : vector<16xi32>
          %add3A_514 = arith.constant 15 : i32
          %add3A_515 = vector.broadcast %add3A_514 : i32 to vector<16xi32>
          %add3A_516 = arith.addi %iota3A, %add3A_515 : vector<16xi32>
          %and3A_517 = arith.constant 15 : i32
          %and3A_518 = vector.broadcast %and3A_517 : i32 to vector<16xi32>
          %and3A_519 = arith.andi %add3A_516, %and3A_518 : vector<16xi32>
          %gather3A_520 = tpu.vector_load_idx %arg14[%and3A_519] : memref<16xi32, #tpu.memory_space<vmem>>[vector<16xi32>], vector<16xi32>,
          %gather3A_521 = tpu.vector_load_idx %arg15[%and3A_519] : memref<16xi32, #tpu.memory_space<vmem>>[vector<16xi32>], vector<16xi32>,
          %eq3A_522 = arith.cmpi eq, %gather3A_520, %select_n3A : vector<16xi32>
          %jit3A_523 = arith.constant -2147483648 : i32
          %broadcast_in_dim3A_524 = vector.broadcast %jit3A_523 : i32 to vector<16xi32>
          %select_n3A_525 = arith.select %eq3A_522, %gather3A_521, %broadcast_in_dim3A_524 : vector<16xi1>, vector<16xi32>
          %max3A_526 = arith.maxsi %max3A_513, %select_n3A_525 : vector<16xi32>
          scf.yield %max3A_526 : vector<16xi32>
        } else {
          scf.yield %select_n3A_309 : vector<16xi32>
        }
        %gather3A_327 = tpu.vector_load_idx %arg12[%select_n3A] : memref<65536xi32, #tpu.memory_space<vmem>>[vector<16xi32>], vector<16xi32>,
        %max3A = arith.maxsi %gather3A_327, %cond3A_326 : vector<16xi32>
        tpu.vector_store_idx %arg12[%select_n3A], %max3A : memref<65536xi32, #tpu.memory_space<vmem>>[vector<16xi32>], vector<16xi32>,
        %scan3A_328 = arith.constant 0 : i32
        scf.yield %scan3A_328 : i32
      }
      %scan3A_21 = arith.constant 400 : i32
      %mul3A_22 = arith.constant 16384 : i32
      %mul3A_23 = arith.muli %arg1, %mul3A_22 : i32
      "tpu.region"() ({
        %run_scoped3A = tpu.sem_alloc : memref<!tpu.dma_semaphore, #tpu.memory_space<semaphore_mem>>
        %dma_start3A_264 = arith.constant 0 : i32
        %dma_start3A_265 = tpu.memref_slice %arg12[%dma_start3A_264] : memref<65536xi32, #tpu.memory_space<vmem>> -> memref<4096xi32, #tpu.memory_space<vmem>>
        %dma_start3A_266 = tpu.memref_slice %arg13[%mul3A_23] : memref<278528xi32, #tpu.memory_space<vmem_shared>> -> memref<4096xi32, #tpu.memory_space<vmem_shared>>
        %dma_start3A_267 = tpu.memref_slice %arg13[%mul3A_23] : memref<278528xi32, #tpu.memory_space<vmem_shared>> -> memref<4096xi32, #tpu.memory_space<vmem_shared>>
        %dma_start3A_268 = arith.constant 0 : i32
        %dma_start3A_269 = tpu.memref_slice %arg12[%dma_start3A_268] : memref<65536xi32, #tpu.memory_space<vmem>> -> memref<4096xi32, #tpu.memory_space<vmem>>
        tpu.enqueue_dma source(%dma_start3A_269 : memref<4096xi32, #tpu.memory_space<vmem>>) target(%dma_start3A_267 : memref<4096xi32, #tpu.memory_space<vmem_shared>>) target_semaphore(%run_scoped3A : memref<!tpu.dma_semaphore, #tpu.memory_space<semaphore_mem>>)
        %dma_wait3A_270 = arith.constant 0 : i32
        %dma_wait3A_271 = tpu.memref_slice %arg12[%dma_wait3A_270] : memref<65536xi32, #tpu.memory_space<vmem>> -> memref<4096xi32, #tpu.memory_space<vmem>>
        %dma_wait3A_272 = tpu.memref_slice %arg13[%mul3A_23] : memref<278528xi32, #tpu.memory_space<vmem_shared>> -> memref<4096xi32, #tpu.memory_space<vmem_shared>>
        %dma_wait3A_273 = tpu.memref_slice %arg13[%mul3A_23] : memref<278528xi32, #tpu.memory_space<vmem_shared>> -> memref<4096xi32, #tpu.memory_space<vmem_shared>>
        %dma_wait3A_274 = arith.constant 0 : i32
        %dma_wait3A_275 = tpu.memref_slice %arg12[%dma_wait3A_274] : memref<65536xi32, #tpu.memory_space<vmem>> -> memref<4096xi32, #tpu.memory_space<vmem>>
        tpu.wait_dma2 semaphore(%run_scoped3A : memref<!tpu.dma_semaphore, #tpu.memory_space<semaphore_mem>>) src(%dma_wait3A_275 : memref<4096xi32, #tpu.memory_space<vmem>>) dst(%dma_wait3A_273 : memref<4096xi32, #tpu.memory_space<vmem_shared>>)
        tpu.yield
      }) : () -> ()
      %barrier3A = arith.constant 0 : index
      tpu.barrier barrier_id(%barrier3A)
      %mul3A_24 = arith.constant 256 : i32
      %mul3A_25 = arith.muli %arg1, %mul3A_24 : i32
      %add3A = arith.constant 0 : i32
      %add3A_26 = arith.addi %add3A, %mul3A_25 : i32
      %dma_start3A = arith.constant 0 : i32
      %dma_start3A_27 = tpu.memref_slice %arg10[%dma_start3A] : memref<6400xi32, #tpu.memory_space<vmem>> -> memref<256xi32, #tpu.memory_space<vmem>>
      %dma_start3A_28 = tpu.memref_slice %arg13[%add3A_26] : memref<278528xi32, #tpu.memory_space<vmem_shared>> -> memref<256xi32, #tpu.memory_space<vmem_shared>>
      %dma_start3A_29 = arith.constant 0 : i32
      %dma_start3A_30 = tpu.memref_slice %arg10[%dma_start3A_29] : memref<6400xi32, #tpu.memory_space<vmem>> -> memref<256xi32, #tpu.memory_space<vmem>>
      %dma_start3A_31 = tpu.memref_slice %arg13[%add3A_26] : memref<278528xi32, #tpu.memory_space<vmem_shared>> -> memref<256xi32, #tpu.memory_space<vmem_shared>>
      tpu.enqueue_dma source(%dma_start3A_31 : memref<256xi32, #tpu.memory_space<vmem_shared>>) target(%dma_start3A_30 : memref<256xi32, #tpu.memory_space<vmem>>) target_semaphore(%arg16 : memref<!tpu.dma_semaphore, #tpu.memory_space<semaphore_mem>>)
      %add3A_32 = arith.constant 16384 : i32
      %add3A_33 = arith.addi %add3A_32, %mul3A_25 : i32
      %dma_start3A_34 = arith.constant 256 : i32
      %dma_start3A_35 = tpu.memref_slice %arg10[%dma_start3A_34] : memref<6400xi32, #tpu.memory_space<vmem>> -> memref<256xi32, #tpu.memory_space<vmem>>
      %dma_start3A_36 = tpu.memref_slice %arg13[%add3A_33] : memref<278528xi32, #tpu.memory_space<vmem_shared>> -> memref<256xi32, #tpu.memory_space<vmem_shared>>
      %dma_start3A_37 = arith.constant 256 : i32
      %dma_start3A_38 = tpu.memref_slice %arg10[%dma_start3A_37] : memref<6400xi32, #tpu.memory_space<vmem>> -> memref<256xi32, #tpu.memory_space<vmem>>
      %dma_start3A_39 = tpu.memref_slice %arg13[%add3A_33] : memref<278528xi32, #tpu.memory_space<vmem_shared>> -> memref<256xi32, #tpu.memory_space<vmem_shared>>
      tpu.enqueue_dma source(%dma_start3A_39 : memref<256xi32, #tpu.memory_space<vmem_shared>>) target(%dma_start3A_38 : memref<256xi32, #tpu.memory_space<vmem>>) target_semaphore(%arg16 : memref<!tpu.dma_semaphore, #tpu.memory_space<semaphore_mem>>)
      %add3A_40 = arith.constant 32768 : i32
      %add3A_41 = arith.addi %add3A_40, %mul3A_25 : i32
      %dma_start3A_42 = arith.constant 512 : i32
      %dma_start3A_43 = tpu.memref_slice %arg10[%dma_start3A_42] : memref<6400xi32, #tpu.memory_space<vmem>> -> memref<256xi32, #tpu.memory_space<vmem>>
      %dma_start3A_44 = tpu.memref_slice %arg13[%add3A_41] : memref<278528xi32, #tpu.memory_space<vmem_shared>> -> memref<256xi32, #tpu.memory_space<vmem_shared>>
      %dma_start3A_45 = arith.constant 512 : i32
      %dma_start3A_46 = tpu.memref_slice %arg10[%dma_start3A_45] : memref<6400xi32, #tpu.memory_space<vmem>> -> memref<256xi32, #tpu.memory_space<vmem>>
      %dma_start3A_47 = tpu.memref_slice %arg13[%add3A_41] : memref<278528xi32, #tpu.memory_space<vmem_shared>> -> memref<256xi32, #tpu.memory_space<vmem_shared>>
      tpu.enqueue_dma source(%dma_start3A_47 : memref<256xi32, #tpu.memory_space<vmem_shared>>) target(%dma_start3A_46 : memref<256xi32, #tpu.memory_space<vmem>>) target_semaphore(%arg16 : memref<!tpu.dma_semaphore, #tpu.memory_space<semaphore_mem>>)
      %add3A_48 = arith.constant 49152 : i32
      %add3A_49 = arith.addi %add3A_48, %mul3A_25 : i32
      %dma_start3A_50 = arith.constant 768 : i32
      %dma_start3A_51 = tpu.memref_slice %arg10[%dma_start3A_50] : memref<6400xi32, #tpu.memory_space<vmem>> -> memref<256xi32, #tpu.memory_space<vmem>>
      %dma_start3A_52 = tpu.memref_slice %arg13[%add3A_49] : memref<278528xi32, #tpu.memory_space<vmem_shared>> -> memref<256xi32, #tpu.memory_space<vmem_shared>>
      %dma_start3A_53 = arith.constant 768 : i32
      %dma_start3A_54 = tpu.memref_slice %arg10[%dma_start3A_53] : memref<6400xi32, #tpu.memory_space<vmem>> -> memref<256xi32, #tpu.memory_space<vmem>>
      %dma_start3A_55 = tpu.memref_slice %arg13[%add3A_49] : memref<278528xi32, #tpu.memory_space<vmem_shared>> -> memref<256xi32, #tpu.memory_space<vmem_shared>>
      tpu.enqueue_dma source(%dma_start3A_55 : memref<256xi32, #tpu.memory_space<vmem_shared>>) target(%dma_start3A_54 : memref<256xi32, #tpu.memory_space<vmem>>) target_semaphore(%arg16 : memref<!tpu.dma_semaphore, #tpu.memory_space<semaphore_mem>>)
      %add3A_56 = arith.constant 65536 : i32
      %add3A_57 = arith.addi %add3A_56, %mul3A_25 : i32
      %dma_start3A_58 = arith.constant 1024 : i32
      %dma_start3A_59 = tpu.memref_slice %arg10[%dma_start3A_58] : memref<6400xi32, #tpu.memory_space<vmem>> -> memref<256xi32, #tpu.memory_space<vmem>>
      %dma_start3A_60 = tpu.memref_slice %arg13[%add3A_57] : memref<278528xi32, #tpu.memory_space<vmem_shared>> -> memref<256xi32, #tpu.memory_space<vmem_shared>>
      %dma_start3A_61 = arith.constant 1024 : i32
      %dma_start3A_62 = tpu.memref_slice %arg10[%dma_start3A_61] : memref<6400xi32, #tpu.memory_space<vmem>> -> memref<256xi32, #tpu.memory_space<vmem>>
      %dma_start3A_63 = tpu.memref_slice %arg13[%add3A_57] : memref<278528xi32, #tpu.memory_space<vmem_shared>> -> memref<256xi32, #tpu.memory_space<vmem_shared>>
      tpu.enqueue_dma source(%dma_start3A_63 : memref<256xi32, #tpu.memory_space<vmem_shared>>) target(%dma_start3A_62 : memref<256xi32, #tpu.memory_space<vmem>>) target_semaphore(%arg16 : memref<!tpu.dma_semaphore, #tpu.memory_space<semaphore_mem>>)
      %add3A_64 = arith.constant 81920 : i32
      %add3A_65 = arith.addi %add3A_64, %mul3A_25 : i32
      %dma_start3A_66 = arith.constant 1280 : i32
      %dma_start3A_67 = tpu.memref_slice %arg10[%dma_start3A_66] : memref<6400xi32, #tpu.memory_space<vmem>> -> memref<256xi32, #tpu.memory_space<vmem>>
      %dma_start3A_68 = tpu.memref_slice %arg13[%add3A_65] : memref<278528xi32, #tpu.memory_space<vmem_shared>> -> memref<256xi32, #tpu.memory_space<vmem_shared>>
      %dma_start3A_69 = arith.constant 1280 : i32
      %dma_start3A_70 = tpu.memref_slice %arg10[%dma_start3A_69] : memref<6400xi32, #tpu.memory_space<vmem>> -> memref<256xi32, #tpu.memory_space<vmem>>
      %dma_start3A_71 = tpu.memref_slice %arg13[%add3A_65] : memref<278528xi32, #tpu.memory_space<vmem_shared>> -> memref<256xi32, #tpu.memory_space<vmem_shared>>
      tpu.enqueue_dma source(%dma_start3A_71 : memref<256xi32, #tpu.memory_space<vmem_shared>>) target(%dma_start3A_70 : memref<256xi32, #tpu.memory_space<vmem>>) target_semaphore(%arg16 : memref<!tpu.dma_semaphore, #tpu.memory_space<semaphore_mem>>)
      %add3A_72 = arith.constant 98304 : i32
      %add3A_73 = arith.addi %add3A_72, %mul3A_25 : i32
      %dma_start3A_74 = arith.constant 1536 : i32
      %dma_start3A_75 = tpu.memref_slice %arg10[%dma_start3A_74] : memref<6400xi32, #tpu.memory_space<vmem>> -> memref<256xi32, #tpu.memory_space<vmem>>
      %dma_start3A_76 = tpu.memref_slice %arg13[%add3A_73] : memref<278528xi32, #tpu.memory_space<vmem_shared>> -> memref<256xi32, #tpu.memory_space<vmem_shared>>
      %dma_start3A_77 = arith.constant 1536 : i32
      %dma_start3A_78 = tpu.memref_slice %arg10[%dma_start3A_77] : memref<6400xi32, #tpu.memory_space<vmem>> -> memref<256xi32, #tpu.memory_space<vmem>>
      %dma_start3A_79 = tpu.memref_slice %arg13[%add3A_73] : memref<278528xi32, #tpu.memory_space<vmem_shared>> -> memref<256xi32, #tpu.memory_space<vmem_shared>>
      tpu.enqueue_dma source(%dma_start3A_79 : memref<256xi32, #tpu.memory_space<vmem_shared>>) target(%dma_start3A_78 : memref<256xi32, #tpu.memory_space<vmem>>) target_semaphore(%arg16 : memref<!tpu.dma_semaphore, #tpu.memory_space<semaphore_mem>>)
      %add3A_80 = arith.constant 114688 : i32
      %add3A_81 = arith.addi %add3A_80, %mul3A_25 : i32
      %dma_start3A_82 = arith.constant 1792 : i32
      %dma_start3A_83 = tpu.memref_slice %arg10[%dma_start3A_82] : memref<6400xi32, #tpu.memory_space<vmem>> -> memref<256xi32, #tpu.memory_space<vmem>>
      %dma_start3A_84 = tpu.memref_slice %arg13[%add3A_81] : memref<278528xi32, #tpu.memory_space<vmem_shared>> -> memref<256xi32, #tpu.memory_space<vmem_shared>>
      %dma_start3A_85 = arith.constant 1792 : i32
      %dma_start3A_86 = tpu.memref_slice %arg10[%dma_start3A_85] : memref<6400xi32, #tpu.memory_space<vmem>> -> memref<256xi32, #tpu.memory_space<vmem>>
      %dma_start3A_87 = tpu.memref_slice %arg13[%add3A_81] : memref<278528xi32, #tpu.memory_space<vmem_shared>> -> memref<256xi32, #tpu.memory_space<vmem_shared>>
      tpu.enqueue_dma source(%dma_start3A_87 : memref<256xi32, #tpu.memory_space<vmem_shared>>) target(%dma_start3A_86 : memref<256xi32, #tpu.memory_space<vmem>>) target_semaphore(%arg16 : memref<!tpu.dma_semaphore, #tpu.memory_space<semaphore_mem>>)
      %add3A_88 = arith.constant 131072 : i32
      %add3A_89 = arith.addi %add3A_88, %mul3A_25 : i32
      %dma_start3A_90 = arith.constant 2048 : i32
      %dma_start3A_91 = tpu.memref_slice %arg10[%dma_start3A_90] : memref<6400xi32, #tpu.memory_space<vmem>> -> memref<256xi32, #tpu.memory_space<vmem>>
      %dma_start3A_92 = tpu.memref_slice %arg13[%add3A_89] : memref<278528xi32, #tpu.memory_space<vmem_shared>> -> memref<256xi32, #tpu.memory_space<vmem_shared>>
      %dma_start3A_93 = arith.constant 2048 : i32
      %dma_start3A_94 = tpu.memref_slice %arg10[%dma_start3A_93] : memref<6400xi32, #tpu.memory_space<vmem>> -> memref<256xi32, #tpu.memory_space<vmem>>
      %dma_start3A_95 = tpu.memref_slice %arg13[%add3A_89] : memref<278528xi32, #tpu.memory_space<vmem_shared>> -> memref<256xi32, #tpu.memory_space<vmem_shared>>
      tpu.enqueue_dma source(%dma_start3A_95 : memref<256xi32, #tpu.memory_space<vmem_shared>>) target(%dma_start3A_94 : memref<256xi32, #tpu.memory_space<vmem>>) target_semaphore(%arg16 : memref<!tpu.dma_semaphore, #tpu.memory_space<semaphore_mem>>)
      %add3A_96 = arith.constant 147456 : i32
      %add3A_97 = arith.addi %add3A_96, %mul3A_25 : i32
      %dma_start3A_98 = arith.constant 2304 : i32
      %dma_start3A_99 = tpu.memref_slice %arg10[%dma_start3A_98] : memref<6400xi32, #tpu.memory_space<vmem>> -> memref<256xi32, #tpu.memory_space<vmem>>
      %dma_start3A_100 = tpu.memref_slice %arg13[%add3A_97] : memref<278528xi32, #tpu.memory_space<vmem_shared>> -> memref<256xi32, #tpu.memory_space<vmem_shared>>
      %dma_start3A_101 = arith.constant 2304 : i32
      %dma_start3A_102 = tpu.memref_slice %arg10[%dma_start3A_101] : memref<6400xi32, #tpu.memory_space<vmem>> -> memref<256xi32, #tpu.memory_space<vmem>>
      %dma_start3A_103 = tpu.memref_slice %arg13[%add3A_97] : memref<278528xi32, #tpu.memory_space<vmem_shared>> -> memref<256xi32, #tpu.memory_space<vmem_shared>>
      tpu.enqueue_dma source(%dma_start3A_103 : memref<256xi32, #tpu.memory_space<vmem_shared>>) target(%dma_start3A_102 : memref<256xi32, #tpu.memory_space<vmem>>) target_semaphore(%arg16 : memref<!tpu.dma_semaphore, #tpu.memory_space<semaphore_mem>>)
      %add3A_104 = arith.constant 163840 : i32
      %add3A_105 = arith.addi %add3A_104, %mul3A_25 : i32
      %dma_start3A_106 = arith.constant 2560 : i32
      %dma_start3A_107 = tpu.memref_slice %arg10[%dma_start3A_106] : memref<6400xi32, #tpu.memory_space<vmem>> -> memref<256xi32, #tpu.memory_space<vmem>>
      %dma_start3A_108 = tpu.memref_slice %arg13[%add3A_105] : memref<278528xi32, #tpu.memory_space<vmem_shared>> -> memref<256xi32, #tpu.memory_space<vmem_shared>>
      %dma_start3A_109 = arith.constant 2560 : i32
      %dma_start3A_110 = tpu.memref_slice %arg10[%dma_start3A_109] : memref<6400xi32, #tpu.memory_space<vmem>> -> memref<256xi32, #tpu.memory_space<vmem>>
      %dma_start3A_111 = tpu.memref_slice %arg13[%add3A_105] : memref<278528xi32, #tpu.memory_space<vmem_shared>> -> memref<256xi32, #tpu.memory_space<vmem_shared>>
      tpu.enqueue_dma source(%dma_start3A_111 : memref<256xi32, #tpu.memory_space<vmem_shared>>) target(%dma_start3A_110 : memref<256xi32, #tpu.memory_space<vmem>>) target_semaphore(%arg16 : memref<!tpu.dma_semaphore, #tpu.memory_space<semaphore_mem>>)
      %add3A_112 = arith.constant 180224 : i32
      %add3A_113 = arith.addi %add3A_112, %mul3A_25 : i32
      %dma_start3A_114 = arith.constant 2816 : i32
      %dma_start3A_115 = tpu.memref_slice %arg10[%dma_start3A_114] : memref<6400xi32, #tpu.memory_space<vmem>> -> memref<256xi32, #tpu.memory_space<vmem>>
      %dma_start3A_116 = tpu.memref_slice %arg13[%add3A_113] : memref<278528xi32, #tpu.memory_space<vmem_shared>> -> memref<256xi32, #tpu.memory_space<vmem_shared>>
      %dma_start3A_117 = arith.constant 2816 : i32
      %dma_start3A_118 = tpu.memref_slice %arg10[%dma_start3A_117] : memref<6400xi32, #tpu.memory_space<vmem>> -> memref<256xi32, #tpu.memory_space<vmem>>
      %dma_start3A_119 = tpu.memref_slice %arg13[%add3A_113] : memref<278528xi32, #tpu.memory_space<vmem_shared>> -> memref<256xi32, #tpu.memory_space<vmem_shared>>
      tpu.enqueue_dma source(%dma_start3A_119 : memref<256xi32, #tpu.memory_space<vmem_shared>>) target(%dma_start3A_118 : memref<256xi32, #tpu.memory_space<vmem>>) target_semaphore(%arg16 : memref<!tpu.dma_semaphore, #tpu.memory_space<semaphore_mem>>)
      %add3A_120 = arith.constant 196608 : i32
      %add3A_121 = arith.addi %add3A_120, %mul3A_25 : i32
      %dma_start3A_122 = arith.constant 3072 : i32
      %dma_start3A_123 = tpu.memref_slice %arg10[%dma_start3A_122] : memref<6400xi32, #tpu.memory_space<vmem>> -> memref<256xi32, #tpu.memory_space<vmem>>
      %dma_start3A_124 = tpu.memref_slice %arg13[%add3A_121] : memref<278528xi32, #tpu.memory_space<vmem_shared>> -> memref<256xi32, #tpu.memory_space<vmem_shared>>
      %dma_start3A_125 = arith.constant 3072 : i32
      %dma_start3A_126 = tpu.memref_slice %arg10[%dma_start3A_125] : memref<6400xi32, #tpu.memory_space<vmem>> -> memref<256xi32, #tpu.memory_space<vmem>>
      %dma_start3A_127 = tpu.memref_slice %arg13[%add3A_121] : memref<278528xi32, #tpu.memory_space<vmem_shared>> -> memref<256xi32, #tpu.memory_space<vmem_shared>>
      tpu.enqueue_dma source(%dma_start3A_127 : memref<256xi32, #tpu.memory_space<vmem_shared>>) target(%dma_start3A_126 : memref<256xi32, #tpu.memory_space<vmem>>) target_semaphore(%arg16 : memref<!tpu.dma_semaphore, #tpu.memory_space<semaphore_mem>>)
      %add3A_128 = arith.constant 212992 : i32
      %add3A_129 = arith.addi %add3A_128, %mul3A_25 : i32
      %dma_start3A_130 = arith.constant 3328 : i32
      %dma_start3A_131 = tpu.memref_slice %arg10[%dma_start3A_130] : memref<6400xi32, #tpu.memory_space<vmem>> -> memref<256xi32, #tpu.memory_space<vmem>>
      %dma_start3A_132 = tpu.memref_slice %arg13[%add3A_129] : memref<278528xi32, #tpu.memory_space<vmem_shared>> -> memref<256xi32, #tpu.memory_space<vmem_shared>>
      %dma_start3A_133 = arith.constant 3328 : i32
      %dma_start3A_134 = tpu.memref_slice %arg10[%dma_start3A_133] : memref<6400xi32, #tpu.memory_space<vmem>> -> memref<256xi32, #tpu.memory_space<vmem>>
      %dma_start3A_135 = tpu.memref_slice %arg13[%add3A_129] : memref<278528xi32, #tpu.memory_space<vmem_shared>> -> memref<256xi32, #tpu.memory_space<vmem_shared>>
      tpu.enqueue_dma source(%dma_start3A_135 : memref<256xi32, #tpu.memory_space<vmem_shared>>) target(%dma_start3A_134 : memref<256xi32, #tpu.memory_space<vmem>>) target_semaphore(%arg16 : memref<!tpu.dma_semaphore, #tpu.memory_space<semaphore_mem>>)
      %add3A_136 = arith.constant 229376 : i32
      %add3A_137 = arith.addi %add3A_136, %mul3A_25 : i32
      %dma_start3A_138 = arith.constant 3584 : i32
      %dma_start3A_139 = tpu.memref_slice %arg10[%dma_start3A_138] : memref<6400xi32, #tpu.memory_space<vmem>> -> memref<256xi32, #tpu.memory_space<vmem>>
      %dma_start3A_140 = tpu.memref_slice %arg13[%add3A_137] : memref<278528xi32, #tpu.memory_space<vmem_shared>> -> memref<256xi32, #tpu.memory_space<vmem_shared>>
      %dma_start3A_141 = arith.constant 3584 : i32
      %dma_start3A_142 = tpu.memref_slice %arg10[%dma_start3A_141] : memref<6400xi32, #tpu.memory_space<vmem>> -> memref<256xi32, #tpu.memory_space<vmem>>
      %dma_start3A_143 = tpu.memref_slice %arg13[%add3A_137] : memref<278528xi32, #tpu.memory_space<vmem_shared>> -> memref<256xi32, #tpu.memory_space<vmem_shared>>
      tpu.enqueue_dma source(%dma_start3A_143 : memref<256xi32, #tpu.memory_space<vmem_shared>>) target(%dma_start3A_142 : memref<256xi32, #tpu.memory_space<vmem>>) target_semaphore(%arg16 : memref<!tpu.dma_semaphore, #tpu.memory_space<semaphore_mem>>)
      %add3A_144 = arith.constant 245760 : i32
      %add3A_145 = arith.addi %add3A_144, %mul3A_25 : i32
      %dma_start3A_146 = arith.constant 3840 : i32
      %dma_start3A_147 = tpu.memref_slice %arg10[%dma_start3A_146] : memref<6400xi32, #tpu.memory_space<vmem>> -> memref<256xi32, #tpu.memory_space<vmem>>
      %dma_start3A_148 = tpu.memref_slice %arg13[%add3A_145] : memref<278528xi32, #tpu.memory_space<vmem_shared>> -> memref<256xi32, #tpu.memory_space<vmem_shared>>
      %dma_start3A_149 = arith.constant 3840 : i32
      %dma_start3A_150 = tpu.memref_slice %arg10[%dma_start3A_149] : memref<6400xi32, #tpu.memory_space<vmem>> -> memref<256xi32, #tpu.memory_space<vmem>>
      %dma_start3A_151 = tpu.memref_slice %arg13[%add3A_145] : memref<278528xi32, #tpu.memory_space<vmem_shared>> -> memref<256xi32, #tpu.memory_space<vmem_shared>>
      tpu.enqueue_dma source(%dma_start3A_151 : memref<256xi32, #tpu.memory_space<vmem_shared>>) target(%dma_start3A_150 : memref<256xi32, #tpu.memory_space<vmem>>) target_semaphore(%arg16 : memref<!tpu.dma_semaphore, #tpu.memory_space<semaphore_mem>>)
      %dma_wait3A = arith.constant 0 : i32
      %dma_wait3A_152 = tpu.memref_slice %arg10[%dma_wait3A] : memref<6400xi32, #tpu.memory_space<vmem>> -> memref<256xi32, #tpu.memory_space<vmem>>
      %dma_wait3A_153 = tpu.memref_slice %arg13[%add3A_26] : memref<278528xi32, #tpu.memory_space<vmem_shared>> -> memref<256xi32, #tpu.memory_space<vmem_shared>>
      %dma_wait3A_154 = arith.constant 0 : i32
      %dma_wait3A_155 = tpu.memref_slice %arg10[%dma_wait3A_154] : memref<6400xi32, #tpu.memory_space<vmem>> -> memref<256xi32, #tpu.memory_space<vmem>>
      %dma_wait3A_156 = tpu.memref_slice %arg13[%add3A_26] : memref<278528xi32, #tpu.memory_space<vmem_shared>> -> memref<256xi32, #tpu.memory_space<vmem_shared>>
      tpu.wait_dma2 semaphore(%arg16 : memref<!tpu.dma_semaphore, #tpu.memory_space<semaphore_mem>>) src(%dma_wait3A_156 : memref<256xi32, #tpu.memory_space<vmem_shared>>) dst(%dma_wait3A_155 : memref<256xi32, #tpu.memory_space<vmem>>)
      %dma_wait3A_157 = arith.constant 256 : i32
      %dma_wait3A_158 = tpu.memref_slice %arg10[%dma_wait3A_157] : memref<6400xi32, #tpu.memory_space<vmem>> -> memref<256xi32, #tpu.memory_space<vmem>>
      %dma_wait3A_159 = tpu.memref_slice %arg13[%add3A_33] : memref<278528xi32, #tpu.memory_space<vmem_shared>> -> memref<256xi32, #tpu.memory_space<vmem_shared>>
      %dma_wait3A_160 = arith.constant 256 : i32
      %dma_wait3A_161 = tpu.memref_slice %arg10[%dma_wait3A_160] : memref<6400xi32, #tpu.memory_space<vmem>> -> memref<256xi32, #tpu.memory_space<vmem>>
      %dma_wait3A_162 = tpu.memref_slice %arg13[%add3A_33] : memref<278528xi32, #tpu.memory_space<vmem_shared>> -> memref<256xi32, #tpu.memory_space<vmem_shared>>
      tpu.wait_dma2 semaphore(%arg16 : memref<!tpu.dma_semaphore, #tpu.memory_space<semaphore_mem>>) src(%dma_wait3A_162 : memref<256xi32, #tpu.memory_space<vmem_shared>>) dst(%dma_wait3A_161 : memref<256xi32, #tpu.memory_space<vmem>>)
      %dma_wait3A_163 = arith.constant 512 : i32
      %dma_wait3A_164 = tpu.memref_slice %arg10[%dma_wait3A_163] : memref<6400xi32, #tpu.memory_space<vmem>> -> memref<256xi32, #tpu.memory_space<vmem>>
      %dma_wait3A_165 = tpu.memref_slice %arg13[%add3A_41] : memref<278528xi32, #tpu.memory_space<vmem_shared>> -> memref<256xi32, #tpu.memory_space<vmem_shared>>
      %dma_wait3A_166 = arith.constant 512 : i32
      %dma_wait3A_167 = tpu.memref_slice %arg10[%dma_wait3A_166] : memref<6400xi32, #tpu.memory_space<vmem>> -> memref<256xi32, #tpu.memory_space<vmem>>
      %dma_wait3A_168 = tpu.memref_slice %arg13[%add3A_41] : memref<278528xi32, #tpu.memory_space<vmem_shared>> -> memref<256xi32, #tpu.memory_space<vmem_shared>>
      tpu.wait_dma2 semaphore(%arg16 : memref<!tpu.dma_semaphore, #tpu.memory_space<semaphore_mem>>) src(%dma_wait3A_168 : memref<256xi32, #tpu.memory_space<vmem_shared>>) dst(%dma_wait3A_167 : memref<256xi32, #tpu.memory_space<vmem>>)
      %dma_wait3A_169 = arith.constant 768 : i32
      %dma_wait3A_170 = tpu.memref_slice %arg10[%dma_wait3A_169] : memref<6400xi32, #tpu.memory_space<vmem>> -> memref<256xi32, #tpu.memory_space<vmem>>
      %dma_wait3A_171 = tpu.memref_slice %arg13[%add3A_49] : memref<278528xi32, #tpu.memory_space<vmem_shared>> -> memref<256xi32, #tpu.memory_space<vmem_shared>>
      %dma_wait3A_172 = arith.constant 768 : i32
      %dma_wait3A_173 = tpu.memref_slice %arg10[%dma_wait3A_172] : memref<6400xi32, #tpu.memory_space<vmem>> -> memref<256xi32, #tpu.memory_space<vmem>>
      %dma_wait3A_174 = tpu.memref_slice %arg13[%add3A_49] : memref<278528xi32, #tpu.memory_space<vmem_shared>> -> memref<256xi32, #tpu.memory_space<vmem_shared>>
      tpu.wait_dma2 semaphore(%arg16 : memref<!tpu.dma_semaphore, #tpu.memory_space<semaphore_mem>>) src(%dma_wait3A_174 : memref<256xi32, #tpu.memory_space<vmem_shared>>) dst(%dma_wait3A_173 : memref<256xi32, #tpu.memory_space<vmem>>)
      %dma_wait3A_175 = arith.constant 1024 : i32
      %dma_wait3A_176 = tpu.memref_slice %arg10[%dma_wait3A_175] : memref<6400xi32, #tpu.memory_space<vmem>> -> memref<256xi32, #tpu.memory_space<vmem>>
      %dma_wait3A_177 = tpu.memref_slice %arg13[%add3A_57] : memref<278528xi32, #tpu.memory_space<vmem_shared>> -> memref<256xi32, #tpu.memory_space<vmem_shared>>
      %dma_wait3A_178 = arith.constant 1024 : i32
      %dma_wait3A_179 = tpu.memref_slice %arg10[%dma_wait3A_178] : memref<6400xi32, #tpu.memory_space<vmem>> -> memref<256xi32, #tpu.memory_space<vmem>>
      %dma_wait3A_180 = tpu.memref_slice %arg13[%add3A_57] : memref<278528xi32, #tpu.memory_space<vmem_shared>> -> memref<256xi32, #tpu.memory_space<vmem_shared>>
      tpu.wait_dma2 semaphore(%arg16 : memref<!tpu.dma_semaphore, #tpu.memory_space<semaphore_mem>>) src(%dma_wait3A_180 : memref<256xi32, #tpu.memory_space<vmem_shared>>) dst(%dma_wait3A_179 : memref<256xi32, #tpu.memory_space<vmem>>)
      %dma_wait3A_181 = arith.constant 1280 : i32
      %dma_wait3A_182 = tpu.memref_slice %arg10[%dma_wait3A_181] : memref<6400xi32, #tpu.memory_space<vmem>> -> memref<256xi32, #tpu.memory_space<vmem>>
      %dma_wait3A_183 = tpu.memref_slice %arg13[%add3A_65] : memref<278528xi32, #tpu.memory_space<vmem_shared>> -> memref<256xi32, #tpu.memory_space<vmem_shared>>
      %dma_wait3A_184 = arith.constant 1280 : i32
      %dma_wait3A_185 = tpu.memref_slice %arg10[%dma_wait3A_184] : memref<6400xi32, #tpu.memory_space<vmem>> -> memref<256xi32, #tpu.memory_space<vmem>>
      %dma_wait3A_186 = tpu.memref_slice %arg13[%add3A_65] : memref<278528xi32, #tpu.memory_space<vmem_shared>> -> memref<256xi32, #tpu.memory_space<vmem_shared>>
      tpu.wait_dma2 semaphore(%arg16 : memref<!tpu.dma_semaphore, #tpu.memory_space<semaphore_mem>>) src(%dma_wait3A_186 : memref<256xi32, #tpu.memory_space<vmem_shared>>) dst(%dma_wait3A_185 : memref<256xi32, #tpu.memory_space<vmem>>)
      %dma_wait3A_187 = arith.constant 1536 : i32
      %dma_wait3A_188 = tpu.memref_slice %arg10[%dma_wait3A_187] : memref<6400xi32, #tpu.memory_space<vmem>> -> memref<256xi32, #tpu.memory_space<vmem>>
      %dma_wait3A_189 = tpu.memref_slice %arg13[%add3A_73] : memref<278528xi32, #tpu.memory_space<vmem_shared>> -> memref<256xi32, #tpu.memory_space<vmem_shared>>
      %dma_wait3A_190 = arith.constant 1536 : i32
      %dma_wait3A_191 = tpu.memref_slice %arg10[%dma_wait3A_190] : memref<6400xi32, #tpu.memory_space<vmem>> -> memref<256xi32, #tpu.memory_space<vmem>>
      %dma_wait3A_192 = tpu.memref_slice %arg13[%add3A_73] : memref<278528xi32, #tpu.memory_space<vmem_shared>> -> memref<256xi32, #tpu.memory_space<vmem_shared>>
      tpu.wait_dma2 semaphore(%arg16 : memref<!tpu.dma_semaphore, #tpu.memory_space<semaphore_mem>>) src(%dma_wait3A_192 : memref<256xi32, #tpu.memory_space<vmem_shared>>) dst(%dma_wait3A_191 : memref<256xi32, #tpu.memory_space<vmem>>)
      %dma_wait3A_193 = arith.constant 1792 : i32
      %dma_wait3A_194 = tpu.memref_slice %arg10[%dma_wait3A_193] : memref<6400xi32, #tpu.memory_space<vmem>> -> memref<256xi32, #tpu.memory_space<vmem>>
      %dma_wait3A_195 = tpu.memref_slice %arg13[%add3A_81] : memref<278528xi32, #tpu.memory_space<vmem_shared>> -> memref<256xi32, #tpu.memory_space<vmem_shared>>
      %dma_wait3A_196 = arith.constant 1792 : i32
      %dma_wait3A_197 = tpu.memref_slice %arg10[%dma_wait3A_196] : memref<6400xi32, #tpu.memory_space<vmem>> -> memref<256xi32, #tpu.memory_space<vmem>>
      %dma_wait3A_198 = tpu.memref_slice %arg13[%add3A_81] : memref<278528xi32, #tpu.memory_space<vmem_shared>> -> memref<256xi32, #tpu.memory_space<vmem_shared>>
      tpu.wait_dma2 semaphore(%arg16 : memref<!tpu.dma_semaphore, #tpu.memory_space<semaphore_mem>>) src(%dma_wait3A_198 : memref<256xi32, #tpu.memory_space<vmem_shared>>) dst(%dma_wait3A_197 : memref<256xi32, #tpu.memory_space<vmem>>)
      %dma_wait3A_199 = arith.constant 2048 : i32
      %dma_wait3A_200 = tpu.memref_slice %arg10[%dma_wait3A_199] : memref<6400xi32, #tpu.memory_space<vmem>> -> memref<256xi32, #tpu.memory_space<vmem>>
      %dma_wait3A_201 = tpu.memref_slice %arg13[%add3A_89] : memref<278528xi32, #tpu.memory_space<vmem_shared>> -> memref<256xi32, #tpu.memory_space<vmem_shared>>
      %dma_wait3A_202 = arith.constant 2048 : i32
      %dma_wait3A_203 = tpu.memref_slice %arg10[%dma_wait3A_202] : memref<6400xi32, #tpu.memory_space<vmem>> -> memref<256xi32, #tpu.memory_space<vmem>>
      %dma_wait3A_204 = tpu.memref_slice %arg13[%add3A_89] : memref<278528xi32, #tpu.memory_space<vmem_shared>> -> memref<256xi32, #tpu.memory_space<vmem_shared>>
      tpu.wait_dma2 semaphore(%arg16 : memref<!tpu.dma_semaphore, #tpu.memory_space<semaphore_mem>>) src(%dma_wait3A_204 : memref<256xi32, #tpu.memory_space<vmem_shared>>) dst(%dma_wait3A_203 : memref<256xi32, #tpu.memory_space<vmem>>)
      %dma_wait3A_205 = arith.constant 2304 : i32
      %dma_wait3A_206 = tpu.memref_slice %arg10[%dma_wait3A_205] : memref<6400xi32, #tpu.memory_space<vmem>> -> memref<256xi32, #tpu.memory_space<vmem>>
      %dma_wait3A_207 = tpu.memref_slice %arg13[%add3A_97] : memref<278528xi32, #tpu.memory_space<vmem_shared>> -> memref<256xi32, #tpu.memory_space<vmem_shared>>
      %dma_wait3A_208 = arith.constant 2304 : i32
      %dma_wait3A_209 = tpu.memref_slice %arg10[%dma_wait3A_208] : memref<6400xi32, #tpu.memory_space<vmem>> -> memref<256xi32, #tpu.memory_space<vmem>>
      %dma_wait3A_210 = tpu.memref_slice %arg13[%add3A_97] : memref<278528xi32, #tpu.memory_space<vmem_shared>> -> memref<256xi32, #tpu.memory_space<vmem_shared>>
      tpu.wait_dma2 semaphore(%arg16 : memref<!tpu.dma_semaphore, #tpu.memory_space<semaphore_mem>>) src(%dma_wait3A_210 : memref<256xi32, #tpu.memory_space<vmem_shared>>) dst(%dma_wait3A_209 : memref<256xi32, #tpu.memory_space<vmem>>)
      %dma_wait3A_211 = arith.constant 2560 : i32
      %dma_wait3A_212 = tpu.memref_slice %arg10[%dma_wait3A_211] : memref<6400xi32, #tpu.memory_space<vmem>> -> memref<256xi32, #tpu.memory_space<vmem>>
      %dma_wait3A_213 = tpu.memref_slice %arg13[%add3A_105] : memref<278528xi32, #tpu.memory_space<vmem_shared>> -> memref<256xi32, #tpu.memory_space<vmem_shared>>
      %dma_wait3A_214 = arith.constant 2560 : i32
      %dma_wait3A_215 = tpu.memref_slice %arg10[%dma_wait3A_214] : memref<6400xi32, #tpu.memory_space<vmem>> -> memref<256xi32, #tpu.memory_space<vmem>>
      %dma_wait3A_216 = tpu.memref_slice %arg13[%add3A_105] : memref<278528xi32, #tpu.memory_space<vmem_shared>> -> memref<256xi32, #tpu.memory_space<vmem_shared>>
      tpu.wait_dma2 semaphore(%arg16 : memref<!tpu.dma_semaphore, #tpu.memory_space<semaphore_mem>>) src(%dma_wait3A_216 : memref<256xi32, #tpu.memory_space<vmem_shared>>) dst(%dma_wait3A_215 : memref<256xi32, #tpu.memory_space<vmem>>)
      %dma_wait3A_217 = arith.constant 2816 : i32
      %dma_wait3A_218 = tpu.memref_slice %arg10[%dma_wait3A_217] : memref<6400xi32, #tpu.memory_space<vmem>> -> memref<256xi32, #tpu.memory_space<vmem>>
      %dma_wait3A_219 = tpu.memref_slice %arg13[%add3A_113] : memref<278528xi32, #tpu.memory_space<vmem_shared>> -> memref<256xi32, #tpu.memory_space<vmem_shared>>
      %dma_wait3A_220 = arith.constant 2816 : i32
      %dma_wait3A_221 = tpu.memref_slice %arg10[%dma_wait3A_220] : memref<6400xi32, #tpu.memory_space<vmem>> -> memref<256xi32, #tpu.memory_space<vmem>>
      %dma_wait3A_222 = tpu.memref_slice %arg13[%add3A_113] : memref<278528xi32, #tpu.memory_space<vmem_shared>> -> memref<256xi32, #tpu.memory_space<vmem_shared>>
      tpu.wait_dma2 semaphore(%arg16 : memref<!tpu.dma_semaphore, #tpu.memory_space<semaphore_mem>>) src(%dma_wait3A_222 : memref<256xi32, #tpu.memory_space<vmem_shared>>) dst(%dma_wait3A_221 : memref<256xi32, #tpu.memory_space<vmem>>)
      %dma_wait3A_223 = arith.constant 3072 : i32
      %dma_wait3A_224 = tpu.memref_slice %arg10[%dma_wait3A_223] : memref<6400xi32, #tpu.memory_space<vmem>> -> memref<256xi32, #tpu.memory_space<vmem>>
      %dma_wait3A_225 = tpu.memref_slice %arg13[%add3A_121] : memref<278528xi32, #tpu.memory_space<vmem_shared>> -> memref<256xi32, #tpu.memory_space<vmem_shared>>
      %dma_wait3A_226 = arith.constant 3072 : i32
      %dma_wait3A_227 = tpu.memref_slice %arg10[%dma_wait3A_226] : memref<6400xi32, #tpu.memory_space<vmem>> -> memref<256xi32, #tpu.memory_space<vmem>>
      %dma_wait3A_228 = tpu.memref_slice %arg13[%add3A_121] : memref<278528xi32, #tpu.memory_space<vmem_shared>> -> memref<256xi32, #tpu.memory_space<vmem_shared>>
      tpu.wait_dma2 semaphore(%arg16 : memref<!tpu.dma_semaphore, #tpu.memory_space<semaphore_mem>>) src(%dma_wait3A_228 : memref<256xi32, #tpu.memory_space<vmem_shared>>) dst(%dma_wait3A_227 : memref<256xi32, #tpu.memory_space<vmem>>)
      %dma_wait3A_229 = arith.constant 3328 : i32
      %dma_wait3A_230 = tpu.memref_slice %arg10[%dma_wait3A_229] : memref<6400xi32, #tpu.memory_space<vmem>> -> memref<256xi32, #tpu.memory_space<vmem>>
      %dma_wait3A_231 = tpu.memref_slice %arg13[%add3A_129] : memref<278528xi32, #tpu.memory_space<vmem_shared>> -> memref<256xi32, #tpu.memory_space<vmem_shared>>
      %dma_wait3A_232 = arith.constant 3328 : i32
      %dma_wait3A_233 = tpu.memref_slice %arg10[%dma_wait3A_232] : memref<6400xi32, #tpu.memory_space<vmem>> -> memref<256xi32, #tpu.memory_space<vmem>>
      %dma_wait3A_234 = tpu.memref_slice %arg13[%add3A_129] : memref<278528xi32, #tpu.memory_space<vmem_shared>> -> memref<256xi32, #tpu.memory_space<vmem_shared>>
      tpu.wait_dma2 semaphore(%arg16 : memref<!tpu.dma_semaphore, #tpu.memory_space<semaphore_mem>>) src(%dma_wait3A_234 : memref<256xi32, #tpu.memory_space<vmem_shared>>) dst(%dma_wait3A_233 : memref<256xi32, #tpu.memory_space<vmem>>)
      %dma_wait3A_235 = arith.constant 3584 : i32
      %dma_wait3A_236 = tpu.memref_slice %arg10[%dma_wait3A_235] : memref<6400xi32, #tpu.memory_space<vmem>> -> memref<256xi32, #tpu.memory_space<vmem>>
      %dma_wait3A_237 = tpu.memref_slice %arg13[%add3A_137] : memref<278528xi32, #tpu.memory_space<vmem_shared>> -> memref<256xi32, #tpu.memory_space<vmem_shared>>
      %dma_wait3A_238 = arith.constant 3584 : i32
      %dma_wait3A_239 = tpu.memref_slice %arg10[%dma_wait3A_238] : memref<6400xi32, #tpu.memory_space<vmem>> -> memref<256xi32, #tpu.memory_space<vmem>>
      %dma_wait3A_240 = tpu.memref_slice %arg13[%add3A_137] : memref<278528xi32, #tpu.memory_space<vmem_shared>> -> memref<256xi32, #tpu.memory_space<vmem_shared>>
      tpu.wait_dma2 semaphore(%arg16 : memref<!tpu.dma_semaphore, #tpu.memory_space<semaphore_mem>>) src(%dma_wait3A_240 : memref<256xi32, #tpu.memory_space<vmem_shared>>) dst(%dma_wait3A_239 : memref<256xi32, #tpu.memory_space<vmem>>)
      %dma_wait3A_241 = arith.constant 3840 : i32
      %dma_wait3A_242 = tpu.memref_slice %arg10[%dma_wait3A_241] : memref<6400xi32, #tpu.memory_space<vmem>> -> memref<256xi32, #tpu.memory_space<vmem>>
      %dma_wait3A_243 = tpu.memref_slice %arg13[%add3A_145] : memref<278528xi32, #tpu.memory_space<vmem_shared>> -> memref<256xi32, #tpu.memory_space<vmem_shared>>
      %dma_wait3A_244 = arith.constant 3840 : i32
      %dma_wait3A_245 = tpu.memref_slice %arg10[%dma_wait3A_244] : memref<6400xi32, #tpu.memory_space<vmem>> -> memref<256xi32, #tpu.memory_space<vmem>>
      %dma_wait3A_246 = tpu.memref_slice %arg13[%add3A_145] : memref<278528xi32, #tpu.memory_space<vmem_shared>> -> memref<256xi32, #tpu.memory_space<vmem_shared>>
      tpu.wait_dma2 semaphore(%arg16 : memref<!tpu.dma_semaphore, #tpu.memory_space<semaphore_mem>>) src(%dma_wait3A_246 : memref<256xi32, #tpu.memory_space<vmem_shared>>) dst(%dma_wait3A_245 : memref<256xi32, #tpu.memory_space<vmem>>)
      %scan3A_247 = arith.constant 0 : i32
      %scan3A_248 = arith.constant 0 : i32
      %scan3A_249 = arith.constant 16 : i32
      %scan3A_250 = arith.addi %scan3A_248, %scan3A_249 : i32
      %scan3A_251 = arith.constant 1 : i32
      %scan3A_252 = scf.for %scan3A_264 = %scan3A_248 to %scan3A_250 step %scan3A_251 iter_args(%scan3A_265 = %scan3A_247) -> (i32)  : i32 {
        %mul3A_266 = arith.constant 16 : i32
        %mul3A_267 = arith.muli %scan3A_264, %mul3A_266 : i32
        %get3A = arith.index_cast %mul3A_267 : i32 to index
        %get3A_268 = tpu.vector_load %arg10[%get3A] {strides = array<i32>} : memref<6400xi32, #tpu.memory_space<vmem>>, vector<16xi32>,
        %mul3A_269 = arith.constant 16 : i32
        %mul3A_270 = arith.muli %scan3A_264, %mul3A_269 : i32
        %add3A_271 = arith.constant 256 : i32
        %add3A_272 = arith.addi %add3A_271, %mul3A_270 : i32
        %get3A_273 = arith.index_cast %add3A_272 : i32 to index
        %get3A_274 = tpu.vector_load %arg10[%get3A_273] {strides = array<i32>} : memref<6400xi32, #tpu.memory_space<vmem>>, vector<16xi32>,
        %max3A = arith.maxsi %get3A_268, %get3A_274 : vector<16xi32>
        %mul3A_275 = arith.constant 16 : i32
        %mul3A_276 = arith.muli %scan3A_264, %mul3A_275 : i32
        %add3A_277 = arith.constant 512 : i32
        %add3A_278 = arith.addi %add3A_277, %mul3A_276 : i32
        %get3A_279 = arith.index_cast %add3A_278 : i32 to index
        %get3A_280 = tpu.vector_load %arg10[%get3A_279] {strides = array<i32>} : memref<6400xi32, #tpu.memory_space<vmem>>, vector<16xi32>,
        %max3A_281 = arith.maxsi %max3A, %get3A_280 : vector<16xi32>
        %mul3A_282 = arith.constant 16 : i32
        %mul3A_283 = arith.muli %scan3A_264, %mul3A_282 : i32
        %add3A_284 = arith.constant 768 : i32
        %add3A_285 = arith.addi %add3A_284, %mul3A_283 : i32
        %get3A_286 = arith.index_cast %add3A_285 : i32 to index
        %get3A_287 = tpu.vector_load %arg10[%get3A_286] {strides = array<i32>} : memref<6400xi32, #tpu.memory_space<vmem>>, vector<16xi32>,
        %max3A_288 = arith.maxsi %max3A_281, %get3A_287 : vector<16xi32>
        %mul3A_289 = arith.constant 16 : i32
        %mul3A_290 = arith.muli %scan3A_264, %mul3A_289 : i32
        %add3A_291 = arith.constant 1024 : i32
        %add3A_292 = arith.addi %add3A_291, %mul3A_290 : i32
        %get3A_293 = arith.index_cast %add3A_292 : i32 to index
        %get3A_294 = tpu.vector_load %arg10[%get3A_293] {strides = array<i32>} : memref<6400xi32, #tpu.memory_space<vmem>>, vector<16xi32>,
        %max3A_295 = arith.maxsi %max3A_288, %get3A_294 : vector<16xi32>
        %mul3A_296 = arith.constant 16 : i32
        %mul3A_297 = arith.muli %scan3A_264, %mul3A_296 : i32
        %add3A_298 = arith.constant 1280 : i32
        %add3A_299 = arith.addi %add3A_298, %mul3A_297 : i32
        %get3A_300 = arith.index_cast %add3A_299 : i32 to index
        %get3A_301 = tpu.vector_load %arg10[%get3A_300] {strides = array<i32>} : memref<6400xi32, #tpu.memory_space<vmem>>, vector<16xi32>,
        %max3A_302 = arith.maxsi %max3A_295, %get3A_301 : vector<16xi32>
        %mul3A_303 = arith.constant 16 : i32
        %mul3A_304 = arith.muli %scan3A_264, %mul3A_303 : i32
        %add3A_305 = arith.constant 1536 : i32
        %add3A_306 = arith.addi %add3A_305, %mul3A_304 : i32
        %get3A_307 = arith.index_cast %add3A_306 : i32 to index
        %get3A_308 = tpu.vector_load %arg10[%get3A_307] {strides = array<i32>} : memref<6400xi32, #tpu.memory_space<vmem>>, vector<16xi32>,
        %max3A_309 = arith.maxsi %max3A_302, %get3A_308 : vector<16xi32>
        %mul3A_310 = arith.constant 16 : i32
        %mul3A_311 = arith.muli %scan3A_264, %mul3A_310 : i32
        %add3A_312 = arith.constant 1792 : i32
        %add3A_313 = arith.addi %add3A_312, %mul3A_311 : i32
        %get3A_314 = arith.index_cast %add3A_313 : i32 to index
        %get3A_315 = tpu.vector_load %arg10[%get3A_314] {strides = array<i32>} : memref<6400xi32, #tpu.memory_space<vmem>>, vector<16xi32>,
        %max3A_316 = arith.maxsi %max3A_309, %get3A_315 : vector<16xi32>
        %mul3A_317 = arith.constant 16 : i32
        %mul3A_318 = arith.muli %scan3A_264, %mul3A_317 : i32
        %add3A_319 = arith.constant 2048 : i32
        %add3A_320 = arith.addi %add3A_319, %mul3A_318 : i32
        %get3A_321 = arith.index_cast %add3A_320 : i32 to index
        %get3A_322 = tpu.vector_load %arg10[%get3A_321] {strides = array<i32>} : memref<6400xi32, #tpu.memory_space<vmem>>, vector<16xi32>,
        %max3A_323 = arith.maxsi %max3A_316, %get3A_322 : vector<16xi32>
        %mul3A_324 = arith.constant 16 : i32
        %mul3A_325 = arith.muli %scan3A_264, %mul3A_324 : i32
        %add3A_326 = arith.constant 2304 : i32
        %add3A_327 = arith.addi %add3A_326, %mul3A_325 : i32
        %get3A_328 = arith.index_cast %add3A_327 : i32 to index
        %get3A_329 = tpu.vector_load %arg10[%get3A_328] {strides = array<i32>} : memref<6400xi32, #tpu.memory_space<vmem>>, vector<16xi32>,
        %max3A_330 = arith.maxsi %max3A_323, %get3A_329 : vector<16xi32>
        %mul3A_331 = arith.constant 16 : i32
        %mul3A_332 = arith.muli %scan3A_264, %mul3A_331 : i32
        %add3A_333 = arith.constant 2560 : i32
        %add3A_334 = arith.addi %add3A_333, %mul3A_332 : i32
        %get3A_335 = arith.index_cast %add3A_334 : i32 to index
        %get3A_336 = tpu.vector_load %arg10[%get3A_335] {strides = array<i32>} : memref<6400xi32, #tpu.memory_space<vmem>>, vector<16xi32>,
        %max3A_337 = arith.maxsi %max3A_330, %get3A_336 : vector<16xi32>
        %mul3A_338 = arith.constant 16 : i32
        %mul3A_339 = arith.muli %scan3A_264, %mul3A_338 : i32
        %add3A_340 = arith.constant 2816 : i32
        %add3A_341 = arith.addi %add3A_340, %mul3A_339 : i32
        %get3A_342 = arith.index_cast %add3A_341 : i32 to index
        %get3A_343 = tpu.vector_load %arg10[%get3A_342] {strides = array<i32>} : memref<6400xi32, #tpu.memory_space<vmem>>, vector<16xi32>,
        %max3A_344 = arith.maxsi %max3A_337, %get3A_343 : vector<16xi32>
        %mul3A_345 = arith.constant 16 : i32
        %mul3A_346 = arith.muli %scan3A_264, %mul3A_345 : i32
        %add3A_347 = arith.constant 3072 : i32
        %add3A_348 = arith.addi %add3A_347, %mul3A_346 : i32
        %get3A_349 = arith.index_cast %add3A_348 : i32 to index
        %get3A_350 = tpu.vector_load %arg10[%get3A_349] {strides = array<i32>} : memref<6400xi32, #tpu.memory_space<vmem>>, vector<16xi32>,
        %max3A_351 = arith.maxsi %max3A_344, %get3A_350 : vector<16xi32>
        %mul3A_352 = arith.constant 16 : i32
        %mul3A_353 = arith.muli %scan3A_264, %mul3A_352 : i32
        %add3A_354 = arith.constant 3328 : i32
        %add3A_355 = arith.addi %add3A_354, %mul3A_353 : i32
        %get3A_356 = arith.index_cast %add3A_355 : i32 to index
        %get3A_357 = tpu.vector_load %arg10[%get3A_356] {strides = array<i32>} : memref<6400xi32, #tpu.memory_space<vmem>>, vector<16xi32>,
        %max3A_358 = arith.maxsi %max3A_351, %get3A_357 : vector<16xi32>
        %mul3A_359 = arith.constant 16 : i32
        %mul3A_360 = arith.muli %scan3A_264, %mul3A_359 : i32
        %add3A_361 = arith.constant 3584 : i32
        %add3A_362 = arith.addi %add3A_361, %mul3A_360 : i32
        %get3A_363 = arith.index_cast %add3A_362 : i32 to index
        %get3A_364 = tpu.vector_load %arg10[%get3A_363] {strides = array<i32>} : memref<6400xi32, #tpu.memory_space<vmem>>, vector<16xi32>,
        %max3A_365 = arith.maxsi %max3A_358, %get3A_364 : vector<16xi32>
        %mul3A_366 = arith.constant 16 : i32
        %mul3A_367 = arith.muli %scan3A_264, %mul3A_366 : i32
        %add3A_368 = arith.constant 3840 : i32
        %add3A_369 = arith.addi %add3A_368, %mul3A_367 : i32
        %get3A_370 = arith.index_cast %add3A_369 : i32 to index
        %get3A_371 = tpu.vector_load %arg10[%get3A_370] {strides = array<i32>} : memref<6400xi32, #tpu.memory_space<vmem>>, vector<16xi32>,
        %max3A_372 = arith.maxsi %max3A_365, %get3A_371 : vector<16xi32>
        %mul3A_373 = arith.constant 16 : i32
        %mul3A_374 = arith.muli %scan3A_264, %mul3A_373 : i32
        %swap3A = arith.index_cast %mul3A_374 : i32 to index
        %swap3A_375 = tpu.vector_load %arg8[%swap3A] {strides = array<i32>} : memref<6400xi32, #tpu.memory_space<vmem>>, vector<16xi32>,
        tpu.vector_store %arg8[%swap3A], %max3A_372 {strides = array<i32>} : memref<6400xi32, #tpu.memory_space<vmem>>, vector<16xi32>,
        %scan3A_376 = arith.constant 0 : i32
        scf.yield %scan3A_376 : i32
      }
      %scan3A_253 = arith.constant 16 : i32
      %add3A_254 = arith.constant 262144 : i32
      %add3A_255 = arith.addi %add3A_254, %mul3A_25 : i32
      "tpu.region"() ({
        %run_scoped3A = tpu.sem_alloc : memref<!tpu.dma_semaphore, #tpu.memory_space<semaphore_mem>>
        %dma_start3A_264 = arith.constant 0 : i32
        %dma_start3A_265 = tpu.memref_slice %arg8[%dma_start3A_264] : memref<6400xi32, #tpu.memory_space<vmem>> -> memref<256xi32, #tpu.memory_space<vmem>>
        %dma_start3A_266 = tpu.memref_slice %arg13[%add3A_255] : memref<278528xi32, #tpu.memory_space<vmem_shared>> -> memref<256xi32, #tpu.memory_space<vmem_shared>>
        %dma_start3A_267 = tpu.memref_slice %arg13[%add3A_255] : memref<278528xi32, #tpu.memory_space<vmem_shared>> -> memref<256xi32, #tpu.memory_space<vmem_shared>>
        %dma_start3A_268 = arith.constant 0 : i32
        %dma_start3A_269 = tpu.memref_slice %arg8[%dma_start3A_268] : memref<6400xi32, #tpu.memory_space<vmem>> -> memref<256xi32, #tpu.memory_space<vmem>>
        tpu.enqueue_dma source(%dma_start3A_269 : memref<256xi32, #tpu.memory_space<vmem>>) target(%dma_start3A_267 : memref<256xi32, #tpu.memory_space<vmem_shared>>) target_semaphore(%run_scoped3A : memref<!tpu.dma_semaphore, #tpu.memory_space<semaphore_mem>>)
        %dma_wait3A_270 = arith.constant 0 : i32
        %dma_wait3A_271 = tpu.memref_slice %arg8[%dma_wait3A_270] : memref<6400xi32, #tpu.memory_space<vmem>> -> memref<256xi32, #tpu.memory_space<vmem>>
        %dma_wait3A_272 = tpu.memref_slice %arg13[%add3A_255] : memref<278528xi32, #tpu.memory_space<vmem_shared>> -> memref<256xi32, #tpu.memory_space<vmem_shared>>
        %dma_wait3A_273 = tpu.memref_slice %arg13[%add3A_255] : memref<278528xi32, #tpu.memory_space<vmem_shared>> -> memref<256xi32, #tpu.memory_space<vmem_shared>>
        %dma_wait3A_274 = arith.constant 0 : i32
        %dma_wait3A_275 = tpu.memref_slice %arg8[%dma_wait3A_274] : memref<6400xi32, #tpu.memory_space<vmem>> -> memref<256xi32, #tpu.memory_space<vmem>>
        tpu.wait_dma2 semaphore(%run_scoped3A : memref<!tpu.dma_semaphore, #tpu.memory_space<semaphore_mem>>) src(%dma_wait3A_275 : memref<256xi32, #tpu.memory_space<vmem>>) dst(%dma_wait3A_273 : memref<256xi32, #tpu.memory_space<vmem_shared>>)
        tpu.yield
      }) : () -> ()
      %barrier3A_256 = arith.constant 0 : index
      tpu.barrier barrier_id(%barrier3A_256)
      "tpu.region"() ({
        %run_scoped3A = tpu.sem_alloc : memref<!tpu.dma_semaphore, #tpu.memory_space<semaphore_mem>>
        %dma_start3A_264 = arith.constant 0 : i32
        %dma_start3A_265 = tpu.memref_slice %arg12[%dma_start3A_264] : memref<65536xi32, #tpu.memory_space<vmem>> -> memref<4096xi32, #tpu.memory_space<vmem>>
        %dma_start3A_266 = arith.constant 262144 : i32
        %dma_start3A_267 = tpu.memref_slice %arg13[%dma_start3A_266] : memref<278528xi32, #tpu.memory_space<vmem_shared>> -> memref<4096xi32, #tpu.memory_space<vmem_shared>>
        %dma_start3A_268 = arith.constant 0 : i32
        %dma_start3A_269 = tpu.memref_slice %arg12[%dma_start3A_268] : memref<65536xi32, #tpu.memory_space<vmem>> -> memref<4096xi32, #tpu.memory_space<vmem>>
        %dma_start3A_270 = arith.constant 262144 : i32
        %dma_start3A_271 = tpu.memref_slice %arg13[%dma_start3A_270] : memref<278528xi32, #tpu.memory_space<vmem_shared>> -> memref<4096xi32, #tpu.memory_space<vmem_shared>>
        tpu.enqueue_dma source(%dma_start3A_271 : memref<4096xi32, #tpu.memory_space<vmem_shared>>) target(%dma_start3A_269 : memref<4096xi32, #tpu.memory_space<vmem>>) target_semaphore(%run_scoped3A : memref<!tpu.dma_semaphore, #tpu.memory_space<semaphore_mem>>)
        %dma_wait3A_272 = arith.constant 0 : i32
        %dma_wait3A_273 = tpu.memref_slice %arg12[%dma_wait3A_272] : memref<65536xi32, #tpu.memory_space<vmem>> -> memref<4096xi32, #tpu.memory_space<vmem>>
        %dma_wait3A_274 = arith.constant 262144 : i32
        %dma_wait3A_275 = tpu.memref_slice %arg13[%dma_wait3A_274] : memref<278528xi32, #tpu.memory_space<vmem_shared>> -> memref<4096xi32, #tpu.memory_space<vmem_shared>>
        %dma_wait3A_276 = arith.constant 0 : i32
        %dma_wait3A_277 = tpu.memref_slice %arg12[%dma_wait3A_276] : memref<65536xi32, #tpu.memory_space<vmem>> -> memref<4096xi32, #tpu.memory_space<vmem>>
        %dma_wait3A_278 = arith.constant 262144 : i32
        %dma_wait3A_279 = tpu.memref_slice %arg13[%dma_wait3A_278] : memref<278528xi32, #tpu.memory_space<vmem_shared>> -> memref<4096xi32, #tpu.memory_space<vmem_shared>>
        tpu.wait_dma2 semaphore(%run_scoped3A : memref<!tpu.dma_semaphore, #tpu.memory_space<semaphore_mem>>) src(%dma_wait3A_279 : memref<4096xi32, #tpu.memory_space<vmem_shared>>) dst(%dma_wait3A_277 : memref<4096xi32, #tpu.memory_space<vmem>>)
        tpu.yield
      }) : () -> ()
      %scan3A_257 = arith.constant 0 : i32
      %scan3A_258 = arith.constant 0 : i32
      %scan3A_259 = arith.constant 400 : i32
      %scan3A_260 = arith.addi %scan3A_258, %scan3A_259 : i32
      %scan3A_261 = arith.constant 1 : i32
      %scan3A_262 = scf.for %scan3A_264 = %scan3A_258 to %scan3A_260 step %scan3A_261 iter_args(%scan3A_265 = %scan3A_257) -> (i32)  : i32 {
        %mul3A_266 = arith.constant 16 : i32
        %mul3A_267 = arith.muli %scan3A_264, %mul3A_266 : i32
        %get3A = arith.index_cast %mul3A_267 : i32 to index
        %get3A_268 = tpu.vector_load %arg9[%get3A] {strides = array<i32>} : memref<6400xi32, #tpu.memory_space<vmem>>, vector<16xi32>,
        %lt3A = arith.constant 2097152 : i32
        %lt3A_269 = vector.broadcast %lt3A : i32 to vector<16xi32>
        %lt3A_270 = arith.cmpi slt, %get3A_268, %lt3A_269 : vector<16xi32>
        %shift_right_arithmetic3A = arith.constant 17 : i32
        %shift_right_arithmetic3A_271 = vector.broadcast %shift_right_arithmetic3A : i32 to vector<16xi32>
        %shift_right_arithmetic3A_272 = arith.shrsi %get3A_268, %shift_right_arithmetic3A_271 : vector<16xi32>
        %shift_left3A = arith.constant 8 : i32
        %shift_left3A_273 = vector.broadcast %shift_left3A : i32 to vector<16xi32>
        %shift_left3A_274 = arith.shli %shift_right_arithmetic3A_272, %shift_left3A_273 : vector<16xi32>
        %shift_right_arithmetic3A_275 = arith.constant 10 : i32
        %shift_right_arithmetic3A_276 = vector.broadcast %shift_right_arithmetic3A_275 : i32 to vector<16xi32>
        %shift_right_arithmetic3A_277 = arith.shrsi %get3A_268, %shift_right_arithmetic3A_276 : vector<16xi32>
        %and3A = arith.constant 15 : i32
        %and3A_278 = vector.broadcast %and3A : i32 to vector<16xi32>
        %and3A_279 = arith.andi %shift_right_arithmetic3A_277, %and3A_278 : vector<16xi32>
        %shift_left3A_280 = arith.constant 4 : i32
        %shift_left3A_281 = vector.broadcast %shift_left3A_280 : i32 to vector<16xi32>
        %shift_left3A_282 = arith.shli %and3A_279, %shift_left3A_281 : vector<16xi32>
        %or3A = arith.ori %shift_left3A_274, %shift_left3A_282 : vector<16xi32>
        %shift_right_arithmetic3A_283 = arith.constant 3 : i32
        %shift_right_arithmetic3A_284 = vector.broadcast %shift_right_arithmetic3A_283 : i32 to vector<16xi32>
        %shift_right_arithmetic3A_285 = arith.shrsi %get3A_268, %shift_right_arithmetic3A_284 : vector<16xi32>
        %and3A_286 = arith.constant 15 : i32
        %and3A_287 = vector.broadcast %and3A_286 : i32 to vector<16xi32>
        %and3A_288 = arith.andi %shift_right_arithmetic3A_285, %and3A_287 : vector<16xi32>
        %or3A_289 = arith.ori %or3A, %and3A_288 : vector<16xi32>
        %jit3A = arith.constant 0 : i32
        %broadcast_in_dim3A_290 = vector.broadcast %jit3A : i32 to vector<16xi32>
        %select_n3A = arith.select %lt3A_270, %or3A_289, %broadcast_in_dim3A_290 : vector<16xi1>, vector<16xi32>
        %gather3A = tpu.vector_load_idx %arg12[%select_n3A] : memref<65536xi32, #tpu.memory_space<vmem>>[vector<16xi32>], vector<16xi32>,
        %mul3A_291 = arith.constant 16 : i32
        %mul3A_292 = arith.muli %scan3A_264, %mul3A_291 : i32
        %swap3A = arith.index_cast %mul3A_292 : i32 to index
        %swap3A_293 = tpu.vector_load %arg10[%swap3A] {strides = array<i32>} : memref<6400xi32, #tpu.memory_space<vmem>>, vector<16xi32>,
        tpu.vector_store %arg10[%swap3A], %gather3A {strides = array<i32>} : memref<6400xi32, #tpu.memory_space<vmem>>, vector<16xi32>,
        %scan3A_294 = arith.constant 0 : i32
        scf.yield %scan3A_294 : i32
      }
      %scan3A_263 = arith.constant 400 : i32
      "tpu.region"() ({
        %run_scoped3A = tpu.sem_alloc : memref<!tpu.dma_semaphore, #tpu.memory_space<semaphore_mem>>
        %dma_start3A_264 = tpu.memref_slice %arg5[%mul3A_0] : memref<102400xi32, #tpu.memory_space<hbm>> -> memref<6400xi32, #tpu.memory_space<hbm>>
        %dma_start3A_265 = tpu.memref_slice %arg5[%mul3A_0] : memref<102400xi32, #tpu.memory_space<hbm>> -> memref<6400xi32, #tpu.memory_space<hbm>>
        tpu.enqueue_dma source(%arg10 : memref<6400xi32, #tpu.memory_space<vmem>>) target(%dma_start3A_265 : memref<6400xi32, #tpu.memory_space<hbm>>) target_semaphore(%run_scoped3A : memref<!tpu.dma_semaphore, #tpu.memory_space<semaphore_mem>>)
        %dma_wait3A_266 = tpu.memref_slice %arg5[%mul3A_0] : memref<102400xi32, #tpu.memory_space<hbm>> -> memref<6400xi32, #tpu.memory_space<hbm>>
        %dma_wait3A_267 = tpu.memref_slice %arg5[%mul3A_0] : memref<102400xi32, #tpu.memory_space<hbm>> -> memref<6400xi32, #tpu.memory_space<hbm>>
        tpu.wait_dma2 semaphore(%run_scoped3A : memref<!tpu.dma_semaphore, #tpu.memory_space<semaphore_mem>>) src(%arg10 : memref<6400xi32, #tpu.memory_space<vmem>>) dst(%dma_wait3A_267 : memref<6400xi32, #tpu.memory_space<hbm>>)
        tpu.yield
      }) : () -> ()
    } else {
    }
    %eq3A_3 = arith.constant 1 : i32
    %eq3A_4 = arith.cmpi eq, %arg0, %eq3A_3 : i32
    %convert_element_type3A_5 = arith.extui %eq3A_4 : i1 to i32
    %cond3A_6 = arith.constant 0 : i32
    %cond3A_7 = arith.cmpi ne, %convert_element_type3A_5, %cond3A_6 : i32
    scf.if %cond3A_7 {
      %broadcast_in_dim3A = arith.constant 0 : i32
      %broadcast_in_dim3A_8 = vector.broadcast %broadcast_in_dim3A : i32 to vector<16xi32>
      %scan3A = arith.constant 0 : i32
      %scan3A_9 = arith.constant 0 : i32
      %scan3A_10 = arith.constant 512 : i32
      %scan3A_11 = arith.addi %scan3A_9, %scan3A_10 : i32
      %scan3A_12 = arith.constant 1 : i32
      %scan3A_13 = scf.for %scan3A_979 = %scan3A_9 to %scan3A_11 step %scan3A_12 iter_args(%scan3A_980 = %scan3A) -> (i32)  : i32 {
        %mul3A_981 = arith.constant 8 : i32
        %mul3A_982 = arith.muli %scan3A_979, %mul3A_981 : i32
        %add3A_983 = arith.constant 0 : i32
        %add3A_984 = arith.addi %mul3A_982, %add3A_983 : i32
        %mul3A_985 = arith.constant 16 : i32
        %mul3A_986 = arith.muli %add3A_984, %mul3A_985 : i32
        %swap3A = arith.index_cast %mul3A_986 : i32 to index
        %swap3A_987 = tpu.vector_load %arg12[%swap3A] {strides = array<i32>} : memref<65536xi32, #tpu.memory_space<vmem>>, vector<16xi32>,
        tpu.vector_store %arg12[%swap3A], %broadcast_in_dim3A_8 {strides = array<i32>} : memref<65536xi32, #tpu.memory_space<vmem>>, vector<16xi32>,
        %mul3A_988 = arith.constant 8 : i32
        %mul3A_989 = arith.muli %scan3A_979, %mul3A_988 : i32
        %add3A_990 = arith.constant 1 : i32
        %add3A_991 = arith.addi %mul3A_989, %add3A_990 : i32
        %mul3A_992 = arith.constant 16 : i32
        %mul3A_993 = arith.muli %add3A_991, %mul3A_992 : i32
        %swap3A_994 = arith.index_cast %mul3A_993 : i32 to index
        %swap3A_995 = tpu.vector_load %arg12[%swap3A_994] {strides = array<i32>} : memref<65536xi32, #tpu.memory_space<vmem>>, vector<16xi32>,
        tpu.vector_store %arg12[%swap3A_994], %broadcast_in_dim3A_8 {strides = array<i32>} : memref<65536xi32, #tpu.memory_space<vmem>>, vector<16xi32>,
        %mul3A_996 = arith.constant 8 : i32
        %mul3A_997 = arith.muli %scan3A_979, %mul3A_996 : i32
        %add3A_998 = arith.constant 2 : i32
        %add3A_999 = arith.addi %mul3A_997, %add3A_998 : i32
        %mul3A_1000 = arith.constant 16 : i32
        %mul3A_1001 = arith.muli %add3A_999, %mul3A_1000 : i32
        %swap3A_1002 = arith.index_cast %mul3A_1001 : i32 to index
        %swap3A_1003 = tpu.vector_load %arg12[%swap3A_1002] {strides = array<i32>} : memref<65536xi32, #tpu.memory_space<vmem>>, vector<16xi32>,
        tpu.vector_store %arg12[%swap3A_1002], %broadcast_in_dim3A_8 {strides = array<i32>} : memref<65536xi32, #tpu.memory_space<vmem>>, vector<16xi32>,
        %mul3A_1004 = arith.constant 8 : i32
        %mul3A_1005 = arith.muli %scan3A_979, %mul3A_1004 : i32
        %add3A_1006 = arith.constant 3 : i32
        %add3A_1007 = arith.addi %mul3A_1005, %add3A_1006 : i32
        %mul3A_1008 = arith.constant 16 : i32
        %mul3A_1009 = arith.muli %add3A_1007, %mul3A_1008 : i32
        %swap3A_1010 = arith.index_cast %mul3A_1009 : i32 to index
        %swap3A_1011 = tpu.vector_load %arg12[%swap3A_1010] {strides = array<i32>} : memref<65536xi32, #tpu.memory_space<vmem>>, vector<16xi32>,
        tpu.vector_store %arg12[%swap3A_1010], %broadcast_in_dim3A_8 {strides = array<i32>} : memref<65536xi32, #tpu.memory_space<vmem>>, vector<16xi32>,
        %mul3A_1012 = arith.constant 8 : i32
        %mul3A_1013 = arith.muli %scan3A_979, %mul3A_1012 : i32
        %add3A_1014 = arith.constant 4 : i32
        %add3A_1015 = arith.addi %mul3A_1013, %add3A_1014 : i32
        %mul3A_1016 = arith.constant 16 : i32
        %mul3A_1017 = arith.muli %add3A_1015, %mul3A_1016 : i32
        %swap3A_1018 = arith.index_cast %mul3A_1017 : i32 to index
        %swap3A_1019 = tpu.vector_load %arg12[%swap3A_1018] {strides = array<i32>} : memref<65536xi32, #tpu.memory_space<vmem>>, vector<16xi32>,
        tpu.vector_store %arg12[%swap3A_1018], %broadcast_in_dim3A_8 {strides = array<i32>} : memref<65536xi32, #tpu.memory_space<vmem>>, vector<16xi32>,
        %mul3A_1020 = arith.constant 8 : i32
        %mul3A_1021 = arith.muli %scan3A_979, %mul3A_1020 : i32
        %add3A_1022 = arith.constant 5 : i32
        %add3A_1023 = arith.addi %mul3A_1021, %add3A_1022 : i32
        %mul3A_1024 = arith.constant 16 : i32
        %mul3A_1025 = arith.muli %add3A_1023, %mul3A_1024 : i32
        %swap3A_1026 = arith.index_cast %mul3A_1025 : i32 to index
        %swap3A_1027 = tpu.vector_load %arg12[%swap3A_1026] {strides = array<i32>} : memref<65536xi32, #tpu.memory_space<vmem>>, vector<16xi32>,
        tpu.vector_store %arg12[%swap3A_1026], %broadcast_in_dim3A_8 {strides = array<i32>} : memref<65536xi32, #tpu.memory_space<vmem>>, vector<16xi32>,
        %mul3A_1028 = arith.constant 8 : i32
        %mul3A_1029 = arith.muli %scan3A_979, %mul3A_1028 : i32
        %add3A_1030 = arith.constant 6 : i32
        %add3A_1031 = arith.addi %mul3A_1029, %add3A_1030 : i32
        %mul3A_1032 = arith.constant 16 : i32
        %mul3A_1033 = arith.muli %add3A_1031, %mul3A_1032 : i32
        %swap3A_1034 = arith.index_cast %mul3A_1033 : i32 to index
        %swap3A_1035 = tpu.vector_load %arg12[%swap3A_1034] {strides = array<i32>} : memref<65536xi32, #tpu.memory_space<vmem>>, vector<16xi32>,
        tpu.vector_store %arg12[%swap3A_1034], %broadcast_in_dim3A_8 {strides = array<i32>} : memref<65536xi32, #tpu.memory_space<vmem>>, vector<16xi32>,
        %mul3A_1036 = arith.constant 8 : i32
        %mul3A_1037 = arith.muli %scan3A_979, %mul3A_1036 : i32
        %add3A_1038 = arith.constant 7 : i32
        %add3A_1039 = arith.addi %mul3A_1037, %add3A_1038 : i32
        %mul3A_1040 = arith.constant 16 : i32
        %mul3A_1041 = arith.muli %add3A_1039, %mul3A_1040 : i32
        %swap3A_1042 = arith.index_cast %mul3A_1041 : i32 to index
        %swap3A_1043 = tpu.vector_load %arg12[%swap3A_1042] {strides = array<i32>} : memref<65536xi32, #tpu.memory_space<vmem>>, vector<16xi32>,
        tpu.vector_store %arg12[%swap3A_1042], %broadcast_in_dim3A_8 {strides = array<i32>} : memref<65536xi32, #tpu.memory_space<vmem>>, vector<16xi32>,
        %scan3A_1044 = arith.constant 0 : i32
        scf.yield %scan3A_1044 : i32
      }
      %scan3A_14 = arith.constant 512 : i32
      "tpu.region"() ({
        %run_scoped3A = tpu.sem_alloc : memref<!tpu.dma_semaphore, #tpu.memory_space<semaphore_mem>>
        %dma_start3A_979 = tpu.memref_slice %arg4[%mul3A_0] : memref<102400xi32, #tpu.memory_space<hbm>> -> memref<6400xi32, #tpu.memory_space<hbm>>
        %dma_start3A_980 = tpu.memref_slice %arg4[%mul3A_0] : memref<102400xi32, #tpu.memory_space<hbm>> -> memref<6400xi32, #tpu.memory_space<hbm>>
        tpu.enqueue_dma source(%dma_start3A_980 : memref<6400xi32, #tpu.memory_space<hbm>>) target(%arg8 : memref<6400xi32, #tpu.memory_space<vmem>>) target_semaphore(%run_scoped3A : memref<!tpu.dma_semaphore, #tpu.memory_space<semaphore_mem>>)
        %dma_wait3A_981 = tpu.memref_slice %arg4[%mul3A_0] : memref<102400xi32, #tpu.memory_space<hbm>> -> memref<6400xi32, #tpu.memory_space<hbm>>
        %dma_wait3A_982 = tpu.memref_slice %arg4[%mul3A_0] : memref<102400xi32, #tpu.memory_space<hbm>> -> memref<6400xi32, #tpu.memory_space<hbm>>
        tpu.wait_dma2 semaphore(%run_scoped3A : memref<!tpu.dma_semaphore, #tpu.memory_space<semaphore_mem>>) src(%dma_wait3A_982 : memref<6400xi32, #tpu.memory_space<hbm>>) dst(%arg8 : memref<6400xi32, #tpu.memory_space<vmem>>)
        tpu.yield
      }) : () -> ()
      %scan3A_15 = arith.constant 0 : i32
      %scan3A_16 = arith.constant 0 : i32
      %scan3A_17 = arith.constant 400 : i32
      %scan3A_18 = arith.addi %scan3A_16, %scan3A_17 : i32
      %scan3A_19 = arith.constant 1 : i32
      %scan3A_20 = scf.for %scan3A_979 = %scan3A_16 to %scan3A_18 step %scan3A_19 iter_args(%scan3A_980 = %scan3A_15) -> (i32)  : i32 {
        %mul3A_981 = arith.constant 16 : i32
        %mul3A_982 = arith.muli %scan3A_979, %mul3A_981 : i32
        %get3A = arith.index_cast %mul3A_982 : i32 to index
        %get3A_983 = tpu.vector_load %arg8[%get3A] {strides = array<i32>} : memref<6400xi32, #tpu.memory_space<vmem>>, vector<16xi32>,
        %lt3A = arith.constant 2097152 : i32
        %lt3A_984 = vector.broadcast %lt3A : i32 to vector<16xi32>
        %lt3A_985 = arith.cmpi slt, %get3A_983, %lt3A_984 : vector<16xi32>
        %shift_right_arithmetic3A = arith.constant 5 : i32
        %shift_right_arithmetic3A_986 = vector.broadcast %shift_right_arithmetic3A : i32 to vector<16xi32>
        %shift_right_arithmetic3A_987 = arith.shrsi %get3A_983, %shift_right_arithmetic3A_986 : vector<16xi32>
        %jit3A = arith.constant 0 : i32
        %broadcast_in_dim3A_988 = vector.broadcast %jit3A : i32 to vector<16xi32>
        %select_n3A = arith.select %lt3A_985, %shift_right_arithmetic3A_987, %broadcast_in_dim3A_988 : vector<16xi1>, vector<16xi32>
        %and3A = arith.constant 31 : i32
        %and3A_989 = vector.broadcast %and3A : i32 to vector<16xi32>
        %and3A_990 = arith.andi %get3A_983, %and3A_989 : vector<16xi32>
        %shift_left3A = arith.constant 1 : i32
        %shift_left3A_991 = vector.broadcast %shift_left3A : i32 to vector<16xi32>
        %shift_left3A_992 = arith.shli %shift_left3A_991, %and3A_990 : vector<16xi32>
        %jit3A_993 = arith.constant 0 : i32
        %broadcast_in_dim3A_994 = vector.broadcast %jit3A_993 : i32 to vector<16xi32>
        %select_n3A_995 = arith.select %lt3A_985, %shift_left3A_992, %broadcast_in_dim3A_994 : vector<16xi1>, vector<16xi32>
        %and3A_996 = arith.constant 4095 : i32
        %and3A_997 = vector.broadcast %and3A_996 : i32 to vector<16xi32>
        %and3A_998 = arith.andi %select_n3A, %and3A_997 : vector<16xi32>
        tpu.vector_store_idx %arg10[%and3A_998], %iota3A : memref<6400xi32, #tpu.memory_space<vmem>>[vector<16xi32>], vector<16xi32>,
        %gather3A = tpu.vector_load_idx %arg10[%and3A_998] : memref<6400xi32, #tpu.memory_space<vmem>>[vector<16xi32>], vector<16xi32>,
        %ne3A = arith.cmpi ne, %gather3A, %iota3A : vector<16xi32>
        %reduce_or3A = arith.constant 1.000000e+00 : f32
        %reduce_or3A_999 = arith.constant 0.000000e+00 : f32
        %reduce_or3A_1000 = vector.broadcast %reduce_or3A : f32 to vector<16xf32>
        %reduce_or3A_1001 = vector.broadcast %reduce_or3A_999 : f32 to vector<16xf32>
        %reduce_or3A_1002 = arith.select %ne3A, %reduce_or3A_1000, %reduce_or3A_1001 : vector<16xi1>, vector<16xf32>
        %reduce_or3A_1003 = arith.constant true
        %reduce_or3A_1004 = vector.broadcast %reduce_or3A_1003 : i1 to vector<16xi1>
        %reduce_or3A_1005 = tpu.scan <max>, %reduce_or3A_1002 masked %reduce_or3A_1004 : vector<16xf32>, vector<16xi1> -> vector<16xf32>
        %reduce_or3A_1006 = vector.extract %reduce_or3A_1005[15] : f32 from vector<16xf32>
        %reduce_or3A_1007 = arith.constant 0.000000e+00 : f32
        %reduce_or3A_1008 = arith.cmpf ogt, %reduce_or3A_1006, %reduce_or3A_1007 : f32
        %convert_element_type3A_1009 = arith.extui %reduce_or3A_1008 : i1 to i32
        %cond3A_1010 = arith.constant 0 : i32
        %cond3A_1011 = arith.cmpi ne, %convert_element_type3A_1009, %cond3A_1010 : i32
        %cond3A_1012 = scf.if %cond3A_1011 -> (vector<16xi32>) {
          %swap3A = arith.constant 0 : index
          %swap3A_1015 = tpu.vector_load %arg14[%swap3A] {strides = array<i32>} : memref<16xi32, #tpu.memory_space<vmem>>, vector<16xi32>,
          tpu.vector_store %arg14[%swap3A], %select_n3A {strides = array<i32>} : memref<16xi32, #tpu.memory_space<vmem>>, vector<16xi32>,
          %swap3A_1016 = arith.constant 0 : index
          %swap3A_1017 = tpu.vector_load %arg15[%swap3A_1016] {strides = array<i32>} : memref<16xi32, #tpu.memory_space<vmem>>, vector<16xi32>,
          tpu.vector_store %arg15[%swap3A_1016], %select_n3A_995 {strides = array<i32>} : memref<16xi32, #tpu.memory_space<vmem>>, vector<16xi32>,
          %add3A_1018 = arith.constant 1 : i32
          %add3A_1019 = vector.broadcast %add3A_1018 : i32 to vector<16xi32>
          %add3A_1020 = arith.addi %iota3A, %add3A_1019 : vector<16xi32>
          %and3A_1021 = arith.constant 15 : i32
          %and3A_1022 = vector.broadcast %and3A_1021 : i32 to vector<16xi32>
          %and3A_1023 = arith.andi %add3A_1020, %and3A_1022 : vector<16xi32>
          %gather3A_1024 = tpu.vector_load_idx %arg14[%and3A_1023] : memref<16xi32, #tpu.memory_space<vmem>>[vector<16xi32>], vector<16xi32>,
          %gather3A_1025 = tpu.vector_load_idx %arg15[%and3A_1023] : memref<16xi32, #tpu.memory_space<vmem>>[vector<16xi32>], vector<16xi32>,
          %eq3A_1026 = arith.cmpi eq, %gather3A_1024, %select_n3A : vector<16xi32>
          %jit3A_1027 = arith.constant 0 : i32
          %broadcast_in_dim3A_1028 = vector.broadcast %jit3A_1027 : i32 to vector<16xi32>
          %select_n3A_1029 = arith.select %eq3A_1026, %gather3A_1025, %broadcast_in_dim3A_1028 : vector<16xi1>, vector<16xi32>
          %or3A_1030 = arith.ori %select_n3A_995, %select_n3A_1029 : vector<16xi32>
          %add3A_1031 = arith.constant 2 : i32
          %add3A_1032 = vector.broadcast %add3A_1031 : i32 to vector<16xi32>
          %add3A_1033 = arith.addi %iota3A, %add3A_1032 : vector<16xi32>
          %and3A_1034 = arith.constant 15 : i32
          %and3A_1035 = vector.broadcast %and3A_1034 : i32 to vector<16xi32>
          %and3A_1036 = arith.andi %add3A_1033, %and3A_1035 : vector<16xi32>
          %gather3A_1037 = tpu.vector_load_idx %arg14[%and3A_1036] : memref<16xi32, #tpu.memory_space<vmem>>[vector<16xi32>], vector<16xi32>,
          %gather3A_1038 = tpu.vector_load_idx %arg15[%and3A_1036] : memref<16xi32, #tpu.memory_space<vmem>>[vector<16xi32>], vector<16xi32>,
          %eq3A_1039 = arith.cmpi eq, %gather3A_1037, %select_n3A : vector<16xi32>
          %jit3A_1040 = arith.constant 0 : i32
          %broadcast_in_dim3A_1041 = vector.broadcast %jit3A_1040 : i32 to vector<16xi32>
          %select_n3A_1042 = arith.select %eq3A_1039, %gather3A_1038, %broadcast_in_dim3A_1041 : vector<16xi1>, vector<16xi32>
          %or3A_1043 = arith.ori %or3A_1030, %select_n3A_1042 : vector<16xi32>
          %add3A_1044 = arith.constant 3 : i32
          %add3A_1045 = vector.broadcast %add3A_1044 : i32 to vector<16xi32>
          %add3A_1046 = arith.addi %iota3A, %add3A_1045 : vector<16xi32>
          %and3A_1047 = arith.constant 15 : i32
          %and3A_1048 = vector.broadcast %and3A_1047 : i32 to vector<16xi32>
          %and3A_1049 = arith.andi %add3A_1046, %and3A_1048 : vector<16xi32>
          %gather3A_1050 = tpu.vector_load_idx %arg14[%and3A_1049] : memref<16xi32, #tpu.memory_space<vmem>>[vector<16xi32>], vector<16xi32>,
          %gather3A_1051 = tpu.vector_load_idx %arg15[%and3A_1049] : memref<16xi32, #tpu.memory_space<vmem>>[vector<16xi32>], vector<16xi32>,
          %eq3A_1052 = arith.cmpi eq, %gather3A_1050, %select_n3A : vector<16xi32>
          %jit3A_1053 = arith.constant 0 : i32
          %broadcast_in_dim3A_1054 = vector.broadcast %jit3A_1053 : i32 to vector<16xi32>
          %select_n3A_1055 = arith.select %eq3A_1052, %gather3A_1051, %broadcast_in_dim3A_1054 : vector<16xi1>, vector<16xi32>
          %or3A_1056 = arith.ori %or3A_1043, %select_n3A_1055 : vector<16xi32>
          %add3A_1057 = arith.constant 4 : i32
          %add3A_1058 = vector.broadcast %add3A_1057 : i32 to vector<16xi32>
          %add3A_1059 = arith.addi %iota3A, %add3A_1058 : vector<16xi32>
          %and3A_1060 = arith.constant 15 : i32
          %and3A_1061 = vector.broadcast %and3A_1060 : i32 to vector<16xi32>
          %and3A_1062 = arith.andi %add3A_1059, %and3A_1061 : vector<16xi32>
          %gather3A_1063 = tpu.vector_load_idx %arg14[%and3A_1062] : memref<16xi32, #tpu.memory_space<vmem>>[vector<16xi32>], vector<16xi32>,
          %gather3A_1064 = tpu.vector_load_idx %arg15[%and3A_1062] : memref<16xi32, #tpu.memory_space<vmem>>[vector<16xi32>], vector<16xi32>,
          %eq3A_1065 = arith.cmpi eq, %gather3A_1063, %select_n3A : vector<16xi32>
          %jit3A_1066 = arith.constant 0 : i32
          %broadcast_in_dim3A_1067 = vector.broadcast %jit3A_1066 : i32 to vector<16xi32>
          %select_n3A_1068 = arith.select %eq3A_1065, %gather3A_1064, %broadcast_in_dim3A_1067 : vector<16xi1>, vector<16xi32>
          %or3A_1069 = arith.ori %or3A_1056, %select_n3A_1068 : vector<16xi32>
          %add3A_1070 = arith.constant 5 : i32
          %add3A_1071 = vector.broadcast %add3A_1070 : i32 to vector<16xi32>
          %add3A_1072 = arith.addi %iota3A, %add3A_1071 : vector<16xi32>
          %and3A_1073 = arith.constant 15 : i32
          %and3A_1074 = vector.broadcast %and3A_1073 : i32 to vector<16xi32>
          %and3A_1075 = arith.andi %add3A_1072, %and3A_1074 : vector<16xi32>
          %gather3A_1076 = tpu.vector_load_idx %arg14[%and3A_1075] : memref<16xi32, #tpu.memory_space<vmem>>[vector<16xi32>], vector<16xi32>,
          %gather3A_1077 = tpu.vector_load_idx %arg15[%and3A_1075] : memref<16xi32, #tpu.memory_space<vmem>>[vector<16xi32>], vector<16xi32>,
          %eq3A_1078 = arith.cmpi eq, %gather3A_1076, %select_n3A : vector<16xi32>
          %jit3A_1079 = arith.constant 0 : i32
          %broadcast_in_dim3A_1080 = vector.broadcast %jit3A_1079 : i32 to vector<16xi32>
          %select_n3A_1081 = arith.select %eq3A_1078, %gather3A_1077, %broadcast_in_dim3A_1080 : vector<16xi1>, vector<16xi32>
          %or3A_1082 = arith.ori %or3A_1069, %select_n3A_1081 : vector<16xi32>
          %add3A_1083 = arith.constant 6 : i32
          %add3A_1084 = vector.broadcast %add3A_1083 : i32 to vector<16xi32>
          %add3A_1085 = arith.addi %iota3A, %add3A_1084 : vector<16xi32>
          %and3A_1086 = arith.constant 15 : i32
          %and3A_1087 = vector.broadcast %and3A_1086 : i32 to vector<16xi32>
          %and3A_1088 = arith.andi %add3A_1085, %and3A_1087 : vector<16xi32>
          %gather3A_1089 = tpu.vector_load_idx %arg14[%and3A_1088] : memref<16xi32, #tpu.memory_space<vmem>>[vector<16xi32>], vector<16xi32>,
          %gather3A_1090 = tpu.vector_load_idx %arg15[%and3A_1088] : memref<16xi32, #tpu.memory_space<vmem>>[vector<16xi32>], vector<16xi32>,
          %eq3A_1091 = arith.cmpi eq, %gather3A_1089, %select_n3A : vector<16xi32>
          %jit3A_1092 = arith.constant 0 : i32
          %broadcast_in_dim3A_1093 = vector.broadcast %jit3A_1092 : i32 to vector<16xi32>
          %select_n3A_1094 = arith.select %eq3A_1091, %gather3A_1090, %broadcast_in_dim3A_1093 : vector<16xi1>, vector<16xi32>
          %or3A_1095 = arith.ori %or3A_1082, %select_n3A_1094 : vector<16xi32>
          %add3A_1096 = arith.constant 7 : i32
          %add3A_1097 = vector.broadcast %add3A_1096 : i32 to vector<16xi32>
          %add3A_1098 = arith.addi %iota3A, %add3A_1097 : vector<16xi32>
          %and3A_1099 = arith.constant 15 : i32
          %and3A_1100 = vector.broadcast %and3A_1099 : i32 to vector<16xi32>
          %and3A_1101 = arith.andi %add3A_1098, %and3A_1100 : vector<16xi32>
          %gather3A_1102 = tpu.vector_load_idx %arg14[%and3A_1101] : memref<16xi32, #tpu.memory_space<vmem>>[vector<16xi32>], vector<16xi32>,
          %gather3A_1103 = tpu.vector_load_idx %arg15[%and3A_1101] : memref<16xi32, #tpu.memory_space<vmem>>[vector<16xi32>], vector<16xi32>,
          %eq3A_1104 = arith.cmpi eq, %gather3A_1102, %select_n3A : vector<16xi32>
          %jit3A_1105 = arith.constant 0 : i32
          %broadcast_in_dim3A_1106 = vector.broadcast %jit3A_1105 : i32 to vector<16xi32>
          %select_n3A_1107 = arith.select %eq3A_1104, %gather3A_1103, %broadcast_in_dim3A_1106 : vector<16xi1>, vector<16xi32>
          %or3A_1108 = arith.ori %or3A_1095, %select_n3A_1107 : vector<16xi32>
          %add3A_1109 = arith.constant 8 : i32
          %add3A_1110 = vector.broadcast %add3A_1109 : i32 to vector<16xi32>
          %add3A_1111 = arith.addi %iota3A, %add3A_1110 : vector<16xi32>
          %and3A_1112 = arith.constant 15 : i32
          %and3A_1113 = vector.broadcast %and3A_1112 : i32 to vector<16xi32>
          %and3A_1114 = arith.andi %add3A_1111, %and3A_1113 : vector<16xi32>
          %gather3A_1115 = tpu.vector_load_idx %arg14[%and3A_1114] : memref<16xi32, #tpu.memory_space<vmem>>[vector<16xi32>], vector<16xi32>,
          %gather3A_1116 = tpu.vector_load_idx %arg15[%and3A_1114] : memref<16xi32, #tpu.memory_space<vmem>>[vector<16xi32>], vector<16xi32>,
          %eq3A_1117 = arith.cmpi eq, %gather3A_1115, %select_n3A : vector<16xi32>
          %jit3A_1118 = arith.constant 0 : i32
          %broadcast_in_dim3A_1119 = vector.broadcast %jit3A_1118 : i32 to vector<16xi32>
          %select_n3A_1120 = arith.select %eq3A_1117, %gather3A_1116, %broadcast_in_dim3A_1119 : vector<16xi1>, vector<16xi32>
          %or3A_1121 = arith.ori %or3A_1108, %select_n3A_1120 : vector<16xi32>
          %add3A_1122 = arith.constant 9 : i32
          %add3A_1123 = vector.broadcast %add3A_1122 : i32 to vector<16xi32>
          %add3A_1124 = arith.addi %iota3A, %add3A_1123 : vector<16xi32>
          %and3A_1125 = arith.constant 15 : i32
          %and3A_1126 = vector.broadcast %and3A_1125 : i32 to vector<16xi32>
          %and3A_1127 = arith.andi %add3A_1124, %and3A_1126 : vector<16xi32>
          %gather3A_1128 = tpu.vector_load_idx %arg14[%and3A_1127] : memref<16xi32, #tpu.memory_space<vmem>>[vector<16xi32>], vector<16xi32>,
          %gather3A_1129 = tpu.vector_load_idx %arg15[%and3A_1127] : memref<16xi32, #tpu.memory_space<vmem>>[vector<16xi32>], vector<16xi32>,
          %eq3A_1130 = arith.cmpi eq, %gather3A_1128, %select_n3A : vector<16xi32>
          %jit3A_1131 = arith.constant 0 : i32
          %broadcast_in_dim3A_1132 = vector.broadcast %jit3A_1131 : i32 to vector<16xi32>
          %select_n3A_1133 = arith.select %eq3A_1130, %gather3A_1129, %broadcast_in_dim3A_1132 : vector<16xi1>, vector<16xi32>
          %or3A_1134 = arith.ori %or3A_1121, %select_n3A_1133 : vector<16xi32>
          %add3A_1135 = arith.constant 10 : i32
          %add3A_1136 = vector.broadcast %add3A_1135 : i32 to vector<16xi32>
          %add3A_1137 = arith.addi %iota3A, %add3A_1136 : vector<16xi32>
          %and3A_1138 = arith.constant 15 : i32
          %and3A_1139 = vector.broadcast %and3A_1138 : i32 to vector<16xi32>
          %and3A_1140 = arith.andi %add3A_1137, %and3A_1139 : vector<16xi32>
          %gather3A_1141 = tpu.vector_load_idx %arg14[%and3A_1140] : memref<16xi32, #tpu.memory_space<vmem>>[vector<16xi32>], vector<16xi32>,
          %gather3A_1142 = tpu.vector_load_idx %arg15[%and3A_1140] : memref<16xi32, #tpu.memory_space<vmem>>[vector<16xi32>], vector<16xi32>,
          %eq3A_1143 = arith.cmpi eq, %gather3A_1141, %select_n3A : vector<16xi32>
          %jit3A_1144 = arith.constant 0 : i32
          %broadcast_in_dim3A_1145 = vector.broadcast %jit3A_1144 : i32 to vector<16xi32>
          %select_n3A_1146 = arith.select %eq3A_1143, %gather3A_1142, %broadcast_in_dim3A_1145 : vector<16xi1>, vector<16xi32>
          %or3A_1147 = arith.ori %or3A_1134, %select_n3A_1146 : vector<16xi32>
          %add3A_1148 = arith.constant 11 : i32
          %add3A_1149 = vector.broadcast %add3A_1148 : i32 to vector<16xi32>
          %add3A_1150 = arith.addi %iota3A, %add3A_1149 : vector<16xi32>
          %and3A_1151 = arith.constant 15 : i32
          %and3A_1152 = vector.broadcast %and3A_1151 : i32 to vector<16xi32>
          %and3A_1153 = arith.andi %add3A_1150, %and3A_1152 : vector<16xi32>
          %gather3A_1154 = tpu.vector_load_idx %arg14[%and3A_1153] : memref<16xi32, #tpu.memory_space<vmem>>[vector<16xi32>], vector<16xi32>,
          %gather3A_1155 = tpu.vector_load_idx %arg15[%and3A_1153] : memref<16xi32, #tpu.memory_space<vmem>>[vector<16xi32>], vector<16xi32>,
          %eq3A_1156 = arith.cmpi eq, %gather3A_1154, %select_n3A : vector<16xi32>
          %jit3A_1157 = arith.constant 0 : i32
          %broadcast_in_dim3A_1158 = vector.broadcast %jit3A_1157 : i32 to vector<16xi32>
          %select_n3A_1159 = arith.select %eq3A_1156, %gather3A_1155, %broadcast_in_dim3A_1158 : vector<16xi1>, vector<16xi32>
          %or3A_1160 = arith.ori %or3A_1147, %select_n3A_1159 : vector<16xi32>
          %add3A_1161 = arith.constant 12 : i32
          %add3A_1162 = vector.broadcast %add3A_1161 : i32 to vector<16xi32>
          %add3A_1163 = arith.addi %iota3A, %add3A_1162 : vector<16xi32>
          %and3A_1164 = arith.constant 15 : i32
          %and3A_1165 = vector.broadcast %and3A_1164 : i32 to vector<16xi32>
          %and3A_1166 = arith.andi %add3A_1163, %and3A_1165 : vector<16xi32>
          %gather3A_1167 = tpu.vector_load_idx %arg14[%and3A_1166] : memref<16xi32, #tpu.memory_space<vmem>>[vector<16xi32>], vector<16xi32>,
          %gather3A_1168 = tpu.vector_load_idx %arg15[%and3A_1166] : memref<16xi32, #tpu.memory_space<vmem>>[vector<16xi32>], vector<16xi32>,
          %eq3A_1169 = arith.cmpi eq, %gather3A_1167, %select_n3A : vector<16xi32>
          %jit3A_1170 = arith.constant 0 : i32
          %broadcast_in_dim3A_1171 = vector.broadcast %jit3A_1170 : i32 to vector<16xi32>
          %select_n3A_1172 = arith.select %eq3A_1169, %gather3A_1168, %broadcast_in_dim3A_1171 : vector<16xi1>, vector<16xi32>
          %or3A_1173 = arith.ori %or3A_1160, %select_n3A_1172 : vector<16xi32>
          %add3A_1174 = arith.constant 13 : i32
          %add3A_1175 = vector.broadcast %add3A_1174 : i32 to vector<16xi32>
          %add3A_1176 = arith.addi %iota3A, %add3A_1175 : vector<16xi32>
          %and3A_1177 = arith.constant 15 : i32
          %and3A_1178 = vector.broadcast %and3A_1177 : i32 to vector<16xi32>
          %and3A_1179 = arith.andi %add3A_1176, %and3A_1178 : vector<16xi32>
          %gather3A_1180 = tpu.vector_load_idx %arg14[%and3A_1179] : memref<16xi32, #tpu.memory_space<vmem>>[vector<16xi32>], vector<16xi32>,
          %gather3A_1181 = tpu.vector_load_idx %arg15[%and3A_1179] : memref<16xi32, #tpu.memory_space<vmem>>[vector<16xi32>], vector<16xi32>,
          %eq3A_1182 = arith.cmpi eq, %gather3A_1180, %select_n3A : vector<16xi32>
          %jit3A_1183 = arith.constant 0 : i32
          %broadcast_in_dim3A_1184 = vector.broadcast %jit3A_1183 : i32 to vector<16xi32>
          %select_n3A_1185 = arith.select %eq3A_1182, %gather3A_1181, %broadcast_in_dim3A_1184 : vector<16xi1>, vector<16xi32>
          %or3A_1186 = arith.ori %or3A_1173, %select_n3A_1185 : vector<16xi32>
          %add3A_1187 = arith.constant 14 : i32
          %add3A_1188 = vector.broadcast %add3A_1187 : i32 to vector<16xi32>
          %add3A_1189 = arith.addi %iota3A, %add3A_1188 : vector<16xi32>
          %and3A_1190 = arith.constant 15 : i32
          %and3A_1191 = vector.broadcast %and3A_1190 : i32 to vector<16xi32>
          %and3A_1192 = arith.andi %add3A_1189, %and3A_1191 : vector<16xi32>
          %gather3A_1193 = tpu.vector_load_idx %arg14[%and3A_1192] : memref<16xi32, #tpu.memory_space<vmem>>[vector<16xi32>], vector<16xi32>,
          %gather3A_1194 = tpu.vector_load_idx %arg15[%and3A_1192] : memref<16xi32, #tpu.memory_space<vmem>>[vector<16xi32>], vector<16xi32>,
          %eq3A_1195 = arith.cmpi eq, %gather3A_1193, %select_n3A : vector<16xi32>
          %jit3A_1196 = arith.constant 0 : i32
          %broadcast_in_dim3A_1197 = vector.broadcast %jit3A_1196 : i32 to vector<16xi32>
          %select_n3A_1198 = arith.select %eq3A_1195, %gather3A_1194, %broadcast_in_dim3A_1197 : vector<16xi1>, vector<16xi32>
          %or3A_1199 = arith.ori %or3A_1186, %select_n3A_1198 : vector<16xi32>
          %add3A_1200 = arith.constant 15 : i32
          %add3A_1201 = vector.broadcast %add3A_1200 : i32 to vector<16xi32>
          %add3A_1202 = arith.addi %iota3A, %add3A_1201 : vector<16xi32>
          %and3A_1203 = arith.constant 15 : i32
          %and3A_1204 = vector.broadcast %and3A_1203 : i32 to vector<16xi32>
          %and3A_1205 = arith.andi %add3A_1202, %and3A_1204 : vector<16xi32>
          %gather3A_1206 = tpu.vector_load_idx %arg14[%and3A_1205] : memref<16xi32, #tpu.memory_space<vmem>>[vector<16xi32>], vector<16xi32>,
          %gather3A_1207 = tpu.vector_load_idx %arg15[%and3A_1205] : memref<16xi32, #tpu.memory_space<vmem>>[vector<16xi32>], vector<16xi32>,
          %eq3A_1208 = arith.cmpi eq, %gather3A_1206, %select_n3A : vector<16xi32>
          %jit3A_1209 = arith.constant 0 : i32
          %broadcast_in_dim3A_1210 = vector.broadcast %jit3A_1209 : i32 to vector<16xi32>
          %select_n3A_1211 = arith.select %eq3A_1208, %gather3A_1207, %broadcast_in_dim3A_1210 : vector<16xi1>, vector<16xi32>
          %or3A_1212 = arith.ori %or3A_1199, %select_n3A_1211 : vector<16xi32>
          scf.yield %or3A_1212 : vector<16xi32>
        } else {
          scf.yield %select_n3A_995 : vector<16xi32>
        }
        %gather3A_1013 = tpu.vector_load_idx %arg12[%select_n3A] : memref<65536xi32, #tpu.memory_space<vmem>>[vector<16xi32>], vector<16xi32>,
        %or3A = arith.ori %gather3A_1013, %cond3A_1012 : vector<16xi32>
        tpu.vector_store_idx %arg12[%select_n3A], %or3A : memref<65536xi32, #tpu.memory_space<vmem>>[vector<16xi32>], vector<16xi32>,
        %scan3A_1014 = arith.constant 0 : i32
        scf.yield %scan3A_1014 : i32
      }
      %scan3A_21 = arith.constant 400 : i32
      %mul3A_22 = arith.constant 1024 : i32
      %mul3A_23 = arith.muli %arg1, %mul3A_22 : i32
      %mul3A_24 = arith.constant 16384 : i32
      %mul3A_25 = arith.muli %arg1, %mul3A_24 : i32
      "tpu.region"() ({
        %run_scoped3A = tpu.sem_alloc : memref<!tpu.dma_semaphore, #tpu.memory_space<semaphore_mem>>
        %dma_start3A_979 = arith.constant 0 : i32
        %dma_start3A_980 = tpu.memref_slice %arg12[%dma_start3A_979] : memref<65536xi32, #tpu.memory_space<vmem>> -> memref<16384xi32, #tpu.memory_space<vmem>>
        %dma_start3A_981 = tpu.memref_slice %arg13[%mul3A_25] : memref<278528xi32, #tpu.memory_space<vmem_shared>> -> memref<16384xi32, #tpu.memory_space<vmem_shared>>
        %dma_start3A_982 = tpu.memref_slice %arg13[%mul3A_25] : memref<278528xi32, #tpu.memory_space<vmem_shared>> -> memref<16384xi32, #tpu.memory_space<vmem_shared>>
        %dma_start3A_983 = arith.constant 0 : i32
        %dma_start3A_984 = tpu.memref_slice %arg12[%dma_start3A_983] : memref<65536xi32, #tpu.memory_space<vmem>> -> memref<16384xi32, #tpu.memory_space<vmem>>
        tpu.enqueue_dma source(%dma_start3A_984 : memref<16384xi32, #tpu.memory_space<vmem>>) target(%dma_start3A_982 : memref<16384xi32, #tpu.memory_space<vmem_shared>>) target_semaphore(%run_scoped3A : memref<!tpu.dma_semaphore, #tpu.memory_space<semaphore_mem>>)
        %dma_wait3A_985 = arith.constant 0 : i32
        %dma_wait3A_986 = tpu.memref_slice %arg12[%dma_wait3A_985] : memref<65536xi32, #tpu.memory_space<vmem>> -> memref<16384xi32, #tpu.memory_space<vmem>>
        %dma_wait3A_987 = tpu.memref_slice %arg13[%mul3A_25] : memref<278528xi32, #tpu.memory_space<vmem_shared>> -> memref<16384xi32, #tpu.memory_space<vmem_shared>>
        %dma_wait3A_988 = tpu.memref_slice %arg13[%mul3A_25] : memref<278528xi32, #tpu.memory_space<vmem_shared>> -> memref<16384xi32, #tpu.memory_space<vmem_shared>>
        %dma_wait3A_989 = arith.constant 0 : i32
        %dma_wait3A_990 = tpu.memref_slice %arg12[%dma_wait3A_989] : memref<65536xi32, #tpu.memory_space<vmem>> -> memref<16384xi32, #tpu.memory_space<vmem>>
        tpu.wait_dma2 semaphore(%run_scoped3A : memref<!tpu.dma_semaphore, #tpu.memory_space<semaphore_mem>>) src(%dma_wait3A_990 : memref<16384xi32, #tpu.memory_space<vmem>>) dst(%dma_wait3A_988 : memref<16384xi32, #tpu.memory_space<vmem_shared>>)
        tpu.yield
      }) : () -> ()
      %barrier3A = arith.constant 0 : index
      tpu.barrier barrier_id(%barrier3A)
      %add3A = arith.constant 0 : i32
      %add3A_26 = arith.addi %add3A, %mul3A_23 : i32
      %dma_start3A = arith.constant 0 : i32
      %dma_start3A_27 = tpu.memref_slice %arg11[%dma_start3A] : memref<16384xi32, #tpu.memory_space<vmem>> -> memref<1024xi32, #tpu.memory_space<vmem>>
      %dma_start3A_28 = tpu.memref_slice %arg13[%add3A_26] : memref<278528xi32, #tpu.memory_space<vmem_shared>> -> memref<1024xi32, #tpu.memory_space<vmem_shared>>
      %dma_start3A_29 = arith.constant 0 : i32
      %dma_start3A_30 = tpu.memref_slice %arg11[%dma_start3A_29] : memref<16384xi32, #tpu.memory_space<vmem>> -> memref<1024xi32, #tpu.memory_space<vmem>>
      %dma_start3A_31 = tpu.memref_slice %arg13[%add3A_26] : memref<278528xi32, #tpu.memory_space<vmem_shared>> -> memref<1024xi32, #tpu.memory_space<vmem_shared>>
      tpu.enqueue_dma source(%dma_start3A_31 : memref<1024xi32, #tpu.memory_space<vmem_shared>>) target(%dma_start3A_30 : memref<1024xi32, #tpu.memory_space<vmem>>) target_semaphore(%arg16 : memref<!tpu.dma_semaphore, #tpu.memory_space<semaphore_mem>>)
      %add3A_32 = arith.constant 16384 : i32
      %add3A_33 = arith.addi %add3A_32, %mul3A_23 : i32
      %dma_start3A_34 = arith.constant 1024 : i32
      %dma_start3A_35 = tpu.memref_slice %arg11[%dma_start3A_34] : memref<16384xi32, #tpu.memory_space<vmem>> -> memref<1024xi32, #tpu.memory_space<vmem>>
      %dma_start3A_36 = tpu.memref_slice %arg13[%add3A_33] : memref<278528xi32, #tpu.memory_space<vmem_shared>> -> memref<1024xi32, #tpu.memory_space<vmem_shared>>
      %dma_start3A_37 = arith.constant 1024 : i32
      %dma_start3A_38 = tpu.memref_slice %arg11[%dma_start3A_37] : memref<16384xi32, #tpu.memory_space<vmem>> -> memref<1024xi32, #tpu.memory_space<vmem>>
      %dma_start3A_39 = tpu.memref_slice %arg13[%add3A_33] : memref<278528xi32, #tpu.memory_space<vmem_shared>> -> memref<1024xi32, #tpu.memory_space<vmem_shared>>
      tpu.enqueue_dma source(%dma_start3A_39 : memref<1024xi32, #tpu.memory_space<vmem_shared>>) target(%dma_start3A_38 : memref<1024xi32, #tpu.memory_space<vmem>>) target_semaphore(%arg16 : memref<!tpu.dma_semaphore, #tpu.memory_space<semaphore_mem>>)
      %add3A_40 = arith.constant 32768 : i32
      %add3A_41 = arith.addi %add3A_40, %mul3A_23 : i32
      %dma_start3A_42 = arith.constant 2048 : i32
      %dma_start3A_43 = tpu.memref_slice %arg11[%dma_start3A_42] : memref<16384xi32, #tpu.memory_space<vmem>> -> memref<1024xi32, #tpu.memory_space<vmem>>
      %dma_start3A_44 = tpu.memref_slice %arg13[%add3A_41] : memref<278528xi32, #tpu.memory_space<vmem_shared>> -> memref<1024xi32, #tpu.memory_space<vmem_shared>>
      %dma_start3A_45 = arith.constant 2048 : i32
      %dma_start3A_46 = tpu.memref_slice %arg11[%dma_start3A_45] : memref<16384xi32, #tpu.memory_space<vmem>> -> memref<1024xi32, #tpu.memory_space<vmem>>
      %dma_start3A_47 = tpu.memref_slice %arg13[%add3A_41] : memref<278528xi32, #tpu.memory_space<vmem_shared>> -> memref<1024xi32, #tpu.memory_space<vmem_shared>>
      tpu.enqueue_dma source(%dma_start3A_47 : memref<1024xi32, #tpu.memory_space<vmem_shared>>) target(%dma_start3A_46 : memref<1024xi32, #tpu.memory_space<vmem>>) target_semaphore(%arg16 : memref<!tpu.dma_semaphore, #tpu.memory_space<semaphore_mem>>)
      %add3A_48 = arith.constant 49152 : i32
      %add3A_49 = arith.addi %add3A_48, %mul3A_23 : i32
      %dma_start3A_50 = arith.constant 3072 : i32
      %dma_start3A_51 = tpu.memref_slice %arg11[%dma_start3A_50] : memref<16384xi32, #tpu.memory_space<vmem>> -> memref<1024xi32, #tpu.memory_space<vmem>>
      %dma_start3A_52 = tpu.memref_slice %arg13[%add3A_49] : memref<278528xi32, #tpu.memory_space<vmem_shared>> -> memref<1024xi32, #tpu.memory_space<vmem_shared>>
      %dma_start3A_53 = arith.constant 3072 : i32
      %dma_start3A_54 = tpu.memref_slice %arg11[%dma_start3A_53] : memref<16384xi32, #tpu.memory_space<vmem>> -> memref<1024xi32, #tpu.memory_space<vmem>>
      %dma_start3A_55 = tpu.memref_slice %arg13[%add3A_49] : memref<278528xi32, #tpu.memory_space<vmem_shared>> -> memref<1024xi32, #tpu.memory_space<vmem_shared>>
      tpu.enqueue_dma source(%dma_start3A_55 : memref<1024xi32, #tpu.memory_space<vmem_shared>>) target(%dma_start3A_54 : memref<1024xi32, #tpu.memory_space<vmem>>) target_semaphore(%arg16 : memref<!tpu.dma_semaphore, #tpu.memory_space<semaphore_mem>>)
      %add3A_56 = arith.constant 65536 : i32
      %add3A_57 = arith.addi %add3A_56, %mul3A_23 : i32
      %dma_start3A_58 = arith.constant 4096 : i32
      %dma_start3A_59 = tpu.memref_slice %arg11[%dma_start3A_58] : memref<16384xi32, #tpu.memory_space<vmem>> -> memref<1024xi32, #tpu.memory_space<vmem>>
      %dma_start3A_60 = tpu.memref_slice %arg13[%add3A_57] : memref<278528xi32, #tpu.memory_space<vmem_shared>> -> memref<1024xi32, #tpu.memory_space<vmem_shared>>
      %dma_start3A_61 = arith.constant 4096 : i32
      %dma_start3A_62 = tpu.memref_slice %arg11[%dma_start3A_61] : memref<16384xi32, #tpu.memory_space<vmem>> -> memref<1024xi32, #tpu.memory_space<vmem>>
      %dma_start3A_63 = tpu.memref_slice %arg13[%add3A_57] : memref<278528xi32, #tpu.memory_space<vmem_shared>> -> memref<1024xi32, #tpu.memory_space<vmem_shared>>
      tpu.enqueue_dma source(%dma_start3A_63 : memref<1024xi32, #tpu.memory_space<vmem_shared>>) target(%dma_start3A_62 : memref<1024xi32, #tpu.memory_space<vmem>>) target_semaphore(%arg16 : memref<!tpu.dma_semaphore, #tpu.memory_space<semaphore_mem>>)
      %add3A_64 = arith.constant 81920 : i32
      %add3A_65 = arith.addi %add3A_64, %mul3A_23 : i32
      %dma_start3A_66 = arith.constant 5120 : i32
      %dma_start3A_67 = tpu.memref_slice %arg11[%dma_start3A_66] : memref<16384xi32, #tpu.memory_space<vmem>> -> memref<1024xi32, #tpu.memory_space<vmem>>
      %dma_start3A_68 = tpu.memref_slice %arg13[%add3A_65] : memref<278528xi32, #tpu.memory_space<vmem_shared>> -> memref<1024xi32, #tpu.memory_space<vmem_shared>>
      %dma_start3A_69 = arith.constant 5120 : i32
      %dma_start3A_70 = tpu.memref_slice %arg11[%dma_start3A_69] : memref<16384xi32, #tpu.memory_space<vmem>> -> memref<1024xi32, #tpu.memory_space<vmem>>
      %dma_start3A_71 = tpu.memref_slice %arg13[%add3A_65] : memref<278528xi32, #tpu.memory_space<vmem_shared>> -> memref<1024xi32, #tpu.memory_space<vmem_shared>>
      tpu.enqueue_dma source(%dma_start3A_71 : memref<1024xi32, #tpu.memory_space<vmem_shared>>) target(%dma_start3A_70 : memref<1024xi32, #tpu.memory_space<vmem>>) target_semaphore(%arg16 : memref<!tpu.dma_semaphore, #tpu.memory_space<semaphore_mem>>)
      %add3A_72 = arith.constant 98304 : i32
      %add3A_73 = arith.addi %add3A_72, %mul3A_23 : i32
      %dma_start3A_74 = arith.constant 6144 : i32
      %dma_start3A_75 = tpu.memref_slice %arg11[%dma_start3A_74] : memref<16384xi32, #tpu.memory_space<vmem>> -> memref<1024xi32, #tpu.memory_space<vmem>>
      %dma_start3A_76 = tpu.memref_slice %arg13[%add3A_73] : memref<278528xi32, #tpu.memory_space<vmem_shared>> -> memref<1024xi32, #tpu.memory_space<vmem_shared>>
      %dma_start3A_77 = arith.constant 6144 : i32
      %dma_start3A_78 = tpu.memref_slice %arg11[%dma_start3A_77] : memref<16384xi32, #tpu.memory_space<vmem>> -> memref<1024xi32, #tpu.memory_space<vmem>>
      %dma_start3A_79 = tpu.memref_slice %arg13[%add3A_73] : memref<278528xi32, #tpu.memory_space<vmem_shared>> -> memref<1024xi32, #tpu.memory_space<vmem_shared>>
      tpu.enqueue_dma source(%dma_start3A_79 : memref<1024xi32, #tpu.memory_space<vmem_shared>>) target(%dma_start3A_78 : memref<1024xi32, #tpu.memory_space<vmem>>) target_semaphore(%arg16 : memref<!tpu.dma_semaphore, #tpu.memory_space<semaphore_mem>>)
      %add3A_80 = arith.constant 114688 : i32
      %add3A_81 = arith.addi %add3A_80, %mul3A_23 : i32
      %dma_start3A_82 = arith.constant 7168 : i32
      %dma_start3A_83 = tpu.memref_slice %arg11[%dma_start3A_82] : memref<16384xi32, #tpu.memory_space<vmem>> -> memref<1024xi32, #tpu.memory_space<vmem>>
      %dma_start3A_84 = tpu.memref_slice %arg13[%add3A_81] : memref<278528xi32, #tpu.memory_space<vmem_shared>> -> memref<1024xi32, #tpu.memory_space<vmem_shared>>
      %dma_start3A_85 = arith.constant 7168 : i32
      %dma_start3A_86 = tpu.memref_slice %arg11[%dma_start3A_85] : memref<16384xi32, #tpu.memory_space<vmem>> -> memref<1024xi32, #tpu.memory_space<vmem>>
      %dma_start3A_87 = tpu.memref_slice %arg13[%add3A_81] : memref<278528xi32, #tpu.memory_space<vmem_shared>> -> memref<1024xi32, #tpu.memory_space<vmem_shared>>
      tpu.enqueue_dma source(%dma_start3A_87 : memref<1024xi32, #tpu.memory_space<vmem_shared>>) target(%dma_start3A_86 : memref<1024xi32, #tpu.memory_space<vmem>>) target_semaphore(%arg16 : memref<!tpu.dma_semaphore, #tpu.memory_space<semaphore_mem>>)
      %add3A_88 = arith.constant 131072 : i32
      %add3A_89 = arith.addi %add3A_88, %mul3A_23 : i32
      %dma_start3A_90 = arith.constant 8192 : i32
      %dma_start3A_91 = tpu.memref_slice %arg11[%dma_start3A_90] : memref<16384xi32, #tpu.memory_space<vmem>> -> memref<1024xi32, #tpu.memory_space<vmem>>
      %dma_start3A_92 = tpu.memref_slice %arg13[%add3A_89] : memref<278528xi32, #tpu.memory_space<vmem_shared>> -> memref<1024xi32, #tpu.memory_space<vmem_shared>>
      %dma_start3A_93 = arith.constant 8192 : i32
      %dma_start3A_94 = tpu.memref_slice %arg11[%dma_start3A_93] : memref<16384xi32, #tpu.memory_space<vmem>> -> memref<1024xi32, #tpu.memory_space<vmem>>
      %dma_start3A_95 = tpu.memref_slice %arg13[%add3A_89] : memref<278528xi32, #tpu.memory_space<vmem_shared>> -> memref<1024xi32, #tpu.memory_space<vmem_shared>>
      tpu.enqueue_dma source(%dma_start3A_95 : memref<1024xi32, #tpu.memory_space<vmem_shared>>) target(%dma_start3A_94 : memref<1024xi32, #tpu.memory_space<vmem>>) target_semaphore(%arg16 : memref<!tpu.dma_semaphore, #tpu.memory_space<semaphore_mem>>)
      %add3A_96 = arith.constant 147456 : i32
      %add3A_97 = arith.addi %add3A_96, %mul3A_23 : i32
      %dma_start3A_98 = arith.constant 9216 : i32
      %dma_start3A_99 = tpu.memref_slice %arg11[%dma_start3A_98] : memref<16384xi32, #tpu.memory_space<vmem>> -> memref<1024xi32, #tpu.memory_space<vmem>>
      %dma_start3A_100 = tpu.memref_slice %arg13[%add3A_97] : memref<278528xi32, #tpu.memory_space<vmem_shared>> -> memref<1024xi32, #tpu.memory_space<vmem_shared>>
      %dma_start3A_101 = arith.constant 9216 : i32
      %dma_start3A_102 = tpu.memref_slice %arg11[%dma_start3A_101] : memref<16384xi32, #tpu.memory_space<vmem>> -> memref<1024xi32, #tpu.memory_space<vmem>>
      %dma_start3A_103 = tpu.memref_slice %arg13[%add3A_97] : memref<278528xi32, #tpu.memory_space<vmem_shared>> -> memref<1024xi32, #tpu.memory_space<vmem_shared>>
      tpu.enqueue_dma source(%dma_start3A_103 : memref<1024xi32, #tpu.memory_space<vmem_shared>>) target(%dma_start3A_102 : memref<1024xi32, #tpu.memory_space<vmem>>) target_semaphore(%arg16 : memref<!tpu.dma_semaphore, #tpu.memory_space<semaphore_mem>>)
      %add3A_104 = arith.constant 163840 : i32
      %add3A_105 = arith.addi %add3A_104, %mul3A_23 : i32
      %dma_start3A_106 = arith.constant 10240 : i32
      %dma_start3A_107 = tpu.memref_slice %arg11[%dma_start3A_106] : memref<16384xi32, #tpu.memory_space<vmem>> -> memref<1024xi32, #tpu.memory_space<vmem>>
      %dma_start3A_108 = tpu.memref_slice %arg13[%add3A_105] : memref<278528xi32, #tpu.memory_space<vmem_shared>> -> memref<1024xi32, #tpu.memory_space<vmem_shared>>
      %dma_start3A_109 = arith.constant 10240 : i32
      %dma_start3A_110 = tpu.memref_slice %arg11[%dma_start3A_109] : memref<16384xi32, #tpu.memory_space<vmem>> -> memref<1024xi32, #tpu.memory_space<vmem>>
      %dma_start3A_111 = tpu.memref_slice %arg13[%add3A_105] : memref<278528xi32, #tpu.memory_space<vmem_shared>> -> memref<1024xi32, #tpu.memory_space<vmem_shared>>
      tpu.enqueue_dma source(%dma_start3A_111 : memref<1024xi32, #tpu.memory_space<vmem_shared>>) target(%dma_start3A_110 : memref<1024xi32, #tpu.memory_space<vmem>>) target_semaphore(%arg16 : memref<!tpu.dma_semaphore, #tpu.memory_space<semaphore_mem>>)
      %add3A_112 = arith.constant 180224 : i32
      %add3A_113 = arith.addi %add3A_112, %mul3A_23 : i32
      %dma_start3A_114 = arith.constant 11264 : i32
      %dma_start3A_115 = tpu.memref_slice %arg11[%dma_start3A_114] : memref<16384xi32, #tpu.memory_space<vmem>> -> memref<1024xi32, #tpu.memory_space<vmem>>
      %dma_start3A_116 = tpu.memref_slice %arg13[%add3A_113] : memref<278528xi32, #tpu.memory_space<vmem_shared>> -> memref<1024xi32, #tpu.memory_space<vmem_shared>>
      %dma_start3A_117 = arith.constant 11264 : i32
      %dma_start3A_118 = tpu.memref_slice %arg11[%dma_start3A_117] : memref<16384xi32, #tpu.memory_space<vmem>> -> memref<1024xi32, #tpu.memory_space<vmem>>
      %dma_start3A_119 = tpu.memref_slice %arg13[%add3A_113] : memref<278528xi32, #tpu.memory_space<vmem_shared>> -> memref<1024xi32, #tpu.memory_space<vmem_shared>>
      tpu.enqueue_dma source(%dma_start3A_119 : memref<1024xi32, #tpu.memory_space<vmem_shared>>) target(%dma_start3A_118 : memref<1024xi32, #tpu.memory_space<vmem>>) target_semaphore(%arg16 : memref<!tpu.dma_semaphore, #tpu.memory_space<semaphore_mem>>)
      %add3A_120 = arith.constant 196608 : i32
      %add3A_121 = arith.addi %add3A_120, %mul3A_23 : i32
      %dma_start3A_122 = arith.constant 12288 : i32
      %dma_start3A_123 = tpu.memref_slice %arg11[%dma_start3A_122] : memref<16384xi32, #tpu.memory_space<vmem>> -> memref<1024xi32, #tpu.memory_space<vmem>>
      %dma_start3A_124 = tpu.memref_slice %arg13[%add3A_121] : memref<278528xi32, #tpu.memory_space<vmem_shared>> -> memref<1024xi32, #tpu.memory_space<vmem_shared>>
      %dma_start3A_125 = arith.constant 12288 : i32
      %dma_start3A_126 = tpu.memref_slice %arg11[%dma_start3A_125] : memref<16384xi32, #tpu.memory_space<vmem>> -> memref<1024xi32, #tpu.memory_space<vmem>>
      %dma_start3A_127 = tpu.memref_slice %arg13[%add3A_121] : memref<278528xi32, #tpu.memory_space<vmem_shared>> -> memref<1024xi32, #tpu.memory_space<vmem_shared>>
      tpu.enqueue_dma source(%dma_start3A_127 : memref<1024xi32, #tpu.memory_space<vmem_shared>>) target(%dma_start3A_126 : memref<1024xi32, #tpu.memory_space<vmem>>) target_semaphore(%arg16 : memref<!tpu.dma_semaphore, #tpu.memory_space<semaphore_mem>>)
      %add3A_128 = arith.constant 212992 : i32
      %add3A_129 = arith.addi %add3A_128, %mul3A_23 : i32
      %dma_start3A_130 = arith.constant 13312 : i32
      %dma_start3A_131 = tpu.memref_slice %arg11[%dma_start3A_130] : memref<16384xi32, #tpu.memory_space<vmem>> -> memref<1024xi32, #tpu.memory_space<vmem>>
      %dma_start3A_132 = tpu.memref_slice %arg13[%add3A_129] : memref<278528xi32, #tpu.memory_space<vmem_shared>> -> memref<1024xi32, #tpu.memory_space<vmem_shared>>
      %dma_start3A_133 = arith.constant 13312 : i32
      %dma_start3A_134 = tpu.memref_slice %arg11[%dma_start3A_133] : memref<16384xi32, #tpu.memory_space<vmem>> -> memref<1024xi32, #tpu.memory_space<vmem>>
      %dma_start3A_135 = tpu.memref_slice %arg13[%add3A_129] : memref<278528xi32, #tpu.memory_space<vmem_shared>> -> memref<1024xi32, #tpu.memory_space<vmem_shared>>
      tpu.enqueue_dma source(%dma_start3A_135 : memref<1024xi32, #tpu.memory_space<vmem_shared>>) target(%dma_start3A_134 : memref<1024xi32, #tpu.memory_space<vmem>>) target_semaphore(%arg16 : memref<!tpu.dma_semaphore, #tpu.memory_space<semaphore_mem>>)
      %add3A_136 = arith.constant 229376 : i32
      %add3A_137 = arith.addi %add3A_136, %mul3A_23 : i32
      %dma_start3A_138 = arith.constant 14336 : i32
      %dma_start3A_139 = tpu.memref_slice %arg11[%dma_start3A_138] : memref<16384xi32, #tpu.memory_space<vmem>> -> memref<1024xi32, #tpu.memory_space<vmem>>
      %dma_start3A_140 = tpu.memref_slice %arg13[%add3A_137] : memref<278528xi32, #tpu.memory_space<vmem_shared>> -> memref<1024xi32, #tpu.memory_space<vmem_shared>>
      %dma_start3A_141 = arith.constant 14336 : i32
      %dma_start3A_142 = tpu.memref_slice %arg11[%dma_start3A_141] : memref<16384xi32, #tpu.memory_space<vmem>> -> memref<1024xi32, #tpu.memory_space<vmem>>
      %dma_start3A_143 = tpu.memref_slice %arg13[%add3A_137] : memref<278528xi32, #tpu.memory_space<vmem_shared>> -> memref<1024xi32, #tpu.memory_space<vmem_shared>>
      tpu.enqueue_dma source(%dma_start3A_143 : memref<1024xi32, #tpu.memory_space<vmem_shared>>) target(%dma_start3A_142 : memref<1024xi32, #tpu.memory_space<vmem>>) target_semaphore(%arg16 : memref<!tpu.dma_semaphore, #tpu.memory_space<semaphore_mem>>)
      %add3A_144 = arith.constant 245760 : i32
      %add3A_145 = arith.addi %add3A_144, %mul3A_23 : i32
      %dma_start3A_146 = arith.constant 15360 : i32
      %dma_start3A_147 = tpu.memref_slice %arg11[%dma_start3A_146] : memref<16384xi32, #tpu.memory_space<vmem>> -> memref<1024xi32, #tpu.memory_space<vmem>>
      %dma_start3A_148 = tpu.memref_slice %arg13[%add3A_145] : memref<278528xi32, #tpu.memory_space<vmem_shared>> -> memref<1024xi32, #tpu.memory_space<vmem_shared>>
      %dma_start3A_149 = arith.constant 15360 : i32
      %dma_start3A_150 = tpu.memref_slice %arg11[%dma_start3A_149] : memref<16384xi32, #tpu.memory_space<vmem>> -> memref<1024xi32, #tpu.memory_space<vmem>>
      %dma_start3A_151 = tpu.memref_slice %arg13[%add3A_145] : memref<278528xi32, #tpu.memory_space<vmem_shared>> -> memref<1024xi32, #tpu.memory_space<vmem_shared>>
      tpu.enqueue_dma source(%dma_start3A_151 : memref<1024xi32, #tpu.memory_space<vmem_shared>>) target(%dma_start3A_150 : memref<1024xi32, #tpu.memory_space<vmem>>) target_semaphore(%arg16 : memref<!tpu.dma_semaphore, #tpu.memory_space<semaphore_mem>>)
      %dma_wait3A = arith.constant 0 : i32
      %dma_wait3A_152 = tpu.memref_slice %arg11[%dma_wait3A] : memref<16384xi32, #tpu.memory_space<vmem>> -> memref<1024xi32, #tpu.memory_space<vmem>>
      %dma_wait3A_153 = tpu.memref_slice %arg13[%add3A_26] : memref<278528xi32, #tpu.memory_space<vmem_shared>> -> memref<1024xi32, #tpu.memory_space<vmem_shared>>
      %dma_wait3A_154 = arith.constant 0 : i32
      %dma_wait3A_155 = tpu.memref_slice %arg11[%dma_wait3A_154] : memref<16384xi32, #tpu.memory_space<vmem>> -> memref<1024xi32, #tpu.memory_space<vmem>>
      %dma_wait3A_156 = tpu.memref_slice %arg13[%add3A_26] : memref<278528xi32, #tpu.memory_space<vmem_shared>> -> memref<1024xi32, #tpu.memory_space<vmem_shared>>
      tpu.wait_dma2 semaphore(%arg16 : memref<!tpu.dma_semaphore, #tpu.memory_space<semaphore_mem>>) src(%dma_wait3A_156 : memref<1024xi32, #tpu.memory_space<vmem_shared>>) dst(%dma_wait3A_155 : memref<1024xi32, #tpu.memory_space<vmem>>)
      %dma_wait3A_157 = arith.constant 1024 : i32
      %dma_wait3A_158 = tpu.memref_slice %arg11[%dma_wait3A_157] : memref<16384xi32, #tpu.memory_space<vmem>> -> memref<1024xi32, #tpu.memory_space<vmem>>
      %dma_wait3A_159 = tpu.memref_slice %arg13[%add3A_33] : memref<278528xi32, #tpu.memory_space<vmem_shared>> -> memref<1024xi32, #tpu.memory_space<vmem_shared>>
      %dma_wait3A_160 = arith.constant 1024 : i32
      %dma_wait3A_161 = tpu.memref_slice %arg11[%dma_wait3A_160] : memref<16384xi32, #tpu.memory_space<vmem>> -> memref<1024xi32, #tpu.memory_space<vmem>>
      %dma_wait3A_162 = tpu.memref_slice %arg13[%add3A_33] : memref<278528xi32, #tpu.memory_space<vmem_shared>> -> memref<1024xi32, #tpu.memory_space<vmem_shared>>
      tpu.wait_dma2 semaphore(%arg16 : memref<!tpu.dma_semaphore, #tpu.memory_space<semaphore_mem>>) src(%dma_wait3A_162 : memref<1024xi32, #tpu.memory_space<vmem_shared>>) dst(%dma_wait3A_161 : memref<1024xi32, #tpu.memory_space<vmem>>)
      %dma_wait3A_163 = arith.constant 2048 : i32
      %dma_wait3A_164 = tpu.memref_slice %arg11[%dma_wait3A_163] : memref<16384xi32, #tpu.memory_space<vmem>> -> memref<1024xi32, #tpu.memory_space<vmem>>
      %dma_wait3A_165 = tpu.memref_slice %arg13[%add3A_41] : memref<278528xi32, #tpu.memory_space<vmem_shared>> -> memref<1024xi32, #tpu.memory_space<vmem_shared>>
      %dma_wait3A_166 = arith.constant 2048 : i32
      %dma_wait3A_167 = tpu.memref_slice %arg11[%dma_wait3A_166] : memref<16384xi32, #tpu.memory_space<vmem>> -> memref<1024xi32, #tpu.memory_space<vmem>>
      %dma_wait3A_168 = tpu.memref_slice %arg13[%add3A_41] : memref<278528xi32, #tpu.memory_space<vmem_shared>> -> memref<1024xi32, #tpu.memory_space<vmem_shared>>
      tpu.wait_dma2 semaphore(%arg16 : memref<!tpu.dma_semaphore, #tpu.memory_space<semaphore_mem>>) src(%dma_wait3A_168 : memref<1024xi32, #tpu.memory_space<vmem_shared>>) dst(%dma_wait3A_167 : memref<1024xi32, #tpu.memory_space<vmem>>)
      %dma_wait3A_169 = arith.constant 3072 : i32
      %dma_wait3A_170 = tpu.memref_slice %arg11[%dma_wait3A_169] : memref<16384xi32, #tpu.memory_space<vmem>> -> memref<1024xi32, #tpu.memory_space<vmem>>
      %dma_wait3A_171 = tpu.memref_slice %arg13[%add3A_49] : memref<278528xi32, #tpu.memory_space<vmem_shared>> -> memref<1024xi32, #tpu.memory_space<vmem_shared>>
      %dma_wait3A_172 = arith.constant 3072 : i32
      %dma_wait3A_173 = tpu.memref_slice %arg11[%dma_wait3A_172] : memref<16384xi32, #tpu.memory_space<vmem>> -> memref<1024xi32, #tpu.memory_space<vmem>>
      %dma_wait3A_174 = tpu.memref_slice %arg13[%add3A_49] : memref<278528xi32, #tpu.memory_space<vmem_shared>> -> memref<1024xi32, #tpu.memory_space<vmem_shared>>
      tpu.wait_dma2 semaphore(%arg16 : memref<!tpu.dma_semaphore, #tpu.memory_space<semaphore_mem>>) src(%dma_wait3A_174 : memref<1024xi32, #tpu.memory_space<vmem_shared>>) dst(%dma_wait3A_173 : memref<1024xi32, #tpu.memory_space<vmem>>)
      %dma_wait3A_175 = arith.constant 4096 : i32
      %dma_wait3A_176 = tpu.memref_slice %arg11[%dma_wait3A_175] : memref<16384xi32, #tpu.memory_space<vmem>> -> memref<1024xi32, #tpu.memory_space<vmem>>
      %dma_wait3A_177 = tpu.memref_slice %arg13[%add3A_57] : memref<278528xi32, #tpu.memory_space<vmem_shared>> -> memref<1024xi32, #tpu.memory_space<vmem_shared>>
      %dma_wait3A_178 = arith.constant 4096 : i32
      %dma_wait3A_179 = tpu.memref_slice %arg11[%dma_wait3A_178] : memref<16384xi32, #tpu.memory_space<vmem>> -> memref<1024xi32, #tpu.memory_space<vmem>>
      %dma_wait3A_180 = tpu.memref_slice %arg13[%add3A_57] : memref<278528xi32, #tpu.memory_space<vmem_shared>> -> memref<1024xi32, #tpu.memory_space<vmem_shared>>
      tpu.wait_dma2 semaphore(%arg16 : memref<!tpu.dma_semaphore, #tpu.memory_space<semaphore_mem>>) src(%dma_wait3A_180 : memref<1024xi32, #tpu.memory_space<vmem_shared>>) dst(%dma_wait3A_179 : memref<1024xi32, #tpu.memory_space<vmem>>)
      %dma_wait3A_181 = arith.constant 5120 : i32
      %dma_wait3A_182 = tpu.memref_slice %arg11[%dma_wait3A_181] : memref<16384xi32, #tpu.memory_space<vmem>> -> memref<1024xi32, #tpu.memory_space<vmem>>
      %dma_wait3A_183 = tpu.memref_slice %arg13[%add3A_65] : memref<278528xi32, #tpu.memory_space<vmem_shared>> -> memref<1024xi32, #tpu.memory_space<vmem_shared>>
      %dma_wait3A_184 = arith.constant 5120 : i32
      %dma_wait3A_185 = tpu.memref_slice %arg11[%dma_wait3A_184] : memref<16384xi32, #tpu.memory_space<vmem>> -> memref<1024xi32, #tpu.memory_space<vmem>>
      %dma_wait3A_186 = tpu.memref_slice %arg13[%add3A_65] : memref<278528xi32, #tpu.memory_space<vmem_shared>> -> memref<1024xi32, #tpu.memory_space<vmem_shared>>
      tpu.wait_dma2 semaphore(%arg16 : memref<!tpu.dma_semaphore, #tpu.memory_space<semaphore_mem>>) src(%dma_wait3A_186 : memref<1024xi32, #tpu.memory_space<vmem_shared>>) dst(%dma_wait3A_185 : memref<1024xi32, #tpu.memory_space<vmem>>)
      %dma_wait3A_187 = arith.constant 6144 : i32
      %dma_wait3A_188 = tpu.memref_slice %arg11[%dma_wait3A_187] : memref<16384xi32, #tpu.memory_space<vmem>> -> memref<1024xi32, #tpu.memory_space<vmem>>
      %dma_wait3A_189 = tpu.memref_slice %arg13[%add3A_73] : memref<278528xi32, #tpu.memory_space<vmem_shared>> -> memref<1024xi32, #tpu.memory_space<vmem_shared>>
      %dma_wait3A_190 = arith.constant 6144 : i32
      %dma_wait3A_191 = tpu.memref_slice %arg11[%dma_wait3A_190] : memref<16384xi32, #tpu.memory_space<vmem>> -> memref<1024xi32, #tpu.memory_space<vmem>>
      %dma_wait3A_192 = tpu.memref_slice %arg13[%add3A_73] : memref<278528xi32, #tpu.memory_space<vmem_shared>> -> memref<1024xi32, #tpu.memory_space<vmem_shared>>
      tpu.wait_dma2 semaphore(%arg16 : memref<!tpu.dma_semaphore, #tpu.memory_space<semaphore_mem>>) src(%dma_wait3A_192 : memref<1024xi32, #tpu.memory_space<vmem_shared>>) dst(%dma_wait3A_191 : memref<1024xi32, #tpu.memory_space<vmem>>)
      %dma_wait3A_193 = arith.constant 7168 : i32
      %dma_wait3A_194 = tpu.memref_slice %arg11[%dma_wait3A_193] : memref<16384xi32, #tpu.memory_space<vmem>> -> memref<1024xi32, #tpu.memory_space<vmem>>
      %dma_wait3A_195 = tpu.memref_slice %arg13[%add3A_81] : memref<278528xi32, #tpu.memory_space<vmem_shared>> -> memref<1024xi32, #tpu.memory_space<vmem_shared>>
      %dma_wait3A_196 = arith.constant 7168 : i32
      %dma_wait3A_197 = tpu.memref_slice %arg11[%dma_wait3A_196] : memref<16384xi32, #tpu.memory_space<vmem>> -> memref<1024xi32, #tpu.memory_space<vmem>>
      %dma_wait3A_198 = tpu.memref_slice %arg13[%add3A_81] : memref<278528xi32, #tpu.memory_space<vmem_shared>> -> memref<1024xi32, #tpu.memory_space<vmem_shared>>
      tpu.wait_dma2 semaphore(%arg16 : memref<!tpu.dma_semaphore, #tpu.memory_space<semaphore_mem>>) src(%dma_wait3A_198 : memref<1024xi32, #tpu.memory_space<vmem_shared>>) dst(%dma_wait3A_197 : memref<1024xi32, #tpu.memory_space<vmem>>)
      %dma_wait3A_199 = arith.constant 8192 : i32
      %dma_wait3A_200 = tpu.memref_slice %arg11[%dma_wait3A_199] : memref<16384xi32, #tpu.memory_space<vmem>> -> memref<1024xi32, #tpu.memory_space<vmem>>
      %dma_wait3A_201 = tpu.memref_slice %arg13[%add3A_89] : memref<278528xi32, #tpu.memory_space<vmem_shared>> -> memref<1024xi32, #tpu.memory_space<vmem_shared>>
      %dma_wait3A_202 = arith.constant 8192 : i32
      %dma_wait3A_203 = tpu.memref_slice %arg11[%dma_wait3A_202] : memref<16384xi32, #tpu.memory_space<vmem>> -> memref<1024xi32, #tpu.memory_space<vmem>>
      %dma_wait3A_204 = tpu.memref_slice %arg13[%add3A_89] : memref<278528xi32, #tpu.memory_space<vmem_shared>> -> memref<1024xi32, #tpu.memory_space<vmem_shared>>
      tpu.wait_dma2 semaphore(%arg16 : memref<!tpu.dma_semaphore, #tpu.memory_space<semaphore_mem>>) src(%dma_wait3A_204 : memref<1024xi32, #tpu.memory_space<vmem_shared>>) dst(%dma_wait3A_203 : memref<1024xi32, #tpu.memory_space<vmem>>)
      %dma_wait3A_205 = arith.constant 9216 : i32
      %dma_wait3A_206 = tpu.memref_slice %arg11[%dma_wait3A_205] : memref<16384xi32, #tpu.memory_space<vmem>> -> memref<1024xi32, #tpu.memory_space<vmem>>
      %dma_wait3A_207 = tpu.memref_slice %arg13[%add3A_97] : memref<278528xi32, #tpu.memory_space<vmem_shared>> -> memref<1024xi32, #tpu.memory_space<vmem_shared>>
      %dma_wait3A_208 = arith.constant 9216 : i32
      %dma_wait3A_209 = tpu.memref_slice %arg11[%dma_wait3A_208] : memref<16384xi32, #tpu.memory_space<vmem>> -> memref<1024xi32, #tpu.memory_space<vmem>>
      %dma_wait3A_210 = tpu.memref_slice %arg13[%add3A_97] : memref<278528xi32, #tpu.memory_space<vmem_shared>> -> memref<1024xi32, #tpu.memory_space<vmem_shared>>
      tpu.wait_dma2 semaphore(%arg16 : memref<!tpu.dma_semaphore, #tpu.memory_space<semaphore_mem>>) src(%dma_wait3A_210 : memref<1024xi32, #tpu.memory_space<vmem_shared>>) dst(%dma_wait3A_209 : memref<1024xi32, #tpu.memory_space<vmem>>)
      %dma_wait3A_211 = arith.constant 10240 : i32
      %dma_wait3A_212 = tpu.memref_slice %arg11[%dma_wait3A_211] : memref<16384xi32, #tpu.memory_space<vmem>> -> memref<1024xi32, #tpu.memory_space<vmem>>
      %dma_wait3A_213 = tpu.memref_slice %arg13[%add3A_105] : memref<278528xi32, #tpu.memory_space<vmem_shared>> -> memref<1024xi32, #tpu.memory_space<vmem_shared>>
      %dma_wait3A_214 = arith.constant 10240 : i32
      %dma_wait3A_215 = tpu.memref_slice %arg11[%dma_wait3A_214] : memref<16384xi32, #tpu.memory_space<vmem>> -> memref<1024xi32, #tpu.memory_space<vmem>>
      %dma_wait3A_216 = tpu.memref_slice %arg13[%add3A_105] : memref<278528xi32, #tpu.memory_space<vmem_shared>> -> memref<1024xi32, #tpu.memory_space<vmem_shared>>
      tpu.wait_dma2 semaphore(%arg16 : memref<!tpu.dma_semaphore, #tpu.memory_space<semaphore_mem>>) src(%dma_wait3A_216 : memref<1024xi32, #tpu.memory_space<vmem_shared>>) dst(%dma_wait3A_215 : memref<1024xi32, #tpu.memory_space<vmem>>)
      %dma_wait3A_217 = arith.constant 11264 : i32
      %dma_wait3A_218 = tpu.memref_slice %arg11[%dma_wait3A_217] : memref<16384xi32, #tpu.memory_space<vmem>> -> memref<1024xi32, #tpu.memory_space<vmem>>
      %dma_wait3A_219 = tpu.memref_slice %arg13[%add3A_113] : memref<278528xi32, #tpu.memory_space<vmem_shared>> -> memref<1024xi32, #tpu.memory_space<vmem_shared>>
      %dma_wait3A_220 = arith.constant 11264 : i32
      %dma_wait3A_221 = tpu.memref_slice %arg11[%dma_wait3A_220] : memref<16384xi32, #tpu.memory_space<vmem>> -> memref<1024xi32, #tpu.memory_space<vmem>>
      %dma_wait3A_222 = tpu.memref_slice %arg13[%add3A_113] : memref<278528xi32, #tpu.memory_space<vmem_shared>> -> memref<1024xi32, #tpu.memory_space<vmem_shared>>
      tpu.wait_dma2 semaphore(%arg16 : memref<!tpu.dma_semaphore, #tpu.memory_space<semaphore_mem>>) src(%dma_wait3A_222 : memref<1024xi32, #tpu.memory_space<vmem_shared>>) dst(%dma_wait3A_221 : memref<1024xi32, #tpu.memory_space<vmem>>)
      %dma_wait3A_223 = arith.constant 12288 : i32
      %dma_wait3A_224 = tpu.memref_slice %arg11[%dma_wait3A_223] : memref<16384xi32, #tpu.memory_space<vmem>> -> memref<1024xi32, #tpu.memory_space<vmem>>
      %dma_wait3A_225 = tpu.memref_slice %arg13[%add3A_121] : memref<278528xi32, #tpu.memory_space<vmem_shared>> -> memref<1024xi32, #tpu.memory_space<vmem_shared>>
      %dma_wait3A_226 = arith.constant 12288 : i32
      %dma_wait3A_227 = tpu.memref_slice %arg11[%dma_wait3A_226] : memref<16384xi32, #tpu.memory_space<vmem>> -> memref<1024xi32, #tpu.memory_space<vmem>>
      %dma_wait3A_228 = tpu.memref_slice %arg13[%add3A_121] : memref<278528xi32, #tpu.memory_space<vmem_shared>> -> memref<1024xi32, #tpu.memory_space<vmem_shared>>
      tpu.wait_dma2 semaphore(%arg16 : memref<!tpu.dma_semaphore, #tpu.memory_space<semaphore_mem>>) src(%dma_wait3A_228 : memref<1024xi32, #tpu.memory_space<vmem_shared>>) dst(%dma_wait3A_227 : memref<1024xi32, #tpu.memory_space<vmem>>)
      %dma_wait3A_229 = arith.constant 13312 : i32
      %dma_wait3A_230 = tpu.memref_slice %arg11[%dma_wait3A_229] : memref<16384xi32, #tpu.memory_space<vmem>> -> memref<1024xi32, #tpu.memory_space<vmem>>
      %dma_wait3A_231 = tpu.memref_slice %arg13[%add3A_129] : memref<278528xi32, #tpu.memory_space<vmem_shared>> -> memref<1024xi32, #tpu.memory_space<vmem_shared>>
      %dma_wait3A_232 = arith.constant 13312 : i32
      %dma_wait3A_233 = tpu.memref_slice %arg11[%dma_wait3A_232] : memref<16384xi32, #tpu.memory_space<vmem>> -> memref<1024xi32, #tpu.memory_space<vmem>>
      %dma_wait3A_234 = tpu.memref_slice %arg13[%add3A_129] : memref<278528xi32, #tpu.memory_space<vmem_shared>> -> memref<1024xi32, #tpu.memory_space<vmem_shared>>
      tpu.wait_dma2 semaphore(%arg16 : memref<!tpu.dma_semaphore, #tpu.memory_space<semaphore_mem>>) src(%dma_wait3A_234 : memref<1024xi32, #tpu.memory_space<vmem_shared>>) dst(%dma_wait3A_233 : memref<1024xi32, #tpu.memory_space<vmem>>)
      %dma_wait3A_235 = arith.constant 14336 : i32
      %dma_wait3A_236 = tpu.memref_slice %arg11[%dma_wait3A_235] : memref<16384xi32, #tpu.memory_space<vmem>> -> memref<1024xi32, #tpu.memory_space<vmem>>
      %dma_wait3A_237 = tpu.memref_slice %arg13[%add3A_137] : memref<278528xi32, #tpu.memory_space<vmem_shared>> -> memref<1024xi32, #tpu.memory_space<vmem_shared>>
      %dma_wait3A_238 = arith.constant 14336 : i32
      %dma_wait3A_239 = tpu.memref_slice %arg11[%dma_wait3A_238] : memref<16384xi32, #tpu.memory_space<vmem>> -> memref<1024xi32, #tpu.memory_space<vmem>>
      %dma_wait3A_240 = tpu.memref_slice %arg13[%add3A_137] : memref<278528xi32, #tpu.memory_space<vmem_shared>> -> memref<1024xi32, #tpu.memory_space<vmem_shared>>
      tpu.wait_dma2 semaphore(%arg16 : memref<!tpu.dma_semaphore, #tpu.memory_space<semaphore_mem>>) src(%dma_wait3A_240 : memref<1024xi32, #tpu.memory_space<vmem_shared>>) dst(%dma_wait3A_239 : memref<1024xi32, #tpu.memory_space<vmem>>)
      %dma_wait3A_241 = arith.constant 15360 : i32
      %dma_wait3A_242 = tpu.memref_slice %arg11[%dma_wait3A_241] : memref<16384xi32, #tpu.memory_space<vmem>> -> memref<1024xi32, #tpu.memory_space<vmem>>
      %dma_wait3A_243 = tpu.memref_slice %arg13[%add3A_145] : memref<278528xi32, #tpu.memory_space<vmem_shared>> -> memref<1024xi32, #tpu.memory_space<vmem_shared>>
      %dma_wait3A_244 = arith.constant 15360 : i32
      %dma_wait3A_245 = tpu.memref_slice %arg11[%dma_wait3A_244] : memref<16384xi32, #tpu.memory_space<vmem>> -> memref<1024xi32, #tpu.memory_space<vmem>>
      %dma_wait3A_246 = tpu.memref_slice %arg13[%add3A_145] : memref<278528xi32, #tpu.memory_space<vmem_shared>> -> memref<1024xi32, #tpu.memory_space<vmem_shared>>
      tpu.wait_dma2 semaphore(%arg16 : memref<!tpu.dma_semaphore, #tpu.memory_space<semaphore_mem>>) src(%dma_wait3A_246 : memref<1024xi32, #tpu.memory_space<vmem_shared>>) dst(%dma_wait3A_245 : memref<1024xi32, #tpu.memory_space<vmem>>)
      %scan3A_247 = arith.constant 0 : i32
      %scan3A_248 = arith.constant 0 : i32
      %scan3A_249 = arith.constant 64 : i32
      %scan3A_250 = arith.addi %scan3A_248, %scan3A_249 : i32
      %scan3A_251 = arith.constant 1 : i32
      %scan3A_252 = scf.for %scan3A_979 = %scan3A_248 to %scan3A_250 step %scan3A_251 iter_args(%scan3A_980 = %scan3A_247) -> (i32)  : i32 {
        %mul3A_981 = arith.constant 16 : i32
        %mul3A_982 = arith.muli %scan3A_979, %mul3A_981 : i32
        %get3A = arith.index_cast %mul3A_982 : i32 to index
        %get3A_983 = tpu.vector_load %arg11[%get3A] {strides = array<i32>} : memref<16384xi32, #tpu.memory_space<vmem>>, vector<16xi32>,
        %mul3A_984 = arith.constant 16 : i32
        %mul3A_985 = arith.muli %scan3A_979, %mul3A_984 : i32
        %add3A_986 = arith.constant 1024 : i32
        %add3A_987 = arith.addi %add3A_986, %mul3A_985 : i32
        %get3A_988 = arith.index_cast %add3A_987 : i32 to index
        %get3A_989 = tpu.vector_load %arg11[%get3A_988] {strides = array<i32>} : memref<16384xi32, #tpu.memory_space<vmem>>, vector<16xi32>,
        %or3A = arith.ori %get3A_983, %get3A_989 : vector<16xi32>
        %mul3A_990 = arith.constant 16 : i32
        %mul3A_991 = arith.muli %scan3A_979, %mul3A_990 : i32
        %add3A_992 = arith.constant 2048 : i32
        %add3A_993 = arith.addi %add3A_992, %mul3A_991 : i32
        %get3A_994 = arith.index_cast %add3A_993 : i32 to index
        %get3A_995 = tpu.vector_load %arg11[%get3A_994] {strides = array<i32>} : memref<16384xi32, #tpu.memory_space<vmem>>, vector<16xi32>,
        %or3A_996 = arith.ori %or3A, %get3A_995 : vector<16xi32>
        %mul3A_997 = arith.constant 16 : i32
        %mul3A_998 = arith.muli %scan3A_979, %mul3A_997 : i32
        %add3A_999 = arith.constant 3072 : i32
        %add3A_1000 = arith.addi %add3A_999, %mul3A_998 : i32
        %get3A_1001 = arith.index_cast %add3A_1000 : i32 to index
        %get3A_1002 = tpu.vector_load %arg11[%get3A_1001] {strides = array<i32>} : memref<16384xi32, #tpu.memory_space<vmem>>, vector<16xi32>,
        %or3A_1003 = arith.ori %or3A_996, %get3A_1002 : vector<16xi32>
        %mul3A_1004 = arith.constant 16 : i32
        %mul3A_1005 = arith.muli %scan3A_979, %mul3A_1004 : i32
        %add3A_1006 = arith.constant 4096 : i32
        %add3A_1007 = arith.addi %add3A_1006, %mul3A_1005 : i32
        %get3A_1008 = arith.index_cast %add3A_1007 : i32 to index
        %get3A_1009 = tpu.vector_load %arg11[%get3A_1008] {strides = array<i32>} : memref<16384xi32, #tpu.memory_space<vmem>>, vector<16xi32>,
        %or3A_1010 = arith.ori %or3A_1003, %get3A_1009 : vector<16xi32>
        %mul3A_1011 = arith.constant 16 : i32
        %mul3A_1012 = arith.muli %scan3A_979, %mul3A_1011 : i32
        %add3A_1013 = arith.constant 5120 : i32
        %add3A_1014 = arith.addi %add3A_1013, %mul3A_1012 : i32
        %get3A_1015 = arith.index_cast %add3A_1014 : i32 to index
        %get3A_1016 = tpu.vector_load %arg11[%get3A_1015] {strides = array<i32>} : memref<16384xi32, #tpu.memory_space<vmem>>, vector<16xi32>,
        %or3A_1017 = arith.ori %or3A_1010, %get3A_1016 : vector<16xi32>
        %mul3A_1018 = arith.constant 16 : i32
        %mul3A_1019 = arith.muli %scan3A_979, %mul3A_1018 : i32
        %add3A_1020 = arith.constant 6144 : i32
        %add3A_1021 = arith.addi %add3A_1020, %mul3A_1019 : i32
        %get3A_1022 = arith.index_cast %add3A_1021 : i32 to index
        %get3A_1023 = tpu.vector_load %arg11[%get3A_1022] {strides = array<i32>} : memref<16384xi32, #tpu.memory_space<vmem>>, vector<16xi32>,
        %or3A_1024 = arith.ori %or3A_1017, %get3A_1023 : vector<16xi32>
        %mul3A_1025 = arith.constant 16 : i32
        %mul3A_1026 = arith.muli %scan3A_979, %mul3A_1025 : i32
        %add3A_1027 = arith.constant 7168 : i32
        %add3A_1028 = arith.addi %add3A_1027, %mul3A_1026 : i32
        %get3A_1029 = arith.index_cast %add3A_1028 : i32 to index
        %get3A_1030 = tpu.vector_load %arg11[%get3A_1029] {strides = array<i32>} : memref<16384xi32, #tpu.memory_space<vmem>>, vector<16xi32>,
        %or3A_1031 = arith.ori %or3A_1024, %get3A_1030 : vector<16xi32>
        %mul3A_1032 = arith.constant 16 : i32
        %mul3A_1033 = arith.muli %scan3A_979, %mul3A_1032 : i32
        %add3A_1034 = arith.constant 8192 : i32
        %add3A_1035 = arith.addi %add3A_1034, %mul3A_1033 : i32
        %get3A_1036 = arith.index_cast %add3A_1035 : i32 to index
        %get3A_1037 = tpu.vector_load %arg11[%get3A_1036] {strides = array<i32>} : memref<16384xi32, #tpu.memory_space<vmem>>, vector<16xi32>,
        %or3A_1038 = arith.ori %or3A_1031, %get3A_1037 : vector<16xi32>
        %mul3A_1039 = arith.constant 16 : i32
        %mul3A_1040 = arith.muli %scan3A_979, %mul3A_1039 : i32
        %add3A_1041 = arith.constant 9216 : i32
        %add3A_1042 = arith.addi %add3A_1041, %mul3A_1040 : i32
        %get3A_1043 = arith.index_cast %add3A_1042 : i32 to index
        %get3A_1044 = tpu.vector_load %arg11[%get3A_1043] {strides = array<i32>} : memref<16384xi32, #tpu.memory_space<vmem>>, vector<16xi32>,
        %or3A_1045 = arith.ori %or3A_1038, %get3A_1044 : vector<16xi32>
        %mul3A_1046 = arith.constant 16 : i32
        %mul3A_1047 = arith.muli %scan3A_979, %mul3A_1046 : i32
        %add3A_1048 = arith.constant 10240 : i32
        %add3A_1049 = arith.addi %add3A_1048, %mul3A_1047 : i32
        %get3A_1050 = arith.index_cast %add3A_1049 : i32 to index
        %get3A_1051 = tpu.vector_load %arg11[%get3A_1050] {strides = array<i32>} : memref<16384xi32, #tpu.memory_space<vmem>>, vector<16xi32>,
        %or3A_1052 = arith.ori %or3A_1045, %get3A_1051 : vector<16xi32>
        %mul3A_1053 = arith.constant 16 : i32
        %mul3A_1054 = arith.muli %scan3A_979, %mul3A_1053 : i32
        %add3A_1055 = arith.constant 11264 : i32
        %add3A_1056 = arith.addi %add3A_1055, %mul3A_1054 : i32
        %get3A_1057 = arith.index_cast %add3A_1056 : i32 to index
        %get3A_1058 = tpu.vector_load %arg11[%get3A_1057] {strides = array<i32>} : memref<16384xi32, #tpu.memory_space<vmem>>, vector<16xi32>,
        %or3A_1059 = arith.ori %or3A_1052, %get3A_1058 : vector<16xi32>
        %mul3A_1060 = arith.constant 16 : i32
        %mul3A_1061 = arith.muli %scan3A_979, %mul3A_1060 : i32
        %add3A_1062 = arith.constant 12288 : i32
        %add3A_1063 = arith.addi %add3A_1062, %mul3A_1061 : i32
        %get3A_1064 = arith.index_cast %add3A_1063 : i32 to index
        %get3A_1065 = tpu.vector_load %arg11[%get3A_1064] {strides = array<i32>} : memref<16384xi32, #tpu.memory_space<vmem>>, vector<16xi32>,
        %or3A_1066 = arith.ori %or3A_1059, %get3A_1065 : vector<16xi32>
        %mul3A_1067 = arith.constant 16 : i32
        %mul3A_1068 = arith.muli %scan3A_979, %mul3A_1067 : i32
        %add3A_1069 = arith.constant 13312 : i32
        %add3A_1070 = arith.addi %add3A_1069, %mul3A_1068 : i32
        %get3A_1071 = arith.index_cast %add3A_1070 : i32 to index
        %get3A_1072 = tpu.vector_load %arg11[%get3A_1071] {strides = array<i32>} : memref<16384xi32, #tpu.memory_space<vmem>>, vector<16xi32>,
        %or3A_1073 = arith.ori %or3A_1066, %get3A_1072 : vector<16xi32>
        %mul3A_1074 = arith.constant 16 : i32
        %mul3A_1075 = arith.muli %scan3A_979, %mul3A_1074 : i32
        %add3A_1076 = arith.constant 14336 : i32
        %add3A_1077 = arith.addi %add3A_1076, %mul3A_1075 : i32
        %get3A_1078 = arith.index_cast %add3A_1077 : i32 to index
        %get3A_1079 = tpu.vector_load %arg11[%get3A_1078] {strides = array<i32>} : memref<16384xi32, #tpu.memory_space<vmem>>, vector<16xi32>,
        %or3A_1080 = arith.ori %or3A_1073, %get3A_1079 : vector<16xi32>
        %mul3A_1081 = arith.constant 16 : i32
        %mul3A_1082 = arith.muli %scan3A_979, %mul3A_1081 : i32
        %add3A_1083 = arith.constant 15360 : i32
        %add3A_1084 = arith.addi %add3A_1083, %mul3A_1082 : i32
        %get3A_1085 = arith.index_cast %add3A_1084 : i32 to index
        %get3A_1086 = tpu.vector_load %arg11[%get3A_1085] {strides = array<i32>} : memref<16384xi32, #tpu.memory_space<vmem>>, vector<16xi32>,
        %or3A_1087 = arith.ori %or3A_1080, %get3A_1086 : vector<16xi32>
        %mul3A_1088 = arith.constant 16 : i32
        %mul3A_1089 = arith.muli %scan3A_979, %mul3A_1088 : i32
        %swap3A = arith.index_cast %mul3A_1089 : i32 to index
        %swap3A_1090 = tpu.vector_load %arg10[%swap3A] {strides = array<i32>} : memref<6400xi32, #tpu.memory_space<vmem>>, vector<16xi32>,
        tpu.vector_store %arg10[%swap3A], %or3A_1087 {strides = array<i32>} : memref<6400xi32, #tpu.memory_space<vmem>>, vector<16xi32>,
        %scan3A_1091 = arith.constant 0 : i32
        scf.yield %scan3A_1091 : i32
      }
      %scan3A_253 = arith.constant 64 : i32
      %add3A_254 = arith.constant 262144 : i32
      %add3A_255 = arith.addi %add3A_254, %mul3A_23 : i32
      "tpu.region"() ({
        %run_scoped3A = tpu.sem_alloc : memref<!tpu.dma_semaphore, #tpu.memory_space<semaphore_mem>>
        %dma_start3A_979 = arith.constant 0 : i32
        %dma_start3A_980 = tpu.memref_slice %arg10[%dma_start3A_979] : memref<6400xi32, #tpu.memory_space<vmem>> -> memref<1024xi32, #tpu.memory_space<vmem>>
        %dma_start3A_981 = tpu.memref_slice %arg13[%add3A_255] : memref<278528xi32, #tpu.memory_space<vmem_shared>> -> memref<1024xi32, #tpu.memory_space<vmem_shared>>
        %dma_start3A_982 = tpu.memref_slice %arg13[%add3A_255] : memref<278528xi32, #tpu.memory_space<vmem_shared>> -> memref<1024xi32, #tpu.memory_space<vmem_shared>>
        %dma_start3A_983 = arith.constant 0 : i32
        %dma_start3A_984 = tpu.memref_slice %arg10[%dma_start3A_983] : memref<6400xi32, #tpu.memory_space<vmem>> -> memref<1024xi32, #tpu.memory_space<vmem>>
        tpu.enqueue_dma source(%dma_start3A_984 : memref<1024xi32, #tpu.memory_space<vmem>>) target(%dma_start3A_982 : memref<1024xi32, #tpu.memory_space<vmem_shared>>) target_semaphore(%run_scoped3A : memref<!tpu.dma_semaphore, #tpu.memory_space<semaphore_mem>>)
        %dma_wait3A_985 = arith.constant 0 : i32
        %dma_wait3A_986 = tpu.memref_slice %arg10[%dma_wait3A_985] : memref<6400xi32, #tpu.memory_space<vmem>> -> memref<1024xi32, #tpu.memory_space<vmem>>
        %dma_wait3A_987 = tpu.memref_slice %arg13[%add3A_255] : memref<278528xi32, #tpu.memory_space<vmem_shared>> -> memref<1024xi32, #tpu.memory_space<vmem_shared>>
        %dma_wait3A_988 = tpu.memref_slice %arg13[%add3A_255] : memref<278528xi32, #tpu.memory_space<vmem_shared>> -> memref<1024xi32, #tpu.memory_space<vmem_shared>>
        %dma_wait3A_989 = arith.constant 0 : i32
        %dma_wait3A_990 = tpu.memref_slice %arg10[%dma_wait3A_989] : memref<6400xi32, #tpu.memory_space<vmem>> -> memref<1024xi32, #tpu.memory_space<vmem>>
        tpu.wait_dma2 semaphore(%run_scoped3A : memref<!tpu.dma_semaphore, #tpu.memory_space<semaphore_mem>>) src(%dma_wait3A_990 : memref<1024xi32, #tpu.memory_space<vmem>>) dst(%dma_wait3A_988 : memref<1024xi32, #tpu.memory_space<vmem_shared>>)
        tpu.yield
      }) : () -> ()
      %barrier3A_256 = arith.constant 0 : index
      tpu.barrier barrier_id(%barrier3A_256)
      "tpu.region"() ({
        %run_scoped3A = tpu.sem_alloc : memref<!tpu.dma_semaphore, #tpu.memory_space<semaphore_mem>>
        %dma_start3A_979 = arith.constant 0 : i32
        %dma_start3A_980 = tpu.memref_slice %arg12[%dma_start3A_979] : memref<65536xi32, #tpu.memory_space<vmem>> -> memref<16384xi32, #tpu.memory_space<vmem>>
        %dma_start3A_981 = arith.constant 262144 : i32
        %dma_start3A_982 = tpu.memref_slice %arg13[%dma_start3A_981] : memref<278528xi32, #tpu.memory_space<vmem_shared>> -> memref<16384xi32, #tpu.memory_space<vmem_shared>>
        %dma_start3A_983 = arith.constant 0 : i32
        %dma_start3A_984 = tpu.memref_slice %arg12[%dma_start3A_983] : memref<65536xi32, #tpu.memory_space<vmem>> -> memref<16384xi32, #tpu.memory_space<vmem>>
        %dma_start3A_985 = arith.constant 262144 : i32
        %dma_start3A_986 = tpu.memref_slice %arg13[%dma_start3A_985] : memref<278528xi32, #tpu.memory_space<vmem_shared>> -> memref<16384xi32, #tpu.memory_space<vmem_shared>>
        tpu.enqueue_dma source(%dma_start3A_986 : memref<16384xi32, #tpu.memory_space<vmem_shared>>) target(%dma_start3A_984 : memref<16384xi32, #tpu.memory_space<vmem>>) target_semaphore(%run_scoped3A : memref<!tpu.dma_semaphore, #tpu.memory_space<semaphore_mem>>)
        %dma_wait3A_987 = arith.constant 0 : i32
        %dma_wait3A_988 = tpu.memref_slice %arg12[%dma_wait3A_987] : memref<65536xi32, #tpu.memory_space<vmem>> -> memref<16384xi32, #tpu.memory_space<vmem>>
        %dma_wait3A_989 = arith.constant 262144 : i32
        %dma_wait3A_990 = tpu.memref_slice %arg13[%dma_wait3A_989] : memref<278528xi32, #tpu.memory_space<vmem_shared>> -> memref<16384xi32, #tpu.memory_space<vmem_shared>>
        %dma_wait3A_991 = arith.constant 0 : i32
        %dma_wait3A_992 = tpu.memref_slice %arg12[%dma_wait3A_991] : memref<65536xi32, #tpu.memory_space<vmem>> -> memref<16384xi32, #tpu.memory_space<vmem>>
        %dma_wait3A_993 = arith.constant 262144 : i32
        %dma_wait3A_994 = tpu.memref_slice %arg13[%dma_wait3A_993] : memref<278528xi32, #tpu.memory_space<vmem_shared>> -> memref<16384xi32, #tpu.memory_space<vmem_shared>>
        tpu.wait_dma2 semaphore(%run_scoped3A : memref<!tpu.dma_semaphore, #tpu.memory_space<semaphore_mem>>) src(%dma_wait3A_994 : memref<16384xi32, #tpu.memory_space<vmem_shared>>) dst(%dma_wait3A_992 : memref<16384xi32, #tpu.memory_space<vmem>>)
        tpu.yield
      }) : () -> ()
      %barrier3A_257 = arith.constant 0 : index
      tpu.barrier barrier_id(%barrier3A_257)
      %mul3A_258 = arith.constant 16384 : i32
      %mul3A_259 = arith.muli %arg1, %mul3A_258 : i32
      "tpu.region"() ({
        %run_scoped3A = tpu.sem_alloc : memref<!tpu.dma_semaphore, #tpu.memory_space<semaphore_mem>>
        %dma_start3A_979 = arith.constant 16384 : i32
        %dma_start3A_980 = tpu.memref_slice %arg12[%dma_start3A_979] : memref<65536xi32, #tpu.memory_space<vmem>> -> memref<16384xi32, #tpu.memory_space<vmem>>
        %dma_start3A_981 = tpu.memref_slice %arg13[%mul3A_259] : memref<278528xi32, #tpu.memory_space<vmem_shared>> -> memref<16384xi32, #tpu.memory_space<vmem_shared>>
        %dma_start3A_982 = tpu.memref_slice %arg13[%mul3A_259] : memref<278528xi32, #tpu.memory_space<vmem_shared>> -> memref<16384xi32, #tpu.memory_space<vmem_shared>>
        %dma_start3A_983 = arith.constant 16384 : i32
        %dma_start3A_984 = tpu.memref_slice %arg12[%dma_start3A_983] : memref<65536xi32, #tpu.memory_space<vmem>> -> memref<16384xi32, #tpu.memory_space<vmem>>
        tpu.enqueue_dma source(%dma_start3A_984 : memref<16384xi32, #tpu.memory_space<vmem>>) target(%dma_start3A_982 : memref<16384xi32, #tpu.memory_space<vmem_shared>>) target_semaphore(%run_scoped3A : memref<!tpu.dma_semaphore, #tpu.memory_space<semaphore_mem>>)
        %dma_wait3A_985 = arith.constant 16384 : i32
        %dma_wait3A_986 = tpu.memref_slice %arg12[%dma_wait3A_985] : memref<65536xi32, #tpu.memory_space<vmem>> -> memref<16384xi32, #tpu.memory_space<vmem>>
        %dma_wait3A_987 = tpu.memref_slice %arg13[%mul3A_259] : memref<278528xi32, #tpu.memory_space<vmem_shared>> -> memref<16384xi32, #tpu.memory_space<vmem_shared>>
        %dma_wait3A_988 = tpu.memref_slice %arg13[%mul3A_259] : memref<278528xi32, #tpu.memory_space<vmem_shared>> -> memref<16384xi32, #tpu.memory_space<vmem_shared>>
        %dma_wait3A_989 = arith.constant 16384 : i32
        %dma_wait3A_990 = tpu.memref_slice %arg12[%dma_wait3A_989] : memref<65536xi32, #tpu.memory_space<vmem>> -> memref<16384xi32, #tpu.memory_space<vmem>>
        tpu.wait_dma2 semaphore(%run_scoped3A : memref<!tpu.dma_semaphore, #tpu.memory_space<semaphore_mem>>) src(%dma_wait3A_990 : memref<16384xi32, #tpu.memory_space<vmem>>) dst(%dma_wait3A_988 : memref<16384xi32, #tpu.memory_space<vmem_shared>>)
        tpu.yield
      }) : () -> ()
      %barrier3A_260 = arith.constant 0 : index
      tpu.barrier barrier_id(%barrier3A_260)
      %add3A_261 = arith.constant 0 : i32
      %add3A_262 = arith.addi %add3A_261, %mul3A_23 : i32
      %dma_start3A_263 = arith.constant 0 : i32
      %dma_start3A_264 = tpu.memref_slice %arg11[%dma_start3A_263] : memref<16384xi32, #tpu.memory_space<vmem>> -> memref<1024xi32, #tpu.memory_space<vmem>>
      %dma_start3A_265 = tpu.memref_slice %arg13[%add3A_262] : memref<278528xi32, #tpu.memory_space<vmem_shared>> -> memref<1024xi32, #tpu.memory_space<vmem_shared>>
      %dma_start3A_266 = arith.constant 0 : i32
      %dma_start3A_267 = tpu.memref_slice %arg11[%dma_start3A_266] : memref<16384xi32, #tpu.memory_space<vmem>> -> memref<1024xi32, #tpu.memory_space<vmem>>
      %dma_start3A_268 = tpu.memref_slice %arg13[%add3A_262] : memref<278528xi32, #tpu.memory_space<vmem_shared>> -> memref<1024xi32, #tpu.memory_space<vmem_shared>>
      tpu.enqueue_dma source(%dma_start3A_268 : memref<1024xi32, #tpu.memory_space<vmem_shared>>) target(%dma_start3A_267 : memref<1024xi32, #tpu.memory_space<vmem>>) target_semaphore(%arg16 : memref<!tpu.dma_semaphore, #tpu.memory_space<semaphore_mem>>)
      %add3A_269 = arith.constant 16384 : i32
      %add3A_270 = arith.addi %add3A_269, %mul3A_23 : i32
      %dma_start3A_271 = arith.constant 1024 : i32
      %dma_start3A_272 = tpu.memref_slice %arg11[%dma_start3A_271] : memref<16384xi32, #tpu.memory_space<vmem>> -> memref<1024xi32, #tpu.memory_space<vmem>>
      %dma_start3A_273 = tpu.memref_slice %arg13[%add3A_270] : memref<278528xi32, #tpu.memory_space<vmem_shared>> -> memref<1024xi32, #tpu.memory_space<vmem_shared>>
      %dma_start3A_274 = arith.constant 1024 : i32
      %dma_start3A_275 = tpu.memref_slice %arg11[%dma_start3A_274] : memref<16384xi32, #tpu.memory_space<vmem>> -> memref<1024xi32, #tpu.memory_space<vmem>>
      %dma_start3A_276 = tpu.memref_slice %arg13[%add3A_270] : memref<278528xi32, #tpu.memory_space<vmem_shared>> -> memref<1024xi32, #tpu.memory_space<vmem_shared>>
      tpu.enqueue_dma source(%dma_start3A_276 : memref<1024xi32, #tpu.memory_space<vmem_shared>>) target(%dma_start3A_275 : memref<1024xi32, #tpu.memory_space<vmem>>) target_semaphore(%arg16 : memref<!tpu.dma_semaphore, #tpu.memory_space<semaphore_mem>>)
      %add3A_277 = arith.constant 32768 : i32
      %add3A_278 = arith.addi %add3A_277, %mul3A_23 : i32
      %dma_start3A_279 = arith.constant 2048 : i32
      %dma_start3A_280 = tpu.memref_slice %arg11[%dma_start3A_279] : memref<16384xi32, #tpu.memory_space<vmem>> -> memref<1024xi32, #tpu.memory_space<vmem>>
      %dma_start3A_281 = tpu.memref_slice %arg13[%add3A_278] : memref<278528xi32, #tpu.memory_space<vmem_shared>> -> memref<1024xi32, #tpu.memory_space<vmem_shared>>
      %dma_start3A_282 = arith.constant 2048 : i32
      %dma_start3A_283 = tpu.memref_slice %arg11[%dma_start3A_282] : memref<16384xi32, #tpu.memory_space<vmem>> -> memref<1024xi32, #tpu.memory_space<vmem>>
      %dma_start3A_284 = tpu.memref_slice %arg13[%add3A_278] : memref<278528xi32, #tpu.memory_space<vmem_shared>> -> memref<1024xi32, #tpu.memory_space<vmem_shared>>
      tpu.enqueue_dma source(%dma_start3A_284 : memref<1024xi32, #tpu.memory_space<vmem_shared>>) target(%dma_start3A_283 : memref<1024xi32, #tpu.memory_space<vmem>>) target_semaphore(%arg16 : memref<!tpu.dma_semaphore, #tpu.memory_space<semaphore_mem>>)
      %add3A_285 = arith.constant 49152 : i32
      %add3A_286 = arith.addi %add3A_285, %mul3A_23 : i32
      %dma_start3A_287 = arith.constant 3072 : i32
      %dma_start3A_288 = tpu.memref_slice %arg11[%dma_start3A_287] : memref<16384xi32, #tpu.memory_space<vmem>> -> memref<1024xi32, #tpu.memory_space<vmem>>
      %dma_start3A_289 = tpu.memref_slice %arg13[%add3A_286] : memref<278528xi32, #tpu.memory_space<vmem_shared>> -> memref<1024xi32, #tpu.memory_space<vmem_shared>>
      %dma_start3A_290 = arith.constant 3072 : i32
      %dma_start3A_291 = tpu.memref_slice %arg11[%dma_start3A_290] : memref<16384xi32, #tpu.memory_space<vmem>> -> memref<1024xi32, #tpu.memory_space<vmem>>
      %dma_start3A_292 = tpu.memref_slice %arg13[%add3A_286] : memref<278528xi32, #tpu.memory_space<vmem_shared>> -> memref<1024xi32, #tpu.memory_space<vmem_shared>>
      tpu.enqueue_dma source(%dma_start3A_292 : memref<1024xi32, #tpu.memory_space<vmem_shared>>) target(%dma_start3A_291 : memref<1024xi32, #tpu.memory_space<vmem>>) target_semaphore(%arg16 : memref<!tpu.dma_semaphore, #tpu.memory_space<semaphore_mem>>)
      %add3A_293 = arith.constant 65536 : i32
      %add3A_294 = arith.addi %add3A_293, %mul3A_23 : i32
      %dma_start3A_295 = arith.constant 4096 : i32
      %dma_start3A_296 = tpu.memref_slice %arg11[%dma_start3A_295] : memref<16384xi32, #tpu.memory_space<vmem>> -> memref<1024xi32, #tpu.memory_space<vmem>>
      %dma_start3A_297 = tpu.memref_slice %arg13[%add3A_294] : memref<278528xi32, #tpu.memory_space<vmem_shared>> -> memref<1024xi32, #tpu.memory_space<vmem_shared>>
      %dma_start3A_298 = arith.constant 4096 : i32
      %dma_start3A_299 = tpu.memref_slice %arg11[%dma_start3A_298] : memref<16384xi32, #tpu.memory_space<vmem>> -> memref<1024xi32, #tpu.memory_space<vmem>>
      %dma_start3A_300 = tpu.memref_slice %arg13[%add3A_294] : memref<278528xi32, #tpu.memory_space<vmem_shared>> -> memref<1024xi32, #tpu.memory_space<vmem_shared>>
      tpu.enqueue_dma source(%dma_start3A_300 : memref<1024xi32, #tpu.memory_space<vmem_shared>>) target(%dma_start3A_299 : memref<1024xi32, #tpu.memory_space<vmem>>) target_semaphore(%arg16 : memref<!tpu.dma_semaphore, #tpu.memory_space<semaphore_mem>>)
      %add3A_301 = arith.constant 81920 : i32
      %add3A_302 = arith.addi %add3A_301, %mul3A_23 : i32
      %dma_start3A_303 = arith.constant 5120 : i32
      %dma_start3A_304 = tpu.memref_slice %arg11[%dma_start3A_303] : memref<16384xi32, #tpu.memory_space<vmem>> -> memref<1024xi32, #tpu.memory_space<vmem>>
      %dma_start3A_305 = tpu.memref_slice %arg13[%add3A_302] : memref<278528xi32, #tpu.memory_space<vmem_shared>> -> memref<1024xi32, #tpu.memory_space<vmem_shared>>
      %dma_start3A_306 = arith.constant 5120 : i32
      %dma_start3A_307 = tpu.memref_slice %arg11[%dma_start3A_306] : memref<16384xi32, #tpu.memory_space<vmem>> -> memref<1024xi32, #tpu.memory_space<vmem>>
      %dma_start3A_308 = tpu.memref_slice %arg13[%add3A_302] : memref<278528xi32, #tpu.memory_space<vmem_shared>> -> memref<1024xi32, #tpu.memory_space<vmem_shared>>
      tpu.enqueue_dma source(%dma_start3A_308 : memref<1024xi32, #tpu.memory_space<vmem_shared>>) target(%dma_start3A_307 : memref<1024xi32, #tpu.memory_space<vmem>>) target_semaphore(%arg16 : memref<!tpu.dma_semaphore, #tpu.memory_space<semaphore_mem>>)
      %add3A_309 = arith.constant 98304 : i32
      %add3A_310 = arith.addi %add3A_309, %mul3A_23 : i32
      %dma_start3A_311 = arith.constant 6144 : i32
      %dma_start3A_312 = tpu.memref_slice %arg11[%dma_start3A_311] : memref<16384xi32, #tpu.memory_space<vmem>> -> memref<1024xi32, #tpu.memory_space<vmem>>
      %dma_start3A_313 = tpu.memref_slice %arg13[%add3A_310] : memref<278528xi32, #tpu.memory_space<vmem_shared>> -> memref<1024xi32, #tpu.memory_space<vmem_shared>>
      %dma_start3A_314 = arith.constant 6144 : i32
      %dma_start3A_315 = tpu.memref_slice %arg11[%dma_start3A_314] : memref<16384xi32, #tpu.memory_space<vmem>> -> memref<1024xi32, #tpu.memory_space<vmem>>
      %dma_start3A_316 = tpu.memref_slice %arg13[%add3A_310] : memref<278528xi32, #tpu.memory_space<vmem_shared>> -> memref<1024xi32, #tpu.memory_space<vmem_shared>>
      tpu.enqueue_dma source(%dma_start3A_316 : memref<1024xi32, #tpu.memory_space<vmem_shared>>) target(%dma_start3A_315 : memref<1024xi32, #tpu.memory_space<vmem>>) target_semaphore(%arg16 : memref<!tpu.dma_semaphore, #tpu.memory_space<semaphore_mem>>)
      %add3A_317 = arith.constant 114688 : i32
      %add3A_318 = arith.addi %add3A_317, %mul3A_23 : i32
      %dma_start3A_319 = arith.constant 7168 : i32
      %dma_start3A_320 = tpu.memref_slice %arg11[%dma_start3A_319] : memref<16384xi32, #tpu.memory_space<vmem>> -> memref<1024xi32, #tpu.memory_space<vmem>>
      %dma_start3A_321 = tpu.memref_slice %arg13[%add3A_318] : memref<278528xi32, #tpu.memory_space<vmem_shared>> -> memref<1024xi32, #tpu.memory_space<vmem_shared>>
      %dma_start3A_322 = arith.constant 7168 : i32
      %dma_start3A_323 = tpu.memref_slice %arg11[%dma_start3A_322] : memref<16384xi32, #tpu.memory_space<vmem>> -> memref<1024xi32, #tpu.memory_space<vmem>>
      %dma_start3A_324 = tpu.memref_slice %arg13[%add3A_318] : memref<278528xi32, #tpu.memory_space<vmem_shared>> -> memref<1024xi32, #tpu.memory_space<vmem_shared>>
      tpu.enqueue_dma source(%dma_start3A_324 : memref<1024xi32, #tpu.memory_space<vmem_shared>>) target(%dma_start3A_323 : memref<1024xi32, #tpu.memory_space<vmem>>) target_semaphore(%arg16 : memref<!tpu.dma_semaphore, #tpu.memory_space<semaphore_mem>>)
      %add3A_325 = arith.constant 131072 : i32
      %add3A_326 = arith.addi %add3A_325, %mul3A_23 : i32
      %dma_start3A_327 = arith.constant 8192 : i32
      %dma_start3A_328 = tpu.memref_slice %arg11[%dma_start3A_327] : memref<16384xi32, #tpu.memory_space<vmem>> -> memref<1024xi32, #tpu.memory_space<vmem>>
      %dma_start3A_329 = tpu.memref_slice %arg13[%add3A_326] : memref<278528xi32, #tpu.memory_space<vmem_shared>> -> memref<1024xi32, #tpu.memory_space<vmem_shared>>
      %dma_start3A_330 = arith.constant 8192 : i32
      %dma_start3A_331 = tpu.memref_slice %arg11[%dma_start3A_330] : memref<16384xi32, #tpu.memory_space<vmem>> -> memref<1024xi32, #tpu.memory_space<vmem>>
      %dma_start3A_332 = tpu.memref_slice %arg13[%add3A_326] : memref<278528xi32, #tpu.memory_space<vmem_shared>> -> memref<1024xi32, #tpu.memory_space<vmem_shared>>
      tpu.enqueue_dma source(%dma_start3A_332 : memref<1024xi32, #tpu.memory_space<vmem_shared>>) target(%dma_start3A_331 : memref<1024xi32, #tpu.memory_space<vmem>>) target_semaphore(%arg16 : memref<!tpu.dma_semaphore, #tpu.memory_space<semaphore_mem>>)
      %add3A_333 = arith.constant 147456 : i32
      %add3A_334 = arith.addi %add3A_333, %mul3A_23 : i32
      %dma_start3A_335 = arith.constant 9216 : i32
      %dma_start3A_336 = tpu.memref_slice %arg11[%dma_start3A_335] : memref<16384xi32, #tpu.memory_space<vmem>> -> memref<1024xi32, #tpu.memory_space<vmem>>
      %dma_start3A_337 = tpu.memref_slice %arg13[%add3A_334] : memref<278528xi32, #tpu.memory_space<vmem_shared>> -> memref<1024xi32, #tpu.memory_space<vmem_shared>>
      %dma_start3A_338 = arith.constant 9216 : i32
      %dma_start3A_339 = tpu.memref_slice %arg11[%dma_start3A_338] : memref<16384xi32, #tpu.memory_space<vmem>> -> memref<1024xi32, #tpu.memory_space<vmem>>
      %dma_start3A_340 = tpu.memref_slice %arg13[%add3A_334] : memref<278528xi32, #tpu.memory_space<vmem_shared>> -> memref<1024xi32, #tpu.memory_space<vmem_shared>>
      tpu.enqueue_dma source(%dma_start3A_340 : memref<1024xi32, #tpu.memory_space<vmem_shared>>) target(%dma_start3A_339 : memref<1024xi32, #tpu.memory_space<vmem>>) target_semaphore(%arg16 : memref<!tpu.dma_semaphore, #tpu.memory_space<semaphore_mem>>)
      %add3A_341 = arith.constant 163840 : i32
      %add3A_342 = arith.addi %add3A_341, %mul3A_23 : i32
      %dma_start3A_343 = arith.constant 10240 : i32
      %dma_start3A_344 = tpu.memref_slice %arg11[%dma_start3A_343] : memref<16384xi32, #tpu.memory_space<vmem>> -> memref<1024xi32, #tpu.memory_space<vmem>>
      %dma_start3A_345 = tpu.memref_slice %arg13[%add3A_342] : memref<278528xi32, #tpu.memory_space<vmem_shared>> -> memref<1024xi32, #tpu.memory_space<vmem_shared>>
      %dma_start3A_346 = arith.constant 10240 : i32
      %dma_start3A_347 = tpu.memref_slice %arg11[%dma_start3A_346] : memref<16384xi32, #tpu.memory_space<vmem>> -> memref<1024xi32, #tpu.memory_space<vmem>>
      %dma_start3A_348 = tpu.memref_slice %arg13[%add3A_342] : memref<278528xi32, #tpu.memory_space<vmem_shared>> -> memref<1024xi32, #tpu.memory_space<vmem_shared>>
      tpu.enqueue_dma source(%dma_start3A_348 : memref<1024xi32, #tpu.memory_space<vmem_shared>>) target(%dma_start3A_347 : memref<1024xi32, #tpu.memory_space<vmem>>) target_semaphore(%arg16 : memref<!tpu.dma_semaphore, #tpu.memory_space<semaphore_mem>>)
      %add3A_349 = arith.constant 180224 : i32
      %add3A_350 = arith.addi %add3A_349, %mul3A_23 : i32
      %dma_start3A_351 = arith.constant 11264 : i32
      %dma_start3A_352 = tpu.memref_slice %arg11[%dma_start3A_351] : memref<16384xi32, #tpu.memory_space<vmem>> -> memref<1024xi32, #tpu.memory_space<vmem>>
      %dma_start3A_353 = tpu.memref_slice %arg13[%add3A_350] : memref<278528xi32, #tpu.memory_space<vmem_shared>> -> memref<1024xi32, #tpu.memory_space<vmem_shared>>
      %dma_start3A_354 = arith.constant 11264 : i32
      %dma_start3A_355 = tpu.memref_slice %arg11[%dma_start3A_354] : memref<16384xi32, #tpu.memory_space<vmem>> -> memref<1024xi32, #tpu.memory_space<vmem>>
      %dma_start3A_356 = tpu.memref_slice %arg13[%add3A_350] : memref<278528xi32, #tpu.memory_space<vmem_shared>> -> memref<1024xi32, #tpu.memory_space<vmem_shared>>
      tpu.enqueue_dma source(%dma_start3A_356 : memref<1024xi32, #tpu.memory_space<vmem_shared>>) target(%dma_start3A_355 : memref<1024xi32, #tpu.memory_space<vmem>>) target_semaphore(%arg16 : memref<!tpu.dma_semaphore, #tpu.memory_space<semaphore_mem>>)
      %add3A_357 = arith.constant 196608 : i32
      %add3A_358 = arith.addi %add3A_357, %mul3A_23 : i32
      %dma_start3A_359 = arith.constant 12288 : i32
      %dma_start3A_360 = tpu.memref_slice %arg11[%dma_start3A_359] : memref<16384xi32, #tpu.memory_space<vmem>> -> memref<1024xi32, #tpu.memory_space<vmem>>
      %dma_start3A_361 = tpu.memref_slice %arg13[%add3A_358] : memref<278528xi32, #tpu.memory_space<vmem_shared>> -> memref<1024xi32, #tpu.memory_space<vmem_shared>>
      %dma_start3A_362 = arith.constant 12288 : i32
      %dma_start3A_363 = tpu.memref_slice %arg11[%dma_start3A_362] : memref<16384xi32, #tpu.memory_space<vmem>> -> memref<1024xi32, #tpu.memory_space<vmem>>
      %dma_start3A_364 = tpu.memref_slice %arg13[%add3A_358] : memref<278528xi32, #tpu.memory_space<vmem_shared>> -> memref<1024xi32, #tpu.memory_space<vmem_shared>>
      tpu.enqueue_dma source(%dma_start3A_364 : memref<1024xi32, #tpu.memory_space<vmem_shared>>) target(%dma_start3A_363 : memref<1024xi32, #tpu.memory_space<vmem>>) target_semaphore(%arg16 : memref<!tpu.dma_semaphore, #tpu.memory_space<semaphore_mem>>)
      %add3A_365 = arith.constant 212992 : i32
      %add3A_366 = arith.addi %add3A_365, %mul3A_23 : i32
      %dma_start3A_367 = arith.constant 13312 : i32
      %dma_start3A_368 = tpu.memref_slice %arg11[%dma_start3A_367] : memref<16384xi32, #tpu.memory_space<vmem>> -> memref<1024xi32, #tpu.memory_space<vmem>>
      %dma_start3A_369 = tpu.memref_slice %arg13[%add3A_366] : memref<278528xi32, #tpu.memory_space<vmem_shared>> -> memref<1024xi32, #tpu.memory_space<vmem_shared>>
      %dma_start3A_370 = arith.constant 13312 : i32
      %dma_start3A_371 = tpu.memref_slice %arg11[%dma_start3A_370] : memref<16384xi32, #tpu.memory_space<vmem>> -> memref<1024xi32, #tpu.memory_space<vmem>>
      %dma_start3A_372 = tpu.memref_slice %arg13[%add3A_366] : memref<278528xi32, #tpu.memory_space<vmem_shared>> -> memref<1024xi32, #tpu.memory_space<vmem_shared>>
      tpu.enqueue_dma source(%dma_start3A_372 : memref<1024xi32, #tpu.memory_space<vmem_shared>>) target(%dma_start3A_371 : memref<1024xi32, #tpu.memory_space<vmem>>) target_semaphore(%arg16 : memref<!tpu.dma_semaphore, #tpu.memory_space<semaphore_mem>>)
      %add3A_373 = arith.constant 229376 : i32
      %add3A_374 = arith.addi %add3A_373, %mul3A_23 : i32
      %dma_start3A_375 = arith.constant 14336 : i32
      %dma_start3A_376 = tpu.memref_slice %arg11[%dma_start3A_375] : memref<16384xi32, #tpu.memory_space<vmem>> -> memref<1024xi32, #tpu.memory_space<vmem>>
      %dma_start3A_377 = tpu.memref_slice %arg13[%add3A_374] : memref<278528xi32, #tpu.memory_space<vmem_shared>> -> memref<1024xi32, #tpu.memory_space<vmem_shared>>
      %dma_start3A_378 = arith.constant 14336 : i32
      %dma_start3A_379 = tpu.memref_slice %arg11[%dma_start3A_378] : memref<16384xi32, #tpu.memory_space<vmem>> -> memref<1024xi32, #tpu.memory_space<vmem>>
      %dma_start3A_380 = tpu.memref_slice %arg13[%add3A_374] : memref<278528xi32, #tpu.memory_space<vmem_shared>> -> memref<1024xi32, #tpu.memory_space<vmem_shared>>
      tpu.enqueue_dma source(%dma_start3A_380 : memref<1024xi32, #tpu.memory_space<vmem_shared>>) target(%dma_start3A_379 : memref<1024xi32, #tpu.memory_space<vmem>>) target_semaphore(%arg16 : memref<!tpu.dma_semaphore, #tpu.memory_space<semaphore_mem>>)
      %add3A_381 = arith.constant 245760 : i32
      %add3A_382 = arith.addi %add3A_381, %mul3A_23 : i32
      %dma_start3A_383 = arith.constant 15360 : i32
      %dma_start3A_384 = tpu.memref_slice %arg11[%dma_start3A_383] : memref<16384xi32, #tpu.memory_space<vmem>> -> memref<1024xi32, #tpu.memory_space<vmem>>
      %dma_start3A_385 = tpu.memref_slice %arg13[%add3A_382] : memref<278528xi32, #tpu.memory_space<vmem_shared>> -> memref<1024xi32, #tpu.memory_space<vmem_shared>>
      %dma_start3A_386 = arith.constant 15360 : i32
      %dma_start3A_387 = tpu.memref_slice %arg11[%dma_start3A_386] : memref<16384xi32, #tpu.memory_space<vmem>> -> memref<1024xi32, #tpu.memory_space<vmem>>
      %dma_start3A_388 = tpu.memref_slice %arg13[%add3A_382] : memref<278528xi32, #tpu.memory_space<vmem_shared>> -> memref<1024xi32, #tpu.memory_space<vmem_shared>>
      tpu.enqueue_dma source(%dma_start3A_388 : memref<1024xi32, #tpu.memory_space<vmem_shared>>) target(%dma_start3A_387 : memref<1024xi32, #tpu.memory_space<vmem>>) target_semaphore(%arg16 : memref<!tpu.dma_semaphore, #tpu.memory_space<semaphore_mem>>)
      %dma_wait3A_389 = arith.constant 0 : i32
      %dma_wait3A_390 = tpu.memref_slice %arg11[%dma_wait3A_389] : memref<16384xi32, #tpu.memory_space<vmem>> -> memref<1024xi32, #tpu.memory_space<vmem>>
      %dma_wait3A_391 = tpu.memref_slice %arg13[%add3A_262] : memref<278528xi32, #tpu.memory_space<vmem_shared>> -> memref<1024xi32, #tpu.memory_space<vmem_shared>>
      %dma_wait3A_392 = arith.constant 0 : i32
      %dma_wait3A_393 = tpu.memref_slice %arg11[%dma_wait3A_392] : memref<16384xi32, #tpu.memory_space<vmem>> -> memref<1024xi32, #tpu.memory_space<vmem>>
      %dma_wait3A_394 = tpu.memref_slice %arg13[%add3A_262] : memref<278528xi32, #tpu.memory_space<vmem_shared>> -> memref<1024xi32, #tpu.memory_space<vmem_shared>>
      tpu.wait_dma2 semaphore(%arg16 : memref<!tpu.dma_semaphore, #tpu.memory_space<semaphore_mem>>) src(%dma_wait3A_394 : memref<1024xi32, #tpu.memory_space<vmem_shared>>) dst(%dma_wait3A_393 : memref<1024xi32, #tpu.memory_space<vmem>>)
      %dma_wait3A_395 = arith.constant 1024 : i32
      %dma_wait3A_396 = tpu.memref_slice %arg11[%dma_wait3A_395] : memref<16384xi32, #tpu.memory_space<vmem>> -> memref<1024xi32, #tpu.memory_space<vmem>>
      %dma_wait3A_397 = tpu.memref_slice %arg13[%add3A_270] : memref<278528xi32, #tpu.memory_space<vmem_shared>> -> memref<1024xi32, #tpu.memory_space<vmem_shared>>
      %dma_wait3A_398 = arith.constant 1024 : i32
      %dma_wait3A_399 = tpu.memref_slice %arg11[%dma_wait3A_398] : memref<16384xi32, #tpu.memory_space<vmem>> -> memref<1024xi32, #tpu.memory_space<vmem>>
      %dma_wait3A_400 = tpu.memref_slice %arg13[%add3A_270] : memref<278528xi32, #tpu.memory_space<vmem_shared>> -> memref<1024xi32, #tpu.memory_space<vmem_shared>>
      tpu.wait_dma2 semaphore(%arg16 : memref<!tpu.dma_semaphore, #tpu.memory_space<semaphore_mem>>) src(%dma_wait3A_400 : memref<1024xi32, #tpu.memory_space<vmem_shared>>) dst(%dma_wait3A_399 : memref<1024xi32, #tpu.memory_space<vmem>>)
      %dma_wait3A_401 = arith.constant 2048 : i32
      %dma_wait3A_402 = tpu.memref_slice %arg11[%dma_wait3A_401] : memref<16384xi32, #tpu.memory_space<vmem>> -> memref<1024xi32, #tpu.memory_space<vmem>>
      %dma_wait3A_403 = tpu.memref_slice %arg13[%add3A_278] : memref<278528xi32, #tpu.memory_space<vmem_shared>> -> memref<1024xi32, #tpu.memory_space<vmem_shared>>
      %dma_wait3A_404 = arith.constant 2048 : i32
      %dma_wait3A_405 = tpu.memref_slice %arg11[%dma_wait3A_404] : memref<16384xi32, #tpu.memory_space<vmem>> -> memref<1024xi32, #tpu.memory_space<vmem>>
      %dma_wait3A_406 = tpu.memref_slice %arg13[%add3A_278] : memref<278528xi32, #tpu.memory_space<vmem_shared>> -> memref<1024xi32, #tpu.memory_space<vmem_shared>>
      tpu.wait_dma2 semaphore(%arg16 : memref<!tpu.dma_semaphore, #tpu.memory_space<semaphore_mem>>) src(%dma_wait3A_406 : memref<1024xi32, #tpu.memory_space<vmem_shared>>) dst(%dma_wait3A_405 : memref<1024xi32, #tpu.memory_space<vmem>>)
      %dma_wait3A_407 = arith.constant 3072 : i32
      %dma_wait3A_408 = tpu.memref_slice %arg11[%dma_wait3A_407] : memref<16384xi32, #tpu.memory_space<vmem>> -> memref<1024xi32, #tpu.memory_space<vmem>>
      %dma_wait3A_409 = tpu.memref_slice %arg13[%add3A_286] : memref<278528xi32, #tpu.memory_space<vmem_shared>> -> memref<1024xi32, #tpu.memory_space<vmem_shared>>
      %dma_wait3A_410 = arith.constant 3072 : i32
      %dma_wait3A_411 = tpu.memref_slice %arg11[%dma_wait3A_410] : memref<16384xi32, #tpu.memory_space<vmem>> -> memref<1024xi32, #tpu.memory_space<vmem>>
      %dma_wait3A_412 = tpu.memref_slice %arg13[%add3A_286] : memref<278528xi32, #tpu.memory_space<vmem_shared>> -> memref<1024xi32, #tpu.memory_space<vmem_shared>>
      tpu.wait_dma2 semaphore(%arg16 : memref<!tpu.dma_semaphore, #tpu.memory_space<semaphore_mem>>) src(%dma_wait3A_412 : memref<1024xi32, #tpu.memory_space<vmem_shared>>) dst(%dma_wait3A_411 : memref<1024xi32, #tpu.memory_space<vmem>>)
      %dma_wait3A_413 = arith.constant 4096 : i32
      %dma_wait3A_414 = tpu.memref_slice %arg11[%dma_wait3A_413] : memref<16384xi32, #tpu.memory_space<vmem>> -> memref<1024xi32, #tpu.memory_space<vmem>>
      %dma_wait3A_415 = tpu.memref_slice %arg13[%add3A_294] : memref<278528xi32, #tpu.memory_space<vmem_shared>> -> memref<1024xi32, #tpu.memory_space<vmem_shared>>
      %dma_wait3A_416 = arith.constant 4096 : i32
      %dma_wait3A_417 = tpu.memref_slice %arg11[%dma_wait3A_416] : memref<16384xi32, #tpu.memory_space<vmem>> -> memref<1024xi32, #tpu.memory_space<vmem>>
      %dma_wait3A_418 = tpu.memref_slice %arg13[%add3A_294] : memref<278528xi32, #tpu.memory_space<vmem_shared>> -> memref<1024xi32, #tpu.memory_space<vmem_shared>>
      tpu.wait_dma2 semaphore(%arg16 : memref<!tpu.dma_semaphore, #tpu.memory_space<semaphore_mem>>) src(%dma_wait3A_418 : memref<1024xi32, #tpu.memory_space<vmem_shared>>) dst(%dma_wait3A_417 : memref<1024xi32, #tpu.memory_space<vmem>>)
      %dma_wait3A_419 = arith.constant 5120 : i32
      %dma_wait3A_420 = tpu.memref_slice %arg11[%dma_wait3A_419] : memref<16384xi32, #tpu.memory_space<vmem>> -> memref<1024xi32, #tpu.memory_space<vmem>>
      %dma_wait3A_421 = tpu.memref_slice %arg13[%add3A_302] : memref<278528xi32, #tpu.memory_space<vmem_shared>> -> memref<1024xi32, #tpu.memory_space<vmem_shared>>
      %dma_wait3A_422 = arith.constant 5120 : i32
      %dma_wait3A_423 = tpu.memref_slice %arg11[%dma_wait3A_422] : memref<16384xi32, #tpu.memory_space<vmem>> -> memref<1024xi32, #tpu.memory_space<vmem>>
      %dma_wait3A_424 = tpu.memref_slice %arg13[%add3A_302] : memref<278528xi32, #tpu.memory_space<vmem_shared>> -> memref<1024xi32, #tpu.memory_space<vmem_shared>>
      tpu.wait_dma2 semaphore(%arg16 : memref<!tpu.dma_semaphore, #tpu.memory_space<semaphore_mem>>) src(%dma_wait3A_424 : memref<1024xi32, #tpu.memory_space<vmem_shared>>) dst(%dma_wait3A_423 : memref<1024xi32, #tpu.memory_space<vmem>>)
      %dma_wait3A_425 = arith.constant 6144 : i32
      %dma_wait3A_426 = tpu.memref_slice %arg11[%dma_wait3A_425] : memref<16384xi32, #tpu.memory_space<vmem>> -> memref<1024xi32, #tpu.memory_space<vmem>>
      %dma_wait3A_427 = tpu.memref_slice %arg13[%add3A_310] : memref<278528xi32, #tpu.memory_space<vmem_shared>> -> memref<1024xi32, #tpu.memory_space<vmem_shared>>
      %dma_wait3A_428 = arith.constant 6144 : i32
      %dma_wait3A_429 = tpu.memref_slice %arg11[%dma_wait3A_428] : memref<16384xi32, #tpu.memory_space<vmem>> -> memref<1024xi32, #tpu.memory_space<vmem>>
      %dma_wait3A_430 = tpu.memref_slice %arg13[%add3A_310] : memref<278528xi32, #tpu.memory_space<vmem_shared>> -> memref<1024xi32, #tpu.memory_space<vmem_shared>>
      tpu.wait_dma2 semaphore(%arg16 : memref<!tpu.dma_semaphore, #tpu.memory_space<semaphore_mem>>) src(%dma_wait3A_430 : memref<1024xi32, #tpu.memory_space<vmem_shared>>) dst(%dma_wait3A_429 : memref<1024xi32, #tpu.memory_space<vmem>>)
      %dma_wait3A_431 = arith.constant 7168 : i32
      %dma_wait3A_432 = tpu.memref_slice %arg11[%dma_wait3A_431] : memref<16384xi32, #tpu.memory_space<vmem>> -> memref<1024xi32, #tpu.memory_space<vmem>>
      %dma_wait3A_433 = tpu.memref_slice %arg13[%add3A_318] : memref<278528xi32, #tpu.memory_space<vmem_shared>> -> memref<1024xi32, #tpu.memory_space<vmem_shared>>
      %dma_wait3A_434 = arith.constant 7168 : i32
      %dma_wait3A_435 = tpu.memref_slice %arg11[%dma_wait3A_434] : memref<16384xi32, #tpu.memory_space<vmem>> -> memref<1024xi32, #tpu.memory_space<vmem>>
      %dma_wait3A_436 = tpu.memref_slice %arg13[%add3A_318] : memref<278528xi32, #tpu.memory_space<vmem_shared>> -> memref<1024xi32, #tpu.memory_space<vmem_shared>>
      tpu.wait_dma2 semaphore(%arg16 : memref<!tpu.dma_semaphore, #tpu.memory_space<semaphore_mem>>) src(%dma_wait3A_436 : memref<1024xi32, #tpu.memory_space<vmem_shared>>) dst(%dma_wait3A_435 : memref<1024xi32, #tpu.memory_space<vmem>>)
      %dma_wait3A_437 = arith.constant 8192 : i32
      %dma_wait3A_438 = tpu.memref_slice %arg11[%dma_wait3A_437] : memref<16384xi32, #tpu.memory_space<vmem>> -> memref<1024xi32, #tpu.memory_space<vmem>>
      %dma_wait3A_439 = tpu.memref_slice %arg13[%add3A_326] : memref<278528xi32, #tpu.memory_space<vmem_shared>> -> memref<1024xi32, #tpu.memory_space<vmem_shared>>
      %dma_wait3A_440 = arith.constant 8192 : i32
      %dma_wait3A_441 = tpu.memref_slice %arg11[%dma_wait3A_440] : memref<16384xi32, #tpu.memory_space<vmem>> -> memref<1024xi32, #tpu.memory_space<vmem>>
      %dma_wait3A_442 = tpu.memref_slice %arg13[%add3A_326] : memref<278528xi32, #tpu.memory_space<vmem_shared>> -> memref<1024xi32, #tpu.memory_space<vmem_shared>>
      tpu.wait_dma2 semaphore(%arg16 : memref<!tpu.dma_semaphore, #tpu.memory_space<semaphore_mem>>) src(%dma_wait3A_442 : memref<1024xi32, #tpu.memory_space<vmem_shared>>) dst(%dma_wait3A_441 : memref<1024xi32, #tpu.memory_space<vmem>>)
      %dma_wait3A_443 = arith.constant 9216 : i32
      %dma_wait3A_444 = tpu.memref_slice %arg11[%dma_wait3A_443] : memref<16384xi32, #tpu.memory_space<vmem>> -> memref<1024xi32, #tpu.memory_space<vmem>>
      %dma_wait3A_445 = tpu.memref_slice %arg13[%add3A_334] : memref<278528xi32, #tpu.memory_space<vmem_shared>> -> memref<1024xi32, #tpu.memory_space<vmem_shared>>
      %dma_wait3A_446 = arith.constant 9216 : i32
      %dma_wait3A_447 = tpu.memref_slice %arg11[%dma_wait3A_446] : memref<16384xi32, #tpu.memory_space<vmem>> -> memref<1024xi32, #tpu.memory_space<vmem>>
      %dma_wait3A_448 = tpu.memref_slice %arg13[%add3A_334] : memref<278528xi32, #tpu.memory_space<vmem_shared>> -> memref<1024xi32, #tpu.memory_space<vmem_shared>>
      tpu.wait_dma2 semaphore(%arg16 : memref<!tpu.dma_semaphore, #tpu.memory_space<semaphore_mem>>) src(%dma_wait3A_448 : memref<1024xi32, #tpu.memory_space<vmem_shared>>) dst(%dma_wait3A_447 : memref<1024xi32, #tpu.memory_space<vmem>>)
      %dma_wait3A_449 = arith.constant 10240 : i32
      %dma_wait3A_450 = tpu.memref_slice %arg11[%dma_wait3A_449] : memref<16384xi32, #tpu.memory_space<vmem>> -> memref<1024xi32, #tpu.memory_space<vmem>>
      %dma_wait3A_451 = tpu.memref_slice %arg13[%add3A_342] : memref<278528xi32, #tpu.memory_space<vmem_shared>> -> memref<1024xi32, #tpu.memory_space<vmem_shared>>
      %dma_wait3A_452 = arith.constant 10240 : i32
      %dma_wait3A_453 = tpu.memref_slice %arg11[%dma_wait3A_452] : memref<16384xi32, #tpu.memory_space<vmem>> -> memref<1024xi32, #tpu.memory_space<vmem>>
      %dma_wait3A_454 = tpu.memref_slice %arg13[%add3A_342] : memref<278528xi32, #tpu.memory_space<vmem_shared>> -> memref<1024xi32, #tpu.memory_space<vmem_shared>>
      tpu.wait_dma2 semaphore(%arg16 : memref<!tpu.dma_semaphore, #tpu.memory_space<semaphore_mem>>) src(%dma_wait3A_454 : memref<1024xi32, #tpu.memory_space<vmem_shared>>) dst(%dma_wait3A_453 : memref<1024xi32, #tpu.memory_space<vmem>>)
      %dma_wait3A_455 = arith.constant 11264 : i32
      %dma_wait3A_456 = tpu.memref_slice %arg11[%dma_wait3A_455] : memref<16384xi32, #tpu.memory_space<vmem>> -> memref<1024xi32, #tpu.memory_space<vmem>>
      %dma_wait3A_457 = tpu.memref_slice %arg13[%add3A_350] : memref<278528xi32, #tpu.memory_space<vmem_shared>> -> memref<1024xi32, #tpu.memory_space<vmem_shared>>
      %dma_wait3A_458 = arith.constant 11264 : i32
      %dma_wait3A_459 = tpu.memref_slice %arg11[%dma_wait3A_458] : memref<16384xi32, #tpu.memory_space<vmem>> -> memref<1024xi32, #tpu.memory_space<vmem>>
      %dma_wait3A_460 = tpu.memref_slice %arg13[%add3A_350] : memref<278528xi32, #tpu.memory_space<vmem_shared>> -> memref<1024xi32, #tpu.memory_space<vmem_shared>>
      tpu.wait_dma2 semaphore(%arg16 : memref<!tpu.dma_semaphore, #tpu.memory_space<semaphore_mem>>) src(%dma_wait3A_460 : memref<1024xi32, #tpu.memory_space<vmem_shared>>) dst(%dma_wait3A_459 : memref<1024xi32, #tpu.memory_space<vmem>>)
      %dma_wait3A_461 = arith.constant 12288 : i32
      %dma_wait3A_462 = tpu.memref_slice %arg11[%dma_wait3A_461] : memref<16384xi32, #tpu.memory_space<vmem>> -> memref<1024xi32, #tpu.memory_space<vmem>>
      %dma_wait3A_463 = tpu.memref_slice %arg13[%add3A_358] : memref<278528xi32, #tpu.memory_space<vmem_shared>> -> memref<1024xi32, #tpu.memory_space<vmem_shared>>
      %dma_wait3A_464 = arith.constant 12288 : i32
      %dma_wait3A_465 = tpu.memref_slice %arg11[%dma_wait3A_464] : memref<16384xi32, #tpu.memory_space<vmem>> -> memref<1024xi32, #tpu.memory_space<vmem>>
      %dma_wait3A_466 = tpu.memref_slice %arg13[%add3A_358] : memref<278528xi32, #tpu.memory_space<vmem_shared>> -> memref<1024xi32, #tpu.memory_space<vmem_shared>>
      tpu.wait_dma2 semaphore(%arg16 : memref<!tpu.dma_semaphore, #tpu.memory_space<semaphore_mem>>) src(%dma_wait3A_466 : memref<1024xi32, #tpu.memory_space<vmem_shared>>) dst(%dma_wait3A_465 : memref<1024xi32, #tpu.memory_space<vmem>>)
      %dma_wait3A_467 = arith.constant 13312 : i32
      %dma_wait3A_468 = tpu.memref_slice %arg11[%dma_wait3A_467] : memref<16384xi32, #tpu.memory_space<vmem>> -> memref<1024xi32, #tpu.memory_space<vmem>>
      %dma_wait3A_469 = tpu.memref_slice %arg13[%add3A_366] : memref<278528xi32, #tpu.memory_space<vmem_shared>> -> memref<1024xi32, #tpu.memory_space<vmem_shared>>
      %dma_wait3A_470 = arith.constant 13312 : i32
      %dma_wait3A_471 = tpu.memref_slice %arg11[%dma_wait3A_470] : memref<16384xi32, #tpu.memory_space<vmem>> -> memref<1024xi32, #tpu.memory_space<vmem>>
      %dma_wait3A_472 = tpu.memref_slice %arg13[%add3A_366] : memref<278528xi32, #tpu.memory_space<vmem_shared>> -> memref<1024xi32, #tpu.memory_space<vmem_shared>>
      tpu.wait_dma2 semaphore(%arg16 : memref<!tpu.dma_semaphore, #tpu.memory_space<semaphore_mem>>) src(%dma_wait3A_472 : memref<1024xi32, #tpu.memory_space<vmem_shared>>) dst(%dma_wait3A_471 : memref<1024xi32, #tpu.memory_space<vmem>>)
      %dma_wait3A_473 = arith.constant 14336 : i32
      %dma_wait3A_474 = tpu.memref_slice %arg11[%dma_wait3A_473] : memref<16384xi32, #tpu.memory_space<vmem>> -> memref<1024xi32, #tpu.memory_space<vmem>>
      %dma_wait3A_475 = tpu.memref_slice %arg13[%add3A_374] : memref<278528xi32, #tpu.memory_space<vmem_shared>> -> memref<1024xi32, #tpu.memory_space<vmem_shared>>
      %dma_wait3A_476 = arith.constant 14336 : i32
      %dma_wait3A_477 = tpu.memref_slice %arg11[%dma_wait3A_476] : memref<16384xi32, #tpu.memory_space<vmem>> -> memref<1024xi32, #tpu.memory_space<vmem>>
      %dma_wait3A_478 = tpu.memref_slice %arg13[%add3A_374] : memref<278528xi32, #tpu.memory_space<vmem_shared>> -> memref<1024xi32, #tpu.memory_space<vmem_shared>>
      tpu.wait_dma2 semaphore(%arg16 : memref<!tpu.dma_semaphore, #tpu.memory_space<semaphore_mem>>) src(%dma_wait3A_478 : memref<1024xi32, #tpu.memory_space<vmem_shared>>) dst(%dma_wait3A_477 : memref<1024xi32, #tpu.memory_space<vmem>>)
      %dma_wait3A_479 = arith.constant 15360 : i32
      %dma_wait3A_480 = tpu.memref_slice %arg11[%dma_wait3A_479] : memref<16384xi32, #tpu.memory_space<vmem>> -> memref<1024xi32, #tpu.memory_space<vmem>>
      %dma_wait3A_481 = tpu.memref_slice %arg13[%add3A_382] : memref<278528xi32, #tpu.memory_space<vmem_shared>> -> memref<1024xi32, #tpu.memory_space<vmem_shared>>
      %dma_wait3A_482 = arith.constant 15360 : i32
      %dma_wait3A_483 = tpu.memref_slice %arg11[%dma_wait3A_482] : memref<16384xi32, #tpu.memory_space<vmem>> -> memref<1024xi32, #tpu.memory_space<vmem>>
      %dma_wait3A_484 = tpu.memref_slice %arg13[%add3A_382] : memref<278528xi32, #tpu.memory_space<vmem_shared>> -> memref<1024xi32, #tpu.memory_space<vmem_shared>>
      tpu.wait_dma2 semaphore(%arg16 : memref<!tpu.dma_semaphore, #tpu.memory_space<semaphore_mem>>) src(%dma_wait3A_484 : memref<1024xi32, #tpu.memory_space<vmem_shared>>) dst(%dma_wait3A_483 : memref<1024xi32, #tpu.memory_space<vmem>>)
      %scan3A_485 = arith.constant 0 : i32
      %scan3A_486 = arith.constant 0 : i32
      %scan3A_487 = arith.constant 64 : i32
      %scan3A_488 = arith.addi %scan3A_486, %scan3A_487 : i32
      %scan3A_489 = arith.constant 1 : i32
      %scan3A_490 = scf.for %scan3A_979 = %scan3A_486 to %scan3A_488 step %scan3A_489 iter_args(%scan3A_980 = %scan3A_485) -> (i32)  : i32 {
        %mul3A_981 = arith.constant 16 : i32
        %mul3A_982 = arith.muli %scan3A_979, %mul3A_981 : i32
        %get3A = arith.index_cast %mul3A_982 : i32 to index
        %get3A_983 = tpu.vector_load %arg11[%get3A] {strides = array<i32>} : memref<16384xi32, #tpu.memory_space<vmem>>, vector<16xi32>,
        %mul3A_984 = arith.constant 16 : i32
        %mul3A_985 = arith.muli %scan3A_979, %mul3A_984 : i32
        %add3A_986 = arith.constant 1024 : i32
        %add3A_987 = arith.addi %add3A_986, %mul3A_985 : i32
        %get3A_988 = arith.index_cast %add3A_987 : i32 to index
        %get3A_989 = tpu.vector_load %arg11[%get3A_988] {strides = array<i32>} : memref<16384xi32, #tpu.memory_space<vmem>>, vector<16xi32>,
        %or3A = arith.ori %get3A_983, %get3A_989 : vector<16xi32>
        %mul3A_990 = arith.constant 16 : i32
        %mul3A_991 = arith.muli %scan3A_979, %mul3A_990 : i32
        %add3A_992 = arith.constant 2048 : i32
        %add3A_993 = arith.addi %add3A_992, %mul3A_991 : i32
        %get3A_994 = arith.index_cast %add3A_993 : i32 to index
        %get3A_995 = tpu.vector_load %arg11[%get3A_994] {strides = array<i32>} : memref<16384xi32, #tpu.memory_space<vmem>>, vector<16xi32>,
        %or3A_996 = arith.ori %or3A, %get3A_995 : vector<16xi32>
        %mul3A_997 = arith.constant 16 : i32
        %mul3A_998 = arith.muli %scan3A_979, %mul3A_997 : i32
        %add3A_999 = arith.constant 3072 : i32
        %add3A_1000 = arith.addi %add3A_999, %mul3A_998 : i32
        %get3A_1001 = arith.index_cast %add3A_1000 : i32 to index
        %get3A_1002 = tpu.vector_load %arg11[%get3A_1001] {strides = array<i32>} : memref<16384xi32, #tpu.memory_space<vmem>>, vector<16xi32>,
        %or3A_1003 = arith.ori %or3A_996, %get3A_1002 : vector<16xi32>
        %mul3A_1004 = arith.constant 16 : i32
        %mul3A_1005 = arith.muli %scan3A_979, %mul3A_1004 : i32
        %add3A_1006 = arith.constant 4096 : i32
        %add3A_1007 = arith.addi %add3A_1006, %mul3A_1005 : i32
        %get3A_1008 = arith.index_cast %add3A_1007 : i32 to index
        %get3A_1009 = tpu.vector_load %arg11[%get3A_1008] {strides = array<i32>} : memref<16384xi32, #tpu.memory_space<vmem>>, vector<16xi32>,
        %or3A_1010 = arith.ori %or3A_1003, %get3A_1009 : vector<16xi32>
        %mul3A_1011 = arith.constant 16 : i32
        %mul3A_1012 = arith.muli %scan3A_979, %mul3A_1011 : i32
        %add3A_1013 = arith.constant 5120 : i32
        %add3A_1014 = arith.addi %add3A_1013, %mul3A_1012 : i32
        %get3A_1015 = arith.index_cast %add3A_1014 : i32 to index
        %get3A_1016 = tpu.vector_load %arg11[%get3A_1015] {strides = array<i32>} : memref<16384xi32, #tpu.memory_space<vmem>>, vector<16xi32>,
        %or3A_1017 = arith.ori %or3A_1010, %get3A_1016 : vector<16xi32>
        %mul3A_1018 = arith.constant 16 : i32
        %mul3A_1019 = arith.muli %scan3A_979, %mul3A_1018 : i32
        %add3A_1020 = arith.constant 6144 : i32
        %add3A_1021 = arith.addi %add3A_1020, %mul3A_1019 : i32
        %get3A_1022 = arith.index_cast %add3A_1021 : i32 to index
        %get3A_1023 = tpu.vector_load %arg11[%get3A_1022] {strides = array<i32>} : memref<16384xi32, #tpu.memory_space<vmem>>, vector<16xi32>,
        %or3A_1024 = arith.ori %or3A_1017, %get3A_1023 : vector<16xi32>
        %mul3A_1025 = arith.constant 16 : i32
        %mul3A_1026 = arith.muli %scan3A_979, %mul3A_1025 : i32
        %add3A_1027 = arith.constant 7168 : i32
        %add3A_1028 = arith.addi %add3A_1027, %mul3A_1026 : i32
        %get3A_1029 = arith.index_cast %add3A_1028 : i32 to index
        %get3A_1030 = tpu.vector_load %arg11[%get3A_1029] {strides = array<i32>} : memref<16384xi32, #tpu.memory_space<vmem>>, vector<16xi32>,
        %or3A_1031 = arith.ori %or3A_1024, %get3A_1030 : vector<16xi32>
        %mul3A_1032 = arith.constant 16 : i32
        %mul3A_1033 = arith.muli %scan3A_979, %mul3A_1032 : i32
        %add3A_1034 = arith.constant 8192 : i32
        %add3A_1035 = arith.addi %add3A_1034, %mul3A_1033 : i32
        %get3A_1036 = arith.index_cast %add3A_1035 : i32 to index
        %get3A_1037 = tpu.vector_load %arg11[%get3A_1036] {strides = array<i32>} : memref<16384xi32, #tpu.memory_space<vmem>>, vector<16xi32>,
        %or3A_1038 = arith.ori %or3A_1031, %get3A_1037 : vector<16xi32>
        %mul3A_1039 = arith.constant 16 : i32
        %mul3A_1040 = arith.muli %scan3A_979, %mul3A_1039 : i32
        %add3A_1041 = arith.constant 9216 : i32
        %add3A_1042 = arith.addi %add3A_1041, %mul3A_1040 : i32
        %get3A_1043 = arith.index_cast %add3A_1042 : i32 to index
        %get3A_1044 = tpu.vector_load %arg11[%get3A_1043] {strides = array<i32>} : memref<16384xi32, #tpu.memory_space<vmem>>, vector<16xi32>,
        %or3A_1045 = arith.ori %or3A_1038, %get3A_1044 : vector<16xi32>
        %mul3A_1046 = arith.constant 16 : i32
        %mul3A_1047 = arith.muli %scan3A_979, %mul3A_1046 : i32
        %add3A_1048 = arith.constant 10240 : i32
        %add3A_1049 = arith.addi %add3A_1048, %mul3A_1047 : i32
        %get3A_1050 = arith.index_cast %add3A_1049 : i32 to index
        %get3A_1051 = tpu.vector_load %arg11[%get3A_1050] {strides = array<i32>} : memref<16384xi32, #tpu.memory_space<vmem>>, vector<16xi32>,
        %or3A_1052 = arith.ori %or3A_1045, %get3A_1051 : vector<16xi32>
        %mul3A_1053 = arith.constant 16 : i32
        %mul3A_1054 = arith.muli %scan3A_979, %mul3A_1053 : i32
        %add3A_1055 = arith.constant 11264 : i32
        %add3A_1056 = arith.addi %add3A_1055, %mul3A_1054 : i32
        %get3A_1057 = arith.index_cast %add3A_1056 : i32 to index
        %get3A_1058 = tpu.vector_load %arg11[%get3A_1057] {strides = array<i32>} : memref<16384xi32, #tpu.memory_space<vmem>>, vector<16xi32>,
        %or3A_1059 = arith.ori %or3A_1052, %get3A_1058 : vector<16xi32>
        %mul3A_1060 = arith.constant 16 : i32
        %mul3A_1061 = arith.muli %scan3A_979, %mul3A_1060 : i32
        %add3A_1062 = arith.constant 12288 : i32
        %add3A_1063 = arith.addi %add3A_1062, %mul3A_1061 : i32
        %get3A_1064 = arith.index_cast %add3A_1063 : i32 to index
        %get3A_1065 = tpu.vector_load %arg11[%get3A_1064] {strides = array<i32>} : memref<16384xi32, #tpu.memory_space<vmem>>, vector<16xi32>,
        %or3A_1066 = arith.ori %or3A_1059, %get3A_1065 : vector<16xi32>
        %mul3A_1067 = arith.constant 16 : i32
        %mul3A_1068 = arith.muli %scan3A_979, %mul3A_1067 : i32
        %add3A_1069 = arith.constant 13312 : i32
        %add3A_1070 = arith.addi %add3A_1069, %mul3A_1068 : i32
        %get3A_1071 = arith.index_cast %add3A_1070 : i32 to index
        %get3A_1072 = tpu.vector_load %arg11[%get3A_1071] {strides = array<i32>} : memref<16384xi32, #tpu.memory_space<vmem>>, vector<16xi32>,
        %or3A_1073 = arith.ori %or3A_1066, %get3A_1072 : vector<16xi32>
        %mul3A_1074 = arith.constant 16 : i32
        %mul3A_1075 = arith.muli %scan3A_979, %mul3A_1074 : i32
        %add3A_1076 = arith.constant 14336 : i32
        %add3A_1077 = arith.addi %add3A_1076, %mul3A_1075 : i32
        %get3A_1078 = arith.index_cast %add3A_1077 : i32 to index
        %get3A_1079 = tpu.vector_load %arg11[%get3A_1078] {strides = array<i32>} : memref<16384xi32, #tpu.memory_space<vmem>>, vector<16xi32>,
        %or3A_1080 = arith.ori %or3A_1073, %get3A_1079 : vector<16xi32>
        %mul3A_1081 = arith.constant 16 : i32
        %mul3A_1082 = arith.muli %scan3A_979, %mul3A_1081 : i32
        %add3A_1083 = arith.constant 15360 : i32
        %add3A_1084 = arith.addi %add3A_1083, %mul3A_1082 : i32
        %get3A_1085 = arith.index_cast %add3A_1084 : i32 to index
        %get3A_1086 = tpu.vector_load %arg11[%get3A_1085] {strides = array<i32>} : memref<16384xi32, #tpu.memory_space<vmem>>, vector<16xi32>,
        %or3A_1087 = arith.ori %or3A_1080, %get3A_1086 : vector<16xi32>
        %mul3A_1088 = arith.constant 16 : i32
        %mul3A_1089 = arith.muli %scan3A_979, %mul3A_1088 : i32
        %swap3A = arith.index_cast %mul3A_1089 : i32 to index
        %swap3A_1090 = tpu.vector_load %arg10[%swap3A] {strides = array<i32>} : memref<6400xi32, #tpu.memory_space<vmem>>, vector<16xi32>,
        tpu.vector_store %arg10[%swap3A], %or3A_1087 {strides = array<i32>} : memref<6400xi32, #tpu.memory_space<vmem>>, vector<16xi32>,
        %scan3A_1091 = arith.constant 0 : i32
        scf.yield %scan3A_1091 : i32
      }
      %scan3A_491 = arith.constant 64 : i32
      %add3A_492 = arith.constant 262144 : i32
      %add3A_493 = arith.addi %add3A_492, %mul3A_23 : i32
      "tpu.region"() ({
        %run_scoped3A = tpu.sem_alloc : memref<!tpu.dma_semaphore, #tpu.memory_space<semaphore_mem>>
        %dma_start3A_979 = arith.constant 0 : i32
        %dma_start3A_980 = tpu.memref_slice %arg10[%dma_start3A_979] : memref<6400xi32, #tpu.memory_space<vmem>> -> memref<1024xi32, #tpu.memory_space<vmem>>
        %dma_start3A_981 = tpu.memref_slice %arg13[%add3A_493] : memref<278528xi32, #tpu.memory_space<vmem_shared>> -> memref<1024xi32, #tpu.memory_space<vmem_shared>>
        %dma_start3A_982 = tpu.memref_slice %arg13[%add3A_493] : memref<278528xi32, #tpu.memory_space<vmem_shared>> -> memref<1024xi32, #tpu.memory_space<vmem_shared>>
        %dma_start3A_983 = arith.constant 0 : i32
        %dma_start3A_984 = tpu.memref_slice %arg10[%dma_start3A_983] : memref<6400xi32, #tpu.memory_space<vmem>> -> memref<1024xi32, #tpu.memory_space<vmem>>
        tpu.enqueue_dma source(%dma_start3A_984 : memref<1024xi32, #tpu.memory_space<vmem>>) target(%dma_start3A_982 : memref<1024xi32, #tpu.memory_space<vmem_shared>>) target_semaphore(%run_scoped3A : memref<!tpu.dma_semaphore, #tpu.memory_space<semaphore_mem>>)
        %dma_wait3A_985 = arith.constant 0 : i32
        %dma_wait3A_986 = tpu.memref_slice %arg10[%dma_wait3A_985] : memref<6400xi32, #tpu.memory_space<vmem>> -> memref<1024xi32, #tpu.memory_space<vmem>>
        %dma_wait3A_987 = tpu.memref_slice %arg13[%add3A_493] : memref<278528xi32, #tpu.memory_space<vmem_shared>> -> memref<1024xi32, #tpu.memory_space<vmem_shared>>
        %dma_wait3A_988 = tpu.memref_slice %arg13[%add3A_493] : memref<278528xi32, #tpu.memory_space<vmem_shared>> -> memref<1024xi32, #tpu.memory_space<vmem_shared>>
        %dma_wait3A_989 = arith.constant 0 : i32
        %dma_wait3A_990 = tpu.memref_slice %arg10[%dma_wait3A_989] : memref<6400xi32, #tpu.memory_space<vmem>> -> memref<1024xi32, #tpu.memory_space<vmem>>
        tpu.wait_dma2 semaphore(%run_scoped3A : memref<!tpu.dma_semaphore, #tpu.memory_space<semaphore_mem>>) src(%dma_wait3A_990 : memref<1024xi32, #tpu.memory_space<vmem>>) dst(%dma_wait3A_988 : memref<1024xi32, #tpu.memory_space<vmem_shared>>)
        tpu.yield
      }) : () -> ()
      %barrier3A_494 = arith.constant 0 : index
      tpu.barrier barrier_id(%barrier3A_494)
      "tpu.region"() ({
        %run_scoped3A = tpu.sem_alloc : memref<!tpu.dma_semaphore, #tpu.memory_space<semaphore_mem>>
        %dma_start3A_979 = arith.constant 16384 : i32
        %dma_start3A_980 = tpu.memref_slice %arg12[%dma_start3A_979] : memref<65536xi32, #tpu.memory_space<vmem>> -> memref<16384xi32, #tpu.memory_space<vmem>>
        %dma_start3A_981 = arith.constant 262144 : i32
        %dma_start3A_982 = tpu.memref_slice %arg13[%dma_start3A_981] : memref<278528xi32, #tpu.memory_space<vmem_shared>> -> memref<16384xi32, #tpu.memory_space<vmem_shared>>
        %dma_start3A_983 = arith.constant 16384 : i32
        %dma_start3A_984 = tpu.memref_slice %arg12[%dma_start3A_983] : memref<65536xi32, #tpu.memory_space<vmem>> -> memref<16384xi32, #tpu.memory_space<vmem>>
        %dma_start3A_985 = arith.constant 262144 : i32
        %dma_start3A_986 = tpu.memref_slice %arg13[%dma_start3A_985] : memref<278528xi32, #tpu.memory_space<vmem_shared>> -> memref<16384xi32, #tpu.memory_space<vmem_shared>>
        tpu.enqueue_dma source(%dma_start3A_986 : memref<16384xi32, #tpu.memory_space<vmem_shared>>) target(%dma_start3A_984 : memref<16384xi32, #tpu.memory_space<vmem>>) target_semaphore(%run_scoped3A : memref<!tpu.dma_semaphore, #tpu.memory_space<semaphore_mem>>)
        %dma_wait3A_987 = arith.constant 16384 : i32
        %dma_wait3A_988 = tpu.memref_slice %arg12[%dma_wait3A_987] : memref<65536xi32, #tpu.memory_space<vmem>> -> memref<16384xi32, #tpu.memory_space<vmem>>
        %dma_wait3A_989 = arith.constant 262144 : i32
        %dma_wait3A_990 = tpu.memref_slice %arg13[%dma_wait3A_989] : memref<278528xi32, #tpu.memory_space<vmem_shared>> -> memref<16384xi32, #tpu.memory_space<vmem_shared>>
        %dma_wait3A_991 = arith.constant 16384 : i32
        %dma_wait3A_992 = tpu.memref_slice %arg12[%dma_wait3A_991] : memref<65536xi32, #tpu.memory_space<vmem>> -> memref<16384xi32, #tpu.memory_space<vmem>>
        %dma_wait3A_993 = arith.constant 262144 : i32
        %dma_wait3A_994 = tpu.memref_slice %arg13[%dma_wait3A_993] : memref<278528xi32, #tpu.memory_space<vmem_shared>> -> memref<16384xi32, #tpu.memory_space<vmem_shared>>
        tpu.wait_dma2 semaphore(%run_scoped3A : memref<!tpu.dma_semaphore, #tpu.memory_space<semaphore_mem>>) src(%dma_wait3A_994 : memref<16384xi32, #tpu.memory_space<vmem_shared>>) dst(%dma_wait3A_992 : memref<16384xi32, #tpu.memory_space<vmem>>)
        tpu.yield
      }) : () -> ()
      %barrier3A_495 = arith.constant 0 : index
      tpu.barrier barrier_id(%barrier3A_495)
      %mul3A_496 = arith.constant 16384 : i32
      %mul3A_497 = arith.muli %arg1, %mul3A_496 : i32
      "tpu.region"() ({
        %run_scoped3A = tpu.sem_alloc : memref<!tpu.dma_semaphore, #tpu.memory_space<semaphore_mem>>
        %dma_start3A_979 = arith.constant 32768 : i32
        %dma_start3A_980 = tpu.memref_slice %arg12[%dma_start3A_979] : memref<65536xi32, #tpu.memory_space<vmem>> -> memref<16384xi32, #tpu.memory_space<vmem>>
        %dma_start3A_981 = tpu.memref_slice %arg13[%mul3A_497] : memref<278528xi32, #tpu.memory_space<vmem_shared>> -> memref<16384xi32, #tpu.memory_space<vmem_shared>>
        %dma_start3A_982 = tpu.memref_slice %arg13[%mul3A_497] : memref<278528xi32, #tpu.memory_space<vmem_shared>> -> memref<16384xi32, #tpu.memory_space<vmem_shared>>
        %dma_start3A_983 = arith.constant 32768 : i32
        %dma_start3A_984 = tpu.memref_slice %arg12[%dma_start3A_983] : memref<65536xi32, #tpu.memory_space<vmem>> -> memref<16384xi32, #tpu.memory_space<vmem>>
        tpu.enqueue_dma source(%dma_start3A_984 : memref<16384xi32, #tpu.memory_space<vmem>>) target(%dma_start3A_982 : memref<16384xi32, #tpu.memory_space<vmem_shared>>) target_semaphore(%run_scoped3A : memref<!tpu.dma_semaphore, #tpu.memory_space<semaphore_mem>>)
        %dma_wait3A_985 = arith.constant 32768 : i32
        %dma_wait3A_986 = tpu.memref_slice %arg12[%dma_wait3A_985] : memref<65536xi32, #tpu.memory_space<vmem>> -> memref<16384xi32, #tpu.memory_space<vmem>>
        %dma_wait3A_987 = tpu.memref_slice %arg13[%mul3A_497] : memref<278528xi32, #tpu.memory_space<vmem_shared>> -> memref<16384xi32, #tpu.memory_space<vmem_shared>>
        %dma_wait3A_988 = tpu.memref_slice %arg13[%mul3A_497] : memref<278528xi32, #tpu.memory_space<vmem_shared>> -> memref<16384xi32, #tpu.memory_space<vmem_shared>>
        %dma_wait3A_989 = arith.constant 32768 : i32
        %dma_wait3A_990 = tpu.memref_slice %arg12[%dma_wait3A_989] : memref<65536xi32, #tpu.memory_space<vmem>> -> memref<16384xi32, #tpu.memory_space<vmem>>
        tpu.wait_dma2 semaphore(%run_scoped3A : memref<!tpu.dma_semaphore, #tpu.memory_space<semaphore_mem>>) src(%dma_wait3A_990 : memref<16384xi32, #tpu.memory_space<vmem>>) dst(%dma_wait3A_988 : memref<16384xi32, #tpu.memory_space<vmem_shared>>)
        tpu.yield
      }) : () -> ()
      %barrier3A_498 = arith.constant 0 : index
      tpu.barrier barrier_id(%barrier3A_498)
      %add3A_499 = arith.constant 0 : i32
      %add3A_500 = arith.addi %add3A_499, %mul3A_23 : i32
      %dma_start3A_501 = arith.constant 0 : i32
      %dma_start3A_502 = tpu.memref_slice %arg11[%dma_start3A_501] : memref<16384xi32, #tpu.memory_space<vmem>> -> memref<1024xi32, #tpu.memory_space<vmem>>
      %dma_start3A_503 = tpu.memref_slice %arg13[%add3A_500] : memref<278528xi32, #tpu.memory_space<vmem_shared>> -> memref<1024xi32, #tpu.memory_space<vmem_shared>>
      %dma_start3A_504 = arith.constant 0 : i32
      %dma_start3A_505 = tpu.memref_slice %arg11[%dma_start3A_504] : memref<16384xi32, #tpu.memory_space<vmem>> -> memref<1024xi32, #tpu.memory_space<vmem>>
      %dma_start3A_506 = tpu.memref_slice %arg13[%add3A_500] : memref<278528xi32, #tpu.memory_space<vmem_shared>> -> memref<1024xi32, #tpu.memory_space<vmem_shared>>
      tpu.enqueue_dma source(%dma_start3A_506 : memref<1024xi32, #tpu.memory_space<vmem_shared>>) target(%dma_start3A_505 : memref<1024xi32, #tpu.memory_space<vmem>>) target_semaphore(%arg16 : memref<!tpu.dma_semaphore, #tpu.memory_space<semaphore_mem>>)
      %add3A_507 = arith.constant 16384 : i32
      %add3A_508 = arith.addi %add3A_507, %mul3A_23 : i32
      %dma_start3A_509 = arith.constant 1024 : i32
      %dma_start3A_510 = tpu.memref_slice %arg11[%dma_start3A_509] : memref<16384xi32, #tpu.memory_space<vmem>> -> memref<1024xi32, #tpu.memory_space<vmem>>
      %dma_start3A_511 = tpu.memref_slice %arg13[%add3A_508] : memref<278528xi32, #tpu.memory_space<vmem_shared>> -> memref<1024xi32, #tpu.memory_space<vmem_shared>>
      %dma_start3A_512 = arith.constant 1024 : i32
      %dma_start3A_513 = tpu.memref_slice %arg11[%dma_start3A_512] : memref<16384xi32, #tpu.memory_space<vmem>> -> memref<1024xi32, #tpu.memory_space<vmem>>
      %dma_start3A_514 = tpu.memref_slice %arg13[%add3A_508] : memref<278528xi32, #tpu.memory_space<vmem_shared>> -> memref<1024xi32, #tpu.memory_space<vmem_shared>>
      tpu.enqueue_dma source(%dma_start3A_514 : memref<1024xi32, #tpu.memory_space<vmem_shared>>) target(%dma_start3A_513 : memref<1024xi32, #tpu.memory_space<vmem>>) target_semaphore(%arg16 : memref<!tpu.dma_semaphore, #tpu.memory_space<semaphore_mem>>)
      %add3A_515 = arith.constant 32768 : i32
      %add3A_516 = arith.addi %add3A_515, %mul3A_23 : i32
      %dma_start3A_517 = arith.constant 2048 : i32
      %dma_start3A_518 = tpu.memref_slice %arg11[%dma_start3A_517] : memref<16384xi32, #tpu.memory_space<vmem>> -> memref<1024xi32, #tpu.memory_space<vmem>>
      %dma_start3A_519 = tpu.memref_slice %arg13[%add3A_516] : memref<278528xi32, #tpu.memory_space<vmem_shared>> -> memref<1024xi32, #tpu.memory_space<vmem_shared>>
      %dma_start3A_520 = arith.constant 2048 : i32
      %dma_start3A_521 = tpu.memref_slice %arg11[%dma_start3A_520] : memref<16384xi32, #tpu.memory_space<vmem>> -> memref<1024xi32, #tpu.memory_space<vmem>>
      %dma_start3A_522 = tpu.memref_slice %arg13[%add3A_516] : memref<278528xi32, #tpu.memory_space<vmem_shared>> -> memref<1024xi32, #tpu.memory_space<vmem_shared>>
      tpu.enqueue_dma source(%dma_start3A_522 : memref<1024xi32, #tpu.memory_space<vmem_shared>>) target(%dma_start3A_521 : memref<1024xi32, #tpu.memory_space<vmem>>) target_semaphore(%arg16 : memref<!tpu.dma_semaphore, #tpu.memory_space<semaphore_mem>>)
      %add3A_523 = arith.constant 49152 : i32
      %add3A_524 = arith.addi %add3A_523, %mul3A_23 : i32
      %dma_start3A_525 = arith.constant 3072 : i32
      %dma_start3A_526 = tpu.memref_slice %arg11[%dma_start3A_525] : memref<16384xi32, #tpu.memory_space<vmem>> -> memref<1024xi32, #tpu.memory_space<vmem>>
      %dma_start3A_527 = tpu.memref_slice %arg13[%add3A_524] : memref<278528xi32, #tpu.memory_space<vmem_shared>> -> memref<1024xi32, #tpu.memory_space<vmem_shared>>
      %dma_start3A_528 = arith.constant 3072 : i32
      %dma_start3A_529 = tpu.memref_slice %arg11[%dma_start3A_528] : memref<16384xi32, #tpu.memory_space<vmem>> -> memref<1024xi32, #tpu.memory_space<vmem>>
      %dma_start3A_530 = tpu.memref_slice %arg13[%add3A_524] : memref<278528xi32, #tpu.memory_space<vmem_shared>> -> memref<1024xi32, #tpu.memory_space<vmem_shared>>
      tpu.enqueue_dma source(%dma_start3A_530 : memref<1024xi32, #tpu.memory_space<vmem_shared>>) target(%dma_start3A_529 : memref<1024xi32, #tpu.memory_space<vmem>>) target_semaphore(%arg16 : memref<!tpu.dma_semaphore, #tpu.memory_space<semaphore_mem>>)
      %add3A_531 = arith.constant 65536 : i32
      %add3A_532 = arith.addi %add3A_531, %mul3A_23 : i32
      %dma_start3A_533 = arith.constant 4096 : i32
      %dma_start3A_534 = tpu.memref_slice %arg11[%dma_start3A_533] : memref<16384xi32, #tpu.memory_space<vmem>> -> memref<1024xi32, #tpu.memory_space<vmem>>
      %dma_start3A_535 = tpu.memref_slice %arg13[%add3A_532] : memref<278528xi32, #tpu.memory_space<vmem_shared>> -> memref<1024xi32, #tpu.memory_space<vmem_shared>>
      %dma_start3A_536 = arith.constant 4096 : i32
      %dma_start3A_537 = tpu.memref_slice %arg11[%dma_start3A_536] : memref<16384xi32, #tpu.memory_space<vmem>> -> memref<1024xi32, #tpu.memory_space<vmem>>
      %dma_start3A_538 = tpu.memref_slice %arg13[%add3A_532] : memref<278528xi32, #tpu.memory_space<vmem_shared>> -> memref<1024xi32, #tpu.memory_space<vmem_shared>>
      tpu.enqueue_dma source(%dma_start3A_538 : memref<1024xi32, #tpu.memory_space<vmem_shared>>) target(%dma_start3A_537 : memref<1024xi32, #tpu.memory_space<vmem>>) target_semaphore(%arg16 : memref<!tpu.dma_semaphore, #tpu.memory_space<semaphore_mem>>)
      %add3A_539 = arith.constant 81920 : i32
      %add3A_540 = arith.addi %add3A_539, %mul3A_23 : i32
      %dma_start3A_541 = arith.constant 5120 : i32
      %dma_start3A_542 = tpu.memref_slice %arg11[%dma_start3A_541] : memref<16384xi32, #tpu.memory_space<vmem>> -> memref<1024xi32, #tpu.memory_space<vmem>>
      %dma_start3A_543 = tpu.memref_slice %arg13[%add3A_540] : memref<278528xi32, #tpu.memory_space<vmem_shared>> -> memref<1024xi32, #tpu.memory_space<vmem_shared>>
      %dma_start3A_544 = arith.constant 5120 : i32
      %dma_start3A_545 = tpu.memref_slice %arg11[%dma_start3A_544] : memref<16384xi32, #tpu.memory_space<vmem>> -> memref<1024xi32, #tpu.memory_space<vmem>>
      %dma_start3A_546 = tpu.memref_slice %arg13[%add3A_540] : memref<278528xi32, #tpu.memory_space<vmem_shared>> -> memref<1024xi32, #tpu.memory_space<vmem_shared>>
      tpu.enqueue_dma source(%dma_start3A_546 : memref<1024xi32, #tpu.memory_space<vmem_shared>>) target(%dma_start3A_545 : memref<1024xi32, #tpu.memory_space<vmem>>) target_semaphore(%arg16 : memref<!tpu.dma_semaphore, #tpu.memory_space<semaphore_mem>>)
      %add3A_547 = arith.constant 98304 : i32
      %add3A_548 = arith.addi %add3A_547, %mul3A_23 : i32
      %dma_start3A_549 = arith.constant 6144 : i32
      %dma_start3A_550 = tpu.memref_slice %arg11[%dma_start3A_549] : memref<16384xi32, #tpu.memory_space<vmem>> -> memref<1024xi32, #tpu.memory_space<vmem>>
      %dma_start3A_551 = tpu.memref_slice %arg13[%add3A_548] : memref<278528xi32, #tpu.memory_space<vmem_shared>> -> memref<1024xi32, #tpu.memory_space<vmem_shared>>
      %dma_start3A_552 = arith.constant 6144 : i32
      %dma_start3A_553 = tpu.memref_slice %arg11[%dma_start3A_552] : memref<16384xi32, #tpu.memory_space<vmem>> -> memref<1024xi32, #tpu.memory_space<vmem>>
      %dma_start3A_554 = tpu.memref_slice %arg13[%add3A_548] : memref<278528xi32, #tpu.memory_space<vmem_shared>> -> memref<1024xi32, #tpu.memory_space<vmem_shared>>
      tpu.enqueue_dma source(%dma_start3A_554 : memref<1024xi32, #tpu.memory_space<vmem_shared>>) target(%dma_start3A_553 : memref<1024xi32, #tpu.memory_space<vmem>>) target_semaphore(%arg16 : memref<!tpu.dma_semaphore, #tpu.memory_space<semaphore_mem>>)
      %add3A_555 = arith.constant 114688 : i32
      %add3A_556 = arith.addi %add3A_555, %mul3A_23 : i32
      %dma_start3A_557 = arith.constant 7168 : i32
      %dma_start3A_558 = tpu.memref_slice %arg11[%dma_start3A_557] : memref<16384xi32, #tpu.memory_space<vmem>> -> memref<1024xi32, #tpu.memory_space<vmem>>
      %dma_start3A_559 = tpu.memref_slice %arg13[%add3A_556] : memref<278528xi32, #tpu.memory_space<vmem_shared>> -> memref<1024xi32, #tpu.memory_space<vmem_shared>>
      %dma_start3A_560 = arith.constant 7168 : i32
      %dma_start3A_561 = tpu.memref_slice %arg11[%dma_start3A_560] : memref<16384xi32, #tpu.memory_space<vmem>> -> memref<1024xi32, #tpu.memory_space<vmem>>
      %dma_start3A_562 = tpu.memref_slice %arg13[%add3A_556] : memref<278528xi32, #tpu.memory_space<vmem_shared>> -> memref<1024xi32, #tpu.memory_space<vmem_shared>>
      tpu.enqueue_dma source(%dma_start3A_562 : memref<1024xi32, #tpu.memory_space<vmem_shared>>) target(%dma_start3A_561 : memref<1024xi32, #tpu.memory_space<vmem>>) target_semaphore(%arg16 : memref<!tpu.dma_semaphore, #tpu.memory_space<semaphore_mem>>)
      %add3A_563 = arith.constant 131072 : i32
      %add3A_564 = arith.addi %add3A_563, %mul3A_23 : i32
      %dma_start3A_565 = arith.constant 8192 : i32
      %dma_start3A_566 = tpu.memref_slice %arg11[%dma_start3A_565] : memref<16384xi32, #tpu.memory_space<vmem>> -> memref<1024xi32, #tpu.memory_space<vmem>>
      %dma_start3A_567 = tpu.memref_slice %arg13[%add3A_564] : memref<278528xi32, #tpu.memory_space<vmem_shared>> -> memref<1024xi32, #tpu.memory_space<vmem_shared>>
      %dma_start3A_568 = arith.constant 8192 : i32
      %dma_start3A_569 = tpu.memref_slice %arg11[%dma_start3A_568] : memref<16384xi32, #tpu.memory_space<vmem>> -> memref<1024xi32, #tpu.memory_space<vmem>>
      %dma_start3A_570 = tpu.memref_slice %arg13[%add3A_564] : memref<278528xi32, #tpu.memory_space<vmem_shared>> -> memref<1024xi32, #tpu.memory_space<vmem_shared>>
      tpu.enqueue_dma source(%dma_start3A_570 : memref<1024xi32, #tpu.memory_space<vmem_shared>>) target(%dma_start3A_569 : memref<1024xi32, #tpu.memory_space<vmem>>) target_semaphore(%arg16 : memref<!tpu.dma_semaphore, #tpu.memory_space<semaphore_mem>>)
      %add3A_571 = arith.constant 147456 : i32
      %add3A_572 = arith.addi %add3A_571, %mul3A_23 : i32
      %dma_start3A_573 = arith.constant 9216 : i32
      %dma_start3A_574 = tpu.memref_slice %arg11[%dma_start3A_573] : memref<16384xi32, #tpu.memory_space<vmem>> -> memref<1024xi32, #tpu.memory_space<vmem>>
      %dma_start3A_575 = tpu.memref_slice %arg13[%add3A_572] : memref<278528xi32, #tpu.memory_space<vmem_shared>> -> memref<1024xi32, #tpu.memory_space<vmem_shared>>
      %dma_start3A_576 = arith.constant 9216 : i32
      %dma_start3A_577 = tpu.memref_slice %arg11[%dma_start3A_576] : memref<16384xi32, #tpu.memory_space<vmem>> -> memref<1024xi32, #tpu.memory_space<vmem>>
      %dma_start3A_578 = tpu.memref_slice %arg13[%add3A_572] : memref<278528xi32, #tpu.memory_space<vmem_shared>> -> memref<1024xi32, #tpu.memory_space<vmem_shared>>
      tpu.enqueue_dma source(%dma_start3A_578 : memref<1024xi32, #tpu.memory_space<vmem_shared>>) target(%dma_start3A_577 : memref<1024xi32, #tpu.memory_space<vmem>>) target_semaphore(%arg16 : memref<!tpu.dma_semaphore, #tpu.memory_space<semaphore_mem>>)
      %add3A_579 = arith.constant 163840 : i32
      %add3A_580 = arith.addi %add3A_579, %mul3A_23 : i32
      %dma_start3A_581 = arith.constant 10240 : i32
      %dma_start3A_582 = tpu.memref_slice %arg11[%dma_start3A_581] : memref<16384xi32, #tpu.memory_space<vmem>> -> memref<1024xi32, #tpu.memory_space<vmem>>
      %dma_start3A_583 = tpu.memref_slice %arg13[%add3A_580] : memref<278528xi32, #tpu.memory_space<vmem_shared>> -> memref<1024xi32, #tpu.memory_space<vmem_shared>>
      %dma_start3A_584 = arith.constant 10240 : i32
      %dma_start3A_585 = tpu.memref_slice %arg11[%dma_start3A_584] : memref<16384xi32, #tpu.memory_space<vmem>> -> memref<1024xi32, #tpu.memory_space<vmem>>
      %dma_start3A_586 = tpu.memref_slice %arg13[%add3A_580] : memref<278528xi32, #tpu.memory_space<vmem_shared>> -> memref<1024xi32, #tpu.memory_space<vmem_shared>>
      tpu.enqueue_dma source(%dma_start3A_586 : memref<1024xi32, #tpu.memory_space<vmem_shared>>) target(%dma_start3A_585 : memref<1024xi32, #tpu.memory_space<vmem>>) target_semaphore(%arg16 : memref<!tpu.dma_semaphore, #tpu.memory_space<semaphore_mem>>)
      %add3A_587 = arith.constant 180224 : i32
      %add3A_588 = arith.addi %add3A_587, %mul3A_23 : i32
      %dma_start3A_589 = arith.constant 11264 : i32
      %dma_start3A_590 = tpu.memref_slice %arg11[%dma_start3A_589] : memref<16384xi32, #tpu.memory_space<vmem>> -> memref<1024xi32, #tpu.memory_space<vmem>>
      %dma_start3A_591 = tpu.memref_slice %arg13[%add3A_588] : memref<278528xi32, #tpu.memory_space<vmem_shared>> -> memref<1024xi32, #tpu.memory_space<vmem_shared>>
      %dma_start3A_592 = arith.constant 11264 : i32
      %dma_start3A_593 = tpu.memref_slice %arg11[%dma_start3A_592] : memref<16384xi32, #tpu.memory_space<vmem>> -> memref<1024xi32, #tpu.memory_space<vmem>>
      %dma_start3A_594 = tpu.memref_slice %arg13[%add3A_588] : memref<278528xi32, #tpu.memory_space<vmem_shared>> -> memref<1024xi32, #tpu.memory_space<vmem_shared>>
      tpu.enqueue_dma source(%dma_start3A_594 : memref<1024xi32, #tpu.memory_space<vmem_shared>>) target(%dma_start3A_593 : memref<1024xi32, #tpu.memory_space<vmem>>) target_semaphore(%arg16 : memref<!tpu.dma_semaphore, #tpu.memory_space<semaphore_mem>>)
      %add3A_595 = arith.constant 196608 : i32
      %add3A_596 = arith.addi %add3A_595, %mul3A_23 : i32
      %dma_start3A_597 = arith.constant 12288 : i32
      %dma_start3A_598 = tpu.memref_slice %arg11[%dma_start3A_597] : memref<16384xi32, #tpu.memory_space<vmem>> -> memref<1024xi32, #tpu.memory_space<vmem>>
      %dma_start3A_599 = tpu.memref_slice %arg13[%add3A_596] : memref<278528xi32, #tpu.memory_space<vmem_shared>> -> memref<1024xi32, #tpu.memory_space<vmem_shared>>
      %dma_start3A_600 = arith.constant 12288 : i32
      %dma_start3A_601 = tpu.memref_slice %arg11[%dma_start3A_600] : memref<16384xi32, #tpu.memory_space<vmem>> -> memref<1024xi32, #tpu.memory_space<vmem>>
      %dma_start3A_602 = tpu.memref_slice %arg13[%add3A_596] : memref<278528xi32, #tpu.memory_space<vmem_shared>> -> memref<1024xi32, #tpu.memory_space<vmem_shared>>
      tpu.enqueue_dma source(%dma_start3A_602 : memref<1024xi32, #tpu.memory_space<vmem_shared>>) target(%dma_start3A_601 : memref<1024xi32, #tpu.memory_space<vmem>>) target_semaphore(%arg16 : memref<!tpu.dma_semaphore, #tpu.memory_space<semaphore_mem>>)
      %add3A_603 = arith.constant 212992 : i32
      %add3A_604 = arith.addi %add3A_603, %mul3A_23 : i32
      %dma_start3A_605 = arith.constant 13312 : i32
      %dma_start3A_606 = tpu.memref_slice %arg11[%dma_start3A_605] : memref<16384xi32, #tpu.memory_space<vmem>> -> memref<1024xi32, #tpu.memory_space<vmem>>
      %dma_start3A_607 = tpu.memref_slice %arg13[%add3A_604] : memref<278528xi32, #tpu.memory_space<vmem_shared>> -> memref<1024xi32, #tpu.memory_space<vmem_shared>>
      %dma_start3A_608 = arith.constant 13312 : i32
      %dma_start3A_609 = tpu.memref_slice %arg11[%dma_start3A_608] : memref<16384xi32, #tpu.memory_space<vmem>> -> memref<1024xi32, #tpu.memory_space<vmem>>
      %dma_start3A_610 = tpu.memref_slice %arg13[%add3A_604] : memref<278528xi32, #tpu.memory_space<vmem_shared>> -> memref<1024xi32, #tpu.memory_space<vmem_shared>>
      tpu.enqueue_dma source(%dma_start3A_610 : memref<1024xi32, #tpu.memory_space<vmem_shared>>) target(%dma_start3A_609 : memref<1024xi32, #tpu.memory_space<vmem>>) target_semaphore(%arg16 : memref<!tpu.dma_semaphore, #tpu.memory_space<semaphore_mem>>)
      %add3A_611 = arith.constant 229376 : i32
      %add3A_612 = arith.addi %add3A_611, %mul3A_23 : i32
      %dma_start3A_613 = arith.constant 14336 : i32
      %dma_start3A_614 = tpu.memref_slice %arg11[%dma_start3A_613] : memref<16384xi32, #tpu.memory_space<vmem>> -> memref<1024xi32, #tpu.memory_space<vmem>>
      %dma_start3A_615 = tpu.memref_slice %arg13[%add3A_612] : memref<278528xi32, #tpu.memory_space<vmem_shared>> -> memref<1024xi32, #tpu.memory_space<vmem_shared>>
      %dma_start3A_616 = arith.constant 14336 : i32
      %dma_start3A_617 = tpu.memref_slice %arg11[%dma_start3A_616] : memref<16384xi32, #tpu.memory_space<vmem>> -> memref<1024xi32, #tpu.memory_space<vmem>>
      %dma_start3A_618 = tpu.memref_slice %arg13[%add3A_612] : memref<278528xi32, #tpu.memory_space<vmem_shared>> -> memref<1024xi32, #tpu.memory_space<vmem_shared>>
      tpu.enqueue_dma source(%dma_start3A_618 : memref<1024xi32, #tpu.memory_space<vmem_shared>>) target(%dma_start3A_617 : memref<1024xi32, #tpu.memory_space<vmem>>) target_semaphore(%arg16 : memref<!tpu.dma_semaphore, #tpu.memory_space<semaphore_mem>>)
      %add3A_619 = arith.constant 245760 : i32
      %add3A_620 = arith.addi %add3A_619, %mul3A_23 : i32
      %dma_start3A_621 = arith.constant 15360 : i32
      %dma_start3A_622 = tpu.memref_slice %arg11[%dma_start3A_621] : memref<16384xi32, #tpu.memory_space<vmem>> -> memref<1024xi32, #tpu.memory_space<vmem>>
      %dma_start3A_623 = tpu.memref_slice %arg13[%add3A_620] : memref<278528xi32, #tpu.memory_space<vmem_shared>> -> memref<1024xi32, #tpu.memory_space<vmem_shared>>
      %dma_start3A_624 = arith.constant 15360 : i32
      %dma_start3A_625 = tpu.memref_slice %arg11[%dma_start3A_624] : memref<16384xi32, #tpu.memory_space<vmem>> -> memref<1024xi32, #tpu.memory_space<vmem>>
      %dma_start3A_626 = tpu.memref_slice %arg13[%add3A_620] : memref<278528xi32, #tpu.memory_space<vmem_shared>> -> memref<1024xi32, #tpu.memory_space<vmem_shared>>
      tpu.enqueue_dma source(%dma_start3A_626 : memref<1024xi32, #tpu.memory_space<vmem_shared>>) target(%dma_start3A_625 : memref<1024xi32, #tpu.memory_space<vmem>>) target_semaphore(%arg16 : memref<!tpu.dma_semaphore, #tpu.memory_space<semaphore_mem>>)
      %dma_wait3A_627 = arith.constant 0 : i32
      %dma_wait3A_628 = tpu.memref_slice %arg11[%dma_wait3A_627] : memref<16384xi32, #tpu.memory_space<vmem>> -> memref<1024xi32, #tpu.memory_space<vmem>>
      %dma_wait3A_629 = tpu.memref_slice %arg13[%add3A_500] : memref<278528xi32, #tpu.memory_space<vmem_shared>> -> memref<1024xi32, #tpu.memory_space<vmem_shared>>
      %dma_wait3A_630 = arith.constant 0 : i32
      %dma_wait3A_631 = tpu.memref_slice %arg11[%dma_wait3A_630] : memref<16384xi32, #tpu.memory_space<vmem>> -> memref<1024xi32, #tpu.memory_space<vmem>>
      %dma_wait3A_632 = tpu.memref_slice %arg13[%add3A_500] : memref<278528xi32, #tpu.memory_space<vmem_shared>> -> memref<1024xi32, #tpu.memory_space<vmem_shared>>
      tpu.wait_dma2 semaphore(%arg16 : memref<!tpu.dma_semaphore, #tpu.memory_space<semaphore_mem>>) src(%dma_wait3A_632 : memref<1024xi32, #tpu.memory_space<vmem_shared>>) dst(%dma_wait3A_631 : memref<1024xi32, #tpu.memory_space<vmem>>)
      %dma_wait3A_633 = arith.constant 1024 : i32
      %dma_wait3A_634 = tpu.memref_slice %arg11[%dma_wait3A_633] : memref<16384xi32, #tpu.memory_space<vmem>> -> memref<1024xi32, #tpu.memory_space<vmem>>
      %dma_wait3A_635 = tpu.memref_slice %arg13[%add3A_508] : memref<278528xi32, #tpu.memory_space<vmem_shared>> -> memref<1024xi32, #tpu.memory_space<vmem_shared>>
      %dma_wait3A_636 = arith.constant 1024 : i32
      %dma_wait3A_637 = tpu.memref_slice %arg11[%dma_wait3A_636] : memref<16384xi32, #tpu.memory_space<vmem>> -> memref<1024xi32, #tpu.memory_space<vmem>>
      %dma_wait3A_638 = tpu.memref_slice %arg13[%add3A_508] : memref<278528xi32, #tpu.memory_space<vmem_shared>> -> memref<1024xi32, #tpu.memory_space<vmem_shared>>
      tpu.wait_dma2 semaphore(%arg16 : memref<!tpu.dma_semaphore, #tpu.memory_space<semaphore_mem>>) src(%dma_wait3A_638 : memref<1024xi32, #tpu.memory_space<vmem_shared>>) dst(%dma_wait3A_637 : memref<1024xi32, #tpu.memory_space<vmem>>)
      %dma_wait3A_639 = arith.constant 2048 : i32
      %dma_wait3A_640 = tpu.memref_slice %arg11[%dma_wait3A_639] : memref<16384xi32, #tpu.memory_space<vmem>> -> memref<1024xi32, #tpu.memory_space<vmem>>
      %dma_wait3A_641 = tpu.memref_slice %arg13[%add3A_516] : memref<278528xi32, #tpu.memory_space<vmem_shared>> -> memref<1024xi32, #tpu.memory_space<vmem_shared>>
      %dma_wait3A_642 = arith.constant 2048 : i32
      %dma_wait3A_643 = tpu.memref_slice %arg11[%dma_wait3A_642] : memref<16384xi32, #tpu.memory_space<vmem>> -> memref<1024xi32, #tpu.memory_space<vmem>>
      %dma_wait3A_644 = tpu.memref_slice %arg13[%add3A_516] : memref<278528xi32, #tpu.memory_space<vmem_shared>> -> memref<1024xi32, #tpu.memory_space<vmem_shared>>
      tpu.wait_dma2 semaphore(%arg16 : memref<!tpu.dma_semaphore, #tpu.memory_space<semaphore_mem>>) src(%dma_wait3A_644 : memref<1024xi32, #tpu.memory_space<vmem_shared>>) dst(%dma_wait3A_643 : memref<1024xi32, #tpu.memory_space<vmem>>)
      %dma_wait3A_645 = arith.constant 3072 : i32
      %dma_wait3A_646 = tpu.memref_slice %arg11[%dma_wait3A_645] : memref<16384xi32, #tpu.memory_space<vmem>> -> memref<1024xi32, #tpu.memory_space<vmem>>
      %dma_wait3A_647 = tpu.memref_slice %arg13[%add3A_524] : memref<278528xi32, #tpu.memory_space<vmem_shared>> -> memref<1024xi32, #tpu.memory_space<vmem_shared>>
      %dma_wait3A_648 = arith.constant 3072 : i32
      %dma_wait3A_649 = tpu.memref_slice %arg11[%dma_wait3A_648] : memref<16384xi32, #tpu.memory_space<vmem>> -> memref<1024xi32, #tpu.memory_space<vmem>>
      %dma_wait3A_650 = tpu.memref_slice %arg13[%add3A_524] : memref<278528xi32, #tpu.memory_space<vmem_shared>> -> memref<1024xi32, #tpu.memory_space<vmem_shared>>
      tpu.wait_dma2 semaphore(%arg16 : memref<!tpu.dma_semaphore, #tpu.memory_space<semaphore_mem>>) src(%dma_wait3A_650 : memref<1024xi32, #tpu.memory_space<vmem_shared>>) dst(%dma_wait3A_649 : memref<1024xi32, #tpu.memory_space<vmem>>)
      %dma_wait3A_651 = arith.constant 4096 : i32
      %dma_wait3A_652 = tpu.memref_slice %arg11[%dma_wait3A_651] : memref<16384xi32, #tpu.memory_space<vmem>> -> memref<1024xi32, #tpu.memory_space<vmem>>
      %dma_wait3A_653 = tpu.memref_slice %arg13[%add3A_532] : memref<278528xi32, #tpu.memory_space<vmem_shared>> -> memref<1024xi32, #tpu.memory_space<vmem_shared>>
      %dma_wait3A_654 = arith.constant 4096 : i32
      %dma_wait3A_655 = tpu.memref_slice %arg11[%dma_wait3A_654] : memref<16384xi32, #tpu.memory_space<vmem>> -> memref<1024xi32, #tpu.memory_space<vmem>>
      %dma_wait3A_656 = tpu.memref_slice %arg13[%add3A_532] : memref<278528xi32, #tpu.memory_space<vmem_shared>> -> memref<1024xi32, #tpu.memory_space<vmem_shared>>
      tpu.wait_dma2 semaphore(%arg16 : memref<!tpu.dma_semaphore, #tpu.memory_space<semaphore_mem>>) src(%dma_wait3A_656 : memref<1024xi32, #tpu.memory_space<vmem_shared>>) dst(%dma_wait3A_655 : memref<1024xi32, #tpu.memory_space<vmem>>)
      %dma_wait3A_657 = arith.constant 5120 : i32
      %dma_wait3A_658 = tpu.memref_slice %arg11[%dma_wait3A_657] : memref<16384xi32, #tpu.memory_space<vmem>> -> memref<1024xi32, #tpu.memory_space<vmem>>
      %dma_wait3A_659 = tpu.memref_slice %arg13[%add3A_540] : memref<278528xi32, #tpu.memory_space<vmem_shared>> -> memref<1024xi32, #tpu.memory_space<vmem_shared>>
      %dma_wait3A_660 = arith.constant 5120 : i32
      %dma_wait3A_661 = tpu.memref_slice %arg11[%dma_wait3A_660] : memref<16384xi32, #tpu.memory_space<vmem>> -> memref<1024xi32, #tpu.memory_space<vmem>>
      %dma_wait3A_662 = tpu.memref_slice %arg13[%add3A_540] : memref<278528xi32, #tpu.memory_space<vmem_shared>> -> memref<1024xi32, #tpu.memory_space<vmem_shared>>
      tpu.wait_dma2 semaphore(%arg16 : memref<!tpu.dma_semaphore, #tpu.memory_space<semaphore_mem>>) src(%dma_wait3A_662 : memref<1024xi32, #tpu.memory_space<vmem_shared>>) dst(%dma_wait3A_661 : memref<1024xi32, #tpu.memory_space<vmem>>)
      %dma_wait3A_663 = arith.constant 6144 : i32
      %dma_wait3A_664 = tpu.memref_slice %arg11[%dma_wait3A_663] : memref<16384xi32, #tpu.memory_space<vmem>> -> memref<1024xi32, #tpu.memory_space<vmem>>
      %dma_wait3A_665 = tpu.memref_slice %arg13[%add3A_548] : memref<278528xi32, #tpu.memory_space<vmem_shared>> -> memref<1024xi32, #tpu.memory_space<vmem_shared>>
      %dma_wait3A_666 = arith.constant 6144 : i32
      %dma_wait3A_667 = tpu.memref_slice %arg11[%dma_wait3A_666] : memref<16384xi32, #tpu.memory_space<vmem>> -> memref<1024xi32, #tpu.memory_space<vmem>>
      %dma_wait3A_668 = tpu.memref_slice %arg13[%add3A_548] : memref<278528xi32, #tpu.memory_space<vmem_shared>> -> memref<1024xi32, #tpu.memory_space<vmem_shared>>
      tpu.wait_dma2 semaphore(%arg16 : memref<!tpu.dma_semaphore, #tpu.memory_space<semaphore_mem>>) src(%dma_wait3A_668 : memref<1024xi32, #tpu.memory_space<vmem_shared>>) dst(%dma_wait3A_667 : memref<1024xi32, #tpu.memory_space<vmem>>)
      %dma_wait3A_669 = arith.constant 7168 : i32
      %dma_wait3A_670 = tpu.memref_slice %arg11[%dma_wait3A_669] : memref<16384xi32, #tpu.memory_space<vmem>> -> memref<1024xi32, #tpu.memory_space<vmem>>
      %dma_wait3A_671 = tpu.memref_slice %arg13[%add3A_556] : memref<278528xi32, #tpu.memory_space<vmem_shared>> -> memref<1024xi32, #tpu.memory_space<vmem_shared>>
      %dma_wait3A_672 = arith.constant 7168 : i32
      %dma_wait3A_673 = tpu.memref_slice %arg11[%dma_wait3A_672] : memref<16384xi32, #tpu.memory_space<vmem>> -> memref<1024xi32, #tpu.memory_space<vmem>>
      %dma_wait3A_674 = tpu.memref_slice %arg13[%add3A_556] : memref<278528xi32, #tpu.memory_space<vmem_shared>> -> memref<1024xi32, #tpu.memory_space<vmem_shared>>
      tpu.wait_dma2 semaphore(%arg16 : memref<!tpu.dma_semaphore, #tpu.memory_space<semaphore_mem>>) src(%dma_wait3A_674 : memref<1024xi32, #tpu.memory_space<vmem_shared>>) dst(%dma_wait3A_673 : memref<1024xi32, #tpu.memory_space<vmem>>)
      %dma_wait3A_675 = arith.constant 8192 : i32
      %dma_wait3A_676 = tpu.memref_slice %arg11[%dma_wait3A_675] : memref<16384xi32, #tpu.memory_space<vmem>> -> memref<1024xi32, #tpu.memory_space<vmem>>
      %dma_wait3A_677 = tpu.memref_slice %arg13[%add3A_564] : memref<278528xi32, #tpu.memory_space<vmem_shared>> -> memref<1024xi32, #tpu.memory_space<vmem_shared>>
      %dma_wait3A_678 = arith.constant 8192 : i32
      %dma_wait3A_679 = tpu.memref_slice %arg11[%dma_wait3A_678] : memref<16384xi32, #tpu.memory_space<vmem>> -> memref<1024xi32, #tpu.memory_space<vmem>>
      %dma_wait3A_680 = tpu.memref_slice %arg13[%add3A_564] : memref<278528xi32, #tpu.memory_space<vmem_shared>> -> memref<1024xi32, #tpu.memory_space<vmem_shared>>
      tpu.wait_dma2 semaphore(%arg16 : memref<!tpu.dma_semaphore, #tpu.memory_space<semaphore_mem>>) src(%dma_wait3A_680 : memref<1024xi32, #tpu.memory_space<vmem_shared>>) dst(%dma_wait3A_679 : memref<1024xi32, #tpu.memory_space<vmem>>)
      %dma_wait3A_681 = arith.constant 9216 : i32
      %dma_wait3A_682 = tpu.memref_slice %arg11[%dma_wait3A_681] : memref<16384xi32, #tpu.memory_space<vmem>> -> memref<1024xi32, #tpu.memory_space<vmem>>
      %dma_wait3A_683 = tpu.memref_slice %arg13[%add3A_572] : memref<278528xi32, #tpu.memory_space<vmem_shared>> -> memref<1024xi32, #tpu.memory_space<vmem_shared>>
      %dma_wait3A_684 = arith.constant 9216 : i32
      %dma_wait3A_685 = tpu.memref_slice %arg11[%dma_wait3A_684] : memref<16384xi32, #tpu.memory_space<vmem>> -> memref<1024xi32, #tpu.memory_space<vmem>>
      %dma_wait3A_686 = tpu.memref_slice %arg13[%add3A_572] : memref<278528xi32, #tpu.memory_space<vmem_shared>> -> memref<1024xi32, #tpu.memory_space<vmem_shared>>
      tpu.wait_dma2 semaphore(%arg16 : memref<!tpu.dma_semaphore, #tpu.memory_space<semaphore_mem>>) src(%dma_wait3A_686 : memref<1024xi32, #tpu.memory_space<vmem_shared>>) dst(%dma_wait3A_685 : memref<1024xi32, #tpu.memory_space<vmem>>)
      %dma_wait3A_687 = arith.constant 10240 : i32
      %dma_wait3A_688 = tpu.memref_slice %arg11[%dma_wait3A_687] : memref<16384xi32, #tpu.memory_space<vmem>> -> memref<1024xi32, #tpu.memory_space<vmem>>
      %dma_wait3A_689 = tpu.memref_slice %arg13[%add3A_580] : memref<278528xi32, #tpu.memory_space<vmem_shared>> -> memref<1024xi32, #tpu.memory_space<vmem_shared>>
      %dma_wait3A_690 = arith.constant 10240 : i32
      %dma_wait3A_691 = tpu.memref_slice %arg11[%dma_wait3A_690] : memref<16384xi32, #tpu.memory_space<vmem>> -> memref<1024xi32, #tpu.memory_space<vmem>>
      %dma_wait3A_692 = tpu.memref_slice %arg13[%add3A_580] : memref<278528xi32, #tpu.memory_space<vmem_shared>> -> memref<1024xi32, #tpu.memory_space<vmem_shared>>
      tpu.wait_dma2 semaphore(%arg16 : memref<!tpu.dma_semaphore, #tpu.memory_space<semaphore_mem>>) src(%dma_wait3A_692 : memref<1024xi32, #tpu.memory_space<vmem_shared>>) dst(%dma_wait3A_691 : memref<1024xi32, #tpu.memory_space<vmem>>)
      %dma_wait3A_693 = arith.constant 11264 : i32
      %dma_wait3A_694 = tpu.memref_slice %arg11[%dma_wait3A_693] : memref<16384xi32, #tpu.memory_space<vmem>> -> memref<1024xi32, #tpu.memory_space<vmem>>
      %dma_wait3A_695 = tpu.memref_slice %arg13[%add3A_588] : memref<278528xi32, #tpu.memory_space<vmem_shared>> -> memref<1024xi32, #tpu.memory_space<vmem_shared>>
      %dma_wait3A_696 = arith.constant 11264 : i32
      %dma_wait3A_697 = tpu.memref_slice %arg11[%dma_wait3A_696] : memref<16384xi32, #tpu.memory_space<vmem>> -> memref<1024xi32, #tpu.memory_space<vmem>>
      %dma_wait3A_698 = tpu.memref_slice %arg13[%add3A_588] : memref<278528xi32, #tpu.memory_space<vmem_shared>> -> memref<1024xi32, #tpu.memory_space<vmem_shared>>
      tpu.wait_dma2 semaphore(%arg16 : memref<!tpu.dma_semaphore, #tpu.memory_space<semaphore_mem>>) src(%dma_wait3A_698 : memref<1024xi32, #tpu.memory_space<vmem_shared>>) dst(%dma_wait3A_697 : memref<1024xi32, #tpu.memory_space<vmem>>)
      %dma_wait3A_699 = arith.constant 12288 : i32
      %dma_wait3A_700 = tpu.memref_slice %arg11[%dma_wait3A_699] : memref<16384xi32, #tpu.memory_space<vmem>> -> memref<1024xi32, #tpu.memory_space<vmem>>
      %dma_wait3A_701 = tpu.memref_slice %arg13[%add3A_596] : memref<278528xi32, #tpu.memory_space<vmem_shared>> -> memref<1024xi32, #tpu.memory_space<vmem_shared>>
      %dma_wait3A_702 = arith.constant 12288 : i32
      %dma_wait3A_703 = tpu.memref_slice %arg11[%dma_wait3A_702] : memref<16384xi32, #tpu.memory_space<vmem>> -> memref<1024xi32, #tpu.memory_space<vmem>>
      %dma_wait3A_704 = tpu.memref_slice %arg13[%add3A_596] : memref<278528xi32, #tpu.memory_space<vmem_shared>> -> memref<1024xi32, #tpu.memory_space<vmem_shared>>
      tpu.wait_dma2 semaphore(%arg16 : memref<!tpu.dma_semaphore, #tpu.memory_space<semaphore_mem>>) src(%dma_wait3A_704 : memref<1024xi32, #tpu.memory_space<vmem_shared>>) dst(%dma_wait3A_703 : memref<1024xi32, #tpu.memory_space<vmem>>)
      %dma_wait3A_705 = arith.constant 13312 : i32
      %dma_wait3A_706 = tpu.memref_slice %arg11[%dma_wait3A_705] : memref<16384xi32, #tpu.memory_space<vmem>> -> memref<1024xi32, #tpu.memory_space<vmem>>
      %dma_wait3A_707 = tpu.memref_slice %arg13[%add3A_604] : memref<278528xi32, #tpu.memory_space<vmem_shared>> -> memref<1024xi32, #tpu.memory_space<vmem_shared>>
      %dma_wait3A_708 = arith.constant 13312 : i32
      %dma_wait3A_709 = tpu.memref_slice %arg11[%dma_wait3A_708] : memref<16384xi32, #tpu.memory_space<vmem>> -> memref<1024xi32, #tpu.memory_space<vmem>>
      %dma_wait3A_710 = tpu.memref_slice %arg13[%add3A_604] : memref<278528xi32, #tpu.memory_space<vmem_shared>> -> memref<1024xi32, #tpu.memory_space<vmem_shared>>
      tpu.wait_dma2 semaphore(%arg16 : memref<!tpu.dma_semaphore, #tpu.memory_space<semaphore_mem>>) src(%dma_wait3A_710 : memref<1024xi32, #tpu.memory_space<vmem_shared>>) dst(%dma_wait3A_709 : memref<1024xi32, #tpu.memory_space<vmem>>)
      %dma_wait3A_711 = arith.constant 14336 : i32
      %dma_wait3A_712 = tpu.memref_slice %arg11[%dma_wait3A_711] : memref<16384xi32, #tpu.memory_space<vmem>> -> memref<1024xi32, #tpu.memory_space<vmem>>
      %dma_wait3A_713 = tpu.memref_slice %arg13[%add3A_612] : memref<278528xi32, #tpu.memory_space<vmem_shared>> -> memref<1024xi32, #tpu.memory_space<vmem_shared>>
      %dma_wait3A_714 = arith.constant 14336 : i32
      %dma_wait3A_715 = tpu.memref_slice %arg11[%dma_wait3A_714] : memref<16384xi32, #tpu.memory_space<vmem>> -> memref<1024xi32, #tpu.memory_space<vmem>>
      %dma_wait3A_716 = tpu.memref_slice %arg13[%add3A_612] : memref<278528xi32, #tpu.memory_space<vmem_shared>> -> memref<1024xi32, #tpu.memory_space<vmem_shared>>
      tpu.wait_dma2 semaphore(%arg16 : memref<!tpu.dma_semaphore, #tpu.memory_space<semaphore_mem>>) src(%dma_wait3A_716 : memref<1024xi32, #tpu.memory_space<vmem_shared>>) dst(%dma_wait3A_715 : memref<1024xi32, #tpu.memory_space<vmem>>)
      %dma_wait3A_717 = arith.constant 15360 : i32
      %dma_wait3A_718 = tpu.memref_slice %arg11[%dma_wait3A_717] : memref<16384xi32, #tpu.memory_space<vmem>> -> memref<1024xi32, #tpu.memory_space<vmem>>
      %dma_wait3A_719 = tpu.memref_slice %arg13[%add3A_620] : memref<278528xi32, #tpu.memory_space<vmem_shared>> -> memref<1024xi32, #tpu.memory_space<vmem_shared>>
      %dma_wait3A_720 = arith.constant 15360 : i32
      %dma_wait3A_721 = tpu.memref_slice %arg11[%dma_wait3A_720] : memref<16384xi32, #tpu.memory_space<vmem>> -> memref<1024xi32, #tpu.memory_space<vmem>>
      %dma_wait3A_722 = tpu.memref_slice %arg13[%add3A_620] : memref<278528xi32, #tpu.memory_space<vmem_shared>> -> memref<1024xi32, #tpu.memory_space<vmem_shared>>
      tpu.wait_dma2 semaphore(%arg16 : memref<!tpu.dma_semaphore, #tpu.memory_space<semaphore_mem>>) src(%dma_wait3A_722 : memref<1024xi32, #tpu.memory_space<vmem_shared>>) dst(%dma_wait3A_721 : memref<1024xi32, #tpu.memory_space<vmem>>)
      %scan3A_723 = arith.constant 0 : i32
      %scan3A_724 = arith.constant 0 : i32
      %scan3A_725 = arith.constant 64 : i32
      %scan3A_726 = arith.addi %scan3A_724, %scan3A_725 : i32
      %scan3A_727 = arith.constant 1 : i32
      %scan3A_728 = scf.for %scan3A_979 = %scan3A_724 to %scan3A_726 step %scan3A_727 iter_args(%scan3A_980 = %scan3A_723) -> (i32)  : i32 {
        %mul3A_981 = arith.constant 16 : i32
        %mul3A_982 = arith.muli %scan3A_979, %mul3A_981 : i32
        %get3A = arith.index_cast %mul3A_982 : i32 to index
        %get3A_983 = tpu.vector_load %arg11[%get3A] {strides = array<i32>} : memref<16384xi32, #tpu.memory_space<vmem>>, vector<16xi32>,
        %mul3A_984 = arith.constant 16 : i32
        %mul3A_985 = arith.muli %scan3A_979, %mul3A_984 : i32
        %add3A_986 = arith.constant 1024 : i32
        %add3A_987 = arith.addi %add3A_986, %mul3A_985 : i32
        %get3A_988 = arith.index_cast %add3A_987 : i32 to index
        %get3A_989 = tpu.vector_load %arg11[%get3A_988] {strides = array<i32>} : memref<16384xi32, #tpu.memory_space<vmem>>, vector<16xi32>,
        %or3A = arith.ori %get3A_983, %get3A_989 : vector<16xi32>
        %mul3A_990 = arith.constant 16 : i32
        %mul3A_991 = arith.muli %scan3A_979, %mul3A_990 : i32
        %add3A_992 = arith.constant 2048 : i32
        %add3A_993 = arith.addi %add3A_992, %mul3A_991 : i32
        %get3A_994 = arith.index_cast %add3A_993 : i32 to index
        %get3A_995 = tpu.vector_load %arg11[%get3A_994] {strides = array<i32>} : memref<16384xi32, #tpu.memory_space<vmem>>, vector<16xi32>,
        %or3A_996 = arith.ori %or3A, %get3A_995 : vector<16xi32>
        %mul3A_997 = arith.constant 16 : i32
        %mul3A_998 = arith.muli %scan3A_979, %mul3A_997 : i32
        %add3A_999 = arith.constant 3072 : i32
        %add3A_1000 = arith.addi %add3A_999, %mul3A_998 : i32
        %get3A_1001 = arith.index_cast %add3A_1000 : i32 to index
        %get3A_1002 = tpu.vector_load %arg11[%get3A_1001] {strides = array<i32>} : memref<16384xi32, #tpu.memory_space<vmem>>, vector<16xi32>,
        %or3A_1003 = arith.ori %or3A_996, %get3A_1002 : vector<16xi32>
        %mul3A_1004 = arith.constant 16 : i32
        %mul3A_1005 = arith.muli %scan3A_979, %mul3A_1004 : i32
        %add3A_1006 = arith.constant 4096 : i32
        %add3A_1007 = arith.addi %add3A_1006, %mul3A_1005 : i32
        %get3A_1008 = arith.index_cast %add3A_1007 : i32 to index
        %get3A_1009 = tpu.vector_load %arg11[%get3A_1008] {strides = array<i32>} : memref<16384xi32, #tpu.memory_space<vmem>>, vector<16xi32>,
        %or3A_1010 = arith.ori %or3A_1003, %get3A_1009 : vector<16xi32>
        %mul3A_1011 = arith.constant 16 : i32
        %mul3A_1012 = arith.muli %scan3A_979, %mul3A_1011 : i32
        %add3A_1013 = arith.constant 5120 : i32
        %add3A_1014 = arith.addi %add3A_1013, %mul3A_1012 : i32
        %get3A_1015 = arith.index_cast %add3A_1014 : i32 to index
        %get3A_1016 = tpu.vector_load %arg11[%get3A_1015] {strides = array<i32>} : memref<16384xi32, #tpu.memory_space<vmem>>, vector<16xi32>,
        %or3A_1017 = arith.ori %or3A_1010, %get3A_1016 : vector<16xi32>
        %mul3A_1018 = arith.constant 16 : i32
        %mul3A_1019 = arith.muli %scan3A_979, %mul3A_1018 : i32
        %add3A_1020 = arith.constant 6144 : i32
        %add3A_1021 = arith.addi %add3A_1020, %mul3A_1019 : i32
        %get3A_1022 = arith.index_cast %add3A_1021 : i32 to index
        %get3A_1023 = tpu.vector_load %arg11[%get3A_1022] {strides = array<i32>} : memref<16384xi32, #tpu.memory_space<vmem>>, vector<16xi32>,
        %or3A_1024 = arith.ori %or3A_1017, %get3A_1023 : vector<16xi32>
        %mul3A_1025 = arith.constant 16 : i32
        %mul3A_1026 = arith.muli %scan3A_979, %mul3A_1025 : i32
        %add3A_1027 = arith.constant 7168 : i32
        %add3A_1028 = arith.addi %add3A_1027, %mul3A_1026 : i32
        %get3A_1029 = arith.index_cast %add3A_1028 : i32 to index
        %get3A_1030 = tpu.vector_load %arg11[%get3A_1029] {strides = array<i32>} : memref<16384xi32, #tpu.memory_space<vmem>>, vector<16xi32>,
        %or3A_1031 = arith.ori %or3A_1024, %get3A_1030 : vector<16xi32>
        %mul3A_1032 = arith.constant 16 : i32
        %mul3A_1033 = arith.muli %scan3A_979, %mul3A_1032 : i32
        %add3A_1034 = arith.constant 8192 : i32
        %add3A_1035 = arith.addi %add3A_1034, %mul3A_1033 : i32
        %get3A_1036 = arith.index_cast %add3A_1035 : i32 to index
        %get3A_1037 = tpu.vector_load %arg11[%get3A_1036] {strides = array<i32>} : memref<16384xi32, #tpu.memory_space<vmem>>, vector<16xi32>,
        %or3A_1038 = arith.ori %or3A_1031, %get3A_1037 : vector<16xi32>
        %mul3A_1039 = arith.constant 16 : i32
        %mul3A_1040 = arith.muli %scan3A_979, %mul3A_1039 : i32
        %add3A_1041 = arith.constant 9216 : i32
        %add3A_1042 = arith.addi %add3A_1041, %mul3A_1040 : i32
        %get3A_1043 = arith.index_cast %add3A_1042 : i32 to index
        %get3A_1044 = tpu.vector_load %arg11[%get3A_1043] {strides = array<i32>} : memref<16384xi32, #tpu.memory_space<vmem>>, vector<16xi32>,
        %or3A_1045 = arith.ori %or3A_1038, %get3A_1044 : vector<16xi32>
        %mul3A_1046 = arith.constant 16 : i32
        %mul3A_1047 = arith.muli %scan3A_979, %mul3A_1046 : i32
        %add3A_1048 = arith.constant 10240 : i32
        %add3A_1049 = arith.addi %add3A_1048, %mul3A_1047 : i32
        %get3A_1050 = arith.index_cast %add3A_1049 : i32 to index
        %get3A_1051 = tpu.vector_load %arg11[%get3A_1050] {strides = array<i32>} : memref<16384xi32, #tpu.memory_space<vmem>>, vector<16xi32>,
        %or3A_1052 = arith.ori %or3A_1045, %get3A_1051 : vector<16xi32>
        %mul3A_1053 = arith.constant 16 : i32
        %mul3A_1054 = arith.muli %scan3A_979, %mul3A_1053 : i32
        %add3A_1055 = arith.constant 11264 : i32
        %add3A_1056 = arith.addi %add3A_1055, %mul3A_1054 : i32
        %get3A_1057 = arith.index_cast %add3A_1056 : i32 to index
        %get3A_1058 = tpu.vector_load %arg11[%get3A_1057] {strides = array<i32>} : memref<16384xi32, #tpu.memory_space<vmem>>, vector<16xi32>,
        %or3A_1059 = arith.ori %or3A_1052, %get3A_1058 : vector<16xi32>
        %mul3A_1060 = arith.constant 16 : i32
        %mul3A_1061 = arith.muli %scan3A_979, %mul3A_1060 : i32
        %add3A_1062 = arith.constant 12288 : i32
        %add3A_1063 = arith.addi %add3A_1062, %mul3A_1061 : i32
        %get3A_1064 = arith.index_cast %add3A_1063 : i32 to index
        %get3A_1065 = tpu.vector_load %arg11[%get3A_1064] {strides = array<i32>} : memref<16384xi32, #tpu.memory_space<vmem>>, vector<16xi32>,
        %or3A_1066 = arith.ori %or3A_1059, %get3A_1065 : vector<16xi32>
        %mul3A_1067 = arith.constant 16 : i32
        %mul3A_1068 = arith.muli %scan3A_979, %mul3A_1067 : i32
        %add3A_1069 = arith.constant 13312 : i32
        %add3A_1070 = arith.addi %add3A_1069, %mul3A_1068 : i32
        %get3A_1071 = arith.index_cast %add3A_1070 : i32 to index
        %get3A_1072 = tpu.vector_load %arg11[%get3A_1071] {strides = array<i32>} : memref<16384xi32, #tpu.memory_space<vmem>>, vector<16xi32>,
        %or3A_1073 = arith.ori %or3A_1066, %get3A_1072 : vector<16xi32>
        %mul3A_1074 = arith.constant 16 : i32
        %mul3A_1075 = arith.muli %scan3A_979, %mul3A_1074 : i32
        %add3A_1076 = arith.constant 14336 : i32
        %add3A_1077 = arith.addi %add3A_1076, %mul3A_1075 : i32
        %get3A_1078 = arith.index_cast %add3A_1077 : i32 to index
        %get3A_1079 = tpu.vector_load %arg11[%get3A_1078] {strides = array<i32>} : memref<16384xi32, #tpu.memory_space<vmem>>, vector<16xi32>,
        %or3A_1080 = arith.ori %or3A_1073, %get3A_1079 : vector<16xi32>
        %mul3A_1081 = arith.constant 16 : i32
        %mul3A_1082 = arith.muli %scan3A_979, %mul3A_1081 : i32
        %add3A_1083 = arith.constant 15360 : i32
        %add3A_1084 = arith.addi %add3A_1083, %mul3A_1082 : i32
        %get3A_1085 = arith.index_cast %add3A_1084 : i32 to index
        %get3A_1086 = tpu.vector_load %arg11[%get3A_1085] {strides = array<i32>} : memref<16384xi32, #tpu.memory_space<vmem>>, vector<16xi32>,
        %or3A_1087 = arith.ori %or3A_1080, %get3A_1086 : vector<16xi32>
        %mul3A_1088 = arith.constant 16 : i32
        %mul3A_1089 = arith.muli %scan3A_979, %mul3A_1088 : i32
        %swap3A = arith.index_cast %mul3A_1089 : i32 to index
        %swap3A_1090 = tpu.vector_load %arg10[%swap3A] {strides = array<i32>} : memref<6400xi32, #tpu.memory_space<vmem>>, vector<16xi32>,
        tpu.vector_store %arg10[%swap3A], %or3A_1087 {strides = array<i32>} : memref<6400xi32, #tpu.memory_space<vmem>>, vector<16xi32>,
        %scan3A_1091 = arith.constant 0 : i32
        scf.yield %scan3A_1091 : i32
      }
      %scan3A_729 = arith.constant 64 : i32
      %add3A_730 = arith.constant 262144 : i32
      %add3A_731 = arith.addi %add3A_730, %mul3A_23 : i32
      "tpu.region"() ({
        %run_scoped3A = tpu.sem_alloc : memref<!tpu.dma_semaphore, #tpu.memory_space<semaphore_mem>>
        %dma_start3A_979 = arith.constant 0 : i32
        %dma_start3A_980 = tpu.memref_slice %arg10[%dma_start3A_979] : memref<6400xi32, #tpu.memory_space<vmem>> -> memref<1024xi32, #tpu.memory_space<vmem>>
        %dma_start3A_981 = tpu.memref_slice %arg13[%add3A_731] : memref<278528xi32, #tpu.memory_space<vmem_shared>> -> memref<1024xi32, #tpu.memory_space<vmem_shared>>
        %dma_start3A_982 = tpu.memref_slice %arg13[%add3A_731] : memref<278528xi32, #tpu.memory_space<vmem_shared>> -> memref<1024xi32, #tpu.memory_space<vmem_shared>>
        %dma_start3A_983 = arith.constant 0 : i32
        %dma_start3A_984 = tpu.memref_slice %arg10[%dma_start3A_983] : memref<6400xi32, #tpu.memory_space<vmem>> -> memref<1024xi32, #tpu.memory_space<vmem>>
        tpu.enqueue_dma source(%dma_start3A_984 : memref<1024xi32, #tpu.memory_space<vmem>>) target(%dma_start3A_982 : memref<1024xi32, #tpu.memory_space<vmem_shared>>) target_semaphore(%run_scoped3A : memref<!tpu.dma_semaphore, #tpu.memory_space<semaphore_mem>>)
        %dma_wait3A_985 = arith.constant 0 : i32
        %dma_wait3A_986 = tpu.memref_slice %arg10[%dma_wait3A_985] : memref<6400xi32, #tpu.memory_space<vmem>> -> memref<1024xi32, #tpu.memory_space<vmem>>
        %dma_wait3A_987 = tpu.memref_slice %arg13[%add3A_731] : memref<278528xi32, #tpu.memory_space<vmem_shared>> -> memref<1024xi32, #tpu.memory_space<vmem_shared>>
        %dma_wait3A_988 = tpu.memref_slice %arg13[%add3A_731] : memref<278528xi32, #tpu.memory_space<vmem_shared>> -> memref<1024xi32, #tpu.memory_space<vmem_shared>>
        %dma_wait3A_989 = arith.constant 0 : i32
        %dma_wait3A_990 = tpu.memref_slice %arg10[%dma_wait3A_989] : memref<6400xi32, #tpu.memory_space<vmem>> -> memref<1024xi32, #tpu.memory_space<vmem>>
        tpu.wait_dma2 semaphore(%run_scoped3A : memref<!tpu.dma_semaphore, #tpu.memory_space<semaphore_mem>>) src(%dma_wait3A_990 : memref<1024xi32, #tpu.memory_space<vmem>>) dst(%dma_wait3A_988 : memref<1024xi32, #tpu.memory_space<vmem_shared>>)
        tpu.yield
      }) : () -> ()
      %barrier3A_732 = arith.constant 0 : index
      tpu.barrier barrier_id(%barrier3A_732)
      "tpu.region"() ({
        %run_scoped3A = tpu.sem_alloc : memref<!tpu.dma_semaphore, #tpu.memory_space<semaphore_mem>>
        %dma_start3A_979 = arith.constant 32768 : i32
        %dma_start3A_980 = tpu.memref_slice %arg12[%dma_start3A_979] : memref<65536xi32, #tpu.memory_space<vmem>> -> memref<16384xi32, #tpu.memory_space<vmem>>
        %dma_start3A_981 = arith.constant 262144 : i32
        %dma_start3A_982 = tpu.memref_slice %arg13[%dma_start3A_981] : memref<278528xi32, #tpu.memory_space<vmem_shared>> -> memref<16384xi32, #tpu.memory_space<vmem_shared>>
        %dma_start3A_983 = arith.constant 32768 : i32
        %dma_start3A_984 = tpu.memref_slice %arg12[%dma_start3A_983] : memref<65536xi32, #tpu.memory_space<vmem>> -> memref<16384xi32, #tpu.memory_space<vmem>>
        %dma_start3A_985 = arith.constant 262144 : i32
        %dma_start3A_986 = tpu.memref_slice %arg13[%dma_start3A_985] : memref<278528xi32, #tpu.memory_space<vmem_shared>> -> memref<16384xi32, #tpu.memory_space<vmem_shared>>
        tpu.enqueue_dma source(%dma_start3A_986 : memref<16384xi32, #tpu.memory_space<vmem_shared>>) target(%dma_start3A_984 : memref<16384xi32, #tpu.memory_space<vmem>>) target_semaphore(%run_scoped3A : memref<!tpu.dma_semaphore, #tpu.memory_space<semaphore_mem>>)
        %dma_wait3A_987 = arith.constant 32768 : i32
        %dma_wait3A_988 = tpu.memref_slice %arg12[%dma_wait3A_987] : memref<65536xi32, #tpu.memory_space<vmem>> -> memref<16384xi32, #tpu.memory_space<vmem>>
        %dma_wait3A_989 = arith.constant 262144 : i32
        %dma_wait3A_990 = tpu.memref_slice %arg13[%dma_wait3A_989] : memref<278528xi32, #tpu.memory_space<vmem_shared>> -> memref<16384xi32, #tpu.memory_space<vmem_shared>>
        %dma_wait3A_991 = arith.constant 32768 : i32
        %dma_wait3A_992 = tpu.memref_slice %arg12[%dma_wait3A_991] : memref<65536xi32, #tpu.memory_space<vmem>> -> memref<16384xi32, #tpu.memory_space<vmem>>
        %dma_wait3A_993 = arith.constant 262144 : i32
        %dma_wait3A_994 = tpu.memref_slice %arg13[%dma_wait3A_993] : memref<278528xi32, #tpu.memory_space<vmem_shared>> -> memref<16384xi32, #tpu.memory_space<vmem_shared>>
        tpu.wait_dma2 semaphore(%run_scoped3A : memref<!tpu.dma_semaphore, #tpu.memory_space<semaphore_mem>>) src(%dma_wait3A_994 : memref<16384xi32, #tpu.memory_space<vmem_shared>>) dst(%dma_wait3A_992 : memref<16384xi32, #tpu.memory_space<vmem>>)
        tpu.yield
      }) : () -> ()
      %barrier3A_733 = arith.constant 0 : index
      tpu.barrier barrier_id(%barrier3A_733)
      %mul3A_734 = arith.constant 16384 : i32
      %mul3A_735 = arith.muli %arg1, %mul3A_734 : i32
      "tpu.region"() ({
        %run_scoped3A = tpu.sem_alloc : memref<!tpu.dma_semaphore, #tpu.memory_space<semaphore_mem>>
        %dma_start3A_979 = arith.constant 49152 : i32
        %dma_start3A_980 = tpu.memref_slice %arg12[%dma_start3A_979] : memref<65536xi32, #tpu.memory_space<vmem>> -> memref<16384xi32, #tpu.memory_space<vmem>>
        %dma_start3A_981 = tpu.memref_slice %arg13[%mul3A_735] : memref<278528xi32, #tpu.memory_space<vmem_shared>> -> memref<16384xi32, #tpu.memory_space<vmem_shared>>
        %dma_start3A_982 = tpu.memref_slice %arg13[%mul3A_735] : memref<278528xi32, #tpu.memory_space<vmem_shared>> -> memref<16384xi32, #tpu.memory_space<vmem_shared>>
        %dma_start3A_983 = arith.constant 49152 : i32
        %dma_start3A_984 = tpu.memref_slice %arg12[%dma_start3A_983] : memref<65536xi32, #tpu.memory_space<vmem>> -> memref<16384xi32, #tpu.memory_space<vmem>>
        tpu.enqueue_dma source(%dma_start3A_984 : memref<16384xi32, #tpu.memory_space<vmem>>) target(%dma_start3A_982 : memref<16384xi32, #tpu.memory_space<vmem_shared>>) target_semaphore(%run_scoped3A : memref<!tpu.dma_semaphore, #tpu.memory_space<semaphore_mem>>)
        %dma_wait3A_985 = arith.constant 49152 : i32
        %dma_wait3A_986 = tpu.memref_slice %arg12[%dma_wait3A_985] : memref<65536xi32, #tpu.memory_space<vmem>> -> memref<16384xi32, #tpu.memory_space<vmem>>
        %dma_wait3A_987 = tpu.memref_slice %arg13[%mul3A_735] : memref<278528xi32, #tpu.memory_space<vmem_shared>> -> memref<16384xi32, #tpu.memory_space<vmem_shared>>
        %dma_wait3A_988 = tpu.memref_slice %arg13[%mul3A_735] : memref<278528xi32, #tpu.memory_space<vmem_shared>> -> memref<16384xi32, #tpu.memory_space<vmem_shared>>
        %dma_wait3A_989 = arith.constant 49152 : i32
        %dma_wait3A_990 = tpu.memref_slice %arg12[%dma_wait3A_989] : memref<65536xi32, #tpu.memory_space<vmem>> -> memref<16384xi32, #tpu.memory_space<vmem>>
        tpu.wait_dma2 semaphore(%run_scoped3A : memref<!tpu.dma_semaphore, #tpu.memory_space<semaphore_mem>>) src(%dma_wait3A_990 : memref<16384xi32, #tpu.memory_space<vmem>>) dst(%dma_wait3A_988 : memref<16384xi32, #tpu.memory_space<vmem_shared>>)
        tpu.yield
      }) : () -> ()
      %barrier3A_736 = arith.constant 0 : index
      tpu.barrier barrier_id(%barrier3A_736)
      %add3A_737 = arith.constant 0 : i32
      %add3A_738 = arith.addi %add3A_737, %mul3A_23 : i32
      %dma_start3A_739 = arith.constant 0 : i32
      %dma_start3A_740 = tpu.memref_slice %arg11[%dma_start3A_739] : memref<16384xi32, #tpu.memory_space<vmem>> -> memref<1024xi32, #tpu.memory_space<vmem>>
      %dma_start3A_741 = tpu.memref_slice %arg13[%add3A_738] : memref<278528xi32, #tpu.memory_space<vmem_shared>> -> memref<1024xi32, #tpu.memory_space<vmem_shared>>
      %dma_start3A_742 = arith.constant 0 : i32
      %dma_start3A_743 = tpu.memref_slice %arg11[%dma_start3A_742] : memref<16384xi32, #tpu.memory_space<vmem>> -> memref<1024xi32, #tpu.memory_space<vmem>>
      %dma_start3A_744 = tpu.memref_slice %arg13[%add3A_738] : memref<278528xi32, #tpu.memory_space<vmem_shared>> -> memref<1024xi32, #tpu.memory_space<vmem_shared>>
      tpu.enqueue_dma source(%dma_start3A_744 : memref<1024xi32, #tpu.memory_space<vmem_shared>>) target(%dma_start3A_743 : memref<1024xi32, #tpu.memory_space<vmem>>) target_semaphore(%arg16 : memref<!tpu.dma_semaphore, #tpu.memory_space<semaphore_mem>>)
      %add3A_745 = arith.constant 16384 : i32
      %add3A_746 = arith.addi %add3A_745, %mul3A_23 : i32
      %dma_start3A_747 = arith.constant 1024 : i32
      %dma_start3A_748 = tpu.memref_slice %arg11[%dma_start3A_747] : memref<16384xi32, #tpu.memory_space<vmem>> -> memref<1024xi32, #tpu.memory_space<vmem>>
      %dma_start3A_749 = tpu.memref_slice %arg13[%add3A_746] : memref<278528xi32, #tpu.memory_space<vmem_shared>> -> memref<1024xi32, #tpu.memory_space<vmem_shared>>
      %dma_start3A_750 = arith.constant 1024 : i32
      %dma_start3A_751 = tpu.memref_slice %arg11[%dma_start3A_750] : memref<16384xi32, #tpu.memory_space<vmem>> -> memref<1024xi32, #tpu.memory_space<vmem>>
      %dma_start3A_752 = tpu.memref_slice %arg13[%add3A_746] : memref<278528xi32, #tpu.memory_space<vmem_shared>> -> memref<1024xi32, #tpu.memory_space<vmem_shared>>
      tpu.enqueue_dma source(%dma_start3A_752 : memref<1024xi32, #tpu.memory_space<vmem_shared>>) target(%dma_start3A_751 : memref<1024xi32, #tpu.memory_space<vmem>>) target_semaphore(%arg16 : memref<!tpu.dma_semaphore, #tpu.memory_space<semaphore_mem>>)
      %add3A_753 = arith.constant 32768 : i32
      %add3A_754 = arith.addi %add3A_753, %mul3A_23 : i32
      %dma_start3A_755 = arith.constant 2048 : i32
      %dma_start3A_756 = tpu.memref_slice %arg11[%dma_start3A_755] : memref<16384xi32, #tpu.memory_space<vmem>> -> memref<1024xi32, #tpu.memory_space<vmem>>
      %dma_start3A_757 = tpu.memref_slice %arg13[%add3A_754] : memref<278528xi32, #tpu.memory_space<vmem_shared>> -> memref<1024xi32, #tpu.memory_space<vmem_shared>>
      %dma_start3A_758 = arith.constant 2048 : i32
      %dma_start3A_759 = tpu.memref_slice %arg11[%dma_start3A_758] : memref<16384xi32, #tpu.memory_space<vmem>> -> memref<1024xi32, #tpu.memory_space<vmem>>
      %dma_start3A_760 = tpu.memref_slice %arg13[%add3A_754] : memref<278528xi32, #tpu.memory_space<vmem_shared>> -> memref<1024xi32, #tpu.memory_space<vmem_shared>>
      tpu.enqueue_dma source(%dma_start3A_760 : memref<1024xi32, #tpu.memory_space<vmem_shared>>) target(%dma_start3A_759 : memref<1024xi32, #tpu.memory_space<vmem>>) target_semaphore(%arg16 : memref<!tpu.dma_semaphore, #tpu.memory_space<semaphore_mem>>)
      %add3A_761 = arith.constant 49152 : i32
      %add3A_762 = arith.addi %add3A_761, %mul3A_23 : i32
      %dma_start3A_763 = arith.constant 3072 : i32
      %dma_start3A_764 = tpu.memref_slice %arg11[%dma_start3A_763] : memref<16384xi32, #tpu.memory_space<vmem>> -> memref<1024xi32, #tpu.memory_space<vmem>>
      %dma_start3A_765 = tpu.memref_slice %arg13[%add3A_762] : memref<278528xi32, #tpu.memory_space<vmem_shared>> -> memref<1024xi32, #tpu.memory_space<vmem_shared>>
      %dma_start3A_766 = arith.constant 3072 : i32
      %dma_start3A_767 = tpu.memref_slice %arg11[%dma_start3A_766] : memref<16384xi32, #tpu.memory_space<vmem>> -> memref<1024xi32, #tpu.memory_space<vmem>>
      %dma_start3A_768 = tpu.memref_slice %arg13[%add3A_762] : memref<278528xi32, #tpu.memory_space<vmem_shared>> -> memref<1024xi32, #tpu.memory_space<vmem_shared>>
      tpu.enqueue_dma source(%dma_start3A_768 : memref<1024xi32, #tpu.memory_space<vmem_shared>>) target(%dma_start3A_767 : memref<1024xi32, #tpu.memory_space<vmem>>) target_semaphore(%arg16 : memref<!tpu.dma_semaphore, #tpu.memory_space<semaphore_mem>>)
      %add3A_769 = arith.constant 65536 : i32
      %add3A_770 = arith.addi %add3A_769, %mul3A_23 : i32
      %dma_start3A_771 = arith.constant 4096 : i32
      %dma_start3A_772 = tpu.memref_slice %arg11[%dma_start3A_771] : memref<16384xi32, #tpu.memory_space<vmem>> -> memref<1024xi32, #tpu.memory_space<vmem>>
      %dma_start3A_773 = tpu.memref_slice %arg13[%add3A_770] : memref<278528xi32, #tpu.memory_space<vmem_shared>> -> memref<1024xi32, #tpu.memory_space<vmem_shared>>
      %dma_start3A_774 = arith.constant 4096 : i32
      %dma_start3A_775 = tpu.memref_slice %arg11[%dma_start3A_774] : memref<16384xi32, #tpu.memory_space<vmem>> -> memref<1024xi32, #tpu.memory_space<vmem>>
      %dma_start3A_776 = tpu.memref_slice %arg13[%add3A_770] : memref<278528xi32, #tpu.memory_space<vmem_shared>> -> memref<1024xi32, #tpu.memory_space<vmem_shared>>
      tpu.enqueue_dma source(%dma_start3A_776 : memref<1024xi32, #tpu.memory_space<vmem_shared>>) target(%dma_start3A_775 : memref<1024xi32, #tpu.memory_space<vmem>>) target_semaphore(%arg16 : memref<!tpu.dma_semaphore, #tpu.memory_space<semaphore_mem>>)
      %add3A_777 = arith.constant 81920 : i32
      %add3A_778 = arith.addi %add3A_777, %mul3A_23 : i32
      %dma_start3A_779 = arith.constant 5120 : i32
      %dma_start3A_780 = tpu.memref_slice %arg11[%dma_start3A_779] : memref<16384xi32, #tpu.memory_space<vmem>> -> memref<1024xi32, #tpu.memory_space<vmem>>
      %dma_start3A_781 = tpu.memref_slice %arg13[%add3A_778] : memref<278528xi32, #tpu.memory_space<vmem_shared>> -> memref<1024xi32, #tpu.memory_space<vmem_shared>>
      %dma_start3A_782 = arith.constant 5120 : i32
      %dma_start3A_783 = tpu.memref_slice %arg11[%dma_start3A_782] : memref<16384xi32, #tpu.memory_space<vmem>> -> memref<1024xi32, #tpu.memory_space<vmem>>
      %dma_start3A_784 = tpu.memref_slice %arg13[%add3A_778] : memref<278528xi32, #tpu.memory_space<vmem_shared>> -> memref<1024xi32, #tpu.memory_space<vmem_shared>>
      tpu.enqueue_dma source(%dma_start3A_784 : memref<1024xi32, #tpu.memory_space<vmem_shared>>) target(%dma_start3A_783 : memref<1024xi32, #tpu.memory_space<vmem>>) target_semaphore(%arg16 : memref<!tpu.dma_semaphore, #tpu.memory_space<semaphore_mem>>)
      %add3A_785 = arith.constant 98304 : i32
      %add3A_786 = arith.addi %add3A_785, %mul3A_23 : i32
      %dma_start3A_787 = arith.constant 6144 : i32
      %dma_start3A_788 = tpu.memref_slice %arg11[%dma_start3A_787] : memref<16384xi32, #tpu.memory_space<vmem>> -> memref<1024xi32, #tpu.memory_space<vmem>>
      %dma_start3A_789 = tpu.memref_slice %arg13[%add3A_786] : memref<278528xi32, #tpu.memory_space<vmem_shared>> -> memref<1024xi32, #tpu.memory_space<vmem_shared>>
      %dma_start3A_790 = arith.constant 6144 : i32
      %dma_start3A_791 = tpu.memref_slice %arg11[%dma_start3A_790] : memref<16384xi32, #tpu.memory_space<vmem>> -> memref<1024xi32, #tpu.memory_space<vmem>>
      %dma_start3A_792 = tpu.memref_slice %arg13[%add3A_786] : memref<278528xi32, #tpu.memory_space<vmem_shared>> -> memref<1024xi32, #tpu.memory_space<vmem_shared>>
      tpu.enqueue_dma source(%dma_start3A_792 : memref<1024xi32, #tpu.memory_space<vmem_shared>>) target(%dma_start3A_791 : memref<1024xi32, #tpu.memory_space<vmem>>) target_semaphore(%arg16 : memref<!tpu.dma_semaphore, #tpu.memory_space<semaphore_mem>>)
      %add3A_793 = arith.constant 114688 : i32
      %add3A_794 = arith.addi %add3A_793, %mul3A_23 : i32
      %dma_start3A_795 = arith.constant 7168 : i32
      %dma_start3A_796 = tpu.memref_slice %arg11[%dma_start3A_795] : memref<16384xi32, #tpu.memory_space<vmem>> -> memref<1024xi32, #tpu.memory_space<vmem>>
      %dma_start3A_797 = tpu.memref_slice %arg13[%add3A_794] : memref<278528xi32, #tpu.memory_space<vmem_shared>> -> memref<1024xi32, #tpu.memory_space<vmem_shared>>
      %dma_start3A_798 = arith.constant 7168 : i32
      %dma_start3A_799 = tpu.memref_slice %arg11[%dma_start3A_798] : memref<16384xi32, #tpu.memory_space<vmem>> -> memref<1024xi32, #tpu.memory_space<vmem>>
      %dma_start3A_800 = tpu.memref_slice %arg13[%add3A_794] : memref<278528xi32, #tpu.memory_space<vmem_shared>> -> memref<1024xi32, #tpu.memory_space<vmem_shared>>
      tpu.enqueue_dma source(%dma_start3A_800 : memref<1024xi32, #tpu.memory_space<vmem_shared>>) target(%dma_start3A_799 : memref<1024xi32, #tpu.memory_space<vmem>>) target_semaphore(%arg16 : memref<!tpu.dma_semaphore, #tpu.memory_space<semaphore_mem>>)
      %add3A_801 = arith.constant 131072 : i32
      %add3A_802 = arith.addi %add3A_801, %mul3A_23 : i32
      %dma_start3A_803 = arith.constant 8192 : i32
      %dma_start3A_804 = tpu.memref_slice %arg11[%dma_start3A_803] : memref<16384xi32, #tpu.memory_space<vmem>> -> memref<1024xi32, #tpu.memory_space<vmem>>
      %dma_start3A_805 = tpu.memref_slice %arg13[%add3A_802] : memref<278528xi32, #tpu.memory_space<vmem_shared>> -> memref<1024xi32, #tpu.memory_space<vmem_shared>>
      %dma_start3A_806 = arith.constant 8192 : i32
      %dma_start3A_807 = tpu.memref_slice %arg11[%dma_start3A_806] : memref<16384xi32, #tpu.memory_space<vmem>> -> memref<1024xi32, #tpu.memory_space<vmem>>
      %dma_start3A_808 = tpu.memref_slice %arg13[%add3A_802] : memref<278528xi32, #tpu.memory_space<vmem_shared>> -> memref<1024xi32, #tpu.memory_space<vmem_shared>>
      tpu.enqueue_dma source(%dma_start3A_808 : memref<1024xi32, #tpu.memory_space<vmem_shared>>) target(%dma_start3A_807 : memref<1024xi32, #tpu.memory_space<vmem>>) target_semaphore(%arg16 : memref<!tpu.dma_semaphore, #tpu.memory_space<semaphore_mem>>)
      %add3A_809 = arith.constant 147456 : i32
      %add3A_810 = arith.addi %add3A_809, %mul3A_23 : i32
      %dma_start3A_811 = arith.constant 9216 : i32
      %dma_start3A_812 = tpu.memref_slice %arg11[%dma_start3A_811] : memref<16384xi32, #tpu.memory_space<vmem>> -> memref<1024xi32, #tpu.memory_space<vmem>>
      %dma_start3A_813 = tpu.memref_slice %arg13[%add3A_810] : memref<278528xi32, #tpu.memory_space<vmem_shared>> -> memref<1024xi32, #tpu.memory_space<vmem_shared>>
      %dma_start3A_814 = arith.constant 9216 : i32
      %dma_start3A_815 = tpu.memref_slice %arg11[%dma_start3A_814] : memref<16384xi32, #tpu.memory_space<vmem>> -> memref<1024xi32, #tpu.memory_space<vmem>>
      %dma_start3A_816 = tpu.memref_slice %arg13[%add3A_810] : memref<278528xi32, #tpu.memory_space<vmem_shared>> -> memref<1024xi32, #tpu.memory_space<vmem_shared>>
      tpu.enqueue_dma source(%dma_start3A_816 : memref<1024xi32, #tpu.memory_space<vmem_shared>>) target(%dma_start3A_815 : memref<1024xi32, #tpu.memory_space<vmem>>) target_semaphore(%arg16 : memref<!tpu.dma_semaphore, #tpu.memory_space<semaphore_mem>>)
      %add3A_817 = arith.constant 163840 : i32
      %add3A_818 = arith.addi %add3A_817, %mul3A_23 : i32
      %dma_start3A_819 = arith.constant 10240 : i32
      %dma_start3A_820 = tpu.memref_slice %arg11[%dma_start3A_819] : memref<16384xi32, #tpu.memory_space<vmem>> -> memref<1024xi32, #tpu.memory_space<vmem>>
      %dma_start3A_821 = tpu.memref_slice %arg13[%add3A_818] : memref<278528xi32, #tpu.memory_space<vmem_shared>> -> memref<1024xi32, #tpu.memory_space<vmem_shared>>
      %dma_start3A_822 = arith.constant 10240 : i32
      %dma_start3A_823 = tpu.memref_slice %arg11[%dma_start3A_822] : memref<16384xi32, #tpu.memory_space<vmem>> -> memref<1024xi32, #tpu.memory_space<vmem>>
      %dma_start3A_824 = tpu.memref_slice %arg13[%add3A_818] : memref<278528xi32, #tpu.memory_space<vmem_shared>> -> memref<1024xi32, #tpu.memory_space<vmem_shared>>
      tpu.enqueue_dma source(%dma_start3A_824 : memref<1024xi32, #tpu.memory_space<vmem_shared>>) target(%dma_start3A_823 : memref<1024xi32, #tpu.memory_space<vmem>>) target_semaphore(%arg16 : memref<!tpu.dma_semaphore, #tpu.memory_space<semaphore_mem>>)
      %add3A_825 = arith.constant 180224 : i32
      %add3A_826 = arith.addi %add3A_825, %mul3A_23 : i32
      %dma_start3A_827 = arith.constant 11264 : i32
      %dma_start3A_828 = tpu.memref_slice %arg11[%dma_start3A_827] : memref<16384xi32, #tpu.memory_space<vmem>> -> memref<1024xi32, #tpu.memory_space<vmem>>
      %dma_start3A_829 = tpu.memref_slice %arg13[%add3A_826] : memref<278528xi32, #tpu.memory_space<vmem_shared>> -> memref<1024xi32, #tpu.memory_space<vmem_shared>>
      %dma_start3A_830 = arith.constant 11264 : i32
      %dma_start3A_831 = tpu.memref_slice %arg11[%dma_start3A_830] : memref<16384xi32, #tpu.memory_space<vmem>> -> memref<1024xi32, #tpu.memory_space<vmem>>
      %dma_start3A_832 = tpu.memref_slice %arg13[%add3A_826] : memref<278528xi32, #tpu.memory_space<vmem_shared>> -> memref<1024xi32, #tpu.memory_space<vmem_shared>>
      tpu.enqueue_dma source(%dma_start3A_832 : memref<1024xi32, #tpu.memory_space<vmem_shared>>) target(%dma_start3A_831 : memref<1024xi32, #tpu.memory_space<vmem>>) target_semaphore(%arg16 : memref<!tpu.dma_semaphore, #tpu.memory_space<semaphore_mem>>)
      %add3A_833 = arith.constant 196608 : i32
      %add3A_834 = arith.addi %add3A_833, %mul3A_23 : i32
      %dma_start3A_835 = arith.constant 12288 : i32
      %dma_start3A_836 = tpu.memref_slice %arg11[%dma_start3A_835] : memref<16384xi32, #tpu.memory_space<vmem>> -> memref<1024xi32, #tpu.memory_space<vmem>>
      %dma_start3A_837 = tpu.memref_slice %arg13[%add3A_834] : memref<278528xi32, #tpu.memory_space<vmem_shared>> -> memref<1024xi32, #tpu.memory_space<vmem_shared>>
      %dma_start3A_838 = arith.constant 12288 : i32
      %dma_start3A_839 = tpu.memref_slice %arg11[%dma_start3A_838] : memref<16384xi32, #tpu.memory_space<vmem>> -> memref<1024xi32, #tpu.memory_space<vmem>>
      %dma_start3A_840 = tpu.memref_slice %arg13[%add3A_834] : memref<278528xi32, #tpu.memory_space<vmem_shared>> -> memref<1024xi32, #tpu.memory_space<vmem_shared>>
      tpu.enqueue_dma source(%dma_start3A_840 : memref<1024xi32, #tpu.memory_space<vmem_shared>>) target(%dma_start3A_839 : memref<1024xi32, #tpu.memory_space<vmem>>) target_semaphore(%arg16 : memref<!tpu.dma_semaphore, #tpu.memory_space<semaphore_mem>>)
      %add3A_841 = arith.constant 212992 : i32
      %add3A_842 = arith.addi %add3A_841, %mul3A_23 : i32
      %dma_start3A_843 = arith.constant 13312 : i32
      %dma_start3A_844 = tpu.memref_slice %arg11[%dma_start3A_843] : memref<16384xi32, #tpu.memory_space<vmem>> -> memref<1024xi32, #tpu.memory_space<vmem>>
      %dma_start3A_845 = tpu.memref_slice %arg13[%add3A_842] : memref<278528xi32, #tpu.memory_space<vmem_shared>> -> memref<1024xi32, #tpu.memory_space<vmem_shared>>
      %dma_start3A_846 = arith.constant 13312 : i32
      %dma_start3A_847 = tpu.memref_slice %arg11[%dma_start3A_846] : memref<16384xi32, #tpu.memory_space<vmem>> -> memref<1024xi32, #tpu.memory_space<vmem>>
      %dma_start3A_848 = tpu.memref_slice %arg13[%add3A_842] : memref<278528xi32, #tpu.memory_space<vmem_shared>> -> memref<1024xi32, #tpu.memory_space<vmem_shared>>
      tpu.enqueue_dma source(%dma_start3A_848 : memref<1024xi32, #tpu.memory_space<vmem_shared>>) target(%dma_start3A_847 : memref<1024xi32, #tpu.memory_space<vmem>>) target_semaphore(%arg16 : memref<!tpu.dma_semaphore, #tpu.memory_space<semaphore_mem>>)
      %add3A_849 = arith.constant 229376 : i32
      %add3A_850 = arith.addi %add3A_849, %mul3A_23 : i32
      %dma_start3A_851 = arith.constant 14336 : i32
      %dma_start3A_852 = tpu.memref_slice %arg11[%dma_start3A_851] : memref<16384xi32, #tpu.memory_space<vmem>> -> memref<1024xi32, #tpu.memory_space<vmem>>
      %dma_start3A_853 = tpu.memref_slice %arg13[%add3A_850] : memref<278528xi32, #tpu.memory_space<vmem_shared>> -> memref<1024xi32, #tpu.memory_space<vmem_shared>>
      %dma_start3A_854 = arith.constant 14336 : i32
      %dma_start3A_855 = tpu.memref_slice %arg11[%dma_start3A_854] : memref<16384xi32, #tpu.memory_space<vmem>> -> memref<1024xi32, #tpu.memory_space<vmem>>
      %dma_start3A_856 = tpu.memref_slice %arg13[%add3A_850] : memref<278528xi32, #tpu.memory_space<vmem_shared>> -> memref<1024xi32, #tpu.memory_space<vmem_shared>>
      tpu.enqueue_dma source(%dma_start3A_856 : memref<1024xi32, #tpu.memory_space<vmem_shared>>) target(%dma_start3A_855 : memref<1024xi32, #tpu.memory_space<vmem>>) target_semaphore(%arg16 : memref<!tpu.dma_semaphore, #tpu.memory_space<semaphore_mem>>)
      %add3A_857 = arith.constant 245760 : i32
      %add3A_858 = arith.addi %add3A_857, %mul3A_23 : i32
      %dma_start3A_859 = arith.constant 15360 : i32
      %dma_start3A_860 = tpu.memref_slice %arg11[%dma_start3A_859] : memref<16384xi32, #tpu.memory_space<vmem>> -> memref<1024xi32, #tpu.memory_space<vmem>>
      %dma_start3A_861 = tpu.memref_slice %arg13[%add3A_858] : memref<278528xi32, #tpu.memory_space<vmem_shared>> -> memref<1024xi32, #tpu.memory_space<vmem_shared>>
      %dma_start3A_862 = arith.constant 15360 : i32
      %dma_start3A_863 = tpu.memref_slice %arg11[%dma_start3A_862] : memref<16384xi32, #tpu.memory_space<vmem>> -> memref<1024xi32, #tpu.memory_space<vmem>>
      %dma_start3A_864 = tpu.memref_slice %arg13[%add3A_858] : memref<278528xi32, #tpu.memory_space<vmem_shared>> -> memref<1024xi32, #tpu.memory_space<vmem_shared>>
      tpu.enqueue_dma source(%dma_start3A_864 : memref<1024xi32, #tpu.memory_space<vmem_shared>>) target(%dma_start3A_863 : memref<1024xi32, #tpu.memory_space<vmem>>) target_semaphore(%arg16 : memref<!tpu.dma_semaphore, #tpu.memory_space<semaphore_mem>>)
      %dma_wait3A_865 = arith.constant 0 : i32
      %dma_wait3A_866 = tpu.memref_slice %arg11[%dma_wait3A_865] : memref<16384xi32, #tpu.memory_space<vmem>> -> memref<1024xi32, #tpu.memory_space<vmem>>
      %dma_wait3A_867 = tpu.memref_slice %arg13[%add3A_738] : memref<278528xi32, #tpu.memory_space<vmem_shared>> -> memref<1024xi32, #tpu.memory_space<vmem_shared>>
      %dma_wait3A_868 = arith.constant 0 : i32
      %dma_wait3A_869 = tpu.memref_slice %arg11[%dma_wait3A_868] : memref<16384xi32, #tpu.memory_space<vmem>> -> memref<1024xi32, #tpu.memory_space<vmem>>
      %dma_wait3A_870 = tpu.memref_slice %arg13[%add3A_738] : memref<278528xi32, #tpu.memory_space<vmem_shared>> -> memref<1024xi32, #tpu.memory_space<vmem_shared>>
      tpu.wait_dma2 semaphore(%arg16 : memref<!tpu.dma_semaphore, #tpu.memory_space<semaphore_mem>>) src(%dma_wait3A_870 : memref<1024xi32, #tpu.memory_space<vmem_shared>>) dst(%dma_wait3A_869 : memref<1024xi32, #tpu.memory_space<vmem>>)
      %dma_wait3A_871 = arith.constant 1024 : i32
      %dma_wait3A_872 = tpu.memref_slice %arg11[%dma_wait3A_871] : memref<16384xi32, #tpu.memory_space<vmem>> -> memref<1024xi32, #tpu.memory_space<vmem>>
      %dma_wait3A_873 = tpu.memref_slice %arg13[%add3A_746] : memref<278528xi32, #tpu.memory_space<vmem_shared>> -> memref<1024xi32, #tpu.memory_space<vmem_shared>>
      %dma_wait3A_874 = arith.constant 1024 : i32
      %dma_wait3A_875 = tpu.memref_slice %arg11[%dma_wait3A_874] : memref<16384xi32, #tpu.memory_space<vmem>> -> memref<1024xi32, #tpu.memory_space<vmem>>
      %dma_wait3A_876 = tpu.memref_slice %arg13[%add3A_746] : memref<278528xi32, #tpu.memory_space<vmem_shared>> -> memref<1024xi32, #tpu.memory_space<vmem_shared>>
      tpu.wait_dma2 semaphore(%arg16 : memref<!tpu.dma_semaphore, #tpu.memory_space<semaphore_mem>>) src(%dma_wait3A_876 : memref<1024xi32, #tpu.memory_space<vmem_shared>>) dst(%dma_wait3A_875 : memref<1024xi32, #tpu.memory_space<vmem>>)
      %dma_wait3A_877 = arith.constant 2048 : i32
      %dma_wait3A_878 = tpu.memref_slice %arg11[%dma_wait3A_877] : memref<16384xi32, #tpu.memory_space<vmem>> -> memref<1024xi32, #tpu.memory_space<vmem>>
      %dma_wait3A_879 = tpu.memref_slice %arg13[%add3A_754] : memref<278528xi32, #tpu.memory_space<vmem_shared>> -> memref<1024xi32, #tpu.memory_space<vmem_shared>>
      %dma_wait3A_880 = arith.constant 2048 : i32
      %dma_wait3A_881 = tpu.memref_slice %arg11[%dma_wait3A_880] : memref<16384xi32, #tpu.memory_space<vmem>> -> memref<1024xi32, #tpu.memory_space<vmem>>
      %dma_wait3A_882 = tpu.memref_slice %arg13[%add3A_754] : memref<278528xi32, #tpu.memory_space<vmem_shared>> -> memref<1024xi32, #tpu.memory_space<vmem_shared>>
      tpu.wait_dma2 semaphore(%arg16 : memref<!tpu.dma_semaphore, #tpu.memory_space<semaphore_mem>>) src(%dma_wait3A_882 : memref<1024xi32, #tpu.memory_space<vmem_shared>>) dst(%dma_wait3A_881 : memref<1024xi32, #tpu.memory_space<vmem>>)
      %dma_wait3A_883 = arith.constant 3072 : i32
      %dma_wait3A_884 = tpu.memref_slice %arg11[%dma_wait3A_883] : memref<16384xi32, #tpu.memory_space<vmem>> -> memref<1024xi32, #tpu.memory_space<vmem>>
      %dma_wait3A_885 = tpu.memref_slice %arg13[%add3A_762] : memref<278528xi32, #tpu.memory_space<vmem_shared>> -> memref<1024xi32, #tpu.memory_space<vmem_shared>>
      %dma_wait3A_886 = arith.constant 3072 : i32
      %dma_wait3A_887 = tpu.memref_slice %arg11[%dma_wait3A_886] : memref<16384xi32, #tpu.memory_space<vmem>> -> memref<1024xi32, #tpu.memory_space<vmem>>
      %dma_wait3A_888 = tpu.memref_slice %arg13[%add3A_762] : memref<278528xi32, #tpu.memory_space<vmem_shared>> -> memref<1024xi32, #tpu.memory_space<vmem_shared>>
      tpu.wait_dma2 semaphore(%arg16 : memref<!tpu.dma_semaphore, #tpu.memory_space<semaphore_mem>>) src(%dma_wait3A_888 : memref<1024xi32, #tpu.memory_space<vmem_shared>>) dst(%dma_wait3A_887 : memref<1024xi32, #tpu.memory_space<vmem>>)
      %dma_wait3A_889 = arith.constant 4096 : i32
      %dma_wait3A_890 = tpu.memref_slice %arg11[%dma_wait3A_889] : memref<16384xi32, #tpu.memory_space<vmem>> -> memref<1024xi32, #tpu.memory_space<vmem>>
      %dma_wait3A_891 = tpu.memref_slice %arg13[%add3A_770] : memref<278528xi32, #tpu.memory_space<vmem_shared>> -> memref<1024xi32, #tpu.memory_space<vmem_shared>>
      %dma_wait3A_892 = arith.constant 4096 : i32
      %dma_wait3A_893 = tpu.memref_slice %arg11[%dma_wait3A_892] : memref<16384xi32, #tpu.memory_space<vmem>> -> memref<1024xi32, #tpu.memory_space<vmem>>
      %dma_wait3A_894 = tpu.memref_slice %arg13[%add3A_770] : memref<278528xi32, #tpu.memory_space<vmem_shared>> -> memref<1024xi32, #tpu.memory_space<vmem_shared>>
      tpu.wait_dma2 semaphore(%arg16 : memref<!tpu.dma_semaphore, #tpu.memory_space<semaphore_mem>>) src(%dma_wait3A_894 : memref<1024xi32, #tpu.memory_space<vmem_shared>>) dst(%dma_wait3A_893 : memref<1024xi32, #tpu.memory_space<vmem>>)
      %dma_wait3A_895 = arith.constant 5120 : i32
      %dma_wait3A_896 = tpu.memref_slice %arg11[%dma_wait3A_895] : memref<16384xi32, #tpu.memory_space<vmem>> -> memref<1024xi32, #tpu.memory_space<vmem>>
      %dma_wait3A_897 = tpu.memref_slice %arg13[%add3A_778] : memref<278528xi32, #tpu.memory_space<vmem_shared>> -> memref<1024xi32, #tpu.memory_space<vmem_shared>>
      %dma_wait3A_898 = arith.constant 5120 : i32
      %dma_wait3A_899 = tpu.memref_slice %arg11[%dma_wait3A_898] : memref<16384xi32, #tpu.memory_space<vmem>> -> memref<1024xi32, #tpu.memory_space<vmem>>
      %dma_wait3A_900 = tpu.memref_slice %arg13[%add3A_778] : memref<278528xi32, #tpu.memory_space<vmem_shared>> -> memref<1024xi32, #tpu.memory_space<vmem_shared>>
      tpu.wait_dma2 semaphore(%arg16 : memref<!tpu.dma_semaphore, #tpu.memory_space<semaphore_mem>>) src(%dma_wait3A_900 : memref<1024xi32, #tpu.memory_space<vmem_shared>>) dst(%dma_wait3A_899 : memref<1024xi32, #tpu.memory_space<vmem>>)
      %dma_wait3A_901 = arith.constant 6144 : i32
      %dma_wait3A_902 = tpu.memref_slice %arg11[%dma_wait3A_901] : memref<16384xi32, #tpu.memory_space<vmem>> -> memref<1024xi32, #tpu.memory_space<vmem>>
      %dma_wait3A_903 = tpu.memref_slice %arg13[%add3A_786] : memref<278528xi32, #tpu.memory_space<vmem_shared>> -> memref<1024xi32, #tpu.memory_space<vmem_shared>>
      %dma_wait3A_904 = arith.constant 6144 : i32
      %dma_wait3A_905 = tpu.memref_slice %arg11[%dma_wait3A_904] : memref<16384xi32, #tpu.memory_space<vmem>> -> memref<1024xi32, #tpu.memory_space<vmem>>
      %dma_wait3A_906 = tpu.memref_slice %arg13[%add3A_786] : memref<278528xi32, #tpu.memory_space<vmem_shared>> -> memref<1024xi32, #tpu.memory_space<vmem_shared>>
      tpu.wait_dma2 semaphore(%arg16 : memref<!tpu.dma_semaphore, #tpu.memory_space<semaphore_mem>>) src(%dma_wait3A_906 : memref<1024xi32, #tpu.memory_space<vmem_shared>>) dst(%dma_wait3A_905 : memref<1024xi32, #tpu.memory_space<vmem>>)
      %dma_wait3A_907 = arith.constant 7168 : i32
      %dma_wait3A_908 = tpu.memref_slice %arg11[%dma_wait3A_907] : memref<16384xi32, #tpu.memory_space<vmem>> -> memref<1024xi32, #tpu.memory_space<vmem>>
      %dma_wait3A_909 = tpu.memref_slice %arg13[%add3A_794] : memref<278528xi32, #tpu.memory_space<vmem_shared>> -> memref<1024xi32, #tpu.memory_space<vmem_shared>>
      %dma_wait3A_910 = arith.constant 7168 : i32
      %dma_wait3A_911 = tpu.memref_slice %arg11[%dma_wait3A_910] : memref<16384xi32, #tpu.memory_space<vmem>> -> memref<1024xi32, #tpu.memory_space<vmem>>
      %dma_wait3A_912 = tpu.memref_slice %arg13[%add3A_794] : memref<278528xi32, #tpu.memory_space<vmem_shared>> -> memref<1024xi32, #tpu.memory_space<vmem_shared>>
      tpu.wait_dma2 semaphore(%arg16 : memref<!tpu.dma_semaphore, #tpu.memory_space<semaphore_mem>>) src(%dma_wait3A_912 : memref<1024xi32, #tpu.memory_space<vmem_shared>>) dst(%dma_wait3A_911 : memref<1024xi32, #tpu.memory_space<vmem>>)
      %dma_wait3A_913 = arith.constant 8192 : i32
      %dma_wait3A_914 = tpu.memref_slice %arg11[%dma_wait3A_913] : memref<16384xi32, #tpu.memory_space<vmem>> -> memref<1024xi32, #tpu.memory_space<vmem>>
      %dma_wait3A_915 = tpu.memref_slice %arg13[%add3A_802] : memref<278528xi32, #tpu.memory_space<vmem_shared>> -> memref<1024xi32, #tpu.memory_space<vmem_shared>>
      %dma_wait3A_916 = arith.constant 8192 : i32
      %dma_wait3A_917 = tpu.memref_slice %arg11[%dma_wait3A_916] : memref<16384xi32, #tpu.memory_space<vmem>> -> memref<1024xi32, #tpu.memory_space<vmem>>
      %dma_wait3A_918 = tpu.memref_slice %arg13[%add3A_802] : memref<278528xi32, #tpu.memory_space<vmem_shared>> -> memref<1024xi32, #tpu.memory_space<vmem_shared>>
      tpu.wait_dma2 semaphore(%arg16 : memref<!tpu.dma_semaphore, #tpu.memory_space<semaphore_mem>>) src(%dma_wait3A_918 : memref<1024xi32, #tpu.memory_space<vmem_shared>>) dst(%dma_wait3A_917 : memref<1024xi32, #tpu.memory_space<vmem>>)
      %dma_wait3A_919 = arith.constant 9216 : i32
      %dma_wait3A_920 = tpu.memref_slice %arg11[%dma_wait3A_919] : memref<16384xi32, #tpu.memory_space<vmem>> -> memref<1024xi32, #tpu.memory_space<vmem>>
      %dma_wait3A_921 = tpu.memref_slice %arg13[%add3A_810] : memref<278528xi32, #tpu.memory_space<vmem_shared>> -> memref<1024xi32, #tpu.memory_space<vmem_shared>>
      %dma_wait3A_922 = arith.constant 9216 : i32
      %dma_wait3A_923 = tpu.memref_slice %arg11[%dma_wait3A_922] : memref<16384xi32, #tpu.memory_space<vmem>> -> memref<1024xi32, #tpu.memory_space<vmem>>
      %dma_wait3A_924 = tpu.memref_slice %arg13[%add3A_810] : memref<278528xi32, #tpu.memory_space<vmem_shared>> -> memref<1024xi32, #tpu.memory_space<vmem_shared>>
      tpu.wait_dma2 semaphore(%arg16 : memref<!tpu.dma_semaphore, #tpu.memory_space<semaphore_mem>>) src(%dma_wait3A_924 : memref<1024xi32, #tpu.memory_space<vmem_shared>>) dst(%dma_wait3A_923 : memref<1024xi32, #tpu.memory_space<vmem>>)
      %dma_wait3A_925 = arith.constant 10240 : i32
      %dma_wait3A_926 = tpu.memref_slice %arg11[%dma_wait3A_925] : memref<16384xi32, #tpu.memory_space<vmem>> -> memref<1024xi32, #tpu.memory_space<vmem>>
      %dma_wait3A_927 = tpu.memref_slice %arg13[%add3A_818] : memref<278528xi32, #tpu.memory_space<vmem_shared>> -> memref<1024xi32, #tpu.memory_space<vmem_shared>>
      %dma_wait3A_928 = arith.constant 10240 : i32
      %dma_wait3A_929 = tpu.memref_slice %arg11[%dma_wait3A_928] : memref<16384xi32, #tpu.memory_space<vmem>> -> memref<1024xi32, #tpu.memory_space<vmem>>
      %dma_wait3A_930 = tpu.memref_slice %arg13[%add3A_818] : memref<278528xi32, #tpu.memory_space<vmem_shared>> -> memref<1024xi32, #tpu.memory_space<vmem_shared>>
      tpu.wait_dma2 semaphore(%arg16 : memref<!tpu.dma_semaphore, #tpu.memory_space<semaphore_mem>>) src(%dma_wait3A_930 : memref<1024xi32, #tpu.memory_space<vmem_shared>>) dst(%dma_wait3A_929 : memref<1024xi32, #tpu.memory_space<vmem>>)
      %dma_wait3A_931 = arith.constant 11264 : i32
      %dma_wait3A_932 = tpu.memref_slice %arg11[%dma_wait3A_931] : memref<16384xi32, #tpu.memory_space<vmem>> -> memref<1024xi32, #tpu.memory_space<vmem>>
      %dma_wait3A_933 = tpu.memref_slice %arg13[%add3A_826] : memref<278528xi32, #tpu.memory_space<vmem_shared>> -> memref<1024xi32, #tpu.memory_space<vmem_shared>>
      %dma_wait3A_934 = arith.constant 11264 : i32
      %dma_wait3A_935 = tpu.memref_slice %arg11[%dma_wait3A_934] : memref<16384xi32, #tpu.memory_space<vmem>> -> memref<1024xi32, #tpu.memory_space<vmem>>
      %dma_wait3A_936 = tpu.memref_slice %arg13[%add3A_826] : memref<278528xi32, #tpu.memory_space<vmem_shared>> -> memref<1024xi32, #tpu.memory_space<vmem_shared>>
      tpu.wait_dma2 semaphore(%arg16 : memref<!tpu.dma_semaphore, #tpu.memory_space<semaphore_mem>>) src(%dma_wait3A_936 : memref<1024xi32, #tpu.memory_space<vmem_shared>>) dst(%dma_wait3A_935 : memref<1024xi32, #tpu.memory_space<vmem>>)
      %dma_wait3A_937 = arith.constant 12288 : i32
      %dma_wait3A_938 = tpu.memref_slice %arg11[%dma_wait3A_937] : memref<16384xi32, #tpu.memory_space<vmem>> -> memref<1024xi32, #tpu.memory_space<vmem>>
      %dma_wait3A_939 = tpu.memref_slice %arg13[%add3A_834] : memref<278528xi32, #tpu.memory_space<vmem_shared>> -> memref<1024xi32, #tpu.memory_space<vmem_shared>>
      %dma_wait3A_940 = arith.constant 12288 : i32
      %dma_wait3A_941 = tpu.memref_slice %arg11[%dma_wait3A_940] : memref<16384xi32, #tpu.memory_space<vmem>> -> memref<1024xi32, #tpu.memory_space<vmem>>
      %dma_wait3A_942 = tpu.memref_slice %arg13[%add3A_834] : memref<278528xi32, #tpu.memory_space<vmem_shared>> -> memref<1024xi32, #tpu.memory_space<vmem_shared>>
      tpu.wait_dma2 semaphore(%arg16 : memref<!tpu.dma_semaphore, #tpu.memory_space<semaphore_mem>>) src(%dma_wait3A_942 : memref<1024xi32, #tpu.memory_space<vmem_shared>>) dst(%dma_wait3A_941 : memref<1024xi32, #tpu.memory_space<vmem>>)
      %dma_wait3A_943 = arith.constant 13312 : i32
      %dma_wait3A_944 = tpu.memref_slice %arg11[%dma_wait3A_943] : memref<16384xi32, #tpu.memory_space<vmem>> -> memref<1024xi32, #tpu.memory_space<vmem>>
      %dma_wait3A_945 = tpu.memref_slice %arg13[%add3A_842] : memref<278528xi32, #tpu.memory_space<vmem_shared>> -> memref<1024xi32, #tpu.memory_space<vmem_shared>>
      %dma_wait3A_946 = arith.constant 13312 : i32
      %dma_wait3A_947 = tpu.memref_slice %arg11[%dma_wait3A_946] : memref<16384xi32, #tpu.memory_space<vmem>> -> memref<1024xi32, #tpu.memory_space<vmem>>
      %dma_wait3A_948 = tpu.memref_slice %arg13[%add3A_842] : memref<278528xi32, #tpu.memory_space<vmem_shared>> -> memref<1024xi32, #tpu.memory_space<vmem_shared>>
      tpu.wait_dma2 semaphore(%arg16 : memref<!tpu.dma_semaphore, #tpu.memory_space<semaphore_mem>>) src(%dma_wait3A_948 : memref<1024xi32, #tpu.memory_space<vmem_shared>>) dst(%dma_wait3A_947 : memref<1024xi32, #tpu.memory_space<vmem>>)
      %dma_wait3A_949 = arith.constant 14336 : i32
      %dma_wait3A_950 = tpu.memref_slice %arg11[%dma_wait3A_949] : memref<16384xi32, #tpu.memory_space<vmem>> -> memref<1024xi32, #tpu.memory_space<vmem>>
      %dma_wait3A_951 = tpu.memref_slice %arg13[%add3A_850] : memref<278528xi32, #tpu.memory_space<vmem_shared>> -> memref<1024xi32, #tpu.memory_space<vmem_shared>>
      %dma_wait3A_952 = arith.constant 14336 : i32
      %dma_wait3A_953 = tpu.memref_slice %arg11[%dma_wait3A_952] : memref<16384xi32, #tpu.memory_space<vmem>> -> memref<1024xi32, #tpu.memory_space<vmem>>
      %dma_wait3A_954 = tpu.memref_slice %arg13[%add3A_850] : memref<278528xi32, #tpu.memory_space<vmem_shared>> -> memref<1024xi32, #tpu.memory_space<vmem_shared>>
      tpu.wait_dma2 semaphore(%arg16 : memref<!tpu.dma_semaphore, #tpu.memory_space<semaphore_mem>>) src(%dma_wait3A_954 : memref<1024xi32, #tpu.memory_space<vmem_shared>>) dst(%dma_wait3A_953 : memref<1024xi32, #tpu.memory_space<vmem>>)
      %dma_wait3A_955 = arith.constant 15360 : i32
      %dma_wait3A_956 = tpu.memref_slice %arg11[%dma_wait3A_955] : memref<16384xi32, #tpu.memory_space<vmem>> -> memref<1024xi32, #tpu.memory_space<vmem>>
      %dma_wait3A_957 = tpu.memref_slice %arg13[%add3A_858] : memref<278528xi32, #tpu.memory_space<vmem_shared>> -> memref<1024xi32, #tpu.memory_space<vmem_shared>>
      %dma_wait3A_958 = arith.constant 15360 : i32
      %dma_wait3A_959 = tpu.memref_slice %arg11[%dma_wait3A_958] : memref<16384xi32, #tpu.memory_space<vmem>> -> memref<1024xi32, #tpu.memory_space<vmem>>
      %dma_wait3A_960 = tpu.memref_slice %arg13[%add3A_858] : memref<278528xi32, #tpu.memory_space<vmem_shared>> -> memref<1024xi32, #tpu.memory_space<vmem_shared>>
      tpu.wait_dma2 semaphore(%arg16 : memref<!tpu.dma_semaphore, #tpu.memory_space<semaphore_mem>>) src(%dma_wait3A_960 : memref<1024xi32, #tpu.memory_space<vmem_shared>>) dst(%dma_wait3A_959 : memref<1024xi32, #tpu.memory_space<vmem>>)
      %scan3A_961 = arith.constant 0 : i32
      %scan3A_962 = arith.constant 0 : i32
      %scan3A_963 = arith.constant 64 : i32
      %scan3A_964 = arith.addi %scan3A_962, %scan3A_963 : i32
      %scan3A_965 = arith.constant 1 : i32
      %scan3A_966 = scf.for %scan3A_979 = %scan3A_962 to %scan3A_964 step %scan3A_965 iter_args(%scan3A_980 = %scan3A_961) -> (i32)  : i32 {
        %mul3A_981 = arith.constant 16 : i32
        %mul3A_982 = arith.muli %scan3A_979, %mul3A_981 : i32
        %get3A = arith.index_cast %mul3A_982 : i32 to index
        %get3A_983 = tpu.vector_load %arg11[%get3A] {strides = array<i32>} : memref<16384xi32, #tpu.memory_space<vmem>>, vector<16xi32>,
        %mul3A_984 = arith.constant 16 : i32
        %mul3A_985 = arith.muli %scan3A_979, %mul3A_984 : i32
        %add3A_986 = arith.constant 1024 : i32
        %add3A_987 = arith.addi %add3A_986, %mul3A_985 : i32
        %get3A_988 = arith.index_cast %add3A_987 : i32 to index
        %get3A_989 = tpu.vector_load %arg11[%get3A_988] {strides = array<i32>} : memref<16384xi32, #tpu.memory_space<vmem>>, vector<16xi32>,
        %or3A = arith.ori %get3A_983, %get3A_989 : vector<16xi32>
        %mul3A_990 = arith.constant 16 : i32
        %mul3A_991 = arith.muli %scan3A_979, %mul3A_990 : i32
        %add3A_992 = arith.constant 2048 : i32
        %add3A_993 = arith.addi %add3A_992, %mul3A_991 : i32
        %get3A_994 = arith.index_cast %add3A_993 : i32 to index
        %get3A_995 = tpu.vector_load %arg11[%get3A_994] {strides = array<i32>} : memref<16384xi32, #tpu.memory_space<vmem>>, vector<16xi32>,
        %or3A_996 = arith.ori %or3A, %get3A_995 : vector<16xi32>
        %mul3A_997 = arith.constant 16 : i32
        %mul3A_998 = arith.muli %scan3A_979, %mul3A_997 : i32
        %add3A_999 = arith.constant 3072 : i32
        %add3A_1000 = arith.addi %add3A_999, %mul3A_998 : i32
        %get3A_1001 = arith.index_cast %add3A_1000 : i32 to index
        %get3A_1002 = tpu.vector_load %arg11[%get3A_1001] {strides = array<i32>} : memref<16384xi32, #tpu.memory_space<vmem>>, vector<16xi32>,
        %or3A_1003 = arith.ori %or3A_996, %get3A_1002 : vector<16xi32>
        %mul3A_1004 = arith.constant 16 : i32
        %mul3A_1005 = arith.muli %scan3A_979, %mul3A_1004 : i32
        %add3A_1006 = arith.constant 4096 : i32
        %add3A_1007 = arith.addi %add3A_1006, %mul3A_1005 : i32
        %get3A_1008 = arith.index_cast %add3A_1007 : i32 to index
        %get3A_1009 = tpu.vector_load %arg11[%get3A_1008] {strides = array<i32>} : memref<16384xi32, #tpu.memory_space<vmem>>, vector<16xi32>,
        %or3A_1010 = arith.ori %or3A_1003, %get3A_1009 : vector<16xi32>
        %mul3A_1011 = arith.constant 16 : i32
        %mul3A_1012 = arith.muli %scan3A_979, %mul3A_1011 : i32
        %add3A_1013 = arith.constant 5120 : i32
        %add3A_1014 = arith.addi %add3A_1013, %mul3A_1012 : i32
        %get3A_1015 = arith.index_cast %add3A_1014 : i32 to index
        %get3A_1016 = tpu.vector_load %arg11[%get3A_1015] {strides = array<i32>} : memref<16384xi32, #tpu.memory_space<vmem>>, vector<16xi32>,
        %or3A_1017 = arith.ori %or3A_1010, %get3A_1016 : vector<16xi32>
        %mul3A_1018 = arith.constant 16 : i32
        %mul3A_1019 = arith.muli %scan3A_979, %mul3A_1018 : i32
        %add3A_1020 = arith.constant 6144 : i32
        %add3A_1021 = arith.addi %add3A_1020, %mul3A_1019 : i32
        %get3A_1022 = arith.index_cast %add3A_1021 : i32 to index
        %get3A_1023 = tpu.vector_load %arg11[%get3A_1022] {strides = array<i32>} : memref<16384xi32, #tpu.memory_space<vmem>>, vector<16xi32>,
        %or3A_1024 = arith.ori %or3A_1017, %get3A_1023 : vector<16xi32>
        %mul3A_1025 = arith.constant 16 : i32
        %mul3A_1026 = arith.muli %scan3A_979, %mul3A_1025 : i32
        %add3A_1027 = arith.constant 7168 : i32
        %add3A_1028 = arith.addi %add3A_1027, %mul3A_1026 : i32
        %get3A_1029 = arith.index_cast %add3A_1028 : i32 to index
        %get3A_1030 = tpu.vector_load %arg11[%get3A_1029] {strides = array<i32>} : memref<16384xi32, #tpu.memory_space<vmem>>, vector<16xi32>,
        %or3A_1031 = arith.ori %or3A_1024, %get3A_1030 : vector<16xi32>
        %mul3A_1032 = arith.constant 16 : i32
        %mul3A_1033 = arith.muli %scan3A_979, %mul3A_1032 : i32
        %add3A_1034 = arith.constant 8192 : i32
        %add3A_1035 = arith.addi %add3A_1034, %mul3A_1033 : i32
        %get3A_1036 = arith.index_cast %add3A_1035 : i32 to index
        %get3A_1037 = tpu.vector_load %arg11[%get3A_1036] {strides = array<i32>} : memref<16384xi32, #tpu.memory_space<vmem>>, vector<16xi32>,
        %or3A_1038 = arith.ori %or3A_1031, %get3A_1037 : vector<16xi32>
        %mul3A_1039 = arith.constant 16 : i32
        %mul3A_1040 = arith.muli %scan3A_979, %mul3A_1039 : i32
        %add3A_1041 = arith.constant 9216 : i32
        %add3A_1042 = arith.addi %add3A_1041, %mul3A_1040 : i32
        %get3A_1043 = arith.index_cast %add3A_1042 : i32 to index
        %get3A_1044 = tpu.vector_load %arg11[%get3A_1043] {strides = array<i32>} : memref<16384xi32, #tpu.memory_space<vmem>>, vector<16xi32>,
        %or3A_1045 = arith.ori %or3A_1038, %get3A_1044 : vector<16xi32>
        %mul3A_1046 = arith.constant 16 : i32
        %mul3A_1047 = arith.muli %scan3A_979, %mul3A_1046 : i32
        %add3A_1048 = arith.constant 10240 : i32
        %add3A_1049 = arith.addi %add3A_1048, %mul3A_1047 : i32
        %get3A_1050 = arith.index_cast %add3A_1049 : i32 to index
        %get3A_1051 = tpu.vector_load %arg11[%get3A_1050] {strides = array<i32>} : memref<16384xi32, #tpu.memory_space<vmem>>, vector<16xi32>,
        %or3A_1052 = arith.ori %or3A_1045, %get3A_1051 : vector<16xi32>
        %mul3A_1053 = arith.constant 16 : i32
        %mul3A_1054 = arith.muli %scan3A_979, %mul3A_1053 : i32
        %add3A_1055 = arith.constant 11264 : i32
        %add3A_1056 = arith.addi %add3A_1055, %mul3A_1054 : i32
        %get3A_1057 = arith.index_cast %add3A_1056 : i32 to index
        %get3A_1058 = tpu.vector_load %arg11[%get3A_1057] {strides = array<i32>} : memref<16384xi32, #tpu.memory_space<vmem>>, vector<16xi32>,
        %or3A_1059 = arith.ori %or3A_1052, %get3A_1058 : vector<16xi32>
        %mul3A_1060 = arith.constant 16 : i32
        %mul3A_1061 = arith.muli %scan3A_979, %mul3A_1060 : i32
        %add3A_1062 = arith.constant 12288 : i32
        %add3A_1063 = arith.addi %add3A_1062, %mul3A_1061 : i32
        %get3A_1064 = arith.index_cast %add3A_1063 : i32 to index
        %get3A_1065 = tpu.vector_load %arg11[%get3A_1064] {strides = array<i32>} : memref<16384xi32, #tpu.memory_space<vmem>>, vector<16xi32>,
        %or3A_1066 = arith.ori %or3A_1059, %get3A_1065 : vector<16xi32>
        %mul3A_1067 = arith.constant 16 : i32
        %mul3A_1068 = arith.muli %scan3A_979, %mul3A_1067 : i32
        %add3A_1069 = arith.constant 13312 : i32
        %add3A_1070 = arith.addi %add3A_1069, %mul3A_1068 : i32
        %get3A_1071 = arith.index_cast %add3A_1070 : i32 to index
        %get3A_1072 = tpu.vector_load %arg11[%get3A_1071] {strides = array<i32>} : memref<16384xi32, #tpu.memory_space<vmem>>, vector<16xi32>,
        %or3A_1073 = arith.ori %or3A_1066, %get3A_1072 : vector<16xi32>
        %mul3A_1074 = arith.constant 16 : i32
        %mul3A_1075 = arith.muli %scan3A_979, %mul3A_1074 : i32
        %add3A_1076 = arith.constant 14336 : i32
        %add3A_1077 = arith.addi %add3A_1076, %mul3A_1075 : i32
        %get3A_1078 = arith.index_cast %add3A_1077 : i32 to index
        %get3A_1079 = tpu.vector_load %arg11[%get3A_1078] {strides = array<i32>} : memref<16384xi32, #tpu.memory_space<vmem>>, vector<16xi32>,
        %or3A_1080 = arith.ori %or3A_1073, %get3A_1079 : vector<16xi32>
        %mul3A_1081 = arith.constant 16 : i32
        %mul3A_1082 = arith.muli %scan3A_979, %mul3A_1081 : i32
        %add3A_1083 = arith.constant 15360 : i32
        %add3A_1084 = arith.addi %add3A_1083, %mul3A_1082 : i32
        %get3A_1085 = arith.index_cast %add3A_1084 : i32 to index
        %get3A_1086 = tpu.vector_load %arg11[%get3A_1085] {strides = array<i32>} : memref<16384xi32, #tpu.memory_space<vmem>>, vector<16xi32>,
        %or3A_1087 = arith.ori %or3A_1080, %get3A_1086 : vector<16xi32>
        %mul3A_1088 = arith.constant 16 : i32
        %mul3A_1089 = arith.muli %scan3A_979, %mul3A_1088 : i32
        %swap3A = arith.index_cast %mul3A_1089 : i32 to index
        %swap3A_1090 = tpu.vector_load %arg10[%swap3A] {strides = array<i32>} : memref<6400xi32, #tpu.memory_space<vmem>>, vector<16xi32>,
        tpu.vector_store %arg10[%swap3A], %or3A_1087 {strides = array<i32>} : memref<6400xi32, #tpu.memory_space<vmem>>, vector<16xi32>,
        %scan3A_1091 = arith.constant 0 : i32
        scf.yield %scan3A_1091 : i32
      }
      %scan3A_967 = arith.constant 64 : i32
      %add3A_968 = arith.constant 262144 : i32
      %add3A_969 = arith.addi %add3A_968, %mul3A_23 : i32
      "tpu.region"() ({
        %run_scoped3A = tpu.sem_alloc : memref<!tpu.dma_semaphore, #tpu.memory_space<semaphore_mem>>
        %dma_start3A_979 = arith.constant 0 : i32
        %dma_start3A_980 = tpu.memref_slice %arg10[%dma_start3A_979] : memref<6400xi32, #tpu.memory_space<vmem>> -> memref<1024xi32, #tpu.memory_space<vmem>>
        %dma_start3A_981 = tpu.memref_slice %arg13[%add3A_969] : memref<278528xi32, #tpu.memory_space<vmem_shared>> -> memref<1024xi32, #tpu.memory_space<vmem_shared>>
        %dma_start3A_982 = tpu.memref_slice %arg13[%add3A_969] : memref<278528xi32, #tpu.memory_space<vmem_shared>> -> memref<1024xi32, #tpu.memory_space<vmem_shared>>
        %dma_start3A_983 = arith.constant 0 : i32
        %dma_start3A_984 = tpu.memref_slice %arg10[%dma_start3A_983] : memref<6400xi32, #tpu.memory_space<vmem>> -> memref<1024xi32, #tpu.memory_space<vmem>>
        tpu.enqueue_dma source(%dma_start3A_984 : memref<1024xi32, #tpu.memory_space<vmem>>) target(%dma_start3A_982 : memref<1024xi32, #tpu.memory_space<vmem_shared>>) target_semaphore(%run_scoped3A : memref<!tpu.dma_semaphore, #tpu.memory_space<semaphore_mem>>)
        %dma_wait3A_985 = arith.constant 0 : i32
        %dma_wait3A_986 = tpu.memref_slice %arg10[%dma_wait3A_985] : memref<6400xi32, #tpu.memory_space<vmem>> -> memref<1024xi32, #tpu.memory_space<vmem>>
        %dma_wait3A_987 = tpu.memref_slice %arg13[%add3A_969] : memref<278528xi32, #tpu.memory_space<vmem_shared>> -> memref<1024xi32, #tpu.memory_space<vmem_shared>>
        %dma_wait3A_988 = tpu.memref_slice %arg13[%add3A_969] : memref<278528xi32, #tpu.memory_space<vmem_shared>> -> memref<1024xi32, #tpu.memory_space<vmem_shared>>
        %dma_wait3A_989 = arith.constant 0 : i32
        %dma_wait3A_990 = tpu.memref_slice %arg10[%dma_wait3A_989] : memref<6400xi32, #tpu.memory_space<vmem>> -> memref<1024xi32, #tpu.memory_space<vmem>>
        tpu.wait_dma2 semaphore(%run_scoped3A : memref<!tpu.dma_semaphore, #tpu.memory_space<semaphore_mem>>) src(%dma_wait3A_990 : memref<1024xi32, #tpu.memory_space<vmem>>) dst(%dma_wait3A_988 : memref<1024xi32, #tpu.memory_space<vmem_shared>>)
        tpu.yield
      }) : () -> ()
      %barrier3A_970 = arith.constant 0 : index
      tpu.barrier barrier_id(%barrier3A_970)
      "tpu.region"() ({
        %run_scoped3A = tpu.sem_alloc : memref<!tpu.dma_semaphore, #tpu.memory_space<semaphore_mem>>
        %dma_start3A_979 = arith.constant 49152 : i32
        %dma_start3A_980 = tpu.memref_slice %arg12[%dma_start3A_979] : memref<65536xi32, #tpu.memory_space<vmem>> -> memref<16384xi32, #tpu.memory_space<vmem>>
        %dma_start3A_981 = arith.constant 262144 : i32
        %dma_start3A_982 = tpu.memref_slice %arg13[%dma_start3A_981] : memref<278528xi32, #tpu.memory_space<vmem_shared>> -> memref<16384xi32, #tpu.memory_space<vmem_shared>>
        %dma_start3A_983 = arith.constant 49152 : i32
        %dma_start3A_984 = tpu.memref_slice %arg12[%dma_start3A_983] : memref<65536xi32, #tpu.memory_space<vmem>> -> memref<16384xi32, #tpu.memory_space<vmem>>
        %dma_start3A_985 = arith.constant 262144 : i32
        %dma_start3A_986 = tpu.memref_slice %arg13[%dma_start3A_985] : memref<278528xi32, #tpu.memory_space<vmem_shared>> -> memref<16384xi32, #tpu.memory_space<vmem_shared>>
        tpu.enqueue_dma source(%dma_start3A_986 : memref<16384xi32, #tpu.memory_space<vmem_shared>>) target(%dma_start3A_984 : memref<16384xi32, #tpu.memory_space<vmem>>) target_semaphore(%run_scoped3A : memref<!tpu.dma_semaphore, #tpu.memory_space<semaphore_mem>>)
        %dma_wait3A_987 = arith.constant 49152 : i32
        %dma_wait3A_988 = tpu.memref_slice %arg12[%dma_wait3A_987] : memref<65536xi32, #tpu.memory_space<vmem>> -> memref<16384xi32, #tpu.memory_space<vmem>>
        %dma_wait3A_989 = arith.constant 262144 : i32
        %dma_wait3A_990 = tpu.memref_slice %arg13[%dma_wait3A_989] : memref<278528xi32, #tpu.memory_space<vmem_shared>> -> memref<16384xi32, #tpu.memory_space<vmem_shared>>
        %dma_wait3A_991 = arith.constant 49152 : i32
        %dma_wait3A_992 = tpu.memref_slice %arg12[%dma_wait3A_991] : memref<65536xi32, #tpu.memory_space<vmem>> -> memref<16384xi32, #tpu.memory_space<vmem>>
        %dma_wait3A_993 = arith.constant 262144 : i32
        %dma_wait3A_994 = tpu.memref_slice %arg13[%dma_wait3A_993] : memref<278528xi32, #tpu.memory_space<vmem_shared>> -> memref<16384xi32, #tpu.memory_space<vmem_shared>>
        tpu.wait_dma2 semaphore(%run_scoped3A : memref<!tpu.dma_semaphore, #tpu.memory_space<semaphore_mem>>) src(%dma_wait3A_994 : memref<16384xi32, #tpu.memory_space<vmem_shared>>) dst(%dma_wait3A_992 : memref<16384xi32, #tpu.memory_space<vmem>>)
        tpu.yield
      }) : () -> ()
      %barrier3A_971 = arith.constant 0 : index
      tpu.barrier barrier_id(%barrier3A_971)
      "tpu.region"() ({
        %run_scoped3A = tpu.sem_alloc : memref<!tpu.dma_semaphore, #tpu.memory_space<semaphore_mem>>
        %dma_start3A_979 = tpu.memref_slice %arg3[%mul3A_0] : memref<102400xi32, #tpu.memory_space<hbm>> -> memref<6400xi32, #tpu.memory_space<hbm>>
        %dma_start3A_980 = tpu.memref_slice %arg3[%mul3A_0] : memref<102400xi32, #tpu.memory_space<hbm>> -> memref<6400xi32, #tpu.memory_space<hbm>>
        tpu.enqueue_dma source(%dma_start3A_980 : memref<6400xi32, #tpu.memory_space<hbm>>) target(%arg9 : memref<6400xi32, #tpu.memory_space<vmem>>) target_semaphore(%run_scoped3A : memref<!tpu.dma_semaphore, #tpu.memory_space<semaphore_mem>>)
        %dma_wait3A_981 = tpu.memref_slice %arg3[%mul3A_0] : memref<102400xi32, #tpu.memory_space<hbm>> -> memref<6400xi32, #tpu.memory_space<hbm>>
        %dma_wait3A_982 = tpu.memref_slice %arg3[%mul3A_0] : memref<102400xi32, #tpu.memory_space<hbm>> -> memref<6400xi32, #tpu.memory_space<hbm>>
        tpu.wait_dma2 semaphore(%run_scoped3A : memref<!tpu.dma_semaphore, #tpu.memory_space<semaphore_mem>>) src(%dma_wait3A_982 : memref<6400xi32, #tpu.memory_space<hbm>>) dst(%arg9 : memref<6400xi32, #tpu.memory_space<vmem>>)
        tpu.yield
      }) : () -> ()
      %scan3A_972 = arith.constant 0 : i32
      %scan3A_973 = arith.constant 0 : i32
      %scan3A_974 = arith.constant 400 : i32
      %scan3A_975 = arith.addi %scan3A_973, %scan3A_974 : i32
      %scan3A_976 = arith.constant 1 : i32
      %scan3A_977 = scf.for %scan3A_979 = %scan3A_973 to %scan3A_975 step %scan3A_976 iter_args(%scan3A_980 = %scan3A_972) -> (i32)  : i32 {
        %mul3A_981 = arith.constant 16 : i32
        %mul3A_982 = arith.muli %scan3A_979, %mul3A_981 : i32
        %get3A = arith.index_cast %mul3A_982 : i32 to index
        %get3A_983 = tpu.vector_load %arg9[%get3A] {strides = array<i32>} : memref<6400xi32, #tpu.memory_space<vmem>>, vector<16xi32>,
        %lt3A = arith.constant 2097152 : i32
        %lt3A_984 = vector.broadcast %lt3A : i32 to vector<16xi32>
        %lt3A_985 = arith.cmpi slt, %get3A_983, %lt3A_984 : vector<16xi32>
        %shift_right_arithmetic3A = arith.constant 5 : i32
        %shift_right_arithmetic3A_986 = vector.broadcast %shift_right_arithmetic3A : i32 to vector<16xi32>
        %shift_right_arithmetic3A_987 = arith.shrsi %get3A_983, %shift_right_arithmetic3A_986 : vector<16xi32>
        %jit3A = arith.constant 0 : i32
        %broadcast_in_dim3A_988 = vector.broadcast %jit3A : i32 to vector<16xi32>
        %select_n3A = arith.select %lt3A_985, %shift_right_arithmetic3A_987, %broadcast_in_dim3A_988 : vector<16xi1>, vector<16xi32>
        %gather3A = tpu.vector_load_idx %arg12[%select_n3A] : memref<65536xi32, #tpu.memory_space<vmem>>[vector<16xi32>], vector<16xi32>,
        %and3A = arith.constant 31 : i32
        %and3A_989 = vector.broadcast %and3A : i32 to vector<16xi32>
        %and3A_990 = arith.andi %get3A_983, %and3A_989 : vector<16xi32>
        %shift_right_arithmetic3A_991 = arith.shrsi %gather3A, %and3A_990 : vector<16xi32>
        %and3A_992 = arith.constant 1 : i32
        %and3A_993 = vector.broadcast %and3A_992 : i32 to vector<16xi32>
        %and3A_994 = arith.andi %shift_right_arithmetic3A_991, %and3A_993 : vector<16xi32>
        %jit3A_995 = arith.constant 0 : i32
        %broadcast_in_dim3A_996 = vector.broadcast %jit3A_995 : i32 to vector<16xi32>
        %select_n3A_997 = arith.select %lt3A_985, %and3A_994, %broadcast_in_dim3A_996 : vector<16xi1>, vector<16xi32>
        %mul3A_998 = arith.constant 16 : i32
        %mul3A_999 = arith.muli %scan3A_979, %mul3A_998 : i32
        %swap3A = arith.index_cast %mul3A_999 : i32 to index
        %swap3A_1000 = tpu.vector_load %arg10[%swap3A] {strides = array<i32>} : memref<6400xi32, #tpu.memory_space<vmem>>, vector<16xi32>,
        tpu.vector_store %arg10[%swap3A], %select_n3A_997 {strides = array<i32>} : memref<6400xi32, #tpu.memory_space<vmem>>, vector<16xi32>,
        %scan3A_1001 = arith.constant 0 : i32
        scf.yield %scan3A_1001 : i32
      }
      %scan3A_978 = arith.constant 400 : i32
      "tpu.region"() ({
        %run_scoped3A = tpu.sem_alloc : memref<!tpu.dma_semaphore, #tpu.memory_space<semaphore_mem>>
        %dma_start3A_979 = tpu.memref_slice %arg6[%mul3A_0] : memref<102400xi32, #tpu.memory_space<hbm>> -> memref<6400xi32, #tpu.memory_space<hbm>>
        %dma_start3A_980 = tpu.memref_slice %arg6[%mul3A_0] : memref<102400xi32, #tpu.memory_space<hbm>> -> memref<6400xi32, #tpu.memory_space<hbm>>
        tpu.enqueue_dma source(%arg10 : memref<6400xi32, #tpu.memory_space<vmem>>) target(%dma_start3A_980 : memref<6400xi32, #tpu.memory_space<hbm>>) target_semaphore(%run_scoped3A : memref<!tpu.dma_semaphore, #tpu.memory_space<semaphore_mem>>)
        %dma_wait3A_981 = tpu.memref_slice %arg6[%mul3A_0] : memref<102400xi32, #tpu.memory_space<hbm>> -> memref<6400xi32, #tpu.memory_space<hbm>>
        %dma_wait3A_982 = tpu.memref_slice %arg6[%mul3A_0] : memref<102400xi32, #tpu.memory_space<hbm>> -> memref<6400xi32, #tpu.memory_space<hbm>>
        tpu.wait_dma2 semaphore(%run_scoped3A : memref<!tpu.dma_semaphore, #tpu.memory_space<semaphore_mem>>) src(%arg10 : memref<6400xi32, #tpu.memory_space<vmem>>) dst(%dma_wait3A_982 : memref<6400xi32, #tpu.memory_space<hbm>>)
        tpu.yield
      }) : () -> ()
    } else {
    }
    return
  }
}

module attributes {stable_mosaic.version = 14 : i64} {
  func.func @_tc1_body(%arg0: i32, %arg1: memref<4096x64xf32, #tpu.memory_space<vmem>>, %arg2: memref<4096x4xi32, #tpu.memory_space<vmem>>, %arg3: memref<4096x4xi32, #tpu.memory_space<vmem>>, %arg4: memref<64x64xf32, #tpu.memory_space<vmem>>, %arg5: memref<1x64xf32, #tpu.memory_space<vmem>>, %arg6: memref<64x1xf32, #tpu.memory_space<vmem>>, %arg7: memref<1x1xf32, #tpu.memory_space<vmem>>, %arg8: memref<4096x1xf32, #tpu.memory_space<vmem>>, %arg9: memref<4096xf32, #tpu.memory_space<vmem>>, %arg10: memref<4096xi32, #tpu.memory_space<vmem>>, %arg11: memref<4096xi32, #tpu.memory_space<vmem>>) attributes {dimension_semantics = [#tpu.dimension_semantics<arbitrary>], iteration_bounds = array<i64: 25>, scalar_prefetch = 0 : i64, scratch_operands = 0 : i64, tpu.core_type = #tpu.core_type<tc>, window_params = [{transform_indices = @transform_0, window_bounds = array<i64: 4096, 64>}, {transform_indices = @transform_1, window_bounds = array<i64: 4096, 4>}, {transform_indices = @transform_2, window_bounds = array<i64: 4096, 4>}, {pipeline_mode = #tpu.pipeline_mode<synchronous>, transform_indices = @transform_3, window_bounds = array<i64: 64, 64>}, {pipeline_mode = #tpu.pipeline_mode<synchronous>, transform_indices = @transform_4, window_bounds = array<i64: 1, 64>}, {pipeline_mode = #tpu.pipeline_mode<synchronous>, transform_indices = @transform_5, window_bounds = array<i64: 64, 1>}, {pipeline_mode = #tpu.pipeline_mode<synchronous>, transform_indices = @transform_6, window_bounds = array<i64: 1, 1>}, {transform_indices = @transform_7, window_bounds = array<i64: 4096, 1>}, {transform_indices = @transform_8, window_bounds = array<i64: 4096>}, {transform_indices = @transform_9, window_bounds = array<i64: 4096>}, {transform_indices = @transform_10, window_bounds = array<i64: 4096>}]} {
    %get3A = arith.constant 0 : index
    %get3A_0 = arith.constant 0 : index
    %get3A_1 = vector.load %arg1[%get3A, %get3A_0] : memref<4096x64xf32, #tpu.memory_space<vmem>>, vector<4096x64xf32>
    %get3A_2 = arith.constant 0 : index
    %get3A_3 = arith.constant 0 : index
    %get3A_4 = vector.load %arg4[%get3A_2, %get3A_3] : memref<64x64xf32, #tpu.memory_space<vmem>>, vector<64x64xf32>
    %dot_general3A = arith.constant dense<0.000000e+00> : vector<4096x64xf32>
    %dot_general3A_5 = tpu.matmul %get3A_1, %get3A_4, %dot_general3A {dimension_numbers = #tpu.dot_dimension_numbers<[1], [0], [0], [1], [0, 0, 1, 1], [], []>, transpose_lhs_hint = false} : vector<4096x64xf32>, vector<64x64xf32>, vector<4096x64xf32> -> vector<4096x64xf32>
    %get3A_6 = arith.constant 0 : index
    %get3A_7 = arith.constant 0 : index
    %get3A_8 = vector.load %arg5[%get3A_6, %get3A_7] : memref<1x64xf32, #tpu.memory_space<vmem>>, vector<1x64xf32>
    %add3A = vector.broadcast %get3A_8 : vector<1x64xf32> to vector<4096x64xf32>
    %add3A_9 = arith.addf %dot_general3A_5, %add3A : vector<4096x64xf32>
    %max3A = arith.constant 0.000000e+00 : f32
    %max3A_10 = vector.broadcast %max3A : f32 to vector<4096x64xf32>
    %max3A_11 = arith.maximumf %add3A_9, %max3A_10 : vector<4096x64xf32>
    %get3A_12 = arith.constant 0 : index
    %get3A_13 = arith.constant 0 : index
    %get3A_14 = vector.load %arg6[%get3A_12, %get3A_13] : memref<64x1xf32, #tpu.memory_space<vmem>>, vector<64x1xf32>
    %dot_general3A_15 = arith.constant dense<0.000000e+00> : vector<4096x1xf32>
    %dot_general3A_16 = tpu.matmul %max3A_11, %get3A_14, %dot_general3A_15 {dimension_numbers = #tpu.dot_dimension_numbers<[1], [0], [0], [1], [0, 0, 1, 1], [], []>, transpose_lhs_hint = false} : vector<4096x64xf32>, vector<64x1xf32>, vector<4096x1xf32> -> vector<4096x1xf32>
    %get3A_17 = arith.constant 0 : index
    %get3A_18 = arith.constant 0 : index
    %get3A_19 = vector.load %arg7[%get3A_17, %get3A_18] : memref<1x1xf32, #tpu.memory_space<vmem>>, vector<1x1xf32>
    %add3A_20 = vector.broadcast %get3A_19 : vector<1x1xf32> to vector<4096x1xf32>
    %add3A_21 = arith.addf %dot_general3A_16, %add3A_20 : vector<4096x1xf32>
    %swap3A = arith.constant 0 : index
    %swap3A_22 = arith.constant 0 : index
    %swap3A_23 = vector.load %arg8[%swap3A, %swap3A_22] : memref<4096x1xf32, #tpu.memory_space<vmem>>, vector<4096x1xf32>
    tpu.vector_store %arg8[%swap3A, %swap3A_22], %add3A_21 {strides = array<i32>} : memref<4096x1xf32, #tpu.memory_space<vmem>>, vector<4096x1xf32>,
    %transpose3A = tpu.transpose %add3A_21, [1, 0] : vector<4096x1xf32> -> vector<1x4096xf32>
    %reshape3A = vector.shape_cast %transpose3A : vector<1x4096xf32> to vector<4096xf32>
    %swap3A_24 = arith.constant 0 : index
    %swap3A_25 = vector.load %arg9[%swap3A_24] : memref<4096xf32, #tpu.memory_space<vmem>>, vector<4096xf32>
    tpu.vector_store %arg9[%swap3A_24], %reshape3A {strides = array<i32>} : memref<4096xf32, #tpu.memory_space<vmem>>, vector<4096xf32>,
    %mul3A = arith.constant 4096 : i32
    %mul3A_26 = arith.muli %arg0, %mul3A : i32
    %iota3A = tpu.iota {dimensions = array<i32: 0>} : vector<4096x1xi32>
    %add3A_27 = vector.broadcast %mul3A_26 : i32 to vector<4096x1xi32>
    %add3A_28 = arith.addi %add3A_27, %iota3A : vector<4096x1xi32>
    %get3A_29 = arith.constant 0 : index
    %get3A_30 = arith.constant 0 : index
    %get3A_31 = vector.load %arg2[%get3A_29, %get3A_30] : memref<4096x4xi32, #tpu.memory_space<vmem>>, vector<4096x4xi32>
    %slice3A = vector.extract_strided_slice %get3A_31 {offsets = [0, 0], sizes = [4096, 1], strides = [1, 1]} : vector<4096x4xi32> to vector<4096x1xi32>
    %mul3A_32 = arith.constant 128 : i32
    %mul3A_33 = vector.broadcast %mul3A_32 : i32 to vector<4096x1xi32>
    %mul3A_34 = arith.muli %slice3A, %mul3A_33 : vector<4096x1xi32>
    %slice3A_35 = vector.extract_strided_slice %get3A_31 {offsets = [0, 1], sizes = [4096, 1], strides = [1, 1]} : vector<4096x4xi32> to vector<4096x1xi32>
    %shift_right_arithmetic3A = arith.constant 3 : i32
    %shift_right_arithmetic3A_36 = vector.broadcast %shift_right_arithmetic3A : i32 to vector<4096x1xi32>
    %shift_right_arithmetic3A_37 = arith.shrsi %slice3A_35, %shift_right_arithmetic3A_36 : vector<4096x1xi32>
    %add3A_38 = arith.addi %mul3A_34, %shift_right_arithmetic3A_37 : vector<4096x1xi32>
    %mul3A_39 = arith.constant 128 : i32
    %mul3A_40 = vector.broadcast %mul3A_39 : i32 to vector<4096x1xi32>
    %mul3A_41 = arith.muli %add3A_38, %mul3A_40 : vector<4096x1xi32>
    %slice3A_42 = vector.extract_strided_slice %get3A_31 {offsets = [0, 2], sizes = [4096, 1], strides = [1, 1]} : vector<4096x4xi32> to vector<4096x1xi32>
    %shift_right_arithmetic3A_43 = arith.constant 3 : i32
    %shift_right_arithmetic3A_44 = vector.broadcast %shift_right_arithmetic3A_43 : i32 to vector<4096x1xi32>
    %shift_right_arithmetic3A_45 = arith.shrsi %slice3A_42, %shift_right_arithmetic3A_44 : vector<4096x1xi32>
    %add3A_46 = arith.addi %mul3A_41, %shift_right_arithmetic3A_45 : vector<4096x1xi32>
    %mul3A_47 = arith.constant 128 : i32
    %mul3A_48 = vector.broadcast %mul3A_47 : i32 to vector<4096x1xi32>
    %mul3A_49 = arith.muli %add3A_46, %mul3A_48 : vector<4096x1xi32>
    %slice3A_50 = vector.extract_strided_slice %get3A_31 {offsets = [0, 3], sizes = [4096, 1], strides = [1, 1]} : vector<4096x4xi32> to vector<4096x1xi32>
    %shift_right_arithmetic3A_51 = arith.constant 3 : i32
    %shift_right_arithmetic3A_52 = vector.broadcast %shift_right_arithmetic3A_51 : i32 to vector<4096x1xi32>
    %shift_right_arithmetic3A_53 = arith.shrsi %slice3A_50, %shift_right_arithmetic3A_52 : vector<4096x1xi32>
    %add3A_54 = arith.addi %mul3A_49, %shift_right_arithmetic3A_53 : vector<4096x1xi32>
    %lt3A = arith.constant 100000 : i32
    %lt3A_55 = vector.broadcast %lt3A : i32 to vector<4096x1xi32>
    %lt3A_56 = arith.cmpi slt, %add3A_28, %lt3A_55 : vector<4096x1xi32>
    %jit3A = arith.constant 2147483647 : i32
    %broadcast_in_dim3A = vector.broadcast %jit3A : i32 to vector<4096x1xi32>
    %select_n3A = arith.select %lt3A_56, %add3A_54, %broadcast_in_dim3A : vector<4096x1xi1>, vector<4096x1xi32>
    %bitcast_convert_type3A = tpu.bitcast %select_n3A : vector<4096x1xi32> -> vector<4096x1xf32>
    %transpose3A_57 = tpu.transpose %bitcast_convert_type3A, [1, 0] : vector<4096x1xf32> -> vector<1x4096xf32>
    %reshape3A_58 = vector.shape_cast %transpose3A_57 : vector<1x4096xf32> to vector<4096xf32>
    %bitcast_convert_type3A_59 = tpu.bitcast %reshape3A_58 : vector<4096xf32> -> vector<4096xi32>
    %swap3A_60 = arith.constant 0 : index
    %swap3A_61 = vector.load %arg10[%swap3A_60] : memref<4096xi32, #tpu.memory_space<vmem>>, vector<4096xi32>
    tpu.vector_store %arg10[%swap3A_60], %bitcast_convert_type3A_59 {strides = array<i32>} : memref<4096xi32, #tpu.memory_space<vmem>>, vector<4096xi32>,
    %get3A_62 = arith.constant 0 : index
    %get3A_63 = arith.constant 0 : index
    %get3A_64 = vector.load %arg3[%get3A_62, %get3A_63] : memref<4096x4xi32, #tpu.memory_space<vmem>>, vector<4096x4xi32>
    %slice3A_65 = vector.extract_strided_slice %get3A_64 {offsets = [0, 0], sizes = [4096, 1], strides = [1, 1]} : vector<4096x4xi32> to vector<4096x1xi32>
    %mul3A_66 = arith.constant 128 : i32
    %mul3A_67 = vector.broadcast %mul3A_66 : i32 to vector<4096x1xi32>
    %mul3A_68 = arith.muli %slice3A_65, %mul3A_67 : vector<4096x1xi32>
    %slice3A_69 = vector.extract_strided_slice %get3A_64 {offsets = [0, 1], sizes = [4096, 1], strides = [1, 1]} : vector<4096x4xi32> to vector<4096x1xi32>
    %shift_right_arithmetic3A_70 = arith.constant 3 : i32
    %shift_right_arithmetic3A_71 = vector.broadcast %shift_right_arithmetic3A_70 : i32 to vector<4096x1xi32>
    %shift_right_arithmetic3A_72 = arith.shrsi %slice3A_69, %shift_right_arithmetic3A_71 : vector<4096x1xi32>
    %add3A_73 = arith.addi %mul3A_68, %shift_right_arithmetic3A_72 : vector<4096x1xi32>
    %mul3A_74 = arith.constant 128 : i32
    %mul3A_75 = vector.broadcast %mul3A_74 : i32 to vector<4096x1xi32>
    %mul3A_76 = arith.muli %add3A_73, %mul3A_75 : vector<4096x1xi32>
    %slice3A_77 = vector.extract_strided_slice %get3A_64 {offsets = [0, 2], sizes = [4096, 1], strides = [1, 1]} : vector<4096x4xi32> to vector<4096x1xi32>
    %shift_right_arithmetic3A_78 = arith.constant 3 : i32
    %shift_right_arithmetic3A_79 = vector.broadcast %shift_right_arithmetic3A_78 : i32 to vector<4096x1xi32>
    %shift_right_arithmetic3A_80 = arith.shrsi %slice3A_77, %shift_right_arithmetic3A_79 : vector<4096x1xi32>
    %add3A_81 = arith.addi %mul3A_76, %shift_right_arithmetic3A_80 : vector<4096x1xi32>
    %mul3A_82 = arith.constant 128 : i32
    %mul3A_83 = vector.broadcast %mul3A_82 : i32 to vector<4096x1xi32>
    %mul3A_84 = arith.muli %add3A_81, %mul3A_83 : vector<4096x1xi32>
    %slice3A_85 = vector.extract_strided_slice %get3A_64 {offsets = [0, 3], sizes = [4096, 1], strides = [1, 1]} : vector<4096x4xi32> to vector<4096x1xi32>
    %shift_right_arithmetic3A_86 = arith.constant 3 : i32
    %shift_right_arithmetic3A_87 = vector.broadcast %shift_right_arithmetic3A_86 : i32 to vector<4096x1xi32>
    %shift_right_arithmetic3A_88 = arith.shrsi %slice3A_85, %shift_right_arithmetic3A_87 : vector<4096x1xi32>
    %add3A_89 = arith.addi %mul3A_84, %shift_right_arithmetic3A_88 : vector<4096x1xi32>
    %lt3A_90 = arith.constant 60000 : i32
    %lt3A_91 = vector.broadcast %lt3A_90 : i32 to vector<4096x1xi32>
    %lt3A_92 = arith.cmpi slt, %add3A_28, %lt3A_91 : vector<4096x1xi32>
    %jit3A_93 = arith.constant 2147483647 : i32
    %broadcast_in_dim3A_94 = vector.broadcast %jit3A_93 : i32 to vector<4096x1xi32>
    %select_n3A_95 = arith.select %lt3A_92, %add3A_89, %broadcast_in_dim3A_94 : vector<4096x1xi1>, vector<4096x1xi32>
    %bitcast_convert_type3A_96 = tpu.bitcast %select_n3A_95 : vector<4096x1xi32> -> vector<4096x1xf32>
    %transpose3A_97 = tpu.transpose %bitcast_convert_type3A_96, [1, 0] : vector<4096x1xf32> -> vector<1x4096xf32>
    %reshape3A_98 = vector.shape_cast %transpose3A_97 : vector<1x4096xf32> to vector<4096xf32>
    %bitcast_convert_type3A_99 = tpu.bitcast %reshape3A_98 : vector<4096xf32> -> vector<4096xi32>
    %swap3A_100 = arith.constant 0 : index
    %swap3A_101 = vector.load %arg11[%swap3A_100] : memref<4096xi32, #tpu.memory_space<vmem>>, vector<4096xi32>
    tpu.vector_store %arg11[%swap3A_100], %bitcast_convert_type3A_99 {strides = array<i32>} : memref<4096xi32, #tpu.memory_space<vmem>>, vector<4096xi32>,
    return
  }
  func.func @transform_0(%arg0: i32) -> (i32, i32) {
    %c0_i32 = arith.constant 0 : i32
    %c0_i32_0 = arith.constant 0 : i32
    return %arg0, %c0_i32 : i32, i32
  }
  func.func @transform_1(%arg0: i32) -> (i32, i32) {
    %c0_i32 = arith.constant 0 : i32
    %c0_i32_0 = arith.constant 0 : i32
    return %arg0, %c0_i32 : i32, i32
  }
  func.func @transform_2(%arg0: i32) -> (i32, i32) {
    %c0_i32 = arith.constant 0 : i32
    %c0_i32_0 = arith.constant 0 : i32
    return %arg0, %c0_i32 : i32, i32
  }
  func.func @transform_3(%arg0: i32) -> (i32, i32) {
    %c0_i32 = arith.constant 0 : i32
    %c0_i32_0 = arith.constant 0 : i32
    %c0_i32_1 = arith.constant 0 : i32
    return %c0_i32, %c0_i32_0 : i32, i32
  }
  func.func @transform_4(%arg0: i32) -> (i32, i32) {
    %c0_i32 = arith.constant 0 : i32
    %c0_i32_0 = arith.constant 0 : i32
    %c0_i32_1 = arith.constant 0 : i32
    return %c0_i32, %c0_i32_0 : i32, i32
  }
  func.func @transform_5(%arg0: i32) -> (i32, i32) {
    %c0_i32 = arith.constant 0 : i32
    %c0_i32_0 = arith.constant 0 : i32
    %c0_i32_1 = arith.constant 0 : i32
    return %c0_i32, %c0_i32_0 : i32, i32
  }
  func.func @transform_6(%arg0: i32) -> (i32, i32) {
    %c0_i32 = arith.constant 0 : i32
    %c0_i32_0 = arith.constant 0 : i32
    %c0_i32_1 = arith.constant 0 : i32
    return %c0_i32, %c0_i32_0 : i32, i32
  }
  func.func @transform_7(%arg0: i32) -> (i32, i32) {
    %c0_i32 = arith.constant 0 : i32
    %c0_i32_0 = arith.constant 0 : i32
    return %arg0, %c0_i32 : i32, i32
  }
  func.func @transform_8(%arg0: i32) -> i32 {
    %c0_i32 = arith.constant 0 : i32
    return %arg0 : i32
  }
  func.func @transform_9(%arg0: i32) -> i32 {
    %c0_i32 = arith.constant 0 : i32
    return %arg0 : i32
  }
  func.func @transform_10(%arg0: i32) -> i32 {
    %c0_i32 = arith.constant 0 : i32
    return %arg0 : i32
  }
}

module attributes {stable_mosaic.version = 14 : i64} {
  func.func @_tc23_body(%arg0: i32, %arg1: memref<102400xf32, #tpu.memory_space<vmem>>, %arg2: memref<102400xi32, #tpu.memory_space<vmem>>, %arg3: memref<102400xi32, #tpu.memory_space<vmem>>, %arg4: memref<1xi32, #tpu.memory_space<smem>>, %arg5: memref<4096x64xf32, #tpu.memory_space<vmem>>, %arg6: memref<64x64xf32, #tpu.memory_space<vmem>>, %arg7: memref<1x64xf32, #tpu.memory_space<vmem>>, %arg8: memref<64x1xf32, #tpu.memory_space<vmem>>, %arg9: memref<1x1xf32, #tpu.memory_space<vmem>>, %arg10: memref<4096x64xf32, #tpu.memory_space<vmem>>, %arg11: memref<1xi32, #tpu.memory_space<smem>>) attributes {dimension_semantics = [#tpu.dimension_semantics<arbitrary>], iteration_bounds = array<i64: 25>, scalar_prefetch = 0 : i64, scratch_operands = 1 : i64, tpu.core_type = #tpu.core_type<tc>, window_params = [{pipeline_mode = #tpu.pipeline_mode<synchronous>, transform_indices = @transform_0, window_bounds = array<i64: 102400>}, {pipeline_mode = #tpu.pipeline_mode<synchronous>, transform_indices = @transform_1, window_bounds = array<i64: 102400>}, {pipeline_mode = #tpu.pipeline_mode<synchronous>, transform_indices = @transform_2, window_bounds = array<i64: 102400>}, {transform_indices = @transform_3, window_bounds = array<i64: 1>}, {transform_indices = @transform_4, window_bounds = array<i64: 4096, 64>}, {pipeline_mode = #tpu.pipeline_mode<synchronous>, transform_indices = @transform_5, window_bounds = array<i64: 64, 64>}, {pipeline_mode = #tpu.pipeline_mode<synchronous>, transform_indices = @transform_6, window_bounds = array<i64: 1, 64>}, {pipeline_mode = #tpu.pipeline_mode<synchronous>, transform_indices = @transform_7, window_bounds = array<i64: 64, 1>}, {pipeline_mode = #tpu.pipeline_mode<synchronous>, transform_indices = @transform_8, window_bounds = array<i64: 1, 1>}, {transform_indices = @transform_9, window_bounds = array<i64: 4096, 64>}]} {
    %eq3A = arith.constant 0 : i32
    %eq3A_0 = arith.cmpi eq, %arg0, %eq3A : i32
    %convert_element_type3A = arith.extui %eq3A_0 : i1 to i32
    %cond3A = arith.constant 0 : i32
    %cond3A_1 = arith.cmpi ne, %convert_element_type3A, %cond3A : i32
    scf.if %cond3A_1 {
      %get3A_53 = arith.constant 0 : index
      %get3A_54 = vector.load %arg1[%get3A_53] : memref<102400xf32, #tpu.memory_space<vmem>>, vector<102400xf32>
      %bitcast_convert_type3A_55 = tpu.bitcast %get3A_54 : vector<102400xf32> -> vector<102400xi32>
      %lt3A_56 = arith.constant 0 : i32
      %lt3A_57 = vector.broadcast %lt3A_56 : i32 to vector<102400xi32>
      %lt3A_58 = arith.cmpi slt, %bitcast_convert_type3A_55, %lt3A_57 : vector<102400xi32>
      %xor3A_59 = arith.constant 2147483647 : i32
      %xor3A_60 = vector.broadcast %xor3A_59 : i32 to vector<102400xi32>
      %xor3A_61 = arith.xori %bitcast_convert_type3A_55, %xor3A_60 : vector<102400xi32>
      %select_n3A_62 = arith.select %lt3A_58, %xor3A_61, %bitcast_convert_type3A_55 : vector<102400xi1>, vector<102400xi32>
      %eq3A_63 = arith.constant -2147483648 : i32
      %eq3A_64 = vector.broadcast %eq3A_63 : i32 to vector<102400xi32>
      %eq3A_65 = arith.cmpi eq, %bitcast_convert_type3A_55, %eq3A_64 : vector<102400xi32>
      %jit3A_66 = arith.constant 0 : i32
      %broadcast_in_dim3A_67 = vector.broadcast %jit3A_66 : i32 to vector<102400xi32>
      %select_n3A_68 = arith.select %eq3A_65, %broadcast_in_dim3A_67, %select_n3A_62 : vector<102400xi1>, vector<102400xi32>
      %bitcast_convert_type3A_69 = tpu.bitcast %select_n3A_68 : vector<102400xi32> -> vector<102400xi32>
      %xor3A_70 = arith.constant -2147483648 : i32
      %xor3A_71 = vector.broadcast %xor3A_70 : i32 to vector<102400xi32>
      %xor3A_72 = arith.xori %bitcast_convert_type3A_69, %xor3A_71 : vector<102400xi32>
      %iota3A = tpu.iota {dimensions = array<i32: 1>} : vector<1x102400xi32>
      %iota3A_73 = vector.shape_cast %iota3A : vector<1x102400xi32> to vector<102400xi32>
      %get3A_74 = arith.constant 0 : index
      %get3A_75 = vector.load %arg2[%get3A_74] : memref<102400xi32, #tpu.memory_space<vmem>>, vector<102400xi32>
      %ne3A_76 = arith.cmpi ne, %select_n3A_68, %get3A_75 : vector<102400xi32>
      %lt3A_77 = arith.constant 100000 : i32
      %lt3A_78 = vector.broadcast %lt3A_77 : i32 to vector<102400xi32>
      %lt3A_79 = arith.cmpi slt, %iota3A_73, %lt3A_78 : vector<102400xi32>
      %and3A = arith.andi %ne3A_76, %lt3A_79 : vector<102400xi1>
      %jit3A_80 = arith.constant -1 : i32
      %broadcast_in_dim3A_81 = vector.broadcast %jit3A_80 : i32 to vector<102400xi32>
      %select_n3A_82 = arith.select %and3A, %xor3A_72, %broadcast_in_dim3A_81 : vector<102400xi1>, vector<102400xi32>
      %get3A_83 = arith.constant 0 : index
      %get3A_84 = memref.load %arg4[%get3A_83] : memref<1xi32, #tpu.memory_space<smem>>
      %scan3A = arith.constant 0 : i32
      %scan3A_85 = arith.constant 0 : i32
      %scan3A_86 = arith.constant 32 : i32
      %scan3A_87 = arith.addi %scan3A_85, %scan3A_86 : i32
      %scan3A_88 = arith.constant 1 : i32
      %scan3A_89 = scf.for %scan3A_94 = %scan3A_85 to %scan3A_87 step %scan3A_88 iter_args(%scan3A_95 = %scan3A) -> (i32)  : i32 {
        %shift_right_logical3A = arith.constant -2147483648 : i32
        %shift_right_logical3A_96 = arith.shrui %shift_right_logical3A, %scan3A_94 : i32
        %or3A_97 = arith.ori %scan3A_95, %shift_right_logical3A_96 : i32
        %lt3A_98 = vector.broadcast %or3A_97 : i32 to vector<102400xi32>
        %lt3A_99 = arith.cmpi ult, %select_n3A_82, %lt3A_98 : vector<102400xi32>
        %convert_element_type3A_100 = arith.extui %lt3A_99 : vector<102400xi1> to vector<102400xi32>
        %reduce_sum3A = vector.shape_cast %convert_element_type3A_100 : vector<102400xi32> to vector<1x102400xi32>
        %reduce_sum3A_101 = arith.constant dense<0> : vector<1xi32>
        %reduce_sum3A_102 = vector.multi_reduction <add>, %reduce_sum3A, %reduce_sum3A_101 [1] : vector<1x102400xi32> to vector<1xi32>
        %reduce_sum3A_103 = vector.shape_cast %reduce_sum3A_102 : vector<1xi32> to vector<1x1xi32>
        %reduce_sum3A_104 = vector.extract %reduce_sum3A_103[0, 0] : i32 from vector<1x1xi32>
        %lt3A_105 = arith.cmpi slt, %reduce_sum3A_104, %get3A_84 : i32
        %select_n3A_106 = arith.select %lt3A_105, %or3A_97, %scan3A_95 : i32
        scf.yield %select_n3A_106 : i32
      }
      %scan3A_90 = arith.constant 32 : i32
      %bitcast_convert_type3A_91 = arith.bitcast %scan3A_89 : i32 to i32
      %swap3A_92 = arith.constant 0 : index
      %swap3A_93 = memref.load %arg11[%swap3A_92] : memref<1xi32, #tpu.memory_space<smem>>
      memref.store %bitcast_convert_type3A_91, %arg11[%swap3A_92] : memref<1xi32, #tpu.memory_space<smem>>
    } else {
    }
    %mul3A = arith.constant 4096 : i32
    %mul3A_2 = arith.muli %arg0, %mul3A : i32
    %get3A = arith.index_cast %mul3A_2 : i32 to index
    %get3A_3 = vector.load %arg1[%get3A] : memref<102400xf32, #tpu.memory_space<vmem>>, vector<4096xf32>
    %bitcast_convert_type3A = tpu.bitcast %get3A_3 : vector<4096xf32> -> vector<4096xi32>
    %lt3A = arith.constant 0 : i32
    %lt3A_4 = vector.broadcast %lt3A : i32 to vector<4096xi32>
    %lt3A_5 = arith.cmpi slt, %bitcast_convert_type3A, %lt3A_4 : vector<4096xi32>
    %xor3A = arith.constant 2147483647 : i32
    %xor3A_6 = vector.broadcast %xor3A : i32 to vector<4096xi32>
    %xor3A_7 = arith.xori %bitcast_convert_type3A, %xor3A_6 : vector<4096xi32>
    %select_n3A = arith.select %lt3A_5, %xor3A_7, %bitcast_convert_type3A : vector<4096xi1>, vector<4096xi32>
    %eq3A_8 = arith.constant -2147483648 : i32
    %eq3A_9 = vector.broadcast %eq3A_8 : i32 to vector<4096xi32>
    %eq3A_10 = arith.cmpi eq, %bitcast_convert_type3A, %eq3A_9 : vector<4096xi32>
    %jit3A = arith.constant 0 : i32
    %broadcast_in_dim3A = vector.broadcast %jit3A : i32 to vector<4096xi32>
    %select_n3A_11 = arith.select %eq3A_10, %broadcast_in_dim3A, %select_n3A : vector<4096xi1>, vector<4096xi32>
    %bitcast_convert_type3A_12 = tpu.bitcast %select_n3A_11 : vector<4096xi32> -> vector<4096xi32>
    %xor3A_13 = arith.constant -2147483648 : i32
    %xor3A_14 = vector.broadcast %xor3A_13 : i32 to vector<4096xi32>
    %xor3A_15 = arith.xori %bitcast_convert_type3A_12, %xor3A_14 : vector<4096xi32>
    %get3A_16 = arith.constant 0 : index
    %get3A_17 = memref.load %arg11[%get3A_16] : memref<1xi32, #tpu.memory_space<smem>>
    %bitcast_convert_type3A_18 = arith.bitcast %get3A_17 : i32 to i32
    %gt3A = vector.broadcast %bitcast_convert_type3A_18 : i32 to vector<4096xi32>
    %gt3A_19 = arith.cmpi ugt, %xor3A_15, %gt3A : vector<4096xi32>
    %get3A_20 = arith.index_cast %mul3A_2 : i32 to index
    %get3A_21 = vector.load %arg2[%get3A_20] : memref<102400xi32, #tpu.memory_space<vmem>>, vector<4096xi32>
    %eq3A_22 = arith.cmpi eq, %select_n3A_11, %get3A_21 : vector<4096xi32>
    %or3A = arith.ori %gt3A_19, %eq3A_22 : vector<4096xi1>
    %get3A_23 = arith.index_cast %mul3A_2 : i32 to index
    %get3A_24 = vector.load %arg3[%get3A_23] : memref<102400xi32, #tpu.memory_space<vmem>>, vector<4096xi32>
    %ne3A = arith.constant 0 : i32
    %ne3A_25 = vector.broadcast %ne3A : i32 to vector<4096xi32>
    %ne3A_26 = arith.cmpi ne, %get3A_24, %ne3A_25 : vector<4096xi32>
    %or3A_27 = arith.ori %or3A, %ne3A_26 : vector<4096xi1>
    %get3A_28 = arith.constant 0 : index
    %get3A_29 = arith.constant 0 : index
    %get3A_30 = vector.load %arg5[%get3A_28, %get3A_29] : memref<4096x64xf32, #tpu.memory_space<vmem>>, vector<4096x64xf32>
    %get3A_31 = arith.constant 0 : index
    %get3A_32 = arith.constant 0 : index
    %get3A_33 = vector.load %arg6[%get3A_31, %get3A_32] : memref<64x64xf32, #tpu.memory_space<vmem>>, vector<64x64xf32>
    %dot_general3A = arith.constant dense<0.000000e+00> : vector<4096x64xf32>
    %dot_general3A_34 = tpu.matmul %get3A_30, %get3A_33, %dot_general3A {dimension_numbers = #tpu.dot_dimension_numbers<[1], [0], [0], [1], [0, 0, 1, 1], [], []>, transpose_lhs_hint = false} : vector<4096x64xf32>, vector<64x64xf32>, vector<4096x64xf32> -> vector<4096x64xf32>
    %get3A_35 = arith.constant 0 : index
    %get3A_36 = arith.constant 0 : index
    %get3A_37 = vector.load %arg7[%get3A_35, %get3A_36] : memref<1x64xf32, #tpu.memory_space<vmem>>, vector<1x64xf32>
    %add3A = vector.broadcast %get3A_37 : vector<1x64xf32> to vector<4096x64xf32>
    %add3A_38 = arith.addf %dot_general3A_34, %add3A : vector<4096x64xf32>
    %max3A = arith.constant 0.000000e+00 : f32
    %max3A_39 = vector.broadcast %max3A : f32 to vector<4096x64xf32>
    %max3A_40 = arith.maximumf %add3A_38, %max3A_39 : vector<4096x64xf32>
    %convert_element_type3A_41 = arith.extui %or3A_27 : vector<4096xi1> to vector<4096xi32>
    %convert_element_type3A_42 = arith.sitofp %convert_element_type3A_41 : vector<4096xi32> to vector<4096xf32>
    %reshape3A = vector.shape_cast %convert_element_type3A_42 : vector<4096xf32> to vector<4096x1xf32>
    %ne3A_43 = arith.constant 0.000000e+00 : f32
    %ne3A_44 = vector.broadcast %ne3A_43 : f32 to vector<4096x1xf32>
    %ne3A_45 = arith.cmpf one, %reshape3A, %ne3A_44 : vector<4096x1xf32>
    %jit3A_46 = arith.constant 0.000000e+00 : f32
    %broadcast_in_dim3A_47 = vector.shape_cast %ne3A_45 : vector<4096x1xi1> to vector<4096x1xi1>
    %broadcast_in_dim3A_48 = vector.broadcast %broadcast_in_dim3A_47 : vector<4096x1xi1> to vector<4096x64xi1>
    %broadcast_in_dim3A_49 = vector.broadcast %jit3A_46 : f32 to vector<4096x64xf32>
    %select_n3A_50 = arith.select %broadcast_in_dim3A_48, %max3A_40, %broadcast_in_dim3A_49 : vector<4096x64xi1>, vector<4096x64xf32>
    %swap3A = arith.constant 0 : index
    %swap3A_51 = arith.constant 0 : index
    %swap3A_52 = vector.load %arg10[%swap3A, %swap3A_51] : memref<4096x64xf32, #tpu.memory_space<vmem>>, vector<4096x64xf32>
    tpu.vector_store %arg10[%swap3A, %swap3A_51], %select_n3A_50 {strides = array<i32>} : memref<4096x64xf32, #tpu.memory_space<vmem>>, vector<4096x64xf32>,
    return
  }
  func.func @transform_0(%arg0: i32) -> i32 {
    %c0_i32 = arith.constant 0 : i32
    %c0_i32_0 = arith.constant 0 : i32
    return %c0_i32 : i32
  }
  func.func @transform_1(%arg0: i32) -> i32 {
    %c0_i32 = arith.constant 0 : i32
    %c0_i32_0 = arith.constant 0 : i32
    return %c0_i32 : i32
  }
  func.func @transform_2(%arg0: i32) -> i32 {
    %c0_i32 = arith.constant 0 : i32
    %c0_i32_0 = arith.constant 0 : i32
    return %c0_i32 : i32
  }
  func.func @transform_3(%arg0: i32) -> i32 {
    %c0_i32 = arith.constant 0 : i32
    %c0_i32_0 = arith.constant 0 : i32
    return %c0_i32 : i32
  }
  func.func @transform_4(%arg0: i32) -> (i32, i32) {
    %c0_i32 = arith.constant 0 : i32
    %c0_i32_0 = arith.constant 0 : i32
    return %arg0, %c0_i32 : i32, i32
  }
  func.func @transform_5(%arg0: i32) -> (i32, i32) {
    %c0_i32 = arith.constant 0 : i32
    %c0_i32_0 = arith.constant 0 : i32
    %c0_i32_1 = arith.constant 0 : i32
    return %c0_i32, %c0_i32_0 : i32, i32
  }
  func.func @transform_6(%arg0: i32) -> (i32, i32) {
    %c0_i32 = arith.constant 0 : i32
    %c0_i32_0 = arith.constant 0 : i32
    %c0_i32_1 = arith.constant 0 : i32
    return %c0_i32, %c0_i32_0 : i32, i32
  }
  func.func @transform_7(%arg0: i32) -> (i32, i32) {
    %c0_i32 = arith.constant 0 : i32
    %c0_i32_0 = arith.constant 0 : i32
    %c0_i32_1 = arith.constant 0 : i32
    return %c0_i32, %c0_i32_0 : i32, i32
  }
  func.func @transform_8(%arg0: i32) -> (i32, i32) {
    %c0_i32 = arith.constant 0 : i32
    %c0_i32_0 = arith.constant 0 : i32
    %c0_i32_1 = arith.constant 0 : i32
    return %c0_i32, %c0_i32_0 : i32, i32
  }
  func.func @transform_9(%arg0: i32) -> (i32, i32) {
    %c0_i32 = arith.constant 0 : i32
    %c0_i32_0 = arith.constant 0 : i32
    return %arg0, %c0_i32 : i32, i32
  }
}

</mosaic_0001>

<sc_bundles>
// kernel: kernel.5.cloned.1.call-start
scs
__scs_entry_jumppad:
0x0: {  	(pc) =	sbr.rel $0x88, $3  }
0x1: {  	(tag) =	ssettag $0x0;
	lr =	simm.s32 $0x1  }
0x2: {  	[smem:$0x3F99] =	sst lr;
	_ =	strace $0xD0000000  }
0x3: {  	_ = 	snop  }
0x4: {  	_ = 	snop  }
0x5: {  	_ = 	snop  }
0x6: {  	_ = 	snop  }
0x7: {  	_ = 	snop  }
__scs_overlays_trampoline_lowered:
0x8: {  	[smem:$0x3FA8] =	sst s0  }
0x9: {  	[smem:$0x3FA9] =	sst s1  }
0xa: {  	[smem:$0x3FAA] =	sst s2  }
0xb: {  	[smem:$0x3FAB] =	sst s3  }
0xc: {  	[smem:$0x3FAC] =	sst s4  }
0xd: {  	[smem:$0x3FAD] =	sst s5  }
0xe: {  	[smem:$0x3FAE] =	sst s6  }
0xf: {  	[smem:$0x3FAF] =	sst s7  }
0x10: {  	[smem:$0x3FB0] =	sst s8  }
0x11: {  	[smem:$0x3FB1] =	sst s9;
	s0 =	simm.s32 @!p0 $0x0  }
0x12: {  	s1 =	sld [smem:$0x3F97];
	s0 =	simm.s32 @p0 $0x1  }
0x13: {  	[smem:$0x3FB2] =	sst s0;
	s0 =	simm.s32 @!p1 $0x0  }
0x14: {  	s2 =	sld [smem:$0x3F96];
	s0 =	simm.s32 @p1 $0x1  }
0x15: {  	[smem:$0x3FB3] =	sst s0;
	s0 =	simm.s32 @!p2 $0x0  }
0x16: {  	s3 =	sld [smem:$0x3FDB];
	s0 =	simm.s32 @p2 $0x1  }
0x17: {  	s4 =	simm.s32 $0x1BF5;
	[smem:$0x3FB5] =	sst s0  }
0x18: {  	s0 =	sld [smem:$0x3F98];
	_ =	swait.ge [sflag:s4], $0x0  }
0x19: {  	s7 =	sld [smem:$0x3F99]  }
0x1a: {  	s8 =	sadd.s32 $0xFFFFE003, lr  }
0x1b: {  	s9 =	sadd.s32 $0xFFFFFEF7, lr;
	s5 =	simm.s32 $0xFFFFFFFF;
	p2 =	slt.u32 s8, $0xFFFFF086  }
0x1c: {  	p1 =	slt.u32 s9, $0xF7A;
	s5 =	simm.s32 @!p2 $0x0  }
0x1d: {  	s5 =	simm.s32 @p1 $0x1;
	p0 =	seq.s32 s7, s2  }
0x1e: {  	s7 =	smul.u32 @!p0 $0xF7A, s2;
	p2 =	seq.s32 @!p0 s5, $0x0  }
0x1f: {  	s9 =	smul.u32 $0xF7A, s1;
	s8 =	simm.s32 @!p0 $0x1BF5;
	p2 =	por !p2, p0  }
0x20: {  	[sflag:s8] =	ssyncset.s32 @!p0 $0xFFFFF086;
	s6 =	sadd.s32 @!p0 s3, s7;
	s7 =	simm.s32 @!p0 $0x108  }
0x21: {  	s3 =	sadd.s32 s3, s9;
	s6 =	sadd.s32 @!p0 $0x88, s6;
	s7 =	simm.s32 @p2 $0x1082  }
0x22: {  	[simem:s7], [sflag:s8] =	dma.local @!p0 [hbm:s6], $0xF7A  }
0x23: {  	s9 =	sor.u32 $0xD0000000, s2;
	s6 =	simm.s32 $0x108;
	_ =	swait.ge @!p0 [sflag:s8], $0x0  }
0x24: {  	s3 =	sadd.s32 $0x88, s3;
	s6 =	simm.s32 @!p1 $0x1082;
	[sflag:s4] =	ssyncset.s32 $0xFFFFF086  }
0x25: {  	[simem:s6], [sflag:s4] =	dma.local [hbm:s3], $0xF7A  }
0x26: {  	[smem:$0x3F99] =	sst s1;
	(tag) =	ssettag s2;
	_ =	strace s9  }
0x27: {  	s1 =	sld [smem:$0x3FA9]  }
0x28: {  	s2 =	sld [smem:$0x3FAA]  }
0x29: {  	s4 =	sld [smem:$0x3FAC]  }
0x2a: {  	p0 =	seq.s32 s5, $0x0;
	s5 =	sld [smem:$0x3FAD]  }
0x2b: {  	s6 =	sld [smem:$0x3FAE]  }
0x2c: {  	s7 =	sld [smem:$0x3FAF]  }
0x2d: {  	s3 =	simm.s32 $0x108;
	s8 =	sld [smem:$0x3FB0]  }
0x2e: {  	s3 =	simm.s32 @!p0 $0x1082;
	s9 =	sld [smem:$0x3FB1]  }
0x2f: {  	lr =	sadd.s32 s0, s3;
	s0 =	sld [smem:$0x3FA8]  }
0x30: {  	s3 =	sld [smem:$0x3FAB]  }
0x31: {  	[smem:$0x3FB4] =	sst s10  }
0x32: {  	s10 =	sld [smem:$0x3FB2];
	_ =	sdelay $0x3  }
0x33: {  	p0 =	seq.s32 s10, $0x1;
	s10 =	sld [smem:$0x3FB4];
	_ =	sdelay $0x3  }
0x34: {  	[smem:$0x3FB4] =	sst s10  }
0x35: {  	s10 =	sld [smem:$0x3FB3];
	_ =	sdelay $0x3  }
0x36: {  	p1 =	seq.s32 s10, $0x1;
	s10 =	sld [smem:$0x3FB4];
	_ =	sdelay $0x3  }
0x37: {  	[smem:$0x3FB4] =	sst s10  }
0x38: {  	s10 =	sld [smem:$0x3FB5]  }
0x39: {  	_ = 	snop;
	(pc) =	sbr.ind lr, $3  }
0x3a: {  	_ = 	snop  }
0x3b: {  	_ = 	snop  }
0x3c: {  	p2 =	seq.s32 s10, $0x1;
	s10 =	sld [smem:$0x3FB4]  }
0x3d: {  	_ =	shalt  }
0x3e: {  	_ =	shalt  }
0x3f: {  	_ =	shalt  }
0x40: {  	_ =	shalt  }
0x41: {  	_ =	shalt  }
0x42: {  	_ =	shalt  }
0x43: {  	_ =	shalt  }
0x44: {  	_ =	shalt  }
0x45: {  	_ =	shalt  }
0x46: {  	_ =	shalt  }
0x47: {  	_ =	shalt  }
0x48: {  	_ =	shalt  }
0x49: {  	_ =	shalt  }
0x4a: {  	_ =	shalt  }
0x4b: {  	_ =	shalt  }
0x4c: {  	_ =	shalt  }
0x4d: {  	_ =	shalt  }
0x4e: {  	_ =	shalt  }
0x4f: {  	_ =	shalt  }
0x50: {  	_ =	shalt  }
0x51: {  	_ =	shalt  }
0x52: {  	_ =	shalt  }
0x53: {  	_ =	shalt  }
0x54: {  	_ =	shalt  }
0x55: {  	_ =	shalt  }
0x56: {  	_ =	shalt  }
0x57: {  	_ =	shalt  }
0x58: {  	_ =	shalt  }
0x59: {  	_ =	shalt  }
0x5a: {  	_ =	shalt  }
0x5b: {  	_ =	shalt  }
0x5c: {  	_ =	shalt  }
0x5d: {  	_ =	shalt  }
0x5e: {  	_ =	shalt  }
0x5f: {  	_ =	shalt  }
0x60: {  	_ =	shalt  }
0x61: {  	_ =	shalt  }
0x62: {  	_ =	shalt  }
0x63: {  	_ =	shalt  }
0x64: {  	_ =	shalt  }
0x65: {  	_ =	shalt  }
0x66: {  	_ =	shalt  }
0x67: {  	_ =	shalt  }
0x68: {  	_ =	shalt  }
0x69: {  	_ =	shalt  }
0x6a: {  	_ =	shalt  }
0x6b: {  	_ =	shalt  }
0x6c: {  	_ =	shalt  }
0x6d: {  	_ =	shalt  }
0x6e: {  	_ =	shalt  }
0x6f: {  	_ =	shalt  }
0x70: {  	_ =	shalt  }
0x71: {  	_ =	shalt  }
0x72: {  	_ =	shalt  }
0x73: {  	_ =	shalt  }
0x74: {  	_ =	shalt  }
0x75: {  	_ =	shalt  }
0x76: {  	_ =	shalt  }
0x77: {  	_ =	shalt  }
0x78: {  	_ =	shalt  }
0x79: {  	_ =	shalt  }
0x7a: {  	_ =	shalt  }
0x7b: {  	_ =	shalt  }
0x7c: {  	_ =	shalt  }
0x7d: {  	_ =	shalt  }
0x7e: {  	_ =	shalt  }
0x7f: {  	_ =	shalt  }
0x80: {  	_ =	shalt  }
0x81: {  	_ =	shalt  }
0x82: {  	_ =	shalt  }
0x83: {  	_ =	shalt  }
0x84: {  	_ =	shalt  }
0x85: {  	_ =	shalt  }
0x86: {  	_ =	shalt  }
0x87: {  	_ =	shalt  }
.Lfunc_end0:
.L_simem_size_0:
called_computation_lowered:
.L_overlay_start_0:
0x88: {  	s2 =	sld [smem:$0x3FD9]  }
0x89: {  	s3 =	sld [smem:$0x3FFE];
	_ =	sdelay $0x1  }
0x8a: {  	s1 =	srdreg.scid  }
0x8b: {  	s0 =	sand.u32 $0x1, s1  }
0x8c: {  	s14 =	sshll.u32 s0, $0xA;
	s2 =	sadd.s32 s3, s2  }
0x8d: {  	s2 =	sadd.s32 s2, s14  }
0x8e: {  	[smem:$0x3FC0] =	sst s2  }
0x8f: {  	_ = 	snop  }
0x90: {  	s2 =	sld [smem:$0x3FD0];
	_ =	sdelay $0x2  }
0x91: {  	s15 =	simm.s32 $0xA;
	s4 =	simm.s32 $0x10  }
0x92: {  	[smem:s4], [sflag:s15] =	dma.local [hbm:s2], $0x1  }
0x93: {  	_ =	swait.eq [sflag:s15], $0x1  }
0x94: {  	[sflag:s15] =	ssyncset.done $0x0  }
0x95: {  	[sflag:s15] =	ssyncadd.s32 $0xFFFFFFFF  }
0x96: {  	s16 =	sld [smem:$0x10];
	(tm) =	ssettm $0x1  }
0x97: {  	s17 =	sld [smem:$0x3FFB];
	_ =	sdelay $0x3  }
0x98: {  	_ =	strace s17  }
0x99: {  	s3 =	sld [smem:$0x3FFC];
	_ =	sdelay $0x3  }
0x9a: {  	_ =	strace s3  }
0x9b: {  	s3 =	sld [smem:$0x3FFD];
	_ =	sdelay $0x3  }
0x9c: {  	_ =	strace s3  }
0x9d: {  	_ =	strace $0x8FFFFFFF  }
0x9e: {  	s18 =	sld [smem:$0x3FDB];
	_ =	sdelay $0x1  }
0x9f: {  	s19 =	simm.s32 $_scs_section_size  }
0xa0: {  	s5 =	simm.s32 $_size__tile_overlayer_lowered;
	s6 =	simm.s32 $_tile_overlayer_lowered  }
0xa1: {  	s22 =	simm.s32 $0x1BFF;
	s21 =	sshll.u32 s6, $0x1;
	s3 =	sadd.s32 s19, s18  }
0xa2: {  	s7 =	simm.s32 $0x0;
	s20 =	sshll.u32 s5, $0x1;
	s5 =	sadd.s32 s21, s3  }
0xa3: {  	[timem:s7], [sflag:s22] =	dma.local [hbm:s5], s20  }
0xa4: {  	_ =	swait.ge [sflag:s22], s20  }
0xa5: {  	s4 =	ssub.s32 $0x0, s20;
	[sflag:s22] =	ssyncset.done $0x0  }
0xa6: {  	[sflag:s22] =	ssyncadd.s32 s4;
	_ =	sdelay $0x1  }
0xa7: {  	s23 =	simm.s32 $0x1B8B  }
0xa8: {  	_ =	swait.ge [sflag:s23], $0x1  }
0xa9: {  	[sflag:s23] =	ssyncset.done $0x0  }
0xaa: {  	s25 =	simm.s32 $0x1B8E;
	s24 =	sld [smem:$0x3FFE];
	[sflag:s23] =	ssyncadd.s32 $0xFFFFFFFF  }
0xab: {  	s26 =	simm.s32 $execute0_lowered;
	[smem:$0x3FD2] =	sst s25  }
0xac: {  	s5 =	sshll.u32 s26, $0x1;
	_ =	strace $0x80000046;
	[dreg:$0x1] =	wrdreg $0xFFFFFFFF  }
0xad: {  	s28 =	simm.s32 $_size_execute0_lowered;
	s3 =	sadd.s32 s3, s5;
	[dreg:$0x0] =	wrdreg $0x0  }
0xae: {  	s5 =	sshll.u32 s28, $0x1;
	[dreg:$0x2] =	wrdreg s3  }
0xaf: {  	[dreg:$0x3] =	wrdreg s5  }
0xb0: {  	[dreg:$0x4] =	wrdreg $0xC0  }
0xb1: {  	_ =	task [dreg:s7], $0x5FFFF  }
0xb2: {  	[dreg:$0x1] =	wrdreg $0xFFFFFFFF  }
0xb3: {  	[dreg:$0x0] =	wrdreg $0x60  }
0xb4: {  	[dreg:$0x2] =	wrdreg s16  }
0xb5: {  	[dreg:$0x3] =	wrdreg s24  }
0xb6: {  	[dreg:$0x4] =	wrdreg $0x1A4000  }
0xb7: {  	[dreg:$0x5] =	wrdreg $0x9  }
0xb8: {  	_ =	task.clear_ibuf [dreg:s7], $0x6FFFF;
	_ =	strace $0x90000046  }
0xb9: {  	s29 =	simm.s32 $0x9;
	_ =	strace $0x80000048  }
0xba: {  	_ =	swait.ge [sflag:s29], $0x1  }
0xbb: {  	[sflag:s29] =	ssyncadd.s32 $0xFFFFFFFF  }
0xbc: {  	_ =	strace $0x90000048  }
0xbd: {  	_ =	sfence  }
0xbe: {  	s30 =	sld [smem:$0x0];
	_ =	sdelay $0x2  }
0xbf: {  	s31 =	sshll.u32 s1, $0xD;
	s1 =	sshrl.u32 s1, $0x2  }
0xc0: {  	s3 =	sand.u32 $0x4000, s31;
	s1 =	sadd.s32 s1, s30  }
0xc1: {  	s0 =	sor.u32 s3, s0;
	s1 =	sshll.u32 s1, $0x11  }
0xc2: {  	s0 =	sor.u32 s1, s0  }
0xc3: {  	s0 =	sadd.s32 $0x8F2B, s0  }
0xc4: {  	[sflag:s0] =	ssyncadd.remote.s32 $0x1  }
0xc5: {  	_ =	sfence.sel $0xFFFF  }
0xc6: {  	[dreg:$0x0] =	wrdreg $0xFFFFFFFF;
	(pc) =	sbr.abs _section_cstart, $3  }
0xc7: {  	[dreg:$0x1] =	wrdreg $0xFFFFFFFF  }
0xc8: {  	_ =	task.clear_ibuf [dreg:s7], $0x2FFFF;
	_ =	strace $0x9FFFFFFF  }
0xc9: {  	(tm) =	ssettm $0x7FFFFFFF  }
tec
execute0_lowered:
.L_overlay_start_1:
0x0: {  	(tag) =	ssettag $0x1  }
0x1: {  	s0 =	rddreg [dreg:$0x0]  }
0x2: {  	s1 =	rddreg [dreg:$0x1]  }
0x3: {  	s3 =	rddreg [dreg:$0x2]  }
0x4: {  	s2 =	stileid.u32;
	s25 =	simm.s32 $0x0;
	s4 =	srdreg.scid  }
0x5: {  	v0 =	vimm.s32 $0xFEDCBA9;
	v1 =	vimm.s32 $0x87654321;
	s9 =	smul.u32 $0x320, s2;
	[smem:$0x7FF] =	sst s25  }
0x6: {  	v5 =	vimm.s32 $0x210FEDCB;
	v6 =	vimm.s32 $0xA9876543;
	s4 =	sand.u32 $0x1, s4;
	s7 =	sadd.s32 $0x192000, s1;
	s8 =	sshll.u32 s2, $0xA  }
0x7: {  	v9 =	vimm.s32 $0x43210FED;
	v22 =	vimm.s32 $0xEDCBA987;
	_ =	strace $0x80000047;
	s6 =	ssub.s32 $0x2, s4;
	[dreg:$0x5] =	wrdreg s7  }
0x8: {  	v23 =	vimm.s32 $0xFEDCBA98;
	v24 =	vimm.s32 $0x76543210;
	s5 =	sadd.s32 s9, s1;
	s1 =	sadd.s32 $0x18EE00, s1;
	[dreg:$0x4] =	wrdreg s9  }
0x9: {  	v2 =	vunpack.c.l.s4.s8 v0;
	v0 =	vimm.s32 $0x0;
	v3 =	vunpack.c.l.s4.s8 v1;
	s23 =	sshrl.u32 s8, $0x2;
	s0 =	sadd.s32 s0, s9;
	[dreg:$0x6] =	wrdreg s1  }
0xa: {  	v1 =	vimm.s32 $0x1;
	v5 =	vunpack.c.l.s4.s8 v5;
	v6 =	vunpack.c.l.s4.s8 v6;
	p0 =	seq.s32 s4, $0x1;
	s4 =	sadd.s32 s23, s3;
	[dreg:$0x7] =	wrdreg s0  }
0xb: {  	s28 =	simm.s32 $0xA400;
	v22 =	vunpack.c.l.s4.s8 v22;
	v23 =	vunpack.c.l.s4.s8 v23;
	v11 =	vunpack.c.0.s8.s32 v2;
	s24 =	sadd.s32 $0x188A00, s5;
	[dreg:$0x8] =	wrdreg s4  }
0xc: {  	s20 =	sshrl.u32 s6, $0x1;
	v2 =	vimm.s32 $0x10FEDCBA;
	v12 =	vunpack.c.0.s8.s32 v3;
	v15 =	vunpack.c.0.s8.s32 v5;
	s30 =	sadd.s32 $0x4000, s4;
	[dreg:$0x9] =	wrdreg s24  }
0xd: {  	v16 =	vunpack.c.0.s8.s32 v6;
	v5 =	vimm.s32 $0x3210FEDC;
	v6 =	vimm.s32 $0xBA987654;
	s21 =	ssub.s32 s6, s20;
	s6 =	sadd.s32 $0x8000, s4;
	[dreg:$0xa] =	wrdreg s30  }
0xe: {  	s29 =	simm.s32 $0x1;
	v22 =	vunpack.c.0.s8.s32 v22;
	s7 =	sadd.s32 $0xC000, s4;
	v3 =	vunpack.c.l.s4.s8 v2;
	v2 =	vimm.s32 $0x98765432;
	[dreg:$0xb] =	wrdreg s6  }
0xf: {  	s26 =	sshll.u32 s2, $0xE;
	s9 =	sadd.s32 $0x10000, s4;
	v10 =	vunpack.c.l.s4.s8 v5;
	v17 =	vunpack.c.l.s4.s8 v6;
	v6 =	vimm.s32 $0xCBA98765;
	[dreg:$0xc] =	wrdreg s7  }
0x10: {  	s16 =	sadd.s32 s26, s3;
	s10 =	sadd.s32 $0x14000, s4;
	[dreg:$0xd] =	wrdreg s9;
	v4 =	vunpack.c.l.s4.s8 v2;
	v2 =	vlaneseq.u32;
	v7 =	vcombine.low v12, v11  }
0x11: {  	s22 =	sadd.s32 s8, s3;
	s11 =	sadd.s32 $0x18000, s4;
	[dreg:$0xe] =	wrdreg s10;
	v8 =	vcombine.low v16, v15;
	v12 =	vcombine.low v11, v12;
	v13 =	vunpack.c.0.s8.s32 v3  }
0x12: {  	s23 =	sadd.s32 $0x40000, s3;
	s12 =	sadd.s32 $0x1C000, s4;
	[dreg:$0xf] =	wrdreg s11;
	v18 =	vunpack.c.0.s8.s32 v10;
	v10 =	vimm.s32 $0x6543210F;
	v14 =	vunpack.c.0.s8.s32 v4  }
0x13: {  	s31 =	sadd.s32 $0x4000, s22;
	s13 =	sadd.s32 $0x20000, s4;
	[dreg:$0x10] =	wrdreg s12;
	v3 =	vimm.f32 $1.000000000e+00;
	v17 =	vunpack.c.0.s8.s32 v17;
	v10 =	vunpack.c.l.s4.s8 v10  }
0x14: {  	s3 =	simm.s32 $0x0;
	s14 =	sadd.s32 $0x24000, s4;
	[dreg:$0x11] =	wrdreg s13;
	v4 =	vand.u32 $0xF, v7;
	v12 =	vand.u32 $0xF, v12;
	v7 =	vcombine.low v14, v13  }
0x15: {  	s15 =	sadd.s32 $0x28000, s4;
	s17 =	sadd.s32 $0x2C000, s4;
	[dreg:$0x12] =	wrdreg s14;
	v61 =	vunpack.c.0.s8.s32 v10;
	v10 =	vunpack.c.0.s8.s32 v23;
	v13 =	vcombine.low v13, v14  }
0x16: {  	s18 =	sadd.s32 $0x30000, s4;
	s19 =	sadd.s32 $0x18BC00, s5;
	[dreg:$0x13] =	wrdreg s15;
	v14 =	vcombine.low v15, v16;
	v15 =	vcombine.low v18, v17;
	v5 =	vand.u32 $0xF, v7  }
0x17: {  	s26 =	sadd.s32 $0x3C000, s4;
	s0 =	sadd.s32 $0x8000, s22;
	[dreg:$0x14] =	wrdreg s17;
	v7 =	vunpack.c.l.s4.s8 v9;
	v9 =	vunpack.c.l.s4.s8 v6;
	v6 =	vand.u32 $0xF, v8  }
0x18: {  	s1 =	sadd.s32 $0xC000, s22;
	s5 =	sadd.s32 $0x28000, s22;
	[dreg:$0x15] =	wrdreg s18;
	v8 =	vcombine.low v17, v18;
	v63 =	vcombine.low v22, v61;
	v10 =	vand.u32 $0xF, v10  }
0x19: {  	[dreg:$0x16] =	wrdreg s19;
	s20 =	smax.u32 s21, $0x1;
	s21 =	sadd.s32 $0x34000, s4;
	v13 =	vand.u32 $0xF, v13;
	v18 =	vcombine.low v61, v22;
	v19 =	vunpack.c.0.s8.s32 v7  }
0x1a: {  	s24 =	sadd.s32 $0x38000, s4;
	[dreg:$0x1a] =	wrdreg s26;
	s30 =	sadd.s32 $0x40000, s4;
	v20 =	vunpack.c.0.s8.s32 v9;
	v7 =	vimm.s32 $0x543210FE;
	v9 =	vimm.s32 $0xDCBA9876  }
0x1b: {  	s6 =	sadd.s32 $0x10000, s22;
	s9 =	sadd.s32 $0x14000, s22;
	s10 =	sadd.s32 $0x18000, s22;
	v14 =	vand.u32 $0xF, v14;
	v7 =	vunpack.c.l.s4.s8 v7;
	v9 =	vunpack.c.l.s4.s8 v9  }
0x1c: {  	s11 =	sadd.s32 $0x1C000, s22;
	s4 =	sadd.s32 $0x20000, s22;
	s12 =	sadd.s32 $0x24000, s22;
	v15 =	vand.u32 $0xF, v15;
	v11 =	vand.u32 $0xF, v63;
	v18 =	vand.u32 $0xF, v18  }
.Ltmp0:
0x1d: {  	s13 =	sadd.s32 $0x2C000, s22;
	[dreg:$0x17] =	wrdreg s20;
	v25 =	vunpack.c.0.s8.s32 v7;
	v26 =	vunpack.c.0.s8.s32 v9;
	v9 =	vunpack.c.l.s4.s8 v24;
	(pc) =	sbr.rel .LBB2_1-.Ltmp0, $4  }
0x1e: {  	s14 =	sadd.s32 $0x30000, s22;
	s15 =	sadd.s32 $0x34000, s22;
	[dreg:$0x18] =	wrdreg s21;
	v21 =	vcombine.low v20, v19;
	v16 =	vcombine.low v19, v20;
	v19 =	vimm.s32 $0x80000000  }
0x1f: {  	s17 =	sadd.s32 $0x38000, s22;
	s18 =	sadd.s32 $0x3C000, s22;
	[dreg:$0x19] =	wrdreg s24;
	v62 =	vcombine.low v26, v25;
	v27 =	vunpack.c.0.s8.s32 v9;
	v17 =	vcombine.low v25, v26  }
0x20: {  	s19 =	sadd.s32 $0x40000, s22;
	s26 =	simm.s32 $0x1E880;
	[dreg:$0x1b] =	wrdreg s30;
	v7 =	vand.u32 $0xF, v8;
	v8 =	vand.u32 $0xF, v21;
	v16 =	vand.u32 $0xF, v16  }
0x21: {  	s21 =	simm.s32 $0x2;
	s20 =	simm.s32 $0x4B00;
	s24 =	simm.s32 $0x1E800;
	v9 =	vand.u32 $0xF, v62;
	v10 =	vcombine.low v10, v27;
	v17 =	vand.u32 $0xF, v17  }
.LBB2_27:
0x22: {  	_ =	sdelay $0x1  }
0x23: {  	v23 =	vld [tilespmem:s25+$0x3200]  }
0x24: {  	[tilespmem:s8+$0x4B00] =	vst v22  }
0x25: {  	v21 =	vld.idx.msk [tilespmem:v21+s28+$0x0], $0xffff;
	_ =	sdelay $0x2  }
0x26: {  	vm1 =	vlt.s32 v23, $0x200000;
	v62 =	vshra.s32 v23, $0x5  }
0x27: {  	v20 =	vand.u32 $0x1F, v20;
	v22 =	vnsel vm1, $0x0, v62  }
0x28: {  	v20 =	vshrl.u32 v21, v20  }
0x29: {  	v20 =	vand.u32 $0x1, v20  }
0x2a: {  	v20 =	vnsel vm0, $0x0, v20  }
0x2b: {  	[tilespmem:s7+$0x4B00] =	vst v20  }
0x2c: {  	v20 =	vld.idx.msk [tilespmem:v22+s28+$0x0], $0xffff;
	_ =	sdelay $0x3  }
0x2d: {  	v63 =	vand.u32 $0x1F, v23  }
0x2e: {  	v20 =	vshrl.u32 v20, v63  }
0x2f: {  	vm15 =	vmmov vm1;
	v20 =	vand.u32 $0x1, v20  }
0x30: {  	v20 =	vnsel vm15, $0x0, v20  }
0x31: {  	s7 =	rddreg [dreg:$0x6];
	[tilespmem:s25+$0x4B00] =	vst v20  }
.LBB2_28:
0x32: {  	s2 =	rddreg [dreg:$0x4]  }
0x33: {  	s25 =	simm.s32 $0x0;
	s2 =	sadd.s32 s7, s2  }
0x34: {  	[hbm4b:s2+s25] =	stream.linear.scatter [tilespmem:s20], [sflag:$0x2], $0x1900, $0x38;
	[tilespmem:$0x1E900] =	vst v63  }
0x35: {  	_ =	swait.ge [sflag:s21], $0x1900  }
0x36: {  	s3 =	sadd.s32 $0x1, s3;
	s30 =	rddreg [dreg:$0x17]  }
0x37: {  	p1 =	sne.s32 s3, s30  }
.Ltmp1:
0x38: {  	_ = 	snop;
	(pc) =	sbr.rel @!p1 .LBB2_29-.Ltmp1, $3  }
0x39: {  	_ =	sdelay $0x1  }
0x3a: {  	[sflag:s21] =	ssyncset.done $0x0  }
0x3b: {  	[sflag:s21] =	ssyncadd.s32 $0xFFFFE700  }
.LBB2_1:
.Ltmp2:
0x3c: {  	(pc) =	sbr.rel @!p0 .LBB2_2-.Ltmp2, $2  }
0x3d: {  	_ =	sdelay $0x2  }
0x3e: {  	s7 =	sshra.s32 s25, $0x2;
	s8 =	sadd.s32 $0x200, s25  }
.LBB2_12:
0x3f: {  	p1 =	sne.s32 s8, $0x3FE00;
	[tilespmem:s7+$0xA470] =	vst v0  }
0x40: {  	[tilespmem:s7+$0xA400] =	vst v0  }
0x41: {  	[tilespmem:s7+$0xA410] =	vst v0  }
.Ltmp3:
0x42: {  	[tilespmem:s7+$0xA420] =	vst v0;
	(pc) =	sbr.rel @p1 .LBB2_12-.Ltmp3, $4  }
0x43: {  	[tilespmem:s7+$0xA430] =	vst v0  }
0x44: {  	[tilespmem:s7+$0xA440] =	vst v0  }
0x45: {  	[tilespmem:s7+$0xA450] =	vst v0  }
0x46: {  	[tilespmem:s7+$0xA460] =	vst v0;
	s7 =	sshra.s32 s8, $0x2;
	s8 =	sadd.s32 $0x200, s8  }
0x47: {  	[tilespmem:s7+$0xA470] =	vst v0  }
0x48: {  	[tilespmem:s7+$0xA400] =	vst v0  }
0x49: {  	[tilespmem:s7+$0xA410] =	vst v0  }
0x4a: {  	[tilespmem:s7+$0xA420] =	vst v0  }
0x4b: {  	[tilespmem:s7+$0xA430] =	vst v0  }
0x4c: {  	[tilespmem:s7+$0xA440] =	vst v0  }
0x4d: {  	[tilespmem:s7+$0xA450] =	vst v0  }
0x4e: {  	[tilespmem:s7+$0xA460] =	vst v0;
	s7 =	simm.s32 $0x0  }
.Ltmp4:
0x4f: {  	s2 =	rddreg [dreg:$0x16];
	s8 =	simm.s32 $0x1900;
	(pc) =	sbr.rel .LBB2_14-.Ltmp4, $4  }
0x50: {  	[tilespmem:s8], [sflag:$0x2] =	stream.linear.gather [hbm4b:s2+s7], $0x1900, $0x38;
	[tilespmem:$0x1E900] =	vst v63  }
0x51: {  	_ =	swait.ge [sflag:s21], $0x1900  }
0x52: {  	[sflag:s21] =	ssyncset.done $0x0  }
0x53: {  	[sflag:s21] =	ssyncadd.s32 $0xFFFFE700  }
.LBB2_2:
0x54: {  	p1 =	sne.s32 s8, $0x3E00;
	[tilespmem:s7+$0xA470] =	vst v19  }
0x55: {  	[tilespmem:s7+$0xA400] =	vst v19  }
0x56: {  	[tilespmem:s7+$0xA410] =	vst v19  }
.Ltmp5:
0x57: {  	[tilespmem:s7+$0xA420] =	vst v19;
	(pc) =	sbr.rel @p1 .LBB2_2-.Ltmp5, $4  }
0x58: {  	[tilespmem:s7+$0xA430] =	vst v19  }
0x59: {  	[tilespmem:s7+$0xA440] =	vst v19  }
0x5a: {  	[tilespmem:s7+$0xA450] =	vst v19  }
0x5b: {  	[tilespmem:s7+$0xA460] =	vst v19;
	s7 =	sshra.s32 s8, $0x2;
	s8 =	sadd.s32 $0x200, s8  }
0x5c: {  	[tilespmem:s7+$0xA470] =	vst v19  }
0x5d: {  	[tilespmem:s7+$0xA400] =	vst v19  }
0x5e: {  	[tilespmem:s7+$0xA410] =	vst v19  }
0x5f: {  	[tilespmem:s7+$0xA420] =	vst v19  }
0x60: {  	[tilespmem:s7+$0xA430] =	vst v19  }
0x61: {  	[tilespmem:s7+$0xA440] =	vst v19  }
0x62: {  	[tilespmem:s7+$0xA450] =	vst v19  }
0x63: {  	[tilespmem:s7+$0xA460] =	vst v19;
	s30 =	simm.s32 $0x0;
	s2 =	rddreg [dreg:$0x7]  }
0x64: {  	[tilespmem:s30], [sflag:$0x2] =	stream.linear.gather [hbm4b:s2+s30], $0x1900, $0x38;
	[tilespmem:$0x1E900] =	vst v63  }
0x65: {  	_ =	swait.ge [sflag:s21], $0x1900  }
0x66: {  	s25 =	simm.s32 $0x3200;
	[sflag:s21] =	ssyncset.done $0x0  }
.Ltmp6:
0x67: {  	s8 =	rddreg [dreg:$0x9];
	[sflag:s21] =	ssyncadd.s32 $0xFFFFE700;
	(pc) =	sbr.rel .LBB2_4-.Ltmp6, $4  }
0x68: {  	[tilespmem:s25], [sflag:$0x2] =	stream.linear.gather [hbm4b:s8+s30], $0x1900, $0x38;
	[tilespmem:$0x1E900] =	vst v63  }
0x69: {  	_ =	swait.ge [sflag:s21], $0x1900  }
0x6a: {  	[sflag:s21] =	ssyncset.done $0x0  }
0x6b: {  	[sflag:s21] =	ssyncadd.s32 $0xFFFFE700  }
.LBB2_16:
0x6c: {  	_ =	sdelay $0x3  }
0x6d: {  	v22 =	vld.idx.msk [tilespmem:v20+s28+$0x0], $0xffff;
	s7 =	sadd.s32 $0x40, s7  }
0x6e: {  	p1 =	sne.s32 s7, $0x6400  }
.Ltmp7:
0x6f: {  	_ = 	snop;
	(pc) =	sbr.rel @!p1 .LBB2_17-.Ltmp7, $3  }
0x70: {  	_ =	sdelay $0x1  }
0x71: {  	v21 =	vor.u32 v21, v22  }
0x72: {  	[tilespmem:v20+s28+$0x0] =	vst.idx.msk $0xffff, v21  }
.LBB2_14:
0x73: {  	s2 =	sshra.s32 s7, $0x2  }
0x74: {  	v21 =	vld [tilespmem:s2+$0x1900];
	_ =	sdelay $0x4  }
0x75: {  	vm0 =	vlt.s32 v21, $0x200000;
	v20 =	vshra.s32 v21, $0x5  }
0x76: {  	v20 =	vnsel vm0, $0x0, v20  }
0x77: {  	v22 =	vand.u32 $0xFFF, v20;
	_ =	sdelay $0x4  }
0x78: {  	[tilespmem:v22+s20+$0x0] =	vst.idx.msk $0xffff, v2  }
0x79: {  	v22 =	vld.idx.msk [tilespmem:v22+s20+$0x0], $0xffff;
	_ =	sdelay $0x4  }
0x7a: {  	vm1 =	veq.s32 v22, v2  }
0x7b: {  	v22 =	vsel vm1, $0x0, v3  }
0x7c: {  	(xrf0) =	vmax.scan.msk.f32 $0xffff, v22;
	_ =	sdelay $0x5  }
0x7d: {  	v22, _, _ =	vpop (xrf0)  }
0x7e: {  	(v2sf) =	vpush v22, $0xF;
	_ =	sdelay $0xe  }
0x7f: {  	s30 =	spop (v2sf)  }
0x80: {  	p1 =	sgt.f32 s30, $0.0e+00  }
.Ltmp8:
0x81: {  	_ = 	snop;
	(pc) =	sbr.rel @!p1 .LBB2_16-.Ltmp8, $4  }
0x82: {  	_ = 	snop  }
0x83: {  	v21 =	vand.u32 $0x1F, v21  }
0x84: {  	v21 =	vshll.u32 v1, v21  }
0x85: {  	v21 =	vnsel vm0, $0x0, v21  }
0x86: {  	_ =	sdelay $0x1  }
0x87: {  	[tilespmem:$0x1E800] =	vst v20  }
0x88: {  	[tilespmem:$0x1E880] =	vst v21  }
0x89: {  	v22 =	vld.idx.msk [tilespmem:v4+s24+$0x0], $0xffff  }
0x8a: {  	v23 =	vld.idx.msk [tilespmem:v4+s26+$0x0], $0xffff  }
0x8b: {  	v24 =	vld.idx.msk [tilespmem:v5+s24+$0x0], $0xffff  }
0x8c: {  	v25 =	vld.idx.msk [tilespmem:v5+s26+$0x0], $0xffff  }
0x8d: {  	v26 =	vld.idx.msk [tilespmem:v6+s24+$0x0], $0xffff  }
0x8e: {  	v27 =	vld.idx.msk [tilespmem:v6+s26+$0x0], $0xffff  }
0x8f: {  	v28 =	vld.idx.msk [tilespmem:v7+s24+$0x0], $0xffff  }
0x90: {  	v29 =	vld.idx.msk [tilespmem:v7+s26+$0x0], $0xffff  }
0x91: {  	v30 =	vld.idx.msk [tilespmem:v8+s24+$0x0], $0xffff  }
0x92: {  	v31 =	vld.idx.msk [tilespmem:v8+s26+$0x0], $0xffff  }
0x93: {  	v32 =	vld.idx.msk [tilespmem:v9+s24+$0x0], $0xffff  }
0x94: {  	v33 =	vld.idx.msk [tilespmem:v9+s26+$0x0], $0xffff  }
0x95: {  	v34 =	vld.idx.msk [tilespmem:v11+s24+$0x0], $0xffff  }
0x96: {  	v35 =	vld.idx.msk [tilespmem:v11+s26+$0x0], $0xffff  }
0x97: {  	v36 =	vld.idx.msk [tilespmem:v10+s24+$0x0], $0xffff  }
0x98: {  	v37 =	vld.idx.msk [tilespmem:v10+s26+$0x0], $0xffff  }
0x99: {  	v38 =	vld.idx.msk [tilespmem:v12+s24+$0x0], $0xffff  }
0x9a: {  	v39 =	vld.idx.msk [tilespmem:v12+s26+$0x0], $0xffff  }
0x9b: {  	v40 =	vld.idx.msk [tilespmem:v13+s24+$0x0], $0xffff  }
0x9c: {  	v41 =	vld.idx.msk [tilespmem:v13+s26+$0x0], $0xffff  }
0x9d: {  	v47 =	vld.idx.msk [tilespmem:v14+s26+$0x0], $0xffff;
	vm0 =	veq.s32 v22, v20;
	vm1 =	veq.s32 v24, v20  }
0x9e: {  	v48 =	vld.idx.msk [tilespmem:v15+s24+$0x0], $0xffff;
	vm15 =	veq.s32 v26, v20;
	v23 =	vnsel vm0, $0x0, v23;
	v24 =	vnsel vm1, $0x0, v25  }
0x9f: {  	v50 =	vld.idx.msk [tilespmem:v15+s26+$0x0], $0xffff;
	vm4 =	veq.s32 v28, v20;
	v26 =	vnsel vm15, $0x0, v27;
	v23 =	vor.u32 v24, v23  }
0xa0: {  	v52 =	vld.idx.msk [tilespmem:v16+s24+$0x0], $0xffff;
	vm5 =	veq.s32 v30, v20;
	v49 =	vnsel vm4, $0x0, v29;
	v23 =	vor.u32 v26, v23  }
0xa1: {  	v22 =	vld.idx.msk [tilespmem:v14+s24+$0x0], $0xffff;
	vm6 =	veq.s32 v32, v20;
	v51 =	vnsel vm5, $0x0, v31;
	v23 =	vor.u32 v49, v23  }
0xa2: {  	v54 =	vld.idx.msk [tilespmem:v16+s26+$0x0], $0xffff;
	vm7 =	veq.s32 v34, v20;
	v53 =	vnsel vm6, $0x0, v33;
	v23 =	vor.u32 v51, v23  }
0xa3: {  	v56 =	vld.idx.msk [tilespmem:v17+s24+$0x0], $0xffff;
	vm8 =	veq.s32 v36, v20;
	v55 =	vnsel vm7, $0x0, v35;
	v23 =	vor.u32 v53, v23  }
0xa4: {  	v58 =	vld.idx.msk [tilespmem:v17+s26+$0x0], $0xffff;
	vm9 =	veq.s32 v38, v20;
	v57 =	vnsel vm8, $0x0, v37;
	v23 =	vor.u32 v55, v23  }
0xa5: {  	v60 =	vld.idx.msk [tilespmem:v18+s24+$0x0], $0xffff;
	vm10 =	veq.s32 v40, v20;
	v59 =	vnsel vm9, $0x0, v39;
	v23 =	vor.u32 v57, v23  }
0xa6: {  	v61 =	vnsel vm10, $0x0, v41;
	vm11 =	veq.s32 v22, v20;
	v22 =	vld.idx.msk [tilespmem:v18+s26+$0x0], $0xffff;
	v23 =	vor.u32 v59, v23  }
0xa7: {  	vm12 =	veq.s32 v48, v20;
	v25 =	vnsel vm11, $0x0, v47;
	v23 =	vor.u32 v61, v23  }
0xa8: {  	vm13 =	veq.s32 v52, v20;
	v24 =	vnsel vm12, $0x0, v50;
	v23 =	vor.u32 v25, v23  }
.Ltmp9:
0xa9: {  	vm14 =	veq.s32 v56, v20;
	v62 =	vnsel vm13, $0x0, v54;
	v23 =	vor.u32 v24, v23;
	(pc) =	sbr.rel .LBB2_16-.Ltmp9, $4  }
0xaa: {  	v63 =	vnsel vm14, $0x0, v58;
	vm15 =	veq.s32 v60, v20;
	v23 =	vor.u32 v62, v23  }
0xab: {  	v22 =	vnsel vm15, $0x0, v22;
	v23 =	vor.u32 v63, v23  }
0xac: {  	v22 =	vor.u32 v22, v23  }
0xad: {  	v21 =	vor.u32 v21, v22  }
.LBB2_6:
0xae: {  	_ =	sdelay $0x3  }
0xaf: {  	v22 =	vld.idx.msk [tilespmem:v20+s28+$0x0], $0xffff  }
0xb0: {  	s30 =	sadd.s32 $0x40, s30  }
0xb1: {  	p1 =	sne.s32 s30, $0x6400  }
.Ltmp10:
0xb2: {  	_ = 	snop;
	(pc) =	sbr.rel @!p1 .LBB2_7-.Ltmp10, $4  }
0xb3: {  	_ = 	snop  }
0xb4: {  	vm0 =	vgt.s32 v22, v21  }
0xb5: {  	v21 =	vsel vm0, v22, v21  }
0xb6: {  	[tilespmem:v20+s28+$0x0] =	vst.idx.msk $0xffff, v21  }
.LBB2_4:
0xb7: {  	s7 =	sshra.s32 s30, $0x2  }
0xb8: {  	v20 =	vld [tilespmem:s7+$0x3200];
	_ =	sdelay $0x4  }
0xb9: {  	v21 =	vshra.s32 v20, $0x9;
	v22 =	vshrl.u32 v20, $0x6  }
0xba: {  	v23 =	vshrl.u32 v20, $0x3;
	v21 =	vand.u32 $0xFFFFFF00, v21;
	v22 =	vand.u32 $0xF0, v22  }
0xbb: {  	v21 =	vor.u32 v22, v21;
	v22 =	vand.u32 $0xF, v23  }
0xbc: {  	vm0 =	vlt.s32 v20, $0x200000;
	v20 =	vor.u32 v22, v21  }
0xbd: {  	v20 =	vnsel vm0, $0x0, v20  }
0xbe: {  	v21 =	vand.u32 $0xFFF, v20;
	_ =	sdelay $0x4  }
0xbf: {  	v22 =	vld [tilespmem:s7+$0x0];
	[tilespmem:v21+s20+$0x0] =	vst.idx.msk $0xffff, v2  }
0xc0: {  	v21 =	vld.idx.msk [tilespmem:v21+s20+$0x0], $0xffff;
	_ =	sdelay $0x4  }
0xc1: {  	vm1 =	veq.s32 v21, v2  }
0xc2: {  	v21 =	vsel vm1, $0x0, v3  }
0xc3: {  	(xrf0) =	vmax.scan.msk.f32 $0xffff, v21;
	_ =	sdelay $0x5  }
0xc4: {  	v21, _, _ =	vpop (xrf0)  }
0xc5: {  	(v2sf) =	vpush v21, $0xF;
	_ =	sdelay $0xe  }
0xc6: {  	s25 =	spop (v2sf)  }
0xc7: {  	p1 =	sgt.f32 s25, $0.0e+00  }
.Ltmp11:
0xc8: {  	_ = 	snop;
	(pc) =	sbr.rel @!p1 .LBB2_6-.Ltmp11, $4  }
0xc9: {  	vm14 =	vlt.s32 v22, $0x0;
	v21 =	vxor.u32 $0x7FFFFFFF, v22  }
0xca: {  	vm15 =	veq.s32 v22, $0x80000000;
	v21 =	vsel vm14, v21, v22  }
0xcb: {  	v21 =	vsel vm15, $0x0, v21  }
0xcc: {  	v21 =	vnsel vm0, $0x80000000, v21  }
0xcd: {  	_ =	sdelay $0x1  }
0xce: {  	[tilespmem:$0x1E800] =	vst v20  }
0xcf: {  	[tilespmem:$0x1E880] =	vst v21  }
0xd0: {  	v22 =	vld.idx.msk [tilespmem:v4+s26+$0x0], $0xffff  }
0xd1: {  	v23 =	vld.idx.msk [tilespmem:v4+s24+$0x0], $0xffff;
	_ =	sdelay $0x1  }
0xd2: {  	v24 =	vld.idx.msk [tilespmem:v5+s26+$0x0], $0xffff  }
0xd3: {  	v25 =	vld.idx.msk [tilespmem:v5+s24+$0x0], $0xffff  }
0xd4: {  	vm0 =	vgt.s32 v21, v22  }
0xd5: {  	vm1 =	veq.s32 v23, v20;
	v23 =	vld.idx.msk [tilespmem:v6+s26+$0x0], $0xffff;
	v22 =	vsel vm0, v21, v22  }
0xd6: {  	v21 =	vsel vm1, v22, v21;
	v22 =	vld.idx.msk [tilespmem:v6+s24+$0x0], $0xffff  }
0xd7: {  	vm12 =	vgt.s32 v21, v24  }
0xd8: {  	v46 =	vld.idx.msk [tilespmem:v7+s26+$0x0], $0xffff;
	vm13 =	veq.s32 v25, v20;
	v24 =	vsel vm12, v21, v24  }
0xd9: {  	v47 =	vld.idx.msk [tilespmem:v7+s24+$0x0], $0xffff;
	v21 =	vsel vm13, v24, v21  }
0xda: {  	vm14 =	vgt.s32 v21, v23  }
0xdb: {  	vm15 =	veq.s32 v22, v20;
	v22 =	vsel vm14, v21, v23;
	v23 =	vld.idx.msk [tilespmem:v8+s26+$0x0], $0xffff  }
0xdc: {  	v21 =	vsel vm15, v22, v21;
	v22 =	vld.idx.msk [tilespmem:v8+s24+$0x0], $0xffff  }
0xdd: {  	vm4 =	vgt.s32 v21, v46  }
0xde: {  	v49 =	vld.idx.msk [tilespmem:v9+s26+$0x0], $0xffff;
	vm5 =	veq.s32 v47, v20;
	v48 =	vsel vm4, v21, v46  }
0xdf: {  	v50 =	vld.idx.msk [tilespmem:v9+s24+$0x0], $0xffff;
	v21 =	vsel vm5, v48, v21  }
0xe0: {  	vm6 =	vgt.s32 v21, v23  }
0xe1: {  	vm7 =	veq.s32 v22, v20;
	v22 =	vsel vm6, v21, v23;
	v23 =	vld.idx.msk [tilespmem:v11+s26+$0x0], $0xffff  }
0xe2: {  	v21 =	vsel vm7, v22, v21;
	v22 =	vld.idx.msk [tilespmem:v11+s24+$0x0], $0xffff  }
0xe3: {  	vm8 =	vgt.s32 v21, v49  }
0xe4: {  	v52 =	vld.idx.msk [tilespmem:v10+s26+$0x0], $0xffff;
	vm9 =	veq.s32 v50, v20;
	v51 =	vsel vm8, v21, v49  }
0xe5: {  	v53 =	vld.idx.msk [tilespmem:v10+s24+$0x0], $0xffff;
	v21 =	vsel vm9, v51, v21  }
0xe6: {  	vm10 =	vgt.s32 v21, v23  }
0xe7: {  	vm11 =	veq.s32 v22, v20;
	v22 =	vsel vm10, v21, v23;
	v23 =	vld.idx.msk [tilespmem:v12+s26+$0x0], $0xffff  }
0xe8: {  	v21 =	vsel vm11, v22, v21;
	v22 =	vld.idx.msk [tilespmem:v12+s24+$0x0], $0xffff  }
0xe9: {  	vm12 =	vgt.s32 v21, v52  }
0xea: {  	v55 =	vld.idx.msk [tilespmem:v13+s26+$0x0], $0xffff;
	vm13 =	veq.s32 v53, v20;
	v54 =	vsel vm12, v21, v52  }
0xeb: {  	v56 =	vld.idx.msk [tilespmem:v13+s24+$0x0], $0xffff;
	v21 =	vsel vm13, v54, v21  }
0xec: {  	vm14 =	vgt.s32 v21, v23  }
0xed: {  	vm15 =	veq.s32 v22, v20;
	v22 =	vsel vm14, v21, v23;
	v23 =	vld.idx.msk [tilespmem:v14+s26+$0x0], $0xffff  }
0xee: {  	v21 =	vsel vm15, v22, v21;
	v22 =	vld.idx.msk [tilespmem:v14+s24+$0x0], $0xffff  }
0xef: {  	vm4 =	vgt.s32 v21, v55  }
0xf0: {  	v58 =	vld.idx.msk [tilespmem:v15+s26+$0x0], $0xffff;
	vm5 =	veq.s32 v56, v20;
	v57 =	vsel vm4, v21, v55  }
0xf1: {  	v59 =	vld.idx.msk [tilespmem:v15+s24+$0x0], $0xffff;
	v21 =	vsel vm5, v57, v21  }
0xf2: {  	vm6 =	vgt.s32 v21, v23  }
0xf3: {  	vm7 =	veq.s32 v22, v20;
	v22 =	vsel vm6, v21, v23;
	v23 =	vld.idx.msk [tilespmem:v16+s26+$0x0], $0xffff  }
0xf4: {  	v21 =	vsel vm7, v22, v21;
	v22 =	vld.idx.msk [tilespmem:v16+s24+$0x0], $0xffff  }
0xf5: {  	vm8 =	vgt.s32 v21, v58  }
0xf6: {  	v61 =	vld.idx.msk [tilespmem:v17+s26+$0x0], $0xffff;
	vm9 =	veq.s32 v59, v20;
	v60 =	vsel vm8, v21, v58  }
0xf7: {  	v62 =	vld.idx.msk [tilespmem:v17+s24+$0x0], $0xffff;
	v21 =	vsel vm9, v60, v21  }
0xf8: {  	vm10 =	vgt.s32 v21, v23  }
0xf9: {  	vm11 =	veq.s32 v22, v20;
	v22 =	vsel vm10, v21, v23;
	v23 =	vld.idx.msk [tilespmem:v18+s26+$0x0], $0xffff  }
0xfa: {  	v21 =	vsel vm11, v22, v21;
	v22 =	vld.idx.msk [tilespmem:v18+s24+$0x0], $0xffff  }
0xfb: {  	vm12 =	vgt.s32 v21, v61  }
.Ltmp12:
0xfc: {  	vm13 =	veq.s32 v62, v20;
	v63 =	vsel vm12, v21, v61;
	(pc) =	sbr.rel .LBB2_6-.Ltmp12, $4  }
0xfd: {  	v21 =	vsel vm13, v63, v21  }
0xfe: {  	vm14 =	vgt.s32 v21, v23  }
0xff: {  	vm15 =	veq.s32 v22, v20;
	v22 =	vsel vm14, v21, v23  }
0x100: {  	v21 =	vsel vm15, v22, v21  }
.LBB2_17:
0x101: {  	[spmem:s16] =	stream.linear.scatter [tilespmem:s28], [sflag:$0x2], $0x4000, $0x38;
	[tilespmem:$0x1E900] =	vst v63  }
0x102: {  	_ =	swait.ge [sflag:s21], $0x4000  }
0x103: {  	[sflag:s21] =	ssyncset.done $0x0  }
0x104: {  	[sflag:s21] =	ssyncadd.s32 $0xFFFFC000  }
0x105: {  	s7 =	simm.s32 $0x6400;
	[bflag:$0x0] =	sbarrier.arrive $0xFFFF  }
0x106: {  	[tilespmem:s7], [sflag:$0x1] =	stream.linear.gather [spmem:s22], $0x400, $0x38;
	[tilespmem:$0x1E900] =	vst v63  }
0x107: {  	s2 =	simm.s32 $0x6800  }
0x108: {  	[tilespmem:s2], [sflag:$0x1] =	stream.linear.gather [spmem:s31], $0x400, $0x38;
	[tilespmem:$0x1E900] =	vst v63  }
0x109: {  	s8 =	simm.s32 $0x6C00  }
0x10a: {  	[tilespmem:s8], [sflag:$0x1] =	stream.linear.gather [spmem:s0], $0x400, $0x38;
	[tilespmem:$0x1E900] =	vst v63  }
0x10b: {  	s25 =	simm.s32 $0x7000  }
0x10c: {  	[tilespmem:s25], [sflag:$0x1] =	stream.linear.gather [spmem:s1], $0x400, $0x38;
	[tilespmem:$0x1E900] =	vst v63  }
0x10d: {  	s8 =	simm.s32 $0x7400  }
0x10e: {  	[tilespmem:s8], [sflag:$0x1] =	stream.linear.gather [spmem:s6], $0x400, $0x38;
	[tilespmem:$0x1E900] =	vst v63  }
0x10f: {  	s25 =	simm.s32 $0x7800  }
0x110: {  	[tilespmem:s25], [sflag:$0x1] =	stream.linear.gather [spmem:s9], $0x400, $0x38;
	[tilespmem:$0x1E900] =	vst v63  }
0x111: {  	s8 =	simm.s32 $0x7C00  }
0x112: {  	[tilespmem:s8], [sflag:$0x1] =	stream.linear.gather [spmem:s10], $0x400, $0x38;
	[tilespmem:$0x1E900] =	vst v63  }
0x113: {  	s25 =	simm.s32 $0x8000  }
0x114: {  	[tilespmem:s25], [sflag:$0x1] =	stream.linear.gather [spmem:s11], $0x400, $0x38;
	[tilespmem:$0x1E900] =	vst v63  }
0x115: {  	s8 =	simm.s32 $0x8400  }
0x116: {  	[tilespmem:s8], [sflag:$0x1] =	stream.linear.gather [spmem:s4], $0x400, $0x38;
	[tilespmem:$0x1E900] =	vst v63  }
0x117: {  	s25 =	simm.s32 $0x8800  }
0x118: {  	[tilespmem:s25], [sflag:$0x1] =	stream.linear.gather [spmem:s12], $0x400, $0x38;
	[tilespmem:$0x1E900] =	vst v63  }
0x119: {  	s8 =	simm.s32 $0x8C00  }
0x11a: {  	[tilespmem:s8], [sflag:$0x1] =	stream.linear.gather [spmem:s5], $0x400, $0x38;
	[tilespmem:$0x1E900] =	vst v63  }
0x11b: {  	s25 =	simm.s32 $0x9000  }
0x11c: {  	[tilespmem:s25], [sflag:$0x1] =	stream.linear.gather [spmem:s13], $0x400, $0x38;
	[tilespmem:$0x1E900] =	vst v63  }
0x11d: {  	s8 =	simm.s32 $0x9400  }
0x11e: {  	[tilespmem:s8], [sflag:$0x1] =	stream.linear.gather [spmem:s14], $0x400, $0x38;
	[tilespmem:$0x1E900] =	vst v63  }
0x11f: {  	s25 =	simm.s32 $0x9800  }
0x120: {  	[tilespmem:s25], [sflag:$0x1] =	stream.linear.gather [spmem:s15], $0x400, $0x38;
	[tilespmem:$0x1E900] =	vst v63  }
0x121: {  	s8 =	simm.s32 $0x9C00  }
0x122: {  	[tilespmem:s8], [sflag:$0x1] =	stream.linear.gather [spmem:s17], $0x400, $0x38;
	[tilespmem:$0x1E900] =	vst v63  }
0x123: {  	s25 =	simm.s32 $0xA000  }
0x124: {  	[tilespmem:s25], [sflag:$0x1] =	stream.linear.gather [spmem:s18], $0x400, $0x38;
	[tilespmem:$0x1E900] =	vst v63  }
0x125: {  	_ =	swait.ge [sflag:s29], $0x400  }
0x126: {  	[sflag:s29] =	ssyncset.done $0x0  }
0x127: {  	[sflag:s29] =	ssyncadd.s32 $0xFFFFFC00  }
0x128: {  	_ =	swait.ge [sflag:s29], $0x400  }
0x129: {  	[sflag:s29] =	ssyncset.done $0x0  }
0x12a: {  	[sflag:s29] =	ssyncadd.s32 $0xFFFFFC00  }
0x12b: {  	_ =	swait.ge [sflag:s29], $0x400  }
0x12c: {  	[sflag:s29] =	ssyncset.done $0x0  }
0x12d: {  	[sflag:s29] =	ssyncadd.s32 $0xFFFFFC00  }
0x12e: {  	_ =	swait.ge [sflag:s29], $0x400  }
0x12f: {  	[sflag:s29] =	ssyncset.done $0x0  }
0x130: {  	[sflag:s29] =	ssyncadd.s32 $0xFFFFFC00  }
0x131: {  	_ =	swait.ge [sflag:s29], $0x400  }
0x132: {  	[sflag:s29] =	ssyncset.done $0x0  }
0x133: {  	[sflag:s29] =	ssyncadd.s32 $0xFFFFFC00  }
0x134: {  	_ =	swait.ge [sflag:s29], $0x400  }
0x135: {  	[sflag:s29] =	ssyncset.done $0x0  }
0x136: {  	[sflag:s29] =	ssyncadd.s32 $0xFFFFFC00  }
0x137: {  	_ =	swait.ge [sflag:s29], $0x400  }
0x138: {  	[sflag:s29] =	ssyncset.done $0x0  }
0x139: {  	[sflag:s29] =	ssyncadd.s32 $0xFFFFFC00  }
0x13a: {  	_ =	swait.ge [sflag:s29], $0x400  }
0x13b: {  	[sflag:s29] =	ssyncset.done $0x0  }
0x13c: {  	[sflag:s29] =	ssyncadd.s32 $0xFFFFFC00  }
0x13d: {  	_ =	swait.ge [sflag:s29], $0x400  }
0x13e: {  	[sflag:s29] =	ssyncset.done $0x0  }
0x13f: {  	[sflag:s29] =	ssyncadd.s32 $0xFFFFFC00  }
0x140: {  	_ =	swait.ge [sflag:s29], $0x400  }
0x141: {  	[sflag:s29] =	ssyncset.done $0x0  }
0x142: {  	[sflag:s29] =	ssyncadd.s32 $0xFFFFFC00  }
0x143: {  	_ =	swait.ge [sflag:s29], $0x400  }
0x144: {  	[sflag:s29] =	ssyncset.done $0x0  }
0x145: {  	[sflag:s29] =	ssyncadd.s32 $0xFFFFFC00  }
0x146: {  	_ =	swait.ge [sflag:s29], $0x400  }
0x147: {  	[sflag:s29] =	ssyncset.done $0x0  }
0x148: {  	[sflag:s29] =	ssyncadd.s32 $0xFFFFFC00  }
0x149: {  	_ =	swait.ge [sflag:s29], $0x400  }
0x14a: {  	[sflag:s29] =	ssyncset.done $0x0  }
0x14b: {  	[sflag:s29] =	ssyncadd.s32 $0xFFFFFC00  }
0x14c: {  	_ =	swait.ge [sflag:s29], $0x400  }
0x14d: {  	[sflag:s29] =	ssyncset.done $0x0  }
0x14e: {  	[sflag:s29] =	ssyncadd.s32 $0xFFFFFC00  }
0x14f: {  	_ =	swait.ge [sflag:s29], $0x400  }
0x150: {  	[sflag:s29] =	ssyncset.done $0x0  }
0x151: {  	[sflag:s29] =	ssyncadd.s32 $0xFFFFFC00  }
0x152: {  	_ =	swait.ge [sflag:s29], $0x400  }
0x153: {  	s8 =	simm.s32 $0x0;
	[sflag:s29] =	ssyncset.done $0x0  }
0x154: {  	s2 =	sand.u32 $0x3F0, s8;
	[sflag:s29] =	ssyncadd.s32 $0xFFFFFC00  }
0x155: {  	v20 =	vld [tilespmem:s2+$0x6800]  }
0x156: {  	v21 =	vld [tilespmem:s7+$0x0]  }
0x157: {  	v22 =	vld [tilespmem:s2+$0x6C00]  }
0x158: {  	v23 =	vld [tilespmem:s2+$0x7000]  }
0x159: {  	v24 =	vld [tilespmem:s2+$0x7400]  }
0x15a: {  	v25 =	vld [tilespmem:s2+$0x7800]  }
0x15b: {  	v20 =	vor.u32 v21, v20;
	v21 =	vld [tilespmem:s2+$0x7C00]  }
0x15c: {  	v20 =	vor.u32 v22, v20;
	v22 =	vld [tilespmem:s2+$0x8000]  }
0x15d: {  	v20 =	vor.u32 v23, v20;
	v23 =	vld [tilespmem:s2+$0x8400]  }
0x15e: {  	v60 =	vld [tilespmem:s2+$0x8800];
	v20 =	vor.u32 v24, v20  }
0x15f: {  	v61 =	vld [tilespmem:s2+$0x8C00];
	v20 =	vor.u32 v25, v20  }
0x160: {  	v20 =	vor.u32 v21, v20;
	v21 =	vld [tilespmem:s2+$0x9000]  }
0x161: {  	v20 =	vor.u32 v22, v20;
	v22 =	vld [tilespmem:s2+$0x9400]  }
0x162: {  	v20 =	vor.u32 v23, v20;
	v23 =	vld [tilespmem:s2+$0x9800]  }
0x163: {  	v62 =	vld [tilespmem:s2+$0x9C00];
	v20 =	vor.u32 v60, v20  }
0x164: {  	v63 =	vld [tilespmem:s2+$0xA000];
	v20 =	vor.u32 v61, v20  }
0x165: {  	v20 =	vor.u32 v21, v20  }
0x166: {  	v20 =	vor.u32 v22, v20  }
0x167: {  	v20 =	vor.u32 v23, v20  }
0x168: {  	v20 =	vor.u32 v62, v20  }
0x169: {  	s25 =	simm.s32 $0x10;
	s7 =	simm.s32 $0x4B00;
	v20 =	vor.u32 v63, v20  }
0x16a: {  	s8 =	sand.u32 $0x3F0, s25;
	[tilespmem:s7+$0x0] =	vst v20  }
0x16b: {  	s30 =	simm.s32 $0x20;
	s25 =	simm.s32 $0x6410;
	v20 =	vld [tilespmem:s8+$0x6800]  }
.LBB2_18:
0x16c: {  	p1 =	sne.s32 s30, $0x3F0;
	v21 =	vld [tilespmem:s25+$0x0]  }
0x16d: {  	v22 =	vld [tilespmem:s8+$0x6C00]  }
0x16e: {  	v23 =	vld [tilespmem:s8+$0x7000]  }
0x16f: {  	v24 =	vld [tilespmem:s8+$0x7400]  }
0x170: {  	v25 =	vld [tilespmem:s8+$0x7800]  }
0x171: {  	v20 =	vor.u32 v21, v20;
	v21 =	vld [tilespmem:s8+$0x7C00]  }
0x172: {  	v20 =	vor.u32 v22, v20;
	v22 =	vld [tilespmem:s8+$0x8000]  }
0x173: {  	v20 =	vor.u32 v23, v20;
	v23 =	vld [tilespmem:s8+$0x8400]  }
0x174: {  	v20 =	vor.u32 v24, v20;
	v24 =	vld [tilespmem:s8+$0x8800]  }
0x175: {  	v20 =	vor.u32 v25, v20;
	v25 =	vld [tilespmem:s8+$0x8C00]  }
0x176: {  	v20 =	vor.u32 v21, v20;
	v21 =	vld [tilespmem:s8+$0x9000]  }
0x177: {  	v20 =	vor.u32 v22, v20;
	v22 =	vld [tilespmem:s8+$0x9400]  }
0x178: {  	v20 =	vor.u32 v23, v20;
	v23 =	vld [tilespmem:s8+$0x9800]  }
0x179: {  	v20 =	vor.u32 v24, v20;
	v24 =	vld [tilespmem:s8+$0x9C00]  }
0x17a: {  	v20 =	vor.u32 v25, v20;
	v25 =	vld [tilespmem:s8+$0xA000]  }
0x17b: {  	v20 =	vor.u32 v21, v20  }
0x17c: {  	v20 =	vor.u32 v22, v20  }
.Ltmp13:
0x17d: {  	v20 =	vor.u32 v23, v20;
	(pc) =	sbr.rel @p1 .LBB2_18-.Ltmp13, $4  }
0x17e: {  	v20 =	vor.u32 v24, v20  }
0x17f: {  	s7 =	sadd.s32 $0x10, s7;
	v20 =	vor.u32 v25, v20  }
0x180: {  	s8 =	sand.u32 $0x3F0, s30;
	[tilespmem:s7+$0x0] =	vst v20  }
0x181: {  	s25 =	sadd.s32 $0x10, s25;
	s30 =	sadd.s32 $0x10, s30;
	v20 =	vld [tilespmem:s8+$0x6800]  }
0x182: {  	v21 =	vld [tilespmem:s25+$0x0]  }
0x183: {  	v22 =	vld [tilespmem:s8+$0x6C00]  }
0x184: {  	v23 =	vld [tilespmem:s8+$0x7000]  }
0x185: {  	v24 =	vld [tilespmem:s8+$0x7400]  }
0x186: {  	v25 =	vld [tilespmem:s8+$0x7800]  }
0x187: {  	v20 =	vor.u32 v21, v20;
	v21 =	vld [tilespmem:s8+$0x7C00]  }
0x188: {  	v20 =	vor.u32 v22, v20;
	v22 =	vld [tilespmem:s8+$0x8000]  }
0x189: {  	v20 =	vor.u32 v23, v20;
	v23 =	vld [tilespmem:s8+$0x8400]  }
0x18a: {  	v54 =	vld [tilespmem:s8+$0x8800];
	v20 =	vor.u32 v24, v20  }
0x18b: {  	v55 =	vld [tilespmem:s8+$0x8C00];
	v20 =	vor.u32 v25, v20  }
0x18c: {  	v20 =	vor.u32 v21, v20;
	v21 =	vld [tilespmem:s8+$0x9000]  }
0x18d: {  	v20 =	vor.u32 v22, v20;
	v22 =	vld [tilespmem:s8+$0x9400]  }
0x18e: {  	v20 =	vor.u32 v23, v20;
	v23 =	vld [tilespmem:s8+$0x9800]  }
0x18f: {  	v56 =	vld [tilespmem:s8+$0x9C00];
	v20 =	vor.u32 v54, v20  }
0x190: {  	v57 =	vld [tilespmem:s8+$0xA000];
	v20 =	vor.u32 v55, v20  }
0x191: {  	v20 =	vor.u32 v21, v20  }
0x192: {  	v20 =	vor.u32 v22, v20  }
0x193: {  	v20 =	vor.u32 v23, v20  }
0x194: {  	v20 =	vor.u32 v56, v20  }
0x195: {  	s2 =	sadd.s32 $0x10, s7;
	v20 =	vor.u32 v57, v20  }
0x196: {  	s30 =	simm.s32 $0x4B00;
	[tilespmem:s2+$0x0] =	vst v20  }
0x197: {  	[spmem:s19] =	stream.linear.scatter [tilespmem:s30], [sflag:$0x2], $0x400, $0x38;
	[tilespmem:$0x1E900] =	vst v63  }
0x198: {  	_ =	swait.ge [sflag:s21], $0x400  }
0x199: {  	[sflag:s21] =	ssyncset.done $0x0  }
0x19a: {  	[sflag:s21] =	ssyncadd.s32 $0xFFFFFC00  }
0x19b: {  	[bflag:$0x0] =	sbarrier.arrive $0xFFFF  }
0x19c: {  	[tilespmem:s28], [sflag:$0x2] =	stream.linear.gather [spmem:s23], $0x4000, $0x38;
	[tilespmem:$0x1E900] =	vst v63  }
0x19d: {  	_ =	swait.ge [sflag:s21], $0x4000  }
0x19e: {  	[sflag:s21] =	ssyncset.done $0x0  }
0x19f: {  	[sflag:s21] =	ssyncadd.s32 $0xFFFFC000  }
0x1a0: {  	s8 =	simm.s32 $0xE400;
	[bflag:$0x0] =	sbarrier.arrive $0xFFFF  }
0x1a1: {  	[spmem:s16] =	stream.linear.scatter [tilespmem:s8], [sflag:$0x2], $0x4000, $0x38;
	[tilespmem:$0x1E900] =	vst v63  }
0x1a2: {  	_ =	swait.ge [sflag:s21], $0x4000  }
0x1a3: {  	[sflag:s21] =	ssyncset.done $0x0  }
0x1a4: {  	[sflag:s21] =	ssyncadd.s32 $0xFFFFC000  }
0x1a5: {  	s7 =	simm.s32 $0x6400;
	[bflag:$0x0] =	sbarrier.arrive $0xFFFF  }
0x1a6: {  	[tilespmem:s7], [sflag:$0x1] =	stream.linear.gather [spmem:s22], $0x400, $0x38;
	[tilespmem:$0x1E900] =	vst v63  }
0x1a7: {  	s25 =	simm.s32 $0x6800  }
0x1a8: {  	[tilespmem:s25], [sflag:$0x1] =	stream.linear.gather [spmem:s31], $0x400, $0x38;
	[tilespmem:$0x1E900] =	vst v63  }
0x1a9: {  	s8 =	simm.s32 $0x6C00  }
0x1aa: {  	[tilespmem:s8], [sflag:$0x1] =	stream.linear.gather [spmem:s0], $0x400, $0x38;
	[tilespmem:$0x1E900] =	vst v63  }
0x1ab: {  	s25 =	simm.s32 $0x7000  }
0x1ac: {  	[tilespmem:s25], [sflag:$0x1] =	stream.linear.gather [spmem:s1], $0x400, $0x38;
	[tilespmem:$0x1E900] =	vst v63  }
0x1ad: {  	s8 =	simm.s32 $0x7400  }
0x1ae: {  	[tilespmem:s8], [sflag:$0x1] =	stream.linear.gather [spmem:s6], $0x400, $0x38;
	[tilespmem:$0x1E900] =	vst v63  }
0x1af: {  	s25 =	simm.s32 $0x7800  }
0x1b0: {  	[tilespmem:s25], [sflag:$0x1] =	stream.linear.gather [spmem:s9], $0x400, $0x38;
	[tilespmem:$0x1E900] =	vst v63  }
0x1b1: {  	s8 =	simm.s32 $0x7C00  }
0x1b2: {  	[tilespmem:s8], [sflag:$0x1] =	stream.linear.gather [spmem:s10], $0x400, $0x38;
	[tilespmem:$0x1E900] =	vst v63  }
0x1b3: {  	s25 =	simm.s32 $0x8000  }
0x1b4: {  	[tilespmem:s25], [sflag:$0x1] =	stream.linear.gather [spmem:s11], $0x400, $0x38;
	[tilespmem:$0x1E900] =	vst v63  }
0x1b5: {  	s8 =	simm.s32 $0x8400  }
0x1b6: {  	[tilespmem:s8], [sflag:$0x1] =	stream.linear.gather [spmem:s4], $0x400, $0x38;
	[tilespmem:$0x1E900] =	vst v63  }
0x1b7: {  	s25 =	simm.s32 $0x8800  }
0x1b8: {  	[tilespmem:s25], [sflag:$0x1] =	stream.linear.gather [spmem:s12], $0x400, $0x38;
	[tilespmem:$0x1E900] =	vst v63  }
0x1b9: {  	s8 =	simm.s32 $0x8C00  }
0x1ba: {  	[tilespmem:s8], [sflag:$0x1] =	stream.linear.gather [spmem:s5], $0x400, $0x38;
	[tilespmem:$0x1E900] =	vst v63  }
0x1bb: {  	s25 =	simm.s32 $0x9000  }
0x1bc: {  	[tilespmem:s25], [sflag:$0x1] =	stream.linear.gather [spmem:s13], $0x400, $0x38;
	[tilespmem:$0x1E900] =	vst v63  }
0x1bd: {  	s8 =	simm.s32 $0x9400  }
0x1be: {  	[tilespmem:s8], [sflag:$0x1] =	stream.linear.gather [spmem:s14], $0x400, $0x38;
	[tilespmem:$0x1E900] =	vst v63  }
0x1bf: {  	s25 =	simm.s32 $0x9800  }
0x1c0: {  	[tilespmem:s25], [sflag:$0x1] =	stream.linear.gather [spmem:s15], $0x400, $0x38;
	[tilespmem:$0x1E900] =	vst v63  }
0x1c1: {  	s8 =	simm.s32 $0x9C00  }
0x1c2: {  	[tilespmem:s8], [sflag:$0x1] =	stream.linear.gather [spmem:s17], $0x400, $0x38;
	[tilespmem:$0x1E900] =	vst v63  }
0x1c3: {  	s25 =	simm.s32 $0xA000  }
0x1c4: {  	[tilespmem:s25], [sflag:$0x1] =	stream.linear.gather [spmem:s18], $0x400, $0x38;
	[tilespmem:$0x1E900] =	vst v63  }
0x1c5: {  	_ =	swait.ge [sflag:s29], $0x400  }
0x1c6: {  	[sflag:s29] =	ssyncset.done $0x0  }
0x1c7: {  	[sflag:s29] =	ssyncadd.s32 $0xFFFFFC00  }
0x1c8: {  	_ =	swait.ge [sflag:s29], $0x400  }
0x1c9: {  	[sflag:s29] =	ssyncset.done $0x0  }
0x1ca: {  	[sflag:s29] =	ssyncadd.s32 $0xFFFFFC00  }
0x1cb: {  	_ =	swait.ge [sflag:s29], $0x400  }
0x1cc: {  	[sflag:s29] =	ssyncset.done $0x0  }
0x1cd: {  	[sflag:s29] =	ssyncadd.s32 $0xFFFFFC00  }
0x1ce: {  	_ =	swait.ge [sflag:s29], $0x400  }
0x1cf: {  	[sflag:s29] =	ssyncset.done $0x0  }
0x1d0: {  	[sflag:s29] =	ssyncadd.s32 $0xFFFFFC00  }
0x1d1: {  	_ =	swait.ge [sflag:s29], $0x400  }
0x1d2: {  	[sflag:s29] =	ssyncset.done $0x0  }
0x1d3: {  	[sflag:s29] =	ssyncadd.s32 $0xFFFFFC00  }
0x1d4: {  	_ =	swait.ge [sflag:s29], $0x400  }
0x1d5: {  	[sflag:s29] =	ssyncset.done $0x0  }
0x1d6: {  	[sflag:s29] =	ssyncadd.s32 $0xFFFFFC00  }
0x1d7: {  	_ =	swait.ge [sflag:s29], $0x400  }
0x1d8: {  	[sflag:s29] =	ssyncset.done $0x0  }
0x1d9: {  	[sflag:s29] =	ssyncadd.s32 $0xFFFFFC00  }
0x1da: {  	_ =	swait.ge [sflag:s29], $0x400  }
0x1db: {  	[sflag:s29] =	ssyncset.done $0x0  }
0x1dc: {  	[sflag:s29] =	ssyncadd.s32 $0xFFFFFC00  }
0x1dd: {  	_ =	swait.ge [sflag:s29], $0x400  }
0x1de: {  	[sflag:s29] =	ssyncset.done $0x0  }
0x1df: {  	[sflag:s29] =	ssyncadd.s32 $0xFFFFFC00  }
0x1e0: {  	_ =	swait.ge [sflag:s29], $0x400  }
0x1e1: {  	[sflag:s29] =	ssyncset.done $0x0  }
0x1e2: {  	[sflag:s29] =	ssyncadd.s32 $0xFFFFFC00  }
0x1e3: {  	_ =	swait.ge [sflag:s29], $0x400  }
0x1e4: {  	[sflag:s29] =	ssyncset.done $0x0  }
0x1e5: {  	[sflag:s29] =	ssyncadd.s32 $0xFFFFFC00  }
0x1e6: {  	_ =	swait.ge [sflag:s29], $0x400  }
0x1e7: {  	[sflag:s29] =	ssyncset.done $0x0  }
0x1e8: {  	[sflag:s29] =	ssyncadd.s32 $0xFFFFFC00  }
0x1e9: {  	_ =	swait.ge [sflag:s29], $0x400  }
0x1ea: {  	[sflag:s29] =	ssyncset.done $0x0  }
0x1eb: {  	[sflag:s29] =	ssyncadd.s32 $0xFFFFFC00  }
0x1ec: {  	_ =	swait.ge [sflag:s29], $0x400  }
0x1ed: {  	[sflag:s29] =	ssyncset.done $0x0  }
0x1ee: {  	[sflag:s29] =	ssyncadd.s32 $0xFFFFFC00  }
0x1ef: {  	_ =	swait.ge [sflag:s29], $0x400  }
0x1f0: {  	[sflag:s29] =	ssyncset.done $0x0  }
0x1f1: {  	[sflag:s29] =	ssyncadd.s32 $0xFFFFFC00  }
0x1f2: {  	_ =	swait.ge [sflag:s29], $0x400  }
0x1f3: {  	s8 =	simm.s32 $0x0;
	[sflag:s29] =	ssyncset.done $0x0  }
0x1f4: {  	s2 =	sand.u32 $0x3F0, s8;
	[sflag:s29] =	ssyncadd.s32 $0xFFFFFC00  }
0x1f5: {  	v20 =	vld [tilespmem:s2+$0x6800]  }
0x1f6: {  	v21 =	vld [tilespmem:s7+$0x0]  }
0x1f7: {  	v22 =	vld [tilespmem:s2+$0x6C00]  }
0x1f8: {  	v23 =	vld [tilespmem:s2+$0x7000]  }
0x1f9: {  	v58 =	vld [tilespmem:s2+$0x7400]  }
0x1fa: {  	v59 =	vld [tilespmem:s2+$0x7800]  }
0x1fb: {  	v20 =	vor.u32 v21, v20;
	v21 =	vld [tilespmem:s2+$0x7C00]  }
0x1fc: {  	v20 =	vor.u32 v22, v20;
	v22 =	vld [tilespmem:s2+$0x8000]  }
0x1fd: {  	v20 =	vor.u32 v23, v20;
	v23 =	vld [tilespmem:s2+$0x8400]  }
0x1fe: {  	v60 =	vld [tilespmem:s2+$0x8800];
	v20 =	vor.u32 v58, v20  }
0x1ff: {  	v61 =	vld [tilespmem:s2+$0x8C00];
	v20 =	vor.u32 v59, v20  }
0x200: {  	v20 =	vor.u32 v21, v20;
	v21 =	vld [tilespmem:s2+$0x9000]  }
0x201: {  	v20 =	vor.u32 v22, v20;
	v22 =	vld [tilespmem:s2+$0x9400]  }
0x202: {  	v20 =	vor.u32 v23, v20;
	v23 =	vld [tilespmem:s2+$0x9800]  }
0x203: {  	v62 =	vld [tilespmem:s2+$0x9C00];
	v20 =	vor.u32 v60, v20  }
0x204: {  	v63 =	vld [tilespmem:s2+$0xA000];
	v20 =	vor.u32 v61, v20  }
0x205: {  	v20 =	vor.u32 v21, v20  }
0x206: {  	v20 =	vor.u32 v22, v20  }
0x207: {  	v20 =	vor.u32 v23, v20  }
0x208: {  	v20 =	vor.u32 v62, v20  }
0x209: {  	s25 =	simm.s32 $0x10;
	v20 =	vor.u32 v63, v20  }
0x20a: {  	s7 =	sand.u32 $0x3F0, s25;
	[tilespmem:s30+$0x0] =	vst v20  }
0x20b: {  	s8 =	simm.s32 $0x6410;
	s25 =	simm.s32 $0x20;
	v20 =	vld [tilespmem:s7+$0x6800]  }
.LBB2_20:
0x20c: {  	p1 =	sne.s32 s25, $0x3F0;
	v21 =	vld [tilespmem:s8+$0x0]  }
0x20d: {  	v22 =	vld [tilespmem:s7+$0x6C00]  }
0x20e: {  	v23 =	vld [tilespmem:s7+$0x7000]  }
0x20f: {  	v24 =	vld [tilespmem:s7+$0x7400]  }
0x210: {  	v25 =	vld [tilespmem:s7+$0x7800]  }
0x211: {  	v20 =	vor.u32 v21, v20;
	v21 =	vld [tilespmem:s7+$0x7C00]  }
0x212: {  	v20 =	vor.u32 v22, v20;
	v22 =	vld [tilespmem:s7+$0x8000]  }
0x213: {  	v20 =	vor.u32 v23, v20;
	v23 =	vld [tilespmem:s7+$0x8400]  }
0x214: {  	v20 =	vor.u32 v24, v20;
	v24 =	vld [tilespmem:s7+$0x8800]  }
0x215: {  	v20 =	vor.u32 v25, v20;
	v25 =	vld [tilespmem:s7+$0x8C00]  }
0x216: {  	v20 =	vor.u32 v21, v20;
	v21 =	vld [tilespmem:s7+$0x9000]  }
0x217: {  	v20 =	vor.u32 v22, v20;
	v22 =	vld [tilespmem:s7+$0x9400]  }
0x218: {  	v20 =	vor.u32 v23, v20;
	v23 =	vld [tilespmem:s7+$0x9800]  }
0x219: {  	v20 =	vor.u32 v24, v20;
	v24 =	vld [tilespmem:s7+$0x9C00]  }
0x21a: {  	v20 =	vor.u32 v25, v20;
	v25 =	vld [tilespmem:s7+$0xA000]  }
0x21b: {  	v20 =	vor.u32 v21, v20  }
0x21c: {  	v20 =	vor.u32 v22, v20  }
.Ltmp14:
0x21d: {  	v20 =	vor.u32 v23, v20;
	(pc) =	sbr.rel @p1 .LBB2_20-.Ltmp14, $4  }
0x21e: {  	v20 =	vor.u32 v24, v20  }
0x21f: {  	s30 =	sadd.s32 $0x10, s30;
	v20 =	vor.u32 v25, v20  }
0x220: {  	s7 =	sand.u32 $0x3F0, s25;
	[tilespmem:s30+$0x0] =	vst v20  }
0x221: {  	s8 =	sadd.s32 $0x10, s8;
	s25 =	sadd.s32 $0x10, s25;
	v20 =	vld [tilespmem:s7+$0x6800]  }
0x222: {  	v21 =	vld [tilespmem:s8+$0x0]  }
0x223: {  	v22 =	vld [tilespmem:s7+$0x6C00]  }
0x224: {  	v23 =	vld [tilespmem:s7+$0x7000]  }
0x225: {  	v24 =	vld [tilespmem:s7+$0x7400]  }
0x226: {  	v25 =	vld [tilespmem:s7+$0x7800]  }
0x227: {  	v20 =	vor.u32 v21, v20;
	v21 =	vld [tilespmem:s7+$0x7C00]  }
0x228: {  	v20 =	vor.u32 v22, v20;
	v22 =	vld [tilespmem:s7+$0x8000]  }
0x229: {  	v20 =	vor.u32 v23, v20;
	v23 =	vld [tilespmem:s7+$0x8400]  }
0x22a: {  	v54 =	vld [tilespmem:s7+$0x8800];
	v20 =	vor.u32 v24, v20  }
0x22b: {  	v55 =	vld [tilespmem:s7+$0x8C00];
	v20 =	vor.u32 v25, v20  }
0x22c: {  	v20 =	vor.u32 v21, v20;
	v21 =	vld [tilespmem:s7+$0x9000]  }
0x22d: {  	v20 =	vor.u32 v22, v20;
	v22 =	vld [tilespmem:s7+$0x9400]  }
0x22e: {  	v20 =	vor.u32 v23, v20;
	v23 =	vld [tilespmem:s7+$0x9800]  }
0x22f: {  	v56 =	vld [tilespmem:s7+$0x9C00];
	v20 =	vor.u32 v54, v20  }
0x230: {  	v57 =	vld [tilespmem:s7+$0xA000];
	v20 =	vor.u32 v55, v20  }
0x231: {  	v20 =	vor.u32 v21, v20  }
0x232: {  	v20 =	vor.u32 v22, v20  }
0x233: {  	v20 =	vor.u32 v23, v20  }
0x234: {  	v20 =	vor.u32 v56, v20  }
0x235: {  	s2 =	sadd.s32 $0x10, s30;
	v20 =	vor.u32 v57, v20  }
0x236: {  	s30 =	simm.s32 $0x4B00;
	[tilespmem:s2+$0x0] =	vst v20  }
0x237: {  	[spmem:s19] =	stream.linear.scatter [tilespmem:s30], [sflag:$0x2], $0x400, $0x38;
	[tilespmem:$0x1E900] =	vst v63  }
0x238: {  	_ =	swait.ge [sflag:s21], $0x400  }
0x239: {  	[sflag:s21] =	ssyncset.done $0x0  }
0x23a: {  	[sflag:s21] =	ssyncadd.s32 $0xFFFFFC00  }
0x23b: {  	s7 =	simm.s32 $0xE400;
	[bflag:$0x0] =	sbarrier.arrive $0xFFFF  }
0x23c: {  	[tilespmem:s7], [sflag:$0x2] =	stream.linear.gather [spmem:s23], $0x4000, $0x38;
	[tilespmem:$0x1E900] =	vst v63  }
0x23d: {  	_ =	swait.ge [sflag:s21], $0x4000  }
0x23e: {  	[sflag:s21] =	ssyncset.done $0x0  }
0x23f: {  	[sflag:s21] =	ssyncadd.s32 $0xFFFFC000  }
0x240: {  	s8 =	simm.s32 $0x12400;
	[bflag:$0x0] =	sbarrier.arrive $0xFFFF  }
0x241: {  	[spmem:s16] =	stream.linear.scatter [tilespmem:s8], [sflag:$0x2], $0x4000, $0x38;
	[tilespmem:$0x1E900] =	vst v63  }
0x242: {  	_ =	swait.ge [sflag:s21], $0x4000  }
0x243: {  	[sflag:s21] =	ssyncset.done $0x0  }
0x244: {  	[sflag:s21] =	ssyncadd.s32 $0xFFFFC000  }
0x245: {  	s7 =	simm.s32 $0x6400;
	[bflag:$0x0] =	sbarrier.arrive $0xFFFF  }
0x246: {  	[tilespmem:s7], [sflag:$0x1] =	stream.linear.gather [spmem:s22], $0x400, $0x38;
	[tilespmem:$0x1E900] =	vst v63  }
0x247: {  	s25 =	simm.s32 $0x6800  }
0x248: {  	[tilespmem:s25], [sflag:$0x1] =	stream.linear.gather [spmem:s31], $0x400, $0x38;
	[tilespmem:$0x1E900] =	vst v63  }
0x249: {  	s8 =	simm.s32 $0x6C00  }
0x24a: {  	[tilespmem:s8], [sflag:$0x1] =	stream.linear.gather [spmem:s0], $0x400, $0x38;
	[tilespmem:$0x1E900] =	vst v63  }
0x24b: {  	s25 =	simm.s32 $0x7000  }
0x24c: {  	[tilespmem:s25], [sflag:$0x1] =	stream.linear.gather [spmem:s1], $0x400, $0x38;
	[tilespmem:$0x1E900] =	vst v63  }
0x24d: {  	s8 =	simm.s32 $0x7400  }
0x24e: {  	[tilespmem:s8], [sflag:$0x1] =	stream.linear.gather [spmem:s6], $0x400, $0x38;
	[tilespmem:$0x1E900] =	vst v63  }
0x24f: {  	s25 =	simm.s32 $0x7800  }
0x250: {  	[tilespmem:s25], [sflag:$0x1] =	stream.linear.gather [spmem:s9], $0x400, $0x38;
	[tilespmem:$0x1E900] =	vst v63  }
0x251: {  	s8 =	simm.s32 $0x7C00  }
0x252: {  	[tilespmem:s8], [sflag:$0x1] =	stream.linear.gather [spmem:s10], $0x400, $0x38;
	[tilespmem:$0x1E900] =	vst v63  }
0x253: {  	s25 =	simm.s32 $0x8000  }
0x254: {  	[tilespmem:s25], [sflag:$0x1] =	stream.linear.gather [spmem:s11], $0x400, $0x38;
	[tilespmem:$0x1E900] =	vst v63  }
0x255: {  	s8 =	simm.s32 $0x8400  }
0x256: {  	[tilespmem:s8], [sflag:$0x1] =	stream.linear.gather [spmem:s4], $0x400, $0x38;
	[tilespmem:$0x1E900] =	vst v63  }
0x257: {  	s25 =	simm.s32 $0x8800  }
0x258: {  	[tilespmem:s25], [sflag:$0x1] =	stream.linear.gather [spmem:s12], $0x400, $0x38;
	[tilespmem:$0x1E900] =	vst v63  }
0x259: {  	s8 =	simm.s32 $0x8C00  }
0x25a: {  	[tilespmem:s8], [sflag:$0x1] =	stream.linear.gather [spmem:s5], $0x400, $0x38;
	[tilespmem:$0x1E900] =	vst v63  }
0x25b: {  	s25 =	simm.s32 $0x9000  }
0x25c: {  	[tilespmem:s25], [sflag:$0x1] =	stream.linear.gather [spmem:s13], $0x400, $0x38;
	[tilespmem:$0x1E900] =	vst v63  }
0x25d: {  	s8 =	simm.s32 $0x9400  }
0x25e: {  	[tilespmem:s8], [sflag:$0x1] =	stream.linear.gather [spmem:s14], $0x400, $0x38;
	[tilespmem:$0x1E900] =	vst v63  }
0x25f: {  	s25 =	simm.s32 $0x9800  }
0x260: {  	[tilespmem:s25], [sflag:$0x1] =	stream.linear.gather [spmem:s15], $0x400, $0x38;
	[tilespmem:$0x1E900] =	vst v63  }
0x261: {  	s8 =	simm.s32 $0x9C00  }
0x262: {  	[tilespmem:s8], [sflag:$0x1] =	stream.linear.gather [spmem:s17], $0x400, $0x38;
	[tilespmem:$0x1E900] =	vst v63  }
0x263: {  	s25 =	simm.s32 $0xA000  }
0x264: {  	[tilespmem:s25], [sflag:$0x1] =	stream.linear.gather [spmem:s18], $0x400, $0x38;
	[tilespmem:$0x1E900] =	vst v63  }
0x265: {  	_ =	swait.ge [sflag:s29], $0x400  }
0x266: {  	[sflag:s29] =	ssyncset.done $0x0  }
0x267: {  	[sflag:s29] =	ssyncadd.s32 $0xFFFFFC00  }
0x268: {  	_ =	swait.ge [sflag:s29], $0x400  }
0x269: {  	[sflag:s29] =	ssyncset.done $0x0  }
0x26a: {  	[sflag:s29] =	ssyncadd.s32 $0xFFFFFC00  }
0x26b: {  	_ =	swait.ge [sflag:s29], $0x400  }
0x26c: {  	[sflag:s29] =	ssyncset.done $0x0  }
0x26d: {  	[sflag:s29] =	ssyncadd.s32 $0xFFFFFC00  }
0x26e: {  	_ =	swait.ge [sflag:s29], $0x400  }
0x26f: {  	[sflag:s29] =	ssyncset.done $0x0  }
0x270: {  	[sflag:s29] =	ssyncadd.s32 $0xFFFFFC00  }
0x271: {  	_ =	swait.ge [sflag:s29], $0x400  }
0x272: {  	[sflag:s29] =	ssyncset.done $0x0  }
0x273: {  	[sflag:s29] =	ssyncadd.s32 $0xFFFFFC00  }
0x274: {  	_ =	swait.ge [sflag:s29], $0x400  }
0x275: {  	[sflag:s29] =	ssyncset.done $0x0  }
0x276: {  	[sflag:s29] =	ssyncadd.s32 $0xFFFFFC00  }
0x277: {  	_ =	swait.ge [sflag:s29], $0x400  }
0x278: {  	[sflag:s29] =	ssyncset.done $0x0  }
0x279: {  	[sflag:s29] =	ssyncadd.s32 $0xFFFFFC00  }
0x27a: {  	_ =	swait.ge [sflag:s29], $0x400  }
0x27b: {  	[sflag:s29] =	ssyncset.done $0x0  }
0x27c: {  	[sflag:s29] =	ssyncadd.s32 $0xFFFFFC00  }
0x27d: {  	_ =	swait.ge [sflag:s29], $0x400  }
0x27e: {  	[sflag:s29] =	ssyncset.done $0x0  }
0x27f: {  	[sflag:s29] =	ssyncadd.s32 $0xFFFFFC00  }
0x280: {  	_ =	swait.ge [sflag:s29], $0x400  }
0x281: {  	[sflag:s29] =	ssyncset.done $0x0  }
0x282: {  	[sflag:s29] =	ssyncadd.s32 $0xFFFFFC00  }
0x283: {  	_ =	swait.ge [sflag:s29], $0x400  }
0x284: {  	[sflag:s29] =	ssyncset.done $0x0  }
0x285: {  	[sflag:s29] =	ssyncadd.s32 $0xFFFFFC00  }
0x286: {  	_ =	swait.ge [sflag:s29], $0x400  }
0x287: {  	[sflag:s29] =	ssyncset.done $0x0  }
0x288: {  	[sflag:s29] =	ssyncadd.s32 $0xFFFFFC00  }
0x289: {  	_ =	swait.ge [sflag:s29], $0x400  }
0x28a: {  	[sflag:s29] =	ssyncset.done $0x0  }
0x28b: {  	[sflag:s29] =	ssyncadd.s32 $0xFFFFFC00  }
0x28c: {  	_ =	swait.ge [sflag:s29], $0x400  }
0x28d: {  	[sflag:s29] =	ssyncset.done $0x0  }
0x28e: {  	[sflag:s29] =	ssyncadd.s32 $0xFFFFFC00  }
0x28f: {  	_ =	swait.ge [sflag:s29], $0x400  }
0x290: {  	[sflag:s29] =	ssyncset.done $0x0  }
0x291: {  	[sflag:s29] =	ssyncadd.s32 $0xFFFFFC00  }
0x292: {  	_ =	swait.ge [sflag:s29], $0x400  }
0x293: {  	s8 =	simm.s32 $0x0;
	[sflag:s29] =	ssyncset.done $0x0  }
0x294: {  	s2 =	sand.u32 $0x3F0, s8;
	[sflag:s29] =	ssyncadd.s32 $0xFFFFFC00  }
0x295: {  	v20 =	vld [tilespmem:s2+$0x6800]  }
0x296: {  	v21 =	vld [tilespmem:s7+$0x0]  }
0x297: {  	v22 =	vld [tilespmem:s2+$0x6C00]  }
0x298: {  	v23 =	vld [tilespmem:s2+$0x7000]  }
0x299: {  	v58 =	vld [tilespmem:s2+$0x7400]  }
0x29a: {  	v59 =	vld [tilespmem:s2+$0x7800]  }
0x29b: {  	v20 =	vor.u32 v21, v20;
	v21 =	vld [tilespmem:s2+$0x7C00]  }
0x29c: {  	v20 =	vor.u32 v22, v20;
	v22 =	vld [tilespmem:s2+$0x8000]  }
0x29d: {  	v20 =	vor.u32 v23, v20;
	v23 =	vld [tilespmem:s2+$0x8400]  }
0x29e: {  	v60 =	vld [tilespmem:s2+$0x8800];
	v20 =	vor.u32 v58, v20  }
0x29f: {  	v61 =	vld [tilespmem:s2+$0x8C00];
	v20 =	vor.u32 v59, v20  }
0x2a0: {  	v20 =	vor.u32 v21, v20;
	v21 =	vld [tilespmem:s2+$0x9000]  }
0x2a1: {  	v20 =	vor.u32 v22, v20;
	v22 =	vld [tilespmem:s2+$0x9400]  }
0x2a2: {  	v20 =	vor.u32 v23, v20;
	v23 =	vld [tilespmem:s2+$0x9800]  }
0x2a3: {  	v62 =	vld [tilespmem:s2+$0x9C00];
	v20 =	vor.u32 v60, v20  }
0x2a4: {  	v63 =	vld [tilespmem:s2+$0xA000];
	v20 =	vor.u32 v61, v20  }
0x2a5: {  	v20 =	vor.u32 v21, v20  }
0x2a6: {  	v20 =	vor.u32 v22, v20  }
0x2a7: {  	v20 =	vor.u32 v23, v20  }
0x2a8: {  	v20 =	vor.u32 v62, v20  }
0x2a9: {  	s25 =	simm.s32 $0x10;
	v20 =	vor.u32 v63, v20  }
0x2aa: {  	s7 =	sand.u32 $0x3F0, s25;
	[tilespmem:s30+$0x0] =	vst v20  }
0x2ab: {  	s8 =	simm.s32 $0x6410;
	s25 =	simm.s32 $0x20;
	v20 =	vld [tilespmem:s7+$0x6800]  }
.LBB2_22:
0x2ac: {  	p1 =	sne.s32 s25, $0x3F0;
	v21 =	vld [tilespmem:s8+$0x0]  }
0x2ad: {  	v22 =	vld [tilespmem:s7+$0x6C00]  }
0x2ae: {  	v23 =	vld [tilespmem:s7+$0x7000]  }
0x2af: {  	v24 =	vld [tilespmem:s7+$0x7400]  }
0x2b0: {  	v25 =	vld [tilespmem:s7+$0x7800]  }
0x2b1: {  	v20 =	vor.u32 v21, v20;
	v21 =	vld [tilespmem:s7+$0x7C00]  }
0x2b2: {  	v20 =	vor.u32 v22, v20;
	v22 =	vld [tilespmem:s7+$0x8000]  }
0x2b3: {  	v20 =	vor.u32 v23, v20;
	v23 =	vld [tilespmem:s7+$0x8400]  }
0x2b4: {  	v20 =	vor.u32 v24, v20;
	v24 =	vld [tilespmem:s7+$0x8800]  }
0x2b5: {  	v20 =	vor.u32 v25, v20;
	v25 =	vld [tilespmem:s7+$0x8C00]  }
0x2b6: {  	v20 =	vor.u32 v21, v20;
	v21 =	vld [tilespmem:s7+$0x9000]  }
0x2b7: {  	v20 =	vor.u32 v22, v20;
	v22 =	vld [tilespmem:s7+$0x9400]  }
0x2b8: {  	v20 =	vor.u32 v23, v20;
	v23 =	vld [tilespmem:s7+$0x9800]  }
0x2b9: {  	v20 =	vor.u32 v24, v20;
	v24 =	vld [tilespmem:s7+$0x9C00]  }
0x2ba: {  	v20 =	vor.u32 v25, v20;
	v25 =	vld [tilespmem:s7+$0xA000]  }
0x2bb: {  	v20 =	vor.u32 v21, v20  }
0x2bc: {  	v20 =	vor.u32 v22, v20  }
.Ltmp15:
0x2bd: {  	v20 =	vor.u32 v23, v20;
	(pc) =	sbr.rel @p1 .LBB2_22-.Ltmp15, $4  }
0x2be: {  	v20 =	vor.u32 v24, v20  }
0x2bf: {  	s30 =	sadd.s32 $0x10, s30;
	v20 =	vor.u32 v25, v20  }
0x2c0: {  	s7 =	sand.u32 $0x3F0, s25;
	[tilespmem:s30+$0x0] =	vst v20  }
0x2c1: {  	s8 =	sadd.s32 $0x10, s8;
	s25 =	sadd.s32 $0x10, s25;
	v20 =	vld [tilespmem:s7+$0x6800]  }
0x2c2: {  	v21 =	vld [tilespmem:s8+$0x0]  }
0x2c3: {  	v22 =	vld [tilespmem:s7+$0x6C00]  }
0x2c4: {  	v23 =	vld [tilespmem:s7+$0x7000]  }
0x2c5: {  	v24 =	vld [tilespmem:s7+$0x7400]  }
0x2c6: {  	v25 =	vld [tilespmem:s7+$0x7800]  }
0x2c7: {  	v20 =	vor.u32 v21, v20;
	v21 =	vld [tilespmem:s7+$0x7C00]  }
0x2c8: {  	v20 =	vor.u32 v22, v20;
	v22 =	vld [tilespmem:s7+$0x8000]  }
0x2c9: {  	v20 =	vor.u32 v23, v20;
	v23 =	vld [tilespmem:s7+$0x8400]  }
0x2ca: {  	v54 =	vld [tilespmem:s7+$0x8800];
	v20 =	vor.u32 v24, v20  }
0x2cb: {  	v55 =	vld [tilespmem:s7+$0x8C00];
	v20 =	vor.u32 v25, v20  }
0x2cc: {  	v20 =	vor.u32 v21, v20;
	v21 =	vld [tilespmem:s7+$0x9000]  }
0x2cd: {  	v20 =	vor.u32 v22, v20;
	v22 =	vld [tilespmem:s7+$0x9400]  }
0x2ce: {  	v20 =	vor.u32 v23, v20;
	v23 =	vld [tilespmem:s7+$0x9800]  }
0x2cf: {  	v56 =	vld [tilespmem:s7+$0x9C00];
	v20 =	vor.u32 v54, v20  }
0x2d0: {  	v57 =	vld [tilespmem:s7+$0xA000];
	v20 =	vor.u32 v55, v20  }
0x2d1: {  	v20 =	vor.u32 v21, v20  }
0x2d2: {  	v20 =	vor.u32 v22, v20  }
0x2d3: {  	v20 =	vor.u32 v23, v20  }
0x2d4: {  	v20 =	vor.u32 v56, v20  }
0x2d5: {  	s2 =	sadd.s32 $0x10, s30;
	v20 =	vor.u32 v57, v20  }
0x2d6: {  	s30 =	simm.s32 $0x4B00;
	[tilespmem:s2+$0x0] =	vst v20  }
0x2d7: {  	[spmem:s19] =	stream.linear.scatter [tilespmem:s30], [sflag:$0x2], $0x400, $0x38;
	[tilespmem:$0x1E900] =	vst v63  }
0x2d8: {  	_ =	swait.ge [sflag:s21], $0x400  }
0x2d9: {  	[sflag:s21] =	ssyncset.done $0x0  }
0x2da: {  	[sflag:s21] =	ssyncadd.s32 $0xFFFFFC00  }
0x2db: {  	s7 =	simm.s32 $0x12400;
	[bflag:$0x0] =	sbarrier.arrive $0xFFFF  }
0x2dc: {  	[tilespmem:s7], [sflag:$0x2] =	stream.linear.gather [spmem:s23], $0x4000, $0x38;
	[tilespmem:$0x1E900] =	vst v63  }
0x2dd: {  	_ =	swait.ge [sflag:s21], $0x4000  }
0x2de: {  	[sflag:s21] =	ssyncset.done $0x0  }
0x2df: {  	[sflag:s21] =	ssyncadd.s32 $0xFFFFC000  }
0x2e0: {  	s8 =	simm.s32 $0x16400;
	[bflag:$0x0] =	sbarrier.arrive $0xFFFF  }
0x2e1: {  	[spmem:s16] =	stream.linear.scatter [tilespmem:s8], [sflag:$0x2], $0x4000, $0x38;
	[tilespmem:$0x1E900] =	vst v63  }
0x2e2: {  	_ =	swait.ge [sflag:s21], $0x4000  }
0x2e3: {  	[sflag:s21] =	ssyncset.done $0x0  }
0x2e4: {  	[sflag:s21] =	ssyncadd.s32 $0xFFFFC000  }
0x2e5: {  	s7 =	simm.s32 $0x6400;
	[bflag:$0x0] =	sbarrier.arrive $0xFFFF  }
0x2e6: {  	[tilespmem:s7], [sflag:$0x1] =	stream.linear.gather [spmem:s22], $0x400, $0x38;
	[tilespmem:$0x1E900] =	vst v63  }
0x2e7: {  	s25 =	simm.s32 $0x6800  }
0x2e8: {  	[tilespmem:s25], [sflag:$0x1] =	stream.linear.gather [spmem:s31], $0x400, $0x38;
	[tilespmem:$0x1E900] =	vst v63  }
0x2e9: {  	s8 =	simm.s32 $0x6C00  }
0x2ea: {  	[tilespmem:s8], [sflag:$0x1] =	stream.linear.gather [spmem:s0], $0x400, $0x38;
	[tilespmem:$0x1E900] =	vst v63  }
0x2eb: {  	s25 =	simm.s32 $0x7000  }
0x2ec: {  	[tilespmem:s25], [sflag:$0x1] =	stream.linear.gather [spmem:s1], $0x400, $0x38;
	[tilespmem:$0x1E900] =	vst v63  }
0x2ed: {  	s8 =	simm.s32 $0x7400  }
0x2ee: {  	[tilespmem:s8], [sflag:$0x1] =	stream.linear.gather [spmem:s6], $0x400, $0x38;
	[tilespmem:$0x1E900] =	vst v63  }
0x2ef: {  	s25 =	simm.s32 $0x7800  }
0x2f0: {  	[tilespmem:s25], [sflag:$0x1] =	stream.linear.gather [spmem:s9], $0x400, $0x38;
	[tilespmem:$0x1E900] =	vst v63  }
0x2f1: {  	s8 =	simm.s32 $0x7C00  }
0x2f2: {  	[tilespmem:s8], [sflag:$0x1] =	stream.linear.gather [spmem:s10], $0x400, $0x38;
	[tilespmem:$0x1E900] =	vst v63  }
0x2f3: {  	s25 =	simm.s32 $0x8000  }
0x2f4: {  	[tilespmem:s25], [sflag:$0x1] =	stream.linear.gather [spmem:s11], $0x400, $0x38;
	[tilespmem:$0x1E900] =	vst v63  }
0x2f5: {  	s8 =	simm.s32 $0x8400  }
0x2f6: {  	[tilespmem:s8], [sflag:$0x1] =	stream.linear.gather [spmem:s4], $0x400, $0x38;
	[tilespmem:$0x1E900] =	vst v63  }
0x2f7: {  	s25 =	simm.s32 $0x8800  }
0x2f8: {  	[tilespmem:s25], [sflag:$0x1] =	stream.linear.gather [spmem:s12], $0x400, $0x38;
	[tilespmem:$0x1E900] =	vst v63  }
0x2f9: {  	s8 =	simm.s32 $0x8C00  }
0x2fa: {  	[tilespmem:s8], [sflag:$0x1] =	stream.linear.gather [spmem:s5], $0x400, $0x38;
	[tilespmem:$0x1E900] =	vst v63  }
0x2fb: {  	s25 =	simm.s32 $0x9000  }
0x2fc: {  	[tilespmem:s25], [sflag:$0x1] =	stream.linear.gather [spmem:s13], $0x400, $0x38;
	[tilespmem:$0x1E900] =	vst v63  }
0x2fd: {  	s8 =	simm.s32 $0x9400  }
0x2fe: {  	[tilespmem:s8], [sflag:$0x1] =	stream.linear.gather [spmem:s14], $0x400, $0x38;
	[tilespmem:$0x1E900] =	vst v63  }
0x2ff: {  	s25 =	simm.s32 $0x9800  }
0x300: {  	[tilespmem:s25], [sflag:$0x1] =	stream.linear.gather [spmem:s15], $0x400, $0x38;
	[tilespmem:$0x1E900] =	vst v63  }
0x301: {  	s8 =	simm.s32 $0x9C00  }
0x302: {  	[tilespmem:s8], [sflag:$0x1] =	stream.linear.gather [spmem:s17], $0x400, $0x38;
	[tilespmem:$0x1E900] =	vst v63  }
0x303: {  	s25 =	simm.s32 $0xA000  }
0x304: {  	[tilespmem:s25], [sflag:$0x1] =	stream.linear.gather [spmem:s18], $0x400, $0x38;
	[tilespmem:$0x1E900] =	vst v63  }
0x305: {  	_ =	swait.ge [sflag:s29], $0x400  }
0x306: {  	[sflag:s29] =	ssyncset.done $0x0  }
0x307: {  	[sflag:s29] =	ssyncadd.s32 $0xFFFFFC00  }
0x308: {  	_ =	swait.ge [sflag:s29], $0x400  }
0x309: {  	[sflag:s29] =	ssyncset.done $0x0  }
0x30a: {  	[sflag:s29] =	ssyncadd.s32 $0xFFFFFC00  }
0x30b: {  	_ =	swait.ge [sflag:s29], $0x400  }
0x30c: {  	[sflag:s29] =	ssyncset.done $0x0  }
0x30d: {  	[sflag:s29] =	ssyncadd.s32 $0xFFFFFC00  }
0x30e: {  	_ =	swait.ge [sflag:s29], $0x400  }
0x30f: {  	[sflag:s29] =	ssyncset.done $0x0  }
0x310: {  	[sflag:s29] =	ssyncadd.s32 $0xFFFFFC00  }
0x311: {  	_ =	swait.ge [sflag:s29], $0x400  }
0x312: {  	[sflag:s29] =	ssyncset.done $0x0  }
0x313: {  	[sflag:s29] =	ssyncadd.s32 $0xFFFFFC00  }
0x314: {  	_ =	swait.ge [sflag:s29], $0x400  }
0x315: {  	[sflag:s29] =	ssyncset.done $0x0  }
0x316: {  	[sflag:s29] =	ssyncadd.s32 $0xFFFFFC00  }
0x317: {  	_ =	swait.ge [sflag:s29], $0x400  }
0x318: {  	[sflag:s29] =	ssyncset.done $0x0  }
0x319: {  	[sflag:s29] =	ssyncadd.s32 $0xFFFFFC00  }
0x31a: {  	_ =	swait.ge [sflag:s29], $0x400  }
0x31b: {  	[sflag:s29] =	ssyncset.done $0x0  }
0x31c: {  	[sflag:s29] =	ssyncadd.s32 $0xFFFFFC00  }
0x31d: {  	_ =	swait.ge [sflag:s29], $0x400  }
0x31e: {  	[sflag:s29] =	ssyncset.done $0x0  }
0x31f: {  	[sflag:s29] =	ssyncadd.s32 $0xFFFFFC00  }
0x320: {  	_ =	swait.ge [sflag:s29], $0x400  }
0x321: {  	[sflag:s29] =	ssyncset.done $0x0  }
0x322: {  	[sflag:s29] =	ssyncadd.s32 $0xFFFFFC00  }
0x323: {  	_ =	swait.ge [sflag:s29], $0x400  }
0x324: {  	[sflag:s29] =	ssyncset.done $0x0  }
0x325: {  	[sflag:s29] =	ssyncadd.s32 $0xFFFFFC00  }
0x326: {  	_ =	swait.ge [sflag:s29], $0x400  }
0x327: {  	[sflag:s29] =	ssyncset.done $0x0  }
0x328: {  	[sflag:s29] =	ssyncadd.s32 $0xFFFFFC00  }
0x329: {  	_ =	swait.ge [sflag:s29], $0x400  }
0x32a: {  	[sflag:s29] =	ssyncset.done $0x0  }
0x32b: {  	[sflag:s29] =	ssyncadd.s32 $0xFFFFFC00  }
0x32c: {  	_ =	swait.ge [sflag:s29], $0x400  }
0x32d: {  	[sflag:s29] =	ssyncset.done $0x0  }
0x32e: {  	[sflag:s29] =	ssyncadd.s32 $0xFFFFFC00  }
0x32f: {  	_ =	swait.ge [sflag:s29], $0x400  }
0x330: {  	[sflag:s29] =	ssyncset.done $0x0  }
0x331: {  	[sflag:s29] =	ssyncadd.s32 $0xFFFFFC00  }
0x332: {  	_ =	swait.ge [sflag:s29], $0x400  }
0x333: {  	s8 =	simm.s32 $0x0;
	[sflag:s29] =	ssyncset.done $0x0  }
0x334: {  	s2 =	sand.u32 $0x3F0, s8;
	[sflag:s29] =	ssyncadd.s32 $0xFFFFFC00  }
0x335: {  	v20 =	vld [tilespmem:s2+$0x6800]  }
0x336: {  	v21 =	vld [tilespmem:s7+$0x0]  }
0x337: {  	v22 =	vld [tilespmem:s2+$0x6C00]  }
0x338: {  	v23 =	vld [tilespmem:s2+$0x7000]  }
0x339: {  	v58 =	vld [tilespmem:s2+$0x7400]  }
0x33a: {  	v59 =	vld [tilespmem:s2+$0x7800]  }
0x33b: {  	v20 =	vor.u32 v21, v20;
	v21 =	vld [tilespmem:s2+$0x7C00]  }
0x33c: {  	v20 =	vor.u32 v22, v20;
	v22 =	vld [tilespmem:s2+$0x8000]  }
0x33d: {  	v20 =	vor.u32 v23, v20;
	v23 =	vld [tilespmem:s2+$0x8400]  }
0x33e: {  	v60 =	vld [tilespmem:s2+$0x8800];
	v20 =	vor.u32 v58, v20  }
0x33f: {  	v61 =	vld [tilespmem:s2+$0x8C00];
	v20 =	vor.u32 v59, v20  }
0x340: {  	v20 =	vor.u32 v21, v20;
	v21 =	vld [tilespmem:s2+$0x9000]  }
0x341: {  	v20 =	vor.u32 v22, v20;
	v22 =	vld [tilespmem:s2+$0x9400]  }
0x342: {  	v20 =	vor.u32 v23, v20;
	v23 =	vld [tilespmem:s2+$0x9800]  }
0x343: {  	v62 =	vld [tilespmem:s2+$0x9C00];
	v20 =	vor.u32 v60, v20  }
0x344: {  	v63 =	vld [tilespmem:s2+$0xA000];
	v20 =	vor.u32 v61, v20  }
0x345: {  	v20 =	vor.u32 v21, v20  }
0x346: {  	v20 =	vor.u32 v22, v20  }
0x347: {  	v20 =	vor.u32 v23, v20  }
0x348: {  	v20 =	vor.u32 v62, v20  }
0x349: {  	s25 =	simm.s32 $0x10;
	v20 =	vor.u32 v63, v20  }
0x34a: {  	s7 =	sand.u32 $0x3F0, s25;
	[tilespmem:s30+$0x0] =	vst v20  }
0x34b: {  	s8 =	simm.s32 $0x6410;
	s25 =	simm.s32 $0x20;
	v20 =	vld [tilespmem:s7+$0x6800]  }
.LBB2_24:
0x34c: {  	p1 =	sne.s32 s25, $0x3F0;
	v21 =	vld [tilespmem:s8+$0x0]  }
0x34d: {  	v22 =	vld [tilespmem:s7+$0x6C00]  }
0x34e: {  	v23 =	vld [tilespmem:s7+$0x7000]  }
0x34f: {  	v24 =	vld [tilespmem:s7+$0x7400]  }
0x350: {  	v25 =	vld [tilespmem:s7+$0x7800]  }
0x351: {  	v20 =	vor.u32 v21, v20;
	v21 =	vld [tilespmem:s7+$0x7C00]  }
0x352: {  	v20 =	vor.u32 v22, v20;
	v22 =	vld [tilespmem:s7+$0x8000]  }
0x353: {  	v20 =	vor.u32 v23, v20;
	v23 =	vld [tilespmem:s7+$0x8400]  }
0x354: {  	v20 =	vor.u32 v24, v20;
	v24 =	vld [tilespmem:s7+$0x8800]  }
0x355: {  	v20 =	vor.u32 v25, v20;
	v25 =	vld [tilespmem:s7+$0x8C00]  }
0x356: {  	v20 =	vor.u32 v21, v20;
	v21 =	vld [tilespmem:s7+$0x9000]  }
0x357: {  	v20 =	vor.u32 v22, v20;
	v22 =	vld [tilespmem:s7+$0x9400]  }
0x358: {  	v20 =	vor.u32 v23, v20;
	v23 =	vld [tilespmem:s7+$0x9800]  }
0x359: {  	v20 =	vor.u32 v24, v20;
	v24 =	vld [tilespmem:s7+$0x9C00]  }
0x35a: {  	v20 =	vor.u32 v25, v20;
	v25 =	vld [tilespmem:s7+$0xA000]  }
0x35b: {  	v20 =	vor.u32 v21, v20  }
0x35c: {  	v20 =	vor.u32 v22, v20  }
.Ltmp16:
0x35d: {  	v20 =	vor.u32 v23, v20;
	(pc) =	sbr.rel @p1 .LBB2_24-.Ltmp16, $4  }
0x35e: {  	v20 =	vor.u32 v24, v20  }
0x35f: {  	s30 =	sadd.s32 $0x10, s30;
	v20 =	vor.u32 v25, v20  }
0x360: {  	s7 =	sand.u32 $0x3F0, s25;
	[tilespmem:s30+$0x0] =	vst v20  }
0x361: {  	s8 =	sadd.s32 $0x10, s8;
	s25 =	sadd.s32 $0x10, s25;
	v20 =	vld [tilespmem:s7+$0x6800]  }
0x362: {  	v21 =	vld [tilespmem:s8+$0x0]  }
0x363: {  	v22 =	vld [tilespmem:s7+$0x6C00]  }
0x364: {  	v23 =	vld [tilespmem:s7+$0x7000]  }
0x365: {  	v24 =	vld [tilespmem:s7+$0x7400]  }
0x366: {  	v25 =	vld [tilespmem:s7+$0x7800]  }
0x367: {  	v20 =	vor.u32 v21, v20;
	v21 =	vld [tilespmem:s7+$0x7C00]  }
0x368: {  	v20 =	vor.u32 v22, v20;
	v22 =	vld [tilespmem:s7+$0x8000]  }
0x369: {  	v20 =	vor.u32 v23, v20;
	v23 =	vld [tilespmem:s7+$0x8400]  }
0x36a: {  	v60 =	vld [tilespmem:s7+$0x8800];
	v20 =	vor.u32 v24, v20  }
0x36b: {  	v61 =	vld [tilespmem:s7+$0x8C00];
	v20 =	vor.u32 v25, v20  }
0x36c: {  	v20 =	vor.u32 v21, v20;
	v21 =	vld [tilespmem:s7+$0x9000]  }
0x36d: {  	v20 =	vor.u32 v22, v20;
	v22 =	vld [tilespmem:s7+$0x9400]  }
0x36e: {  	v20 =	vor.u32 v23, v20;
	v23 =	vld [tilespmem:s7+$0x9800]  }
0x36f: {  	v62 =	vld [tilespmem:s7+$0x9C00];
	v20 =	vor.u32 v60, v20  }
0x370: {  	v63 =	vld [tilespmem:s7+$0xA000];
	v20 =	vor.u32 v61, v20  }
0x371: {  	v20 =	vor.u32 v21, v20  }
0x372: {  	v20 =	vor.u32 v22, v20  }
0x373: {  	v20 =	vor.u32 v23, v20  }
0x374: {  	v20 =	vor.u32 v62, v20  }
0x375: {  	s2 =	sadd.s32 $0x10, s30;
	v20 =	vor.u32 v63, v20  }
0x376: {  	[tilespmem:s2+$0x0] =	vst v20  }
0x377: {  	[spmem:s19] =	stream.linear.scatter [tilespmem:s20], [sflag:$0x2], $0x400, $0x38;
	[tilespmem:$0x1E900] =	vst v63  }
0x378: {  	_ =	swait.ge [sflag:s21], $0x400  }
0x379: {  	[sflag:s21] =	ssyncset.done $0x0  }
0x37a: {  	[sflag:s21] =	ssyncadd.s32 $0xFFFFFC00  }
0x37b: {  	s25 =	simm.s32 $0x16400;
	[bflag:$0x0] =	sbarrier.arrive $0xFFFF  }
0x37c: {  	[tilespmem:s25], [sflag:$0x2] =	stream.linear.gather [spmem:s23], $0x4000, $0x38;
	[tilespmem:$0x1E900] =	vst v63  }
0x37d: {  	_ =	swait.ge [sflag:s21], $0x4000  }
0x37e: {  	[sflag:s21] =	ssyncset.done $0x0  }
0x37f: {  	[sflag:s21] =	ssyncadd.s32 $0xFFFFC000  }
0x380: {  	[bflag:$0x0] =	sbarrier.arrive $0xFFFF  }
0x381: {  	s7 =	simm.s32 $0x0;
	s25 =	simm.s32 $0x3200;
	s8 =	rddreg [dreg:$0x9]  }
0x382: {  	[tilespmem:s25], [sflag:$0x2] =	stream.linear.gather [hbm4b:s8+s7], $0x1900, $0x38;
	[tilespmem:$0x1E900] =	vst v63  }
0x383: {  	_ =	swait.ge [sflag:s21], $0x1900  }
0x384: {  	[sflag:s21] =	ssyncset.done $0x0  }
0x385: {  	s8 =	simm.s32 $0x0;
	[sflag:s21] =	ssyncadd.s32 $0xFFFFE700  }
0x386: {  	v21 =	vld [tilespmem:s8+$0x3200];
	_ =	sdelay $0x4  }
0x387: {  	vm0 =	vlt.s32 v21, $0x200000;
	v20 =	vshra.s32 v21, $0x5  }
0x388: {  	v20 =	vnsel vm0, $0x0, v20;
	_ =	sdelay $0x4  }
0x389: {  	s7 =	simm.s32 $0x10;
	v22 =	vld.idx.msk [tilespmem:v20+s28+$0x0], $0xffff  }
0x38a: {  	v20 =	vld [tilespmem:s7+$0x3200];
	_ =	sdelay $0x3  }
0x38b: {  	v21 =	vand.u32 $0x1F, v21  }
0x38c: {  	v21 =	vshrl.u32 v22, v21;
	vm1 =	vlt.s32 v20, $0x200000;
	v22 =	vshra.s32 v20, $0x5  }
0x38d: {  	v23 =	vand.u32 $0x1, v21;
	v21 =	vnsel vm1, $0x0, v22;
	_ =	sdelay $0x1  }
0x38e: {  	vm0 =	vmmov vm0  }
0x38f: {  	s30 =	simm.s32 $0xC0;
	s25 =	simm.s32 $0x20;
	v22 =	vnsel vm0, $0x0, v23;
	vm0 =	vmmov vm1  }
.LBB2_26:
0x390: {  	p1 =	sne.s32 s30, $0x63C0;
	v23 =	vld [tilespmem:s25+$0x3200];
	[tilespmem:s8+$0x4B00] =	vst v22;
	s8 =	smov.u32 s7;
	s7 =	smov.u32 s25  }
0x391: {  	v22 =	vld.idx.msk [tilespmem:v21+s28+$0x0], $0xffff;
	_ =	sdelay $0x3  }
.Ltmp17:
0x392: {  	vm1 =	vlt.s32 v23, $0x200000;
	v21 =	vshra.s32 v23, $0x5;
	(pc) =	sbr.rel @p1 .LBB2_26-.Ltmp17, $4  }
0x393: {  	v24 =	vand.u32 $0x1F, v20;
	v20 =	vmov v23;
	v21 =	vnsel vm1, $0x0, v21  }
0x394: {  	v22 =	vshrl.u32 v22, v24  }
0x395: {  	v22 =	vand.u32 $0x1, v22  }
0x396: {  	s25 =	sshra.s32 s30, $0x2;
	s30 =	sadd.s32 $0x40, s30;
	v22 =	vnsel vm0, $0x0, v22;
	vm0 =	vmmov vm1  }
.Ltmp18:
0x397: {  	_ = 	snop;
	(pc) =	sbr.rel .LBB2_27-.Ltmp18, $1  }
0x398: {  	_ =	sdelay $0x3  }
.LBB2_7:
0x399: {  	[spmem:s16] =	stream.linear.scatter [tilespmem:s28], [sflag:$0x2], $0x1000, $0x38;
	[tilespmem:$0x1E900] =	vst v63  }
0x39a: {  	_ =	swait.ge [sflag:s21], $0x1000  }
0x39b: {  	[sflag:s21] =	ssyncset.done $0x0  }
0x39c: {  	[sflag:s21] =	ssyncadd.s32 $0xFFFFF000  }
0x39d: {  	[bflag:$0x0] =	sbarrier.arrive $0xFFFF  }
0x39e: {  	s7 =	simm.s32 $0x4B00;
	s2 =	rddreg [dreg:$0x8]  }
0x39f: {  	[tilespmem:s7], [sflag:$0x1] =	stream.linear.gather [spmem:s2], $0x100, $0x38;
	[tilespmem:$0x1E900] =	vst v63  }
0x3a0: {  	s8 =	simm.s32 $0x4C00;
	s25 =	rddreg [dreg:$0xa]  }
0x3a1: {  	[tilespmem:s8], [sflag:$0x1] =	stream.linear.gather [spmem:s25], $0x100, $0x38;
	[tilespmem:$0x1E900] =	vst v63  }
0x3a2: {  	s8 =	rddreg [dreg:$0xb];
	s25 =	simm.s32 $0x4D00  }
0x3a3: {  	[tilespmem:s25], [sflag:$0x1] =	stream.linear.gather [spmem:s8], $0x100, $0x38;
	[tilespmem:$0x1E900] =	vst v63  }
0x3a4: {  	s8 =	rddreg [dreg:$0xc];
	s25 =	simm.s32 $0x4E00  }
0x3a5: {  	[tilespmem:s25], [sflag:$0x1] =	stream.linear.gather [spmem:s8], $0x100, $0x38;
	[tilespmem:$0x1E900] =	vst v63  }
0x3a6: {  	s8 =	rddreg [dreg:$0xd];
	s25 =	simm.s32 $0x4F00  }
0x3a7: {  	[tilespmem:s25], [sflag:$0x1] =	stream.linear.gather [spmem:s8], $0x100, $0x38;
	[tilespmem:$0x1E900] =	vst v63  }
0x3a8: {  	s8 =	rddreg [dreg:$0xe];
	s25 =	simm.s32 $0x5000  }
0x3a9: {  	[tilespmem:s25], [sflag:$0x1] =	stream.linear.gather [spmem:s8], $0x100, $0x38;
	[tilespmem:$0x1E900] =	vst v63  }
0x3aa: {  	s8 =	rddreg [dreg:$0xf];
	s25 =	simm.s32 $0x5100  }
0x3ab: {  	[tilespmem:s25], [sflag:$0x1] =	stream.linear.gather [spmem:s8], $0x100, $0x38;
	[tilespmem:$0x1E900] =	vst v63  }
0x3ac: {  	s8 =	rddreg [dreg:$0x10];
	s25 =	simm.s32 $0x5200  }
0x3ad: {  	[tilespmem:s25], [sflag:$0x1] =	stream.linear.gather [spmem:s8], $0x100, $0x38;
	[tilespmem:$0x1E900] =	vst v63  }
0x3ae: {  	s8 =	rddreg [dreg:$0x11];
	s25 =	simm.s32 $0x5300  }
0x3af: {  	[tilespmem:s25], [sflag:$0x1] =	stream.linear.gather [spmem:s8], $0x100, $0x38;
	[tilespmem:$0x1E900] =	vst v63  }
0x3b0: {  	s8 =	rddreg [dreg:$0x12];
	s25 =	simm.s32 $0x5400  }
0x3b1: {  	[tilespmem:s25], [sflag:$0x1] =	stream.linear.gather [spmem:s8], $0x100, $0x38;
	[tilespmem:$0x1E900] =	vst v63  }
0x3b2: {  	s8 =	rddreg [dreg:$0x13];
	s25 =	simm.s32 $0x5500  }
0x3b3: {  	[tilespmem:s25], [sflag:$0x1] =	stream.linear.gather [spmem:s8], $0x100, $0x38;
	[tilespmem:$0x1E900] =	vst v63  }
0x3b4: {  	s8 =	rddreg [dreg:$0x14];
	s25 =	simm.s32 $0x5600  }
0x3b5: {  	[tilespmem:s25], [sflag:$0x1] =	stream.linear.gather [spmem:s8], $0x100, $0x38;
	[tilespmem:$0x1E900] =	vst v63  }
0x3b6: {  	s8 =	rddreg [dreg:$0x15];
	s25 =	simm.s32 $0x5700  }
0x3b7: {  	[tilespmem:s25], [sflag:$0x1] =	stream.linear.gather [spmem:s8], $0x100, $0x38;
	[tilespmem:$0x1E900] =	vst v63  }
0x3b8: {  	s8 =	rddreg [dreg:$0x18];
	s25 =	simm.s32 $0x5800  }
0x3b9: {  	[tilespmem:s25], [sflag:$0x1] =	stream.linear.gather [spmem:s8], $0x100, $0x38;
	[tilespmem:$0x1E900] =	vst v63  }
0x3ba: {  	s8 =	rddreg [dreg:$0x19];
	s25 =	simm.s32 $0x5900  }
0x3bb: {  	[tilespmem:s25], [sflag:$0x1] =	stream.linear.gather [spmem:s8], $0x100, $0x38;
	[tilespmem:$0x1E900] =	vst v63  }
0x3bc: {  	s8 =	rddreg [dreg:$0x1a];
	s25 =	simm.s32 $0x5A00  }
0x3bd: {  	[tilespmem:s25], [sflag:$0x1] =	stream.linear.gather [spmem:s8], $0x100, $0x38;
	[tilespmem:$0x1E900] =	vst v63  }
0x3be: {  	_ =	swait.ge [sflag:s29], $0x100  }
0x3bf: {  	[sflag:s29] =	ssyncset.done $0x0  }
0x3c0: {  	[sflag:s29] =	ssyncadd.s32 $0xFFFFFF00  }
0x3c1: {  	_ =	swait.ge [sflag:s29], $0x100  }
0x3c2: {  	[sflag:s29] =	ssyncset.done $0x0  }
0x3c3: {  	[sflag:s29] =	ssyncadd.s32 $0xFFFFFF00  }
0x3c4: {  	_ =	swait.ge [sflag:s29], $0x100  }
0x3c5: {  	[sflag:s29] =	ssyncset.done $0x0  }
0x3c6: {  	[sflag:s29] =	ssyncadd.s32 $0xFFFFFF00  }
0x3c7: {  	_ =	swait.ge [sflag:s29], $0x100  }
0x3c8: {  	[sflag:s29] =	ssyncset.done $0x0  }
0x3c9: {  	[sflag:s29] =	ssyncadd.s32 $0xFFFFFF00  }
0x3ca: {  	_ =	swait.ge [sflag:s29], $0x100  }
0x3cb: {  	[sflag:s29] =	ssyncset.done $0x0  }
0x3cc: {  	[sflag:s29] =	ssyncadd.s32 $0xFFFFFF00  }
0x3cd: {  	_ =	swait.ge [sflag:s29], $0x100  }
0x3ce: {  	[sflag:s29] =	ssyncset.done $0x0  }
0x3cf: {  	[sflag:s29] =	ssyncadd.s32 $0xFFFFFF00  }
0x3d0: {  	_ =	swait.ge [sflag:s29], $0x100  }
0x3d1: {  	[sflag:s29] =	ssyncset.done $0x0  }
0x3d2: {  	[sflag:s29] =	ssyncadd.s32 $0xFFFFFF00  }
0x3d3: {  	_ =	swait.ge [sflag:s29], $0x100  }
0x3d4: {  	[sflag:s29] =	ssyncset.done $0x0  }
0x3d5: {  	[sflag:s29] =	ssyncadd.s32 $0xFFFFFF00  }
0x3d6: {  	_ =	swait.ge [sflag:s29], $0x100  }
0x3d7: {  	[sflag:s29] =	ssyncset.done $0x0  }
0x3d8: {  	[sflag:s29] =	ssyncadd.s32 $0xFFFFFF00  }
0x3d9: {  	_ =	swait.ge [sflag:s29], $0x100  }
0x3da: {  	[sflag:s29] =	ssyncset.done $0x0  }
0x3db: {  	[sflag:s29] =	ssyncadd.s32 $0xFFFFFF00  }
0x3dc: {  	_ =	swait.ge [sflag:s29], $0x100  }
0x3dd: {  	[sflag:s29] =	ssyncset.done $0x0  }
0x3de: {  	[sflag:s29] =	ssyncadd.s32 $0xFFFFFF00  }
0x3df: {  	_ =	swait.ge [sflag:s29], $0x100  }
0x3e0: {  	[sflag:s29] =	ssyncset.done $0x0  }
0x3e1: {  	[sflag:s29] =	ssyncadd.s32 $0xFFFFFF00  }
0x3e2: {  	_ =	swait.ge [sflag:s29], $0x100  }
0x3e3: {  	[sflag:s29] =	ssyncset.done $0x0  }
0x3e4: {  	[sflag:s29] =	ssyncadd.s32 $0xFFFFFF00  }
0x3e5: {  	_ =	swait.ge [sflag:s29], $0x100  }
0x3e6: {  	[sflag:s29] =	ssyncset.done $0x0  }
0x3e7: {  	[sflag:s29] =	ssyncadd.s32 $0xFFFFFF00  }
0x3e8: {  	_ =	swait.ge [sflag:s29], $0x100  }
0x3e9: {  	[sflag:s29] =	ssyncset.done $0x0  }
0x3ea: {  	[sflag:s29] =	ssyncadd.s32 $0xFFFFFF00  }
0x3eb: {  	_ =	swait.ge [sflag:s29], $0x100  }
0x3ec: {  	s2 =	simm.s32 $0x0;
	[sflag:s29] =	ssyncset.done $0x0  }
0x3ed: {  	s8 =	sand.u32 $0xF0, s2;
	[sflag:s29] =	ssyncadd.s32 $0xFFFFFF00  }
0x3ee: {  	v20 =	vld [tilespmem:s8+$0x4C00]  }
0x3ef: {  	v21 =	vld [tilespmem:s7+$0x0];
	_ =	sdelay $0x1  }
0x3f0: {  	v22 =	vld [tilespmem:s8+$0x4D00];
	_ =	sdelay $0x1  }
0x3f1: {  	v23 =	vld [tilespmem:s8+$0x4E00]  }
0x3f2: {  	vm0 =	vgt.s32 v21, v20  }
0x3f3: {  	v20 =	vsel vm0, v21, v20;
	v21 =	vld [tilespmem:s8+$0x4F00]  }
0x3f4: {  	vm0 =	vgt.s32 v20, v22  }
0x3f5: {  	v20 =	vsel vm0, v20, v22;
	v22 =	vld [tilespmem:s8+$0x5000]  }
0x3f6: {  	vm0 =	vgt.s32 v20, v23  }
0x3f7: {  	v20 =	vsel vm0, v20, v23;
	v23 =	vld [tilespmem:s8+$0x5100]  }
0x3f8: {  	vm0 =	vgt.s32 v20, v21  }
0x3f9: {  	v20 =	vsel vm0, v20, v21;
	v21 =	vld [tilespmem:s8+$0x5200]  }
0x3fa: {  	vm0 =	vgt.s32 v20, v22  }
0x3fb: {  	v20 =	vsel vm0, v20, v22;
	v22 =	vld [tilespmem:s8+$0x5300]  }
0x3fc: {  	vm0 =	vgt.s32 v20, v23  }
0x3fd: {  	v20 =	vsel vm0, v20, v23;
	v23 =	vld [tilespmem:s8+$0x5400]  }
0x3fe: {  	vm0 =	vgt.s32 v20, v21  }
0x3ff: {  	v20 =	vsel vm0, v20, v21;
	v21 =	vld [tilespmem:s8+$0x5500]  }
0x400: {  	vm0 =	vgt.s32 v20, v22  }
0x401: {  	v20 =	vsel vm0, v20, v22;
	v22 =	vld [tilespmem:s8+$0x5600]  }
0x402: {  	vm0 =	vgt.s32 v20, v23  }
0x403: {  	v20 =	vsel vm0, v20, v23;
	v23 =	vld [tilespmem:s8+$0x5700]  }
0x404: {  	vm0 =	vgt.s32 v20, v21  }
0x405: {  	v20 =	vsel vm0, v20, v21;
	v21 =	vld [tilespmem:s8+$0x5800]  }
0x406: {  	vm0 =	vgt.s32 v20, v22  }
0x407: {  	v20 =	vsel vm0, v20, v22;
	v22 =	vld [tilespmem:s8+$0x5900]  }
0x408: {  	vm0 =	vgt.s32 v20, v23  }
0x409: {  	v20 =	vsel vm0, v20, v23;
	v23 =	vld [tilespmem:s8+$0x5A00]  }
0x40a: {  	vm0 =	vgt.s32 v20, v21  }
0x40b: {  	v20 =	vsel vm0, v20, v21  }
0x40c: {  	vm0 =	vgt.s32 v20, v22  }
0x40d: {  	v20 =	vsel vm0, v20, v22  }
0x40e: {  	vm0 =	vgt.s32 v20, v23  }
0x40f: {  	s30 =	simm.s32 $0x1900;
	s25 =	simm.s32 $0x10;
	v20 =	vsel vm0, v20, v23  }
0x410: {  	s7 =	sand.u32 $0xF0, s25;
	[tilespmem:s30+$0x0] =	vst v20  }
0x411: {  	s25 =	simm.s32 $0x20;
	s8 =	simm.s32 $0x4B10;
	v20 =	vld [tilespmem:s7+$0x4C00]  }
.LBB2_8:
0x412: {  	p1 =	sne.s32 s25, $0xF0;
	v21 =	vld [tilespmem:s8+$0x0];
	_ =	sdelay $0x1  }
0x413: {  	v22 =	vld [tilespmem:s7+$0x4D00];
	_ =	sdelay $0x1  }
0x414: {  	v23 =	vld [tilespmem:s7+$0x4E00]  }
0x415: {  	vm0 =	vgt.s32 v21, v20  }
0x416: {  	v20 =	vsel vm0, v21, v20;
	v21 =	vld [tilespmem:s7+$0x4F00]  }
0x417: {  	vm0 =	vgt.s32 v20, v22  }
0x418: {  	v20 =	vsel vm0, v20, v22;
	v22 =	vld [tilespmem:s7+$0x5000]  }
0x419: {  	vm0 =	vgt.s32 v20, v23  }
0x41a: {  	v20 =	vsel vm0, v20, v23;
	v23 =	vld [tilespmem:s7+$0x5100]  }
0x41b: {  	vm0 =	vgt.s32 v20, v21  }
0x41c: {  	v20 =	vsel vm0, v20, v21;
	v21 =	vld [tilespmem:s7+$0x5200]  }
0x41d: {  	vm0 =	vgt.s32 v20, v22  }
0x41e: {  	v20 =	vsel vm0, v20, v22;
	v22 =	vld [tilespmem:s7+$0x5300]  }
0x41f: {  	vm0 =	vgt.s32 v20, v23  }
0x420: {  	v20 =	vsel vm0, v20, v23;
	v23 =	vld [tilespmem:s7+$0x5400]  }
0x421: {  	vm0 =	vgt.s32 v20, v21  }
0x422: {  	v20 =	vsel vm0, v20, v21;
	v21 =	vld [tilespmem:s7+$0x5500]  }
0x423: {  	vm0 =	vgt.s32 v20, v22  }
0x424: {  	v20 =	vsel vm0, v20, v22;
	v22 =	vld [tilespmem:s7+$0x5600]  }
0x425: {  	vm0 =	vgt.s32 v20, v23  }
0x426: {  	v20 =	vsel vm0, v20, v23;
	v23 =	vld [tilespmem:s7+$0x5700]  }
0x427: {  	vm0 =	vgt.s32 v20, v21  }
0x428: {  	v20 =	vsel vm0, v20, v21;
	v21 =	vld [tilespmem:s7+$0x5800]  }
0x429: {  	vm0 =	vgt.s32 v20, v22  }
0x42a: {  	v20 =	vsel vm0, v20, v22;
	v22 =	vld [tilespmem:s7+$0x5900]  }
0x42b: {  	vm0 =	vgt.s32 v20, v23  }
0x42c: {  	v20 =	vsel vm0, v20, v23;
	v23 =	vld [tilespmem:s7+$0x5A00]  }
0x42d: {  	vm0 =	vgt.s32 v20, v21  }
0x42e: {  	v20 =	vsel vm0, v20, v21  }
0x42f: {  	vm0 =	vgt.s32 v20, v22  }
.Ltmp19:
0x430: {  	v20 =	vsel vm0, v20, v22;
	(pc) =	sbr.rel @p1 .LBB2_8-.Ltmp19, $4  }
0x431: {  	vm0 =	vgt.s32 v20, v23  }
0x432: {  	s30 =	sadd.s32 $0x10, s30;
	v20 =	vsel vm0, v20, v23  }
0x433: {  	s7 =	sand.u32 $0xF0, s25;
	[tilespmem:s30+$0x0] =	vst v20  }
0x434: {  	s8 =	sadd.s32 $0x10, s8;
	s25 =	sadd.s32 $0x10, s25;
	v20 =	vld [tilespmem:s7+$0x4C00]  }
0x435: {  	v21 =	vld [tilespmem:s8+$0x0];
	_ =	sdelay $0x1  }
0x436: {  	v22 =	vld [tilespmem:s7+$0x4D00];
	_ =	sdelay $0x1  }
0x437: {  	v23 =	vld [tilespmem:s7+$0x4E00]  }
0x438: {  	vm0 =	vgt.s32 v21, v20  }
0x439: {  	v20 =	vsel vm0, v21, v20;
	v21 =	vld [tilespmem:s7+$0x4F00]  }
0x43a: {  	vm0 =	vgt.s32 v20, v22  }
0x43b: {  	v20 =	vsel vm0, v20, v22;
	v22 =	vld [tilespmem:s7+$0x5000]  }
0x43c: {  	vm0 =	vgt.s32 v20, v23  }
0x43d: {  	v20 =	vsel vm0, v20, v23;
	v23 =	vld [tilespmem:s7+$0x5100]  }
0x43e: {  	vm0 =	vgt.s32 v20, v21  }
0x43f: {  	v20 =	vsel vm0, v20, v21;
	v21 =	vld [tilespmem:s7+$0x5200]  }
0x440: {  	vm0 =	vgt.s32 v20, v22  }
0x441: {  	v20 =	vsel vm0, v20, v22;
	v22 =	vld [tilespmem:s7+$0x5300]  }
0x442: {  	vm0 =	vgt.s32 v20, v23  }
0x443: {  	v20 =	vsel vm0, v20, v23;
	v23 =	vld [tilespmem:s7+$0x5400]  }
0x444: {  	vm0 =	vgt.s32 v20, v21  }
0x445: {  	v20 =	vsel vm0, v20, v21;
	v21 =	vld [tilespmem:s7+$0x5500]  }
0x446: {  	vm0 =	vgt.s32 v20, v22  }
0x447: {  	v20 =	vsel vm0, v20, v22;
	v22 =	vld [tilespmem:s7+$0x5600]  }
0x448: {  	vm0 =	vgt.s32 v20, v23  }
0x449: {  	v20 =	vsel vm0, v20, v23;
	v23 =	vld [tilespmem:s7+$0x5700]  }
0x44a: {  	vm0 =	vgt.s32 v20, v21  }
0x44b: {  	v20 =	vsel vm0, v20, v21;
	v21 =	vld [tilespmem:s7+$0x5800]  }
0x44c: {  	vm0 =	vgt.s32 v20, v22  }
0x44d: {  	v20 =	vsel vm0, v20, v22;
	v22 =	vld [tilespmem:s7+$0x5900]  }
0x44e: {  	vm0 =	vgt.s32 v20, v23  }
0x44f: {  	v20 =	vsel vm0, v20, v23;
	v23 =	vld [tilespmem:s7+$0x5A00]  }
0x450: {  	vm0 =	vgt.s32 v20, v21  }
0x451: {  	v20 =	vsel vm0, v20, v21  }
0x452: {  	vm0 =	vgt.s32 v20, v22  }
0x453: {  	v20 =	vsel vm0, v20, v22  }
0x454: {  	vm0 =	vgt.s32 v20, v23  }
0x455: {  	s8 =	sadd.s32 $0x10, s30;
	v20 =	vsel vm0, v20, v23  }
0x456: {  	s2 =	rddreg [dreg:$0x1b];
	s25 =	simm.s32 $0x1900;
	[tilespmem:s8+$0x0] =	vst v20  }
0x457: {  	[spmem:s2] =	stream.linear.scatter [tilespmem:s25], [sflag:$0x2], $0x100, $0x38;
	[tilespmem:$0x1E900] =	vst v63  }
0x458: {  	_ =	swait.ge [sflag:s21], $0x100  }
0x459: {  	[sflag:s21] =	ssyncset.done $0x0  }
0x45a: {  	[sflag:s21] =	ssyncadd.s32 $0xFFFFFF00  }
0x45b: {  	[bflag:$0x0] =	sbarrier.arrive $0xFFFF  }
0x45c: {  	[tilespmem:s28], [sflag:$0x2] =	stream.linear.gather [spmem:s23], $0x1000, $0x38;
	[tilespmem:$0x1E900] =	vst v63  }
0x45d: {  	_ =	swait.ge [sflag:s21], $0x1000  }
0x45e: {  	[sflag:s21] =	ssyncset.done $0x0  }
0x45f: {  	s8 =	simm.s32 $0x0;
	[sflag:s21] =	ssyncadd.s32 $0xFFFFF000  }
0x460: {  	v21 =	vld [tilespmem:s8+$0x3200];
	_ =	sdelay $0x4  }
0x461: {  	v22 =	vshra.s32 v21, $0x9;
	v23 =	vshrl.u32 v21, $0x6  }
0x462: {  	s7 =	simm.s32 $0x10;
	v24 =	vshrl.u32 v21, $0x3;
	v22 =	vand.u32 $0xFFFFFF00, v22;
	v23 =	vand.u32 $0xF0, v23  }
0x463: {  	v20 =	vld [tilespmem:s7+$0x3200];
	v22 =	vor.u32 v23, v22;
	v23 =	vand.u32 $0xF, v24  }
0x464: {  	vm15 =	vlt.s32 v21, $0x200000;
	v21 =	vor.u32 v23, v22  }
0x465: {  	v22 =	vnsel vm15, $0x0, v21;
	_ =	sdelay $0x2  }
0x466: {  	s25 =	simm.s32 $0x20;
	v24 =	vshrl.u32 v20, $0x6;
	v23 =	vshra.s32 v20, $0x9  }
0x467: {  	s30 =	simm.s32 $0xC0;
	v25 =	vshrl.u32 v20, $0x3;
	v24 =	vand.u32 $0xF0, v24;
	v21 =	vld [tilespmem:s25+$0x3200];
	v23 =	vand.u32 $0xFFFFFF00, v23  }
.LBB2_10:
0x468: {  	p1 =	seq.s32 s30, $0x63C0;
	v23 =	vor.u32 v24, v23;
	v24 =	vand.u32 $0xF, v25;
	v26 =	vld.idx.msk [tilespmem:v22+s28+$0x0], $0xffff;
	s2 =	smov.u32 s25  }
0x469: {  	vm0 =	vlt.s32 v20, $0x200000;
	v20 =	vor.u32 v24, v23  }
.Ltmp20:
0x46a: {  	v22 =	vnsel vm0, $0x0, v20;
	(pc) =	sbr.rel @!p1 .LBB2_10-.Ltmp20, $4  }
0x46b: {  	_ = 	snop  }
0x46c: {  	v20 =	vmov v21  }
0x46d: {  	s25 =	sshra.s32 s30, $0x2;
	v23 =	vshra.s32 v20, $0x9;
	v24 =	vshrl.u32 v20, $0x6  }
0x46e: {  	s30 =	sadd.s32 $0x40, s30;
	v25 =	vshrl.u32 v20, $0x3;
	v21 =	vld [tilespmem:s25+$0x3200];
	v23 =	vand.u32 $0xFFFFFF00, v23;
	v24 =	vand.u32 $0xF0, v24;
	[tilespmem:s8+$0x4B00] =	vst v26;
	s8 =	smov.u32 s7;
	s7 =	smov.u32 s2  }
0x46f: {  	_ =	sdelay $0x2  }
0x470: {  	v23 =	vor.u32 v24, v23;
	v57 =	vand.u32 $0xF, v25  }
0x471: {  	v22 =	vld.idx.msk [tilespmem:v22+s28+$0x0], $0xffff;
	vm0 =	vlt.s32 v20, $0x200000;
	v20 =	vor.u32 v57, v23  }
0x472: {  	v20 =	vnsel vm0, $0x0, v20;
	_ =	sdelay $0x1  }
0x473: {  	v58 =	vshra.s32 v21, $0x9;
	v59 =	vshrl.u32 v21, $0x6  }
0x474: {  	v60 =	vshrl.u32 v21, $0x3;
	v23 =	vand.u32 $0xFFFFFF00, v58;
	v24 =	vand.u32 $0xF0, v59  }
0x475: {  	[tilespmem:s8+$0x4B00] =	vst v22;
	v62 =	vand.u32 $0xF, v60;
	v61 =	vor.u32 v24, v23  }
0x476: {  	vm15 =	vlt.s32 v21, $0x200000;
	v20 =	vld.idx.msk [tilespmem:v20+s28+$0x0], $0xffff;
	v63 =	vor.u32 v62, v61  }
0x477: {  	v21 =	vnsel vm15, $0x0, v63;
	_ =	sdelay $0x3  }
0x478: {  	[tilespmem:s7+$0x4B00] =	vst v20  }
0x479: {  	v20 =	vld.idx.msk [tilespmem:v21+s28+$0x0], $0xffff  }
.Ltmp21:
0x47a: {  	_ = 	snop;
	(pc) =	sbr.rel .LBB2_28-.Ltmp21, $2  }
0x47b: {  	_ =	sdelay $0x2  }
0x47c: {  	s7 =	rddreg [dreg:$0x5];
	[tilespmem:s25+$0x4B00] =	vst v20  }
.LBB2_29:
0x47d: {  	_ =	sfence.sel $0x180000  }
0x47e: {  	[bflag:$0x0] =	sbarrier.arrive $0xFFFF  }
0x47f: {  	_ =	strace $0x90000047  }
0x480: {  	s0 =	stileid.u32;
	[bflag:$0x2] =	sbarrier.arrive $0xFFFF  }
0x481: {  	p0 =	sne.s32 s0, $0x0;
	s0 =	rddreg [dreg:$0x3]  }
0x482: {  	s0 =	sadd.s32 @!p0 $0x100000, s0  }
0x483: {  	[sflag:s0] =	ssyncadd.tile.s32 @!p0 $0x1;
	_ =	shalt  }
.Lfunc_end2:
_tile_overlayer_lowered:
.L_overlay_start_2:
0x484: {  	(tag) =	ssettag $0x2  }
0x485: {  	s0 =	rddreg [dreg:$0x0];
	s2 =	stileid.u32  }
0x486: {  	s1 =	rddreg [dreg:$0x1];
	p0 =	sne.s32 s2, $0x0  }
0x487: {  	s3 =	rddreg [dreg:$0x2];
	[bflag:$0x3] =	sbarrier.arrive $0xFFFF;
	s2 =	simm.s32 @!p0 $0x1C02  }
0x488: {  	[timem:s3], [sflag:s2] =	dma.local @!p0 [hbm:s0], s1  }
0x489: {  	s0 =	simm.s32 @!p0 $0x2  }
0x48a: {  	_ =	swait.ge @!p0 [sflag:s0], s1  }
0x48b: {  	s1 =	ssub.s32 @!p0 $0x0, s1;
	[sflag:s0] =	ssyncset.done @!p0 $0x0  }
0x48c: {  	[sflag:s0] =	ssyncadd.s32 @!p0 s1  }
0x48d: {  	[bflag:$0x3] =	sbarrier.arrive $0xFFFF  }
0x48e: {  	_ =	shalt  }

</sc_bundles>
